<compile_context>
chip_gen: v7x
topology: tpu7x:2x2x1
jax: 0.10.2.dev20260603
libtpu: 0.0.44.dev20260713+nightly
codegen_flags: <defaults>
</compile_context>

<pallas_src>
import functools

import jax
import jax.numpy as jnp
from jax import lax
from jax.experimental import pallas as pl
from jax.experimental.pallas import tpu as pltpu
from jax.experimental.pallas import tpu_sc as plsc

EPS = 1e-5
B, C, N, D = 4, 3, 1024, 768
K = 16
KN = K - 1
TQ = 256
TN = 128
TNW = 128
NW = 32
QW = (B * N) // NW
QL = 16
NCH = QW // QL
NBLK = N // 16
CNT = float(B * N * KN)

_HI = jax.lax.Precision.HIGHEST


def _dot(a, b, dims):
    return lax.dot_general(a, b, (dims, ((), ())),
                           preferred_element_type=jnp.float32, precision=_HI)


def _dotd(a, b, dims):
    return lax.dot_general(a, b, (dims, ((), ())),
                           preferred_element_type=jnp.float32,
                           precision=jax.lax.Precision.DEFAULT)


def _ka_body(x_ref, w0_ref, b0_ref, w1_ref, b1_ref, pe_ref, xh_ref, nm_ref):
    b = pl.program_id(0)
    t = pl.program_id(1)
    xall = x_ref[...]
    m0 = jnp.mean(xall, axis=(0, 2), keepdims=True)
    v0 = jnp.mean((xall - m0) ** 2, axis=(0, 2), keepdims=True)
    den = jnp.sqrt(v0[0] + EPS)
    m3 = m0[0]
    w0 = w0_ref[...]
    b0 = b0_ref[...]
    xb = x_ref[b]
    xbh = (xb - m3) / den * w0 + b0
    xb_t = x_ref[b, :, pl.ds(t * TQ, TQ)]
    xbh_t = (xb_t - m3) / den * w0 + b0
    xh_ref[0] = xbh_t

    pe_ref[0] = _dotd(w1_ref[...], xbh_t, ((1,), (0,))) + b1_ref[...]

    ones_c = jnp.ones((C, 1), jnp.float32)
    xs_q = _dot(xbh_t * xbh_t, ones_c, ((0,), (0,)))
    xs_c = _dot(ones_c, xbh * xbh, ((0,), (0,)))
    inner = _dotd(xbh_t, xbh, ((0,), (0,)))
    d2 = jnp.maximum(xs_q + xs_c - 2.0 * inner, 0.0)
    nm_ref[0] = jnp.sqrt(d2)


def _sc_body(nm_ref, xf_ref, nb_ref, mom_ref, xv, dbuf, bmaxv, idxv, nbv,
             momv):
    ci = lax.axis_index("c")
    si = lax.axis_index("s")
    wid = si * 2 + ci
    b = wid // (N // TN)
    t = wid % (N // TN)
    pltpu.sync_copy(xf_ref, xv)
    xbase = b * (C * N)
    lanes = lax.broadcasted_iota(jnp.int32, (16,), 0)
    laneoff = lanes * N
    rowbase = (b * N + t * QW) * N
    rots = [(lanes + u) & 15 for u in range(16)]

    def chunk_body(ch, carry):
        pltpu.sync_copy(nm_ref.at[pl.ds(rowbase + ch * (QL * N), QL * N)],
                        dbuf)

        def bmax_body(blk, _):
            acc = plsc.load_gather(dbuf, [laneoff + blk * 16 + rots[0]])
            for u in range(1, 16):
                acc = jnp.maximum(
                    acc,
                    plsc.load_gather(dbuf, [laneoff + blk * 16 + rots[u]]))
            bmaxv[blk] = acc
            return 0

        lax.fori_loop(0, NBLK, bmax_body, 0)

        def top_body(j, _):
            gmax = bmaxv[0]
            for i in range(1, NBLK):
                gmax = jnp.maximum(gmax, bmaxv[i])
            blk = jnp.full((16,), NBLK, jnp.int32)
            for i in range(NBLK - 1, -1, -1):
                blk = jnp.where(bmaxv[i] == gmax, i, blk)
            base16 = blk * 16
            pos = jnp.full((16,), N, jnp.int32)
            vs = []
            for u in range(16):
                v = plsc.load_gather(dbuf, [laneoff + base16 + rots[u]])
                vs.append(v)
                pos = jnp.minimum(pos,
                                  jnp.where(v == gmax, base16 + rots[u], N))
            idxv[j] = pos
            plsc.store_scatter(dbuf, [laneoff + pos],
                               jnp.full((16,), -1.0, jnp.float32))
            macc = jnp.full((16,), -2.0, jnp.float32)
            for u in range(16):
                macc = jnp.maximum(
                    macc, jnp.where(base16 + rots[u] == pos, -1.0, vs[u]))
            plsc.store_scatter(bmaxv, [blk, lanes], macc)
            return 0

        lax.fori_loop(0, K, top_body, 0)

        s0, s1a, s2, m00, m01, m02, m11, m12, m22 = carry
        qoff = t * QW + ch * QL
        for j in range(1, K):
            sel = idxv[j]
            nbs = []
            for c in range(C):
                src = plsc.load_gather(xv, [xbase + c * N + sel])
                ctr = xv[pl.ds(xbase + c * N + qoff, QL)]
                nbc = src - ctr
                nbs.append(nbc)
                nbv[c, j - 1, pl.ds(ch * QL, QL)] = nbc
            s0 = s0 + nbs[0]
            s1a = s1a + nbs[1]
            s2 = s2 + nbs[2]
            m00 = m00 + nbs[0] * nbs[0]
            m01 = m01 + nbs[0] * nbs[1]
            m02 = m02 + nbs[0] * nbs[2]
            m11 = m11 + nbs[1] * nbs[1]
            m12 = m12 + nbs[1] * nbs[2]
            m22 = m22 + nbs[2] * nbs[2]
        return (s0, s1a, s2, m00, m01, m02, m11, m12, m22)

    zero = jnp.zeros((16,), jnp.float32)
    carry = lax.fori_loop(0, NCH, chunk_body, (zero,) * 9)
    s0, s1a, s2, m00, m01, m02, m11, m12, m22 = carry

    def _row(a, bq, cq, dq):
        r = jnp.where(lanes == 0, jnp.sum(a), 0.0)
        r = jnp.where(lanes == 1, jnp.sum(bq), r)
        r = jnp.where(lanes == 2, jnp.sum(cq), r)
        return jnp.where(lanes == 3, jnp.sum(dq), r)

    momv[0] = _row(s0, m00, m01, m02)
    momv[1] = _row(s1a, m01, m11, m12)
    momv[2] = _row(s2, m02, m12, m22)
    pltpu.sync_copy(nbv, nb_ref.at[wid])
    pltpu.sync_copy(momv, mom_ref.at[wid])


def _kb_body(nb0_ref, pe_ref, mom_ref, w2a_ref, a_w_ref, a_b_ref,
             b_w_ref, b_b_ref, w2b_ref, fp_ref, fn_ref, fb_ref, out_ref):
    msum = jnp.sum(mom_ref[...], axis=0)
    s_sum = msum[:, 0:1]
    m_sum = msum[:, 1:1 + C]
    mean_n = s_sum / CNT
    eye = (lax.broadcasted_iota(jnp.int32, (C, C), 0) ==
           lax.broadcasted_iota(jnp.int32, (C, C), 1)).astype(jnp.float32)
    diag = jnp.sum(m_sum * eye, axis=1, keepdims=True)
    var_n = diag / CNT - mean_n * mean_n
    s_col = a_w_ref[...] / jnp.sqrt(var_n + EPS)
    t_col = a_b_ref[...] - mean_n * s_col

    w2a = w2a_ref[...]
    s_row = _dot(s_col, eye, ((0,), (0,)))
    mean_row = _dot(mean_n, eye, ((0,), (0,)))
    w2a_s = w2a * s_row
    mean_y = _dot(w2a, s_col * mean_n + t_col, ((1,), (0,)))
    cov = m_sum / CNT - _dot(mean_n, mean_row, ((1,), (0,)))
    v_half = _dot(w2a_s, cov, ((1,), (0,)))
    var_y = jnp.sum(v_half * w2a_s, axis=1, keepdims=True)
    inv_y = 1.0 / jnp.sqrt(var_y + EPS)
    b_w = b_w_ref[...]
    b_b = b_b_ref[...]

    nb_refs = (nb0_ref,)
    nb_all = jnp.concatenate(
        [nb_refs[h][0, :, kk, :]
         for kk in range(KN) for h in range(TN // TNW)],
        axis=1)
    xn = nb_all * s_col + t_col
    y = _dotd(w2a, xn, ((1,), (0,)))
    z = (y - mean_y) * inv_y * b_w + b_b
    g = 0.5 * z * (1.0 + lax.erf(z * (2.0 ** -0.5)))
    h2 = _dotd(w2b_ref[...], g, ((1,), (0,)))
    acc = h2[:, :TN]
    for kk in range(1, KN):
        acc = jnp.maximum(acc, h2[:, kk * TN:(kk + 1) * TN])

    out = (_dotd(fp_ref[...], pe_ref[0], ((1,), (0,))) +
           _dotd(fn_ref[...], acc, ((1,), (0,))) + fb_ref[...])
    out_ref[0] = out


@functools.partial(jax.jit, static_argnames=())
def kernel(x, bn0_w, bn0_b, conv1_w, conv1_b, bn2a_w, bn2a_b, conv2a_w,
           bn2b_w, bn2b_b, conv2b_w, final_w, final_b):
    f32 = jnp.float32
    w0 = bn0_w.reshape(C, 1).astype(f32)
    b0 = bn0_b.reshape(C, 1).astype(f32)
    b1 = conv1_b.reshape(D, 1).astype(f32)
    a_w = bn2a_w.reshape(C, 1).astype(f32)
    a_b = bn2a_b.reshape(C, 1).astype(f32)
    b_w = bn2b_w.reshape(D, 1).astype(f32)
    b_b = bn2b_b.reshape(D, 1).astype(f32)
    fb = final_b.reshape(D, 1).astype(f32)
    fp = final_w[:, :D]
    fn = final_w[:, D:]

    n_tq = N // TQ
    pe, xh, nm = pl.pallas_call(
        _ka_body,
        grid=(B, n_tq),
        in_specs=[
            pl.BlockSpec((B, C, N), lambda b, t: (0, 0, 0)),
            pl.BlockSpec((C, 1), lambda b, t: (0, 0)),
            pl.BlockSpec((C, 1), lambda b, t: (0, 0)),
            pl.BlockSpec((D, C), lambda b, t: (0, 0)),
            pl.BlockSpec((D, 1), lambda b, t: (0, 0)),
        ],
        out_specs=[
            pl.BlockSpec((1, D, TQ), lambda b, t: (b, 0, t)),
            pl.BlockSpec((1, C, TQ), lambda b, t: (b, 0, t)),
            pl.BlockSpec((1, TQ, N), lambda b, t: (b, t, 0)),
        ],
        out_shape=[
            jax.ShapeDtypeStruct((B, D, N), f32),
            jax.ShapeDtypeStruct((B, C, N), f32),
            jax.ShapeDtypeStruct((B, N, N), f32),
        ],
    )(x, w0, b0, conv1_w, b1)

    mesh = plsc.VectorSubcoreMesh(core_axis_name="c", subcore_axis_name="s")
    nb, mom = pl.kernel(
        _sc_body,
        out_type=[
            jax.ShapeDtypeStruct((NW, C, KN, TNW), f32),
            jax.ShapeDtypeStruct((NW, C, 16), f32),
        ],
        mesh=mesh,
        compiler_params=pltpu.CompilerParams(needs_layout_passes=False,
                                             use_tc_tiling_on_sc=False),
        scratch_types=[
            pltpu.VMEM((B * C * N,), f32),
            pltpu.VMEM((QL * N,), f32),
            pltpu.VMEM((NBLK, 16), f32),
            pltpu.VMEM((K, 16), jnp.int32),
            pltpu.VMEM((C, KN, TNW), f32),
            pltpu.VMEM((C, 16), f32),
        ],
    )(nm.reshape(B * N * N), xh.reshape(B * C * N))

    n_tn = N // TN
    out = pl.pallas_call(
        _kb_body,
        grid=(B, n_tn),
        in_specs=[
            pl.BlockSpec((1, C, KN, TNW),
                         lambda b, t: (b * (N // TN) + t, 0, 0, 0)),
            pl.BlockSpec((1, D, TN), lambda b, t: (b, 0, t)),
            pl.BlockSpec((NW, C, 16), lambda b, t: (0, 0, 0)),
            pl.BlockSpec((D, C), lambda b, t: (0, 0)),
            pl.BlockSpec((C, 1), lambda b, t: (0, 0)),
            pl.BlockSpec((C, 1), lambda b, t: (0, 0)),
            pl.BlockSpec((D, 1), lambda b, t: (0, 0)),
            pl.BlockSpec((D, 1), lambda b, t: (0, 0)),
            pl.BlockSpec((D, D), lambda b, t: (0, 0)),
            pl.BlockSpec((D, D), lambda b, t: (0, 0)),
            pl.BlockSpec((D, D), lambda b, t: (0, 0)),
            pl.BlockSpec((D, 1), lambda b, t: (0, 0)),
        ],
        out_specs=pl.BlockSpec((1, D, TN), lambda b, t: (b, 0, t)),
        out_shape=jax.ShapeDtypeStruct((B, D, N), f32),
    )(nb, pe, mom, conv2a_w, a_w, a_b, b_w, b_b, conv2b_w, fp, fn, fb)
    return out

# --- scband reference (transcript-rebuilt; emitter-appended) ---
"""Pipeline reference for scband-point-embed-38474317037977 (READ-ONLY COPY).

The authoritative reference and input builder live on the scoring server;
editing this copy changes nothing except your own understanding.
"""

import jax, jax.numpy as jnp
import numpy as np

EPS = 1e-5

def _bn(x, w, b, axes):
    m = jnp.mean(x, axis=axes, keepdims=True)
    v = jnp.var(x, axis=axes, keepdims=True)
    xn = (x - m) / jnp.sqrt(v + EPS)
    shape = [1] * x.ndim
    shape[1] = -1
    return xn * w.reshape(shape) + b.reshape(shape)

def setup_inputs(seed: int = 0):
    key = jax.random.key(seed)
    ks = jax.random.split(key, 8)
    B, C, N, D = 4, 3, 1024, 768
    return {
        "x": jax.random.normal(ks[0], (B, C, N), dtype=jnp.float32),
        "bn0_w": jnp.ones((C,), dtype=jnp.float32),
        "bn0_b": jnp.zeros((C,), dtype=jnp.float32),
        "conv1_w": jax.random.normal(ks[1], (D, C), dtype=jnp.float32) * 0.1,
        "conv1_b": jnp.zeros((D,), dtype=jnp.float32),
        "bn2a_w": jnp.ones((C,), dtype=jnp.float32),
        "bn2a_b": jnp.zeros((C,), dtype=jnp.float32),
        "conv2a_w": jax.random.normal(ks[2], (D, C), dtype=jnp.float32) * 0.1,
        "bn2b_w": jnp.ones((D,), dtype=jnp.float32),
        "bn2b_b": jnp.zeros((D,), dtype=jnp.float32),
        "conv2b_w": jax.random.normal(ks[3], (D, D), dtype=jnp.float32) * 0.02,
        "final_w": jax.random.normal(ks[4], (D, 2 * D), dtype=jnp.float32) * 0.02,
        "final_b": jnp.zeros((D,), dtype=jnp.float32),
    }

NUM_NEIGHBORS = 16

def reference(x, bn0_w, bn0_b, conv1_w, conv1_b, bn2a_w, bn2a_b, conv2a_w, bn2b_w, bn2b_b, conv2b_w, final_w, final_b):
    B, C, N = x.shape
    x = _bn(x, bn0_w, bn0_b, (0, 2))
    point_emb = jnp.einsum('bcn,oc->bon', x, conv1_w) + conv1_b[None, :, None]
    # pairwise Euclidean norms; dist = -norm, topk(largest=False) on dist == top_k on norm
    xs = jnp.sum(x * x, axis=1)  # [B, N]
    inner = jnp.einsum('bcn,bcm->bnm', x, x)
    d2 = jnp.maximum(xs[:, :, None] + xs[:, None, :] - 2.0 * inner, 0.0)
    normmat = jnp.sqrt(d2)
    k = min(NUM_NEIGHBORS, N)
    _, nbr_idx = jax.lax.top_k(jax.lax.stop_gradient(normmat), k)  # [B, N, k]
    neighbors = jnp.transpose(nbr_idx, (0, 2, 1))  # [B, k, N]
    idx = neighbors[:, 1:, :]  # [B, k-1, N] (loop in torch skips index 0)
    gathered = jnp.take_along_axis(x[:, :, None, :], idx[:, None, :, :], axis=3)  # [B, C, k-1, N]
    neigh = jnp.transpose(gathered, (0, 1, 3, 2)) - x[:, :, :, None]  # [B, C, N, k-1]
    h = _bn(neigh, bn2a_w, bn2a_b, (0, 2, 3))
    h = jnp.einsum('bcnk,oc->bonk', h, conv2a_w)
    h = _bn(h, bn2b_w, bn2b_b, (0, 2, 3))
    h = jax.nn.gelu(h, approximate=False)
    h = jnp.einsum('bcnk,oc->bonk', h, conv2b_w)
    neigh_emb = jnp.max(h, axis=-1)
    cat = jnp.concatenate([point_emb, neigh_emb], axis=1)
    out = jnp.einsum('bcn,oc->bon', cat, final_w) + final_b[None, :, None]
    return out

if __name__ == "__main__":
    import jax
    _d = setup_inputs()
    print(jax.jit(kernel)(*tuple(_d.values())))

</pallas_src>

<mosaic_0001>
#map = affine_map<(d0, d1) -> (0)>
#map1 = affine_map<(d0, d1) -> (0, 0, 0, 0)>
#map2 = affine_map<(d0, d1) -> (0, 0, 0)>
module attributes {stable_mosaic.version = 14 : i64} {
  func.func @_sc_body(%arg0: i32, %arg1: i32, %arg2: memref<4194304xf32, #tpu.memory_space<hbm>>, %arg3: memref<12288xf32, #tpu.memory_space<hbm>>, %arg4: memref<32x3x15x128xf32, #tpu.memory_space<hbm>>, %arg5: memref<32x3x16xf32, #tpu.memory_space<hbm>>, %arg6: memref<12288xf32, #tpu.memory_space<vmem>>, %arg7: memref<16384xf32, #tpu.memory_space<vmem>>, %arg8: memref<64x16xf32, #tpu.memory_space<vmem>>, %arg9: memref<16x16xi32, #tpu.memory_space<vmem>>, %arg10: memref<3x15x128xf32, #tpu.memory_space<vmem>>, %arg11: memref<3x16xf32, #tpu.memory_space<vmem>>) attributes {dimension_semantics = [#tpu.dimension_semantics<core_parallel>, #tpu.dimension_semantics<subcore_parallel>], iteration_bounds = array<i64: 2, 16>, scalar_prefetch = 0 : i64, scratch_operands = 6 : i64, tpu.core_type = #tpu.core_type<sc_vector_subcore>, window_params = [{transform_indices = #map}, {transform_indices = #map}, {transform_indices = #map1}, {transform_indices = #map2}]} {
    %mul3A = arith.constant 2 : i32
    %mul3A_0 = arith.muli %arg1, %mul3A : i32
    %add3A = arith.addi %mul3A_0, %arg0 : i32
    %jit3A = arith.constant 8 : i32
    %div3A = arith.divsi %add3A, %jit3A : i32
    %sign3A = arith.constant 0 : i32
    %sign3A_1 = arith.cmpi sgt, %add3A, %sign3A : i32
    %sign3A_2 = arith.extui %sign3A_1 : i1 to i32
    %sign3A_3 = arith.constant 0 : i32
    %sign3A_4 = arith.cmpi slt, %add3A, %sign3A_3 : i32
    %sign3A_5 = arith.extui %sign3A_4 : i1 to i32
    %sign3A_6 = arith.subi %sign3A_2, %sign3A_5 : i32
    %sign3A_7 = arith.constant 0 : i32
    %sign3A_8 = arith.cmpi sgt, %jit3A, %sign3A_7 : i32
    %sign3A_9 = arith.extui %sign3A_8 : i1 to i32
    %sign3A_10 = arith.constant 0 : i32
    %sign3A_11 = arith.cmpi slt, %jit3A, %sign3A_10 : i32
    %sign3A_12 = arith.extui %sign3A_11 : i1 to i32
    %sign3A_13 = arith.subi %sign3A_9, %sign3A_12 : i32
    %ne3A = arith.cmpi ne, %sign3A_6, %sign3A_13 : i32
    %rem3A = arith.remsi %add3A, %jit3A : i32
    %ne3A_14 = arith.constant 0 : i32
    %ne3A_15 = arith.cmpi ne, %rem3A, %ne3A_14 : i32
    %and3A = arith.andi %ne3A, %ne3A_15 : i1
    %sub3A = arith.constant 1 : i32
    %sub3A_16 = arith.subi %div3A, %sub3A : i32
    %select_n3A = arith.select %and3A, %sub3A_16, %div3A : i32
    %jit3A_17 = arith.constant 8 : i32
    %eq3A = arith.constant 0 : i32
    %eq3A_18 = arith.cmpi eq, %jit3A_17, %eq3A : i32
    %jit3A_19 = arith.constant 1 : i32
    %select_n3A_20 = arith.select %eq3A_18, %jit3A_19, %jit3A_17 : i32
    %rem3A_21 = arith.remsi %add3A, %select_n3A_20 : i32
    %ne3A_22 = arith.constant 0 : i32
    %ne3A_23 = arith.cmpi ne, %rem3A_21, %ne3A_22 : i32
    %lt3A = arith.constant 0 : i32
    %lt3A_24 = arith.cmpi slt, %rem3A_21, %lt3A : i32
    %lt3A_25 = arith.constant 0 : i32
    %lt3A_26 = arith.cmpi slt, %select_n3A_20, %lt3A_25 : i32
    %ne3A_27 = arith.xori %lt3A_24, %lt3A_26 : i1
    %and3A_28 = arith.andi %ne3A_27, %ne3A_23 : i1
    %add3A_29 = arith.addi %rem3A_21, %select_n3A_20 : i32
    %select_n3A_30 = arith.select %and3A_28, %add3A_29, %rem3A_21 : i32
    "tpu.region"() ({
      %run_scoped3A = tpu.sem_alloc : memref<!tpu.dma_semaphore, #tpu.memory_space<semaphore_mem>>
      tpu.enqueue_dma source(%arg3 : memref<12288xf32, #tpu.memory_space<hbm>>) target(%arg6 : memref<12288xf32, #tpu.memory_space<vmem>>) target_semaphore(%run_scoped3A : memref<!tpu.dma_semaphore, #tpu.memory_space<semaphore_mem>>)
      tpu.wait_dma2 semaphore(%run_scoped3A : memref<!tpu.dma_semaphore, #tpu.memory_space<semaphore_mem>>) src(%arg3 : memref<12288xf32, #tpu.memory_space<hbm>>) dst(%arg6 : memref<12288xf32, #tpu.memory_space<vmem>>)
      tpu.yield
    }) : () -> ()
    %mul3A_31 = arith.constant 3072 : i32
    %mul3A_32 = arith.muli %select_n3A, %mul3A_31 : i32
    %iota3A = tpu.iota {dimensions = array<i32: 0>} : vector<16xi32>
    %mul3A_33 = arith.constant 1024 : i32
    %mul3A_34 = vector.broadcast %mul3A_33 : i32 to vector<16xi32>
    %mul3A_35 = arith.muli %iota3A, %mul3A_34 : vector<16xi32>
    %mul3A_36 = arith.constant 1024 : i32
    %mul3A_37 = arith.muli %select_n3A, %mul3A_36 : i32
    %mul3A_38 = arith.constant 128 : i32
    %mul3A_39 = arith.muli %select_n3A_30, %mul3A_38 : i32
    %add3A_40 = arith.addi %mul3A_37, %mul3A_39 : i32
    %mul3A_41 = arith.constant 1024 : i32
    %mul3A_42 = arith.muli %add3A_40, %mul3A_41 : i32
    %add3A_43 = arith.constant 0 : i32
    %add3A_44 = vector.broadcast %add3A_43 : i32 to vector<16xi32>
    %add3A_45 = arith.addi %iota3A, %add3A_44 : vector<16xi32>
    %and3A_46 = arith.constant 15 : i32
    %and3A_47 = vector.broadcast %and3A_46 : i32 to vector<16xi32>
    %and3A_48 = arith.andi %add3A_45, %and3A_47 : vector<16xi32>
    %add3A_49 = arith.constant 1 : i32
    %add3A_50 = vector.broadcast %add3A_49 : i32 to vector<16xi32>
    %add3A_51 = arith.addi %iota3A, %add3A_50 : vector<16xi32>
    %and3A_52 = arith.constant 15 : i32
    %and3A_53 = vector.broadcast %and3A_52 : i32 to vector<16xi32>
    %and3A_54 = arith.andi %add3A_51, %and3A_53 : vector<16xi32>
    %add3A_55 = arith.constant 2 : i32
    %add3A_56 = vector.broadcast %add3A_55 : i32 to vector<16xi32>
    %add3A_57 = arith.addi %iota3A, %add3A_56 : vector<16xi32>
    %and3A_58 = arith.constant 15 : i32
    %and3A_59 = vector.broadcast %and3A_58 : i32 to vector<16xi32>
    %and3A_60 = arith.andi %add3A_57, %and3A_59 : vector<16xi32>
    %add3A_61 = arith.constant 3 : i32
    %add3A_62 = vector.broadcast %add3A_61 : i32 to vector<16xi32>
    %add3A_63 = arith.addi %iota3A, %add3A_62 : vector<16xi32>
    %and3A_64 = arith.constant 15 : i32
    %and3A_65 = vector.broadcast %and3A_64 : i32 to vector<16xi32>
    %and3A_66 = arith.andi %add3A_63, %and3A_65 : vector<16xi32>
    %add3A_67 = arith.constant 4 : i32
    %add3A_68 = vector.broadcast %add3A_67 : i32 to vector<16xi32>
    %add3A_69 = arith.addi %iota3A, %add3A_68 : vector<16xi32>
    %and3A_70 = arith.constant 15 : i32
    %and3A_71 = vector.broadcast %and3A_70 : i32 to vector<16xi32>
    %and3A_72 = arith.andi %add3A_69, %and3A_71 : vector<16xi32>
    %add3A_73 = arith.constant 5 : i32
    %add3A_74 = vector.broadcast %add3A_73 : i32 to vector<16xi32>
    %add3A_75 = arith.addi %iota3A, %add3A_74 : vector<16xi32>
    %and3A_76 = arith.constant 15 : i32
    %and3A_77 = vector.broadcast %and3A_76 : i32 to vector<16xi32>
    %and3A_78 = arith.andi %add3A_75, %and3A_77 : vector<16xi32>
    %add3A_79 = arith.constant 6 : i32
    %add3A_80 = vector.broadcast %add3A_79 : i32 to vector<16xi32>
    %add3A_81 = arith.addi %iota3A, %add3A_80 : vector<16xi32>
    %and3A_82 = arith.constant 15 : i32
    %and3A_83 = vector.broadcast %and3A_82 : i32 to vector<16xi32>
    %and3A_84 = arith.andi %add3A_81, %and3A_83 : vector<16xi32>
    %add3A_85 = arith.constant 7 : i32
    %add3A_86 = vector.broadcast %add3A_85 : i32 to vector<16xi32>
    %add3A_87 = arith.addi %iota3A, %add3A_86 : vector<16xi32>
    %and3A_88 = arith.constant 15 : i32
    %and3A_89 = vector.broadcast %and3A_88 : i32 to vector<16xi32>
    %and3A_90 = arith.andi %add3A_87, %and3A_89 : vector<16xi32>
    %add3A_91 = arith.constant 8 : i32
    %add3A_92 = vector.broadcast %add3A_91 : i32 to vector<16xi32>
    %add3A_93 = arith.addi %iota3A, %add3A_92 : vector<16xi32>
    %and3A_94 = arith.constant 15 : i32
    %and3A_95 = vector.broadcast %and3A_94 : i32 to vector<16xi32>
    %and3A_96 = arith.andi %add3A_93, %and3A_95 : vector<16xi32>
    %add3A_97 = arith.constant 9 : i32
    %add3A_98 = vector.broadcast %add3A_97 : i32 to vector<16xi32>
    %add3A_99 = arith.addi %iota3A, %add3A_98 : vector<16xi32>
    %and3A_100 = arith.constant 15 : i32
    %and3A_101 = vector.broadcast %and3A_100 : i32 to vector<16xi32>
    %and3A_102 = arith.andi %add3A_99, %and3A_101 : vector<16xi32>
    %add3A_103 = arith.constant 10 : i32
    %add3A_104 = vector.broadcast %add3A_103 : i32 to vector<16xi32>
    %add3A_105 = arith.addi %iota3A, %add3A_104 : vector<16xi32>
    %and3A_106 = arith.constant 15 : i32
    %and3A_107 = vector.broadcast %and3A_106 : i32 to vector<16xi32>
    %and3A_108 = arith.andi %add3A_105, %and3A_107 : vector<16xi32>
    %add3A_109 = arith.constant 11 : i32
    %add3A_110 = vector.broadcast %add3A_109 : i32 to vector<16xi32>
    %add3A_111 = arith.addi %iota3A, %add3A_110 : vector<16xi32>
    %and3A_112 = arith.constant 15 : i32
    %and3A_113 = vector.broadcast %and3A_112 : i32 to vector<16xi32>
    %and3A_114 = arith.andi %add3A_111, %and3A_113 : vector<16xi32>
    %add3A_115 = arith.constant 12 : i32
    %add3A_116 = vector.broadcast %add3A_115 : i32 to vector<16xi32>
    %add3A_117 = arith.addi %iota3A, %add3A_116 : vector<16xi32>
    %and3A_118 = arith.constant 15 : i32
    %and3A_119 = vector.broadcast %and3A_118 : i32 to vector<16xi32>
    %and3A_120 = arith.andi %add3A_117, %and3A_119 : vector<16xi32>
    %add3A_121 = arith.constant 13 : i32
    %add3A_122 = vector.broadcast %add3A_121 : i32 to vector<16xi32>
    %add3A_123 = arith.addi %iota3A, %add3A_122 : vector<16xi32>
    %and3A_124 = arith.constant 15 : i32
    %and3A_125 = vector.broadcast %and3A_124 : i32 to vector<16xi32>
    %and3A_126 = arith.andi %add3A_123, %and3A_125 : vector<16xi32>
    %add3A_127 = arith.constant 14 : i32
    %add3A_128 = vector.broadcast %add3A_127 : i32 to vector<16xi32>
    %add3A_129 = arith.addi %iota3A, %add3A_128 : vector<16xi32>
    %and3A_130 = arith.constant 15 : i32
    %and3A_131 = vector.broadcast %and3A_130 : i32 to vector<16xi32>
    %and3A_132 = arith.andi %add3A_129, %and3A_131 : vector<16xi32>
    %add3A_133 = arith.constant 15 : i32
    %add3A_134 = vector.broadcast %add3A_133 : i32 to vector<16xi32>
    %add3A_135 = arith.addi %iota3A, %add3A_134 : vector<16xi32>
    %and3A_136 = arith.constant 15 : i32
    %and3A_137 = vector.broadcast %and3A_136 : i32 to vector<16xi32>
    %and3A_138 = arith.andi %add3A_135, %and3A_137 : vector<16xi32>
    %broadcast_in_dim3A = arith.constant 0.000000e+00 : f32
    %broadcast_in_dim3A_139 = vector.broadcast %broadcast_in_dim3A : f32 to vector<16xf32>
    %scan3A = arith.constant 0 : i32
    %scan3A_140 = arith.constant 8 : i32
    %scan3A_141 = arith.addi %scan3A, %scan3A_140 : i32
    %scan3A_142 = arith.constant 1 : i32
    %scan3A_143:9 = scf.for %scan3A_269 = %scan3A to %scan3A_141 step %scan3A_142 iter_args(%scan3A_270 = %broadcast_in_dim3A_139, %scan3A_271 = %broadcast_in_dim3A_139, %scan3A_272 = %broadcast_in_dim3A_139, %scan3A_273 = %broadcast_in_dim3A_139, %scan3A_274 = %broadcast_in_dim3A_139, %scan3A_275 = %broadcast_in_dim3A_139, %scan3A_276 = %broadcast_in_dim3A_139, %scan3A_277 = %broadcast_in_dim3A_139, %scan3A_278 = %broadcast_in_dim3A_139) -> (vector<16xf32>, vector<16xf32>, vector<16xf32>, vector<16xf32>, vector<16xf32>, vector<16xf32>, vector<16xf32>, vector<16xf32>, vector<16xf32>)  : i32 {
      %mul3A_279 = arith.constant 16384 : i32
      %mul3A_280 = arith.muli %scan3A_269, %mul3A_279 : i32
      %add3A_281 = arith.addi %mul3A_42, %mul3A_280 : i32
      "tpu.region"() ({
        %run_scoped3A = tpu.sem_alloc : memref<!tpu.dma_semaphore, #tpu.memory_space<semaphore_mem>>
        %dma_start3A = tpu.memref_slice %arg2[%add3A_281] : memref<4194304xf32, #tpu.memory_space<hbm>> -> memref<16384xf32, #tpu.memory_space<hbm>>
        %dma_start3A_1439 = tpu.memref_slice %arg2[%add3A_281] : memref<4194304xf32, #tpu.memory_space<hbm>> -> memref<16384xf32, #tpu.memory_space<hbm>>
        tpu.enqueue_dma source(%dma_start3A_1439 : memref<16384xf32, #tpu.memory_space<hbm>>) target(%arg7 : memref<16384xf32, #tpu.memory_space<vmem>>) target_semaphore(%run_scoped3A : memref<!tpu.dma_semaphore, #tpu.memory_space<semaphore_mem>>)
        %dma_wait3A = tpu.memref_slice %arg2[%add3A_281] : memref<4194304xf32, #tpu.memory_space<hbm>> -> memref<16384xf32, #tpu.memory_space<hbm>>
        %dma_wait3A_1440 = tpu.memref_slice %arg2[%add3A_281] : memref<4194304xf32, #tpu.memory_space<hbm>> -> memref<16384xf32, #tpu.memory_space<hbm>>
        tpu.wait_dma2 semaphore(%run_scoped3A : memref<!tpu.dma_semaphore, #tpu.memory_space<semaphore_mem>>) src(%dma_wait3A_1440 : memref<16384xf32, #tpu.memory_space<hbm>>) dst(%arg7 : memref<16384xf32, #tpu.memory_space<vmem>>)
        tpu.yield
      }) : () -> ()
      %scan3A_282 = arith.constant 0 : i32
      %scan3A_283 = arith.constant 0 : i32
      %scan3A_284 = arith.constant 64 : i32
      %scan3A_285 = arith.addi %scan3A_283, %scan3A_284 : i32
      %scan3A_286 = arith.constant 1 : i32
      %scan3A_287 = scf.for %scan3A_1439 = %scan3A_283 to %scan3A_285 step %scan3A_286 iter_args(%scan3A_1440 = %scan3A_282) -> (i32)  : i32 {
        %mul3A_1441 = arith.constant 16 : i32
        %mul3A_1442 = arith.muli %scan3A_1439, %mul3A_1441 : i32
        %add3A_1443 = vector.broadcast %mul3A_1442 : i32 to vector<16xi32>
        %add3A_1444 = arith.addi %mul3A_35, %add3A_1443 : vector<16xi32>
        %add3A_1445 = arith.addi %add3A_1444, %and3A_48 : vector<16xi32>
        %gather3A_1446 = tpu.vector_load_idx %arg7[%add3A_1445] : memref<16384xf32, #tpu.memory_space<vmem>>[vector<16xi32>], vector<16xf32>,
        %mul3A_1447 = arith.constant 16 : i32
        %mul3A_1448 = arith.muli %scan3A_1439, %mul3A_1447 : i32
        %add3A_1449 = vector.broadcast %mul3A_1448 : i32 to vector<16xi32>
        %add3A_1450 = arith.addi %mul3A_35, %add3A_1449 : vector<16xi32>
        %add3A_1451 = arith.addi %add3A_1450, %and3A_54 : vector<16xi32>
        %gather3A_1452 = tpu.vector_load_idx %arg7[%add3A_1451] : memref<16384xf32, #tpu.memory_space<vmem>>[vector<16xi32>], vector<16xf32>,
        %max3A = arith.maximumf %gather3A_1446, %gather3A_1452 : vector<16xf32>
        %mul3A_1453 = arith.constant 16 : i32
        %mul3A_1454 = arith.muli %scan3A_1439, %mul3A_1453 : i32
        %add3A_1455 = vector.broadcast %mul3A_1454 : i32 to vector<16xi32>
        %add3A_1456 = arith.addi %mul3A_35, %add3A_1455 : vector<16xi32>
        %add3A_1457 = arith.addi %add3A_1456, %and3A_60 : vector<16xi32>
        %gather3A_1458 = tpu.vector_load_idx %arg7[%add3A_1457] : memref<16384xf32, #tpu.memory_space<vmem>>[vector<16xi32>], vector<16xf32>,
        %max3A_1459 = arith.maximumf %max3A, %gather3A_1458 : vector<16xf32>
        %mul3A_1460 = arith.constant 16 : i32
        %mul3A_1461 = arith.muli %scan3A_1439, %mul3A_1460 : i32
        %add3A_1462 = vector.broadcast %mul3A_1461 : i32 to vector<16xi32>
        %add3A_1463 = arith.addi %mul3A_35, %add3A_1462 : vector<16xi32>
        %add3A_1464 = arith.addi %add3A_1463, %and3A_66 : vector<16xi32>
        %gather3A_1465 = tpu.vector_load_idx %arg7[%add3A_1464] : memref<16384xf32, #tpu.memory_space<vmem>>[vector<16xi32>], vector<16xf32>,
        %max3A_1466 = arith.maximumf %max3A_1459, %gather3A_1465 : vector<16xf32>
        %mul3A_1467 = arith.constant 16 : i32
        %mul3A_1468 = arith.muli %scan3A_1439, %mul3A_1467 : i32
        %add3A_1469 = vector.broadcast %mul3A_1468 : i32 to vector<16xi32>
        %add3A_1470 = arith.addi %mul3A_35, %add3A_1469 : vector<16xi32>
        %add3A_1471 = arith.addi %add3A_1470, %and3A_72 : vector<16xi32>
        %gather3A_1472 = tpu.vector_load_idx %arg7[%add3A_1471] : memref<16384xf32, #tpu.memory_space<vmem>>[vector<16xi32>], vector<16xf32>,
        %max3A_1473 = arith.maximumf %max3A_1466, %gather3A_1472 : vector<16xf32>
        %mul3A_1474 = arith.constant 16 : i32
        %mul3A_1475 = arith.muli %scan3A_1439, %mul3A_1474 : i32
        %add3A_1476 = vector.broadcast %mul3A_1475 : i32 to vector<16xi32>
        %add3A_1477 = arith.addi %mul3A_35, %add3A_1476 : vector<16xi32>
        %add3A_1478 = arith.addi %add3A_1477, %and3A_78 : vector<16xi32>
        %gather3A_1479 = tpu.vector_load_idx %arg7[%add3A_1478] : memref<16384xf32, #tpu.memory_space<vmem>>[vector<16xi32>], vector<16xf32>,
        %max3A_1480 = arith.maximumf %max3A_1473, %gather3A_1479 : vector<16xf32>
        %mul3A_1481 = arith.constant 16 : i32
        %mul3A_1482 = arith.muli %scan3A_1439, %mul3A_1481 : i32
        %add3A_1483 = vector.broadcast %mul3A_1482 : i32 to vector<16xi32>
        %add3A_1484 = arith.addi %mul3A_35, %add3A_1483 : vector<16xi32>
        %add3A_1485 = arith.addi %add3A_1484, %and3A_84 : vector<16xi32>
        %gather3A_1486 = tpu.vector_load_idx %arg7[%add3A_1485] : memref<16384xf32, #tpu.memory_space<vmem>>[vector<16xi32>], vector<16xf32>,
        %max3A_1487 = arith.maximumf %max3A_1480, %gather3A_1486 : vector<16xf32>
        %mul3A_1488 = arith.constant 16 : i32
        %mul3A_1489 = arith.muli %scan3A_1439, %mul3A_1488 : i32
        %add3A_1490 = vector.broadcast %mul3A_1489 : i32 to vector<16xi32>
        %add3A_1491 = arith.addi %mul3A_35, %add3A_1490 : vector<16xi32>
        %add3A_1492 = arith.addi %add3A_1491, %and3A_90 : vector<16xi32>
        %gather3A_1493 = tpu.vector_load_idx %arg7[%add3A_1492] : memref<16384xf32, #tpu.memory_space<vmem>>[vector<16xi32>], vector<16xf32>,
        %max3A_1494 = arith.maximumf %max3A_1487, %gather3A_1493 : vector<16xf32>
        %mul3A_1495 = arith.constant 16 : i32
        %mul3A_1496 = arith.muli %scan3A_1439, %mul3A_1495 : i32
        %add3A_1497 = vector.broadcast %mul3A_1496 : i32 to vector<16xi32>
        %add3A_1498 = arith.addi %mul3A_35, %add3A_1497 : vector<16xi32>
        %add3A_1499 = arith.addi %add3A_1498, %and3A_96 : vector<16xi32>
        %gather3A_1500 = tpu.vector_load_idx %arg7[%add3A_1499] : memref<16384xf32, #tpu.memory_space<vmem>>[vector<16xi32>], vector<16xf32>,
        %max3A_1501 = arith.maximumf %max3A_1494, %gather3A_1500 : vector<16xf32>
        %mul3A_1502 = arith.constant 16 : i32
        %mul3A_1503 = arith.muli %scan3A_1439, %mul3A_1502 : i32
        %add3A_1504 = vector.broadcast %mul3A_1503 : i32 to vector<16xi32>
        %add3A_1505 = arith.addi %mul3A_35, %add3A_1504 : vector<16xi32>
        %add3A_1506 = arith.addi %add3A_1505, %and3A_102 : vector<16xi32>
        %gather3A_1507 = tpu.vector_load_idx %arg7[%add3A_1506] : memref<16384xf32, #tpu.memory_space<vmem>>[vector<16xi32>], vector<16xf32>,
        %max3A_1508 = arith.maximumf %max3A_1501, %gather3A_1507 : vector<16xf32>
        %mul3A_1509 = arith.constant 16 : i32
        %mul3A_1510 = arith.muli %scan3A_1439, %mul3A_1509 : i32
        %add3A_1511 = vector.broadcast %mul3A_1510 : i32 to vector<16xi32>
        %add3A_1512 = arith.addi %mul3A_35, %add3A_1511 : vector<16xi32>
        %add3A_1513 = arith.addi %add3A_1512, %and3A_108 : vector<16xi32>
        %gather3A_1514 = tpu.vector_load_idx %arg7[%add3A_1513] : memref<16384xf32, #tpu.memory_space<vmem>>[vector<16xi32>], vector<16xf32>,
        %max3A_1515 = arith.maximumf %max3A_1508, %gather3A_1514 : vector<16xf32>
        %mul3A_1516 = arith.constant 16 : i32
        %mul3A_1517 = arith.muli %scan3A_1439, %mul3A_1516 : i32
        %add3A_1518 = vector.broadcast %mul3A_1517 : i32 to vector<16xi32>
        %add3A_1519 = arith.addi %mul3A_35, %add3A_1518 : vector<16xi32>
        %add3A_1520 = arith.addi %add3A_1519, %and3A_114 : vector<16xi32>
        %gather3A_1521 = tpu.vector_load_idx %arg7[%add3A_1520] : memref<16384xf32, #tpu.memory_space<vmem>>[vector<16xi32>], vector<16xf32>,
        %max3A_1522 = arith.maximumf %max3A_1515, %gather3A_1521 : vector<16xf32>
        %mul3A_1523 = arith.constant 16 : i32
        %mul3A_1524 = arith.muli %scan3A_1439, %mul3A_1523 : i32
        %add3A_1525 = vector.broadcast %mul3A_1524 : i32 to vector<16xi32>
        %add3A_1526 = arith.addi %mul3A_35, %add3A_1525 : vector<16xi32>
        %add3A_1527 = arith.addi %add3A_1526, %and3A_120 : vector<16xi32>
        %gather3A_1528 = tpu.vector_load_idx %arg7[%add3A_1527] : memref<16384xf32, #tpu.memory_space<vmem>>[vector<16xi32>], vector<16xf32>,
        %max3A_1529 = arith.maximumf %max3A_1522, %gather3A_1528 : vector<16xf32>
        %mul3A_1530 = arith.constant 16 : i32
        %mul3A_1531 = arith.muli %scan3A_1439, %mul3A_1530 : i32
        %add3A_1532 = vector.broadcast %mul3A_1531 : i32 to vector<16xi32>
        %add3A_1533 = arith.addi %mul3A_35, %add3A_1532 : vector<16xi32>
        %add3A_1534 = arith.addi %add3A_1533, %and3A_126 : vector<16xi32>
        %gather3A_1535 = tpu.vector_load_idx %arg7[%add3A_1534] : memref<16384xf32, #tpu.memory_space<vmem>>[vector<16xi32>], vector<16xf32>,
        %max3A_1536 = arith.maximumf %max3A_1529, %gather3A_1535 : vector<16xf32>
        %mul3A_1537 = arith.constant 16 : i32
        %mul3A_1538 = arith.muli %scan3A_1439, %mul3A_1537 : i32
        %add3A_1539 = vector.broadcast %mul3A_1538 : i32 to vector<16xi32>
        %add3A_1540 = arith.addi %mul3A_35, %add3A_1539 : vector<16xi32>
        %add3A_1541 = arith.addi %add3A_1540, %and3A_132 : vector<16xi32>
        %gather3A_1542 = tpu.vector_load_idx %arg7[%add3A_1541] : memref<16384xf32, #tpu.memory_space<vmem>>[vector<16xi32>], vector<16xf32>,
        %max3A_1543 = arith.maximumf %max3A_1536, %gather3A_1542 : vector<16xf32>
        %mul3A_1544 = arith.constant 16 : i32
        %mul3A_1545 = arith.muli %scan3A_1439, %mul3A_1544 : i32
        %add3A_1546 = vector.broadcast %mul3A_1545 : i32 to vector<16xi32>
        %add3A_1547 = arith.addi %mul3A_35, %add3A_1546 : vector<16xi32>
        %add3A_1548 = arith.addi %add3A_1547, %and3A_138 : vector<16xi32>
        %gather3A_1549 = tpu.vector_load_idx %arg7[%add3A_1548] : memref<16384xf32, #tpu.memory_space<vmem>>[vector<16xi32>], vector<16xf32>,
        %max3A_1550 = arith.maximumf %max3A_1543, %gather3A_1549 : vector<16xf32>
        %swap3A_1551 = arith.index_cast %scan3A_1439 : i32 to index
        %swap3A_1552 = arith.constant 0 : index
        %swap3A_1553 = tpu.vector_load %arg8[%swap3A_1551, %swap3A_1552] {strides = array<i32>} : memref<64x16xf32, #tpu.memory_space<vmem>>, vector<16xf32>,
        tpu.vector_store %arg8[%swap3A_1551, %swap3A_1552], %max3A_1550 {strides = array<i32>} : memref<64x16xf32, #tpu.memory_space<vmem>>, vector<16xf32>,
        %scan3A_1554 = arith.constant 0 : i32
        scf.yield %scan3A_1554 : i32
      }
      %scan3A_288 = arith.constant 64 : i32
      %scan3A_289 = arith.constant 0 : i32
      %scan3A_290 = arith.constant 0 : i32
      %scan3A_291 = arith.constant 16 : i32
      %scan3A_292 = arith.addi %scan3A_290, %scan3A_291 : i32
      %scan3A_293 = arith.constant 1 : i32
      %scan3A_294 = scf.for %scan3A_1439 = %scan3A_290 to %scan3A_292 step %scan3A_293 iter_args(%scan3A_1440 = %scan3A_289) -> (i32)  : i32 {
        %get3A_1441 = arith.constant 0 : i32
        %get3A_1442 = arith.index_cast %get3A_1441 : i32 to index
        %get3A_1443 = arith.constant 0 : index
        %get3A_1444 = tpu.vector_load %arg8[%get3A_1442, %get3A_1443] {strides = array<i32>} : memref<64x16xf32, #tpu.memory_space<vmem>>, vector<16xf32>,
        %get3A_1445 = arith.constant 1 : i32
        %get3A_1446 = arith.index_cast %get3A_1445 : i32 to index
        %get3A_1447 = arith.constant 0 : index
        %get3A_1448 = tpu.vector_load %arg8[%get3A_1446, %get3A_1447] {strides = array<i32>} : memref<64x16xf32, #tpu.memory_space<vmem>>, vector<16xf32>,
        %max3A = arith.maximumf %get3A_1444, %get3A_1448 : vector<16xf32>
        %get3A_1449 = arith.constant 2 : i32
        %get3A_1450 = arith.index_cast %get3A_1449 : i32 to index
        %get3A_1451 = arith.constant 0 : index
        %get3A_1452 = tpu.vector_load %arg8[%get3A_1450, %get3A_1451] {strides = array<i32>} : memref<64x16xf32, #tpu.memory_space<vmem>>, vector<16xf32>,
        %max3A_1453 = arith.maximumf %max3A, %get3A_1452 : vector<16xf32>
        %get3A_1454 = arith.constant 3 : i32
        %get3A_1455 = arith.index_cast %get3A_1454 : i32 to index
        %get3A_1456 = arith.constant 0 : index
        %get3A_1457 = tpu.vector_load %arg8[%get3A_1455, %get3A_1456] {strides = array<i32>} : memref<64x16xf32, #tpu.memory_space<vmem>>, vector<16xf32>,
        %max3A_1458 = arith.maximumf %max3A_1453, %get3A_1457 : vector<16xf32>
        %get3A_1459 = arith.constant 4 : i32
        %get3A_1460 = arith.index_cast %get3A_1459 : i32 to index
        %get3A_1461 = arith.constant 0 : index
        %get3A_1462 = tpu.vector_load %arg8[%get3A_1460, %get3A_1461] {strides = array<i32>} : memref<64x16xf32, #tpu.memory_space<vmem>>, vector<16xf32>,
        %max3A_1463 = arith.maximumf %max3A_1458, %get3A_1462 : vector<16xf32>
        %get3A_1464 = arith.constant 5 : i32
        %get3A_1465 = arith.index_cast %get3A_1464 : i32 to index
        %get3A_1466 = arith.constant 0 : index
        %get3A_1467 = tpu.vector_load %arg8[%get3A_1465, %get3A_1466] {strides = array<i32>} : memref<64x16xf32, #tpu.memory_space<vmem>>, vector<16xf32>,
        %max3A_1468 = arith.maximumf %max3A_1463, %get3A_1467 : vector<16xf32>
        %get3A_1469 = arith.constant 6 : i32
        %get3A_1470 = arith.index_cast %get3A_1469 : i32 to index
        %get3A_1471 = arith.constant 0 : index
        %get3A_1472 = tpu.vector_load %arg8[%get3A_1470, %get3A_1471] {strides = array<i32>} : memref<64x16xf32, #tpu.memory_space<vmem>>, vector<16xf32>,
        %max3A_1473 = arith.maximumf %max3A_1468, %get3A_1472 : vector<16xf32>
        %get3A_1474 = arith.constant 7 : i32
        %get3A_1475 = arith.index_cast %get3A_1474 : i32 to index
        %get3A_1476 = arith.constant 0 : index
        %get3A_1477 = tpu.vector_load %arg8[%get3A_1475, %get3A_1476] {strides = array<i32>} : memref<64x16xf32, #tpu.memory_space<vmem>>, vector<16xf32>,
        %max3A_1478 = arith.maximumf %max3A_1473, %get3A_1477 : vector<16xf32>
        %get3A_1479 = arith.constant 8 : i32
        %get3A_1480 = arith.index_cast %get3A_1479 : i32 to index
        %get3A_1481 = arith.constant 0 : index
        %get3A_1482 = tpu.vector_load %arg8[%get3A_1480, %get3A_1481] {strides = array<i32>} : memref<64x16xf32, #tpu.memory_space<vmem>>, vector<16xf32>,
        %max3A_1483 = arith.maximumf %max3A_1478, %get3A_1482 : vector<16xf32>
        %get3A_1484 = arith.constant 9 : i32
        %get3A_1485 = arith.index_cast %get3A_1484 : i32 to index
        %get3A_1486 = arith.constant 0 : index
        %get3A_1487 = tpu.vector_load %arg8[%get3A_1485, %get3A_1486] {strides = array<i32>} : memref<64x16xf32, #tpu.memory_space<vmem>>, vector<16xf32>,
        %max3A_1488 = arith.maximumf %max3A_1483, %get3A_1487 : vector<16xf32>
        %get3A_1489 = arith.constant 10 : i32
        %get3A_1490 = arith.index_cast %get3A_1489 : i32 to index
        %get3A_1491 = arith.constant 0 : index
        %get3A_1492 = tpu.vector_load %arg8[%get3A_1490, %get3A_1491] {strides = array<i32>} : memref<64x16xf32, #tpu.memory_space<vmem>>, vector<16xf32>,
        %max3A_1493 = arith.maximumf %max3A_1488, %get3A_1492 : vector<16xf32>
        %get3A_1494 = arith.constant 11 : i32
        %get3A_1495 = arith.index_cast %get3A_1494 : i32 to index
        %get3A_1496 = arith.constant 0 : index
        %get3A_1497 = tpu.vector_load %arg8[%get3A_1495, %get3A_1496] {strides = array<i32>} : memref<64x16xf32, #tpu.memory_space<vmem>>, vector<16xf32>,
        %max3A_1498 = arith.maximumf %max3A_1493, %get3A_1497 : vector<16xf32>
        %get3A_1499 = arith.constant 12 : i32
        %get3A_1500 = arith.index_cast %get3A_1499 : i32 to index
        %get3A_1501 = arith.constant 0 : index
        %get3A_1502 = tpu.vector_load %arg8[%get3A_1500, %get3A_1501] {strides = array<i32>} : memref<64x16xf32, #tpu.memory_space<vmem>>, vector<16xf32>,
        %max3A_1503 = arith.maximumf %max3A_1498, %get3A_1502 : vector<16xf32>
        %get3A_1504 = arith.constant 13 : i32
        %get3A_1505 = arith.index_cast %get3A_1504 : i32 to index
        %get3A_1506 = arith.constant 0 : index
        %get3A_1507 = tpu.vector_load %arg8[%get3A_1505, %get3A_1506] {strides = array<i32>} : memref<64x16xf32, #tpu.memory_space<vmem>>, vector<16xf32>,
        %max3A_1508 = arith.maximumf %max3A_1503, %get3A_1507 : vector<16xf32>
        %get3A_1509 = arith.constant 14 : i32
        %get3A_1510 = arith.index_cast %get3A_1509 : i32 to index
        %get3A_1511 = arith.constant 0 : index
        %get3A_1512 = tpu.vector_load %arg8[%get3A_1510, %get3A_1511] {strides = array<i32>} : memref<64x16xf32, #tpu.memory_space<vmem>>, vector<16xf32>,
        %max3A_1513 = arith.maximumf %max3A_1508, %get3A_1512 : vector<16xf32>
        %get3A_1514 = arith.constant 15 : i32
        %get3A_1515 = arith.index_cast %get3A_1514 : i32 to index
        %get3A_1516 = arith.constant 0 : index
        %get3A_1517 = tpu.vector_load %arg8[%get3A_1515, %get3A_1516] {strides = array<i32>} : memref<64x16xf32, #tpu.memory_space<vmem>>, vector<16xf32>,
        %max3A_1518 = arith.maximumf %max3A_1513, %get3A_1517 : vector<16xf32>
        %get3A_1519 = arith.constant 16 : i32
        %get3A_1520 = arith.index_cast %get3A_1519 : i32 to index
        %get3A_1521 = arith.constant 0 : index
        %get3A_1522 = tpu.vector_load %arg8[%get3A_1520, %get3A_1521] {strides = array<i32>} : memref<64x16xf32, #tpu.memory_space<vmem>>, vector<16xf32>,
        %max3A_1523 = arith.maximumf %max3A_1518, %get3A_1522 : vector<16xf32>
        %get3A_1524 = arith.constant 17 : i32
        %get3A_1525 = arith.index_cast %get3A_1524 : i32 to index
        %get3A_1526 = arith.constant 0 : index
        %get3A_1527 = tpu.vector_load %arg8[%get3A_1525, %get3A_1526] {strides = array<i32>} : memref<64x16xf32, #tpu.memory_space<vmem>>, vector<16xf32>,
        %max3A_1528 = arith.maximumf %max3A_1523, %get3A_1527 : vector<16xf32>
        %get3A_1529 = arith.constant 18 : i32
        %get3A_1530 = arith.index_cast %get3A_1529 : i32 to index
        %get3A_1531 = arith.constant 0 : index
        %get3A_1532 = tpu.vector_load %arg8[%get3A_1530, %get3A_1531] {strides = array<i32>} : memref<64x16xf32, #tpu.memory_space<vmem>>, vector<16xf32>,
        %max3A_1533 = arith.maximumf %max3A_1528, %get3A_1532 : vector<16xf32>
        %get3A_1534 = arith.constant 19 : i32
        %get3A_1535 = arith.index_cast %get3A_1534 : i32 to index
        %get3A_1536 = arith.constant 0 : index
        %get3A_1537 = tpu.vector_load %arg8[%get3A_1535, %get3A_1536] {strides = array<i32>} : memref<64x16xf32, #tpu.memory_space<vmem>>, vector<16xf32>,
        %max3A_1538 = arith.maximumf %max3A_1533, %get3A_1537 : vector<16xf32>
        %get3A_1539 = arith.constant 20 : i32
        %get3A_1540 = arith.index_cast %get3A_1539 : i32 to index
        %get3A_1541 = arith.constant 0 : index
        %get3A_1542 = tpu.vector_load %arg8[%get3A_1540, %get3A_1541] {strides = array<i32>} : memref<64x16xf32, #tpu.memory_space<vmem>>, vector<16xf32>,
        %max3A_1543 = arith.maximumf %max3A_1538, %get3A_1542 : vector<16xf32>
        %get3A_1544 = arith.constant 21 : i32
        %get3A_1545 = arith.index_cast %get3A_1544 : i32 to index
        %get3A_1546 = arith.constant 0 : index
        %get3A_1547 = tpu.vector_load %arg8[%get3A_1545, %get3A_1546] {strides = array<i32>} : memref<64x16xf32, #tpu.memory_space<vmem>>, vector<16xf32>,
        %max3A_1548 = arith.maximumf %max3A_1543, %get3A_1547 : vector<16xf32>
        %get3A_1549 = arith.constant 22 : i32
        %get3A_1550 = arith.index_cast %get3A_1549 : i32 to index
        %get3A_1551 = arith.constant 0 : index
        %get3A_1552 = tpu.vector_load %arg8[%get3A_1550, %get3A_1551] {strides = array<i32>} : memref<64x16xf32, #tpu.memory_space<vmem>>, vector<16xf32>,
        %max3A_1553 = arith.maximumf %max3A_1548, %get3A_1552 : vector<16xf32>
        %get3A_1554 = arith.constant 23 : i32
        %get3A_1555 = arith.index_cast %get3A_1554 : i32 to index
        %get3A_1556 = arith.constant 0 : index
        %get3A_1557 = tpu.vector_load %arg8[%get3A_1555, %get3A_1556] {strides = array<i32>} : memref<64x16xf32, #tpu.memory_space<vmem>>, vector<16xf32>,
        %max3A_1558 = arith.maximumf %max3A_1553, %get3A_1557 : vector<16xf32>
        %get3A_1559 = arith.constant 24 : i32
        %get3A_1560 = arith.index_cast %get3A_1559 : i32 to index
        %get3A_1561 = arith.constant 0 : index
        %get3A_1562 = tpu.vector_load %arg8[%get3A_1560, %get3A_1561] {strides = array<i32>} : memref<64x16xf32, #tpu.memory_space<vmem>>, vector<16xf32>,
        %max3A_1563 = arith.maximumf %max3A_1558, %get3A_1562 : vector<16xf32>
        %get3A_1564 = arith.constant 25 : i32
        %get3A_1565 = arith.index_cast %get3A_1564 : i32 to index
        %get3A_1566 = arith.constant 0 : index
        %get3A_1567 = tpu.vector_load %arg8[%get3A_1565, %get3A_1566] {strides = array<i32>} : memref<64x16xf32, #tpu.memory_space<vmem>>, vector<16xf32>,
        %max3A_1568 = arith.maximumf %max3A_1563, %get3A_1567 : vector<16xf32>
        %get3A_1569 = arith.constant 26 : i32
        %get3A_1570 = arith.index_cast %get3A_1569 : i32 to index
        %get3A_1571 = arith.constant 0 : index
        %get3A_1572 = tpu.vector_load %arg8[%get3A_1570, %get3A_1571] {strides = array<i32>} : memref<64x16xf32, #tpu.memory_space<vmem>>, vector<16xf32>,
        %max3A_1573 = arith.maximumf %max3A_1568, %get3A_1572 : vector<16xf32>
        %get3A_1574 = arith.constant 27 : i32
        %get3A_1575 = arith.index_cast %get3A_1574 : i32 to index
        %get3A_1576 = arith.constant 0 : index
        %get3A_1577 = tpu.vector_load %arg8[%get3A_1575, %get3A_1576] {strides = array<i32>} : memref<64x16xf32, #tpu.memory_space<vmem>>, vector<16xf32>,
        %max3A_1578 = arith.maximumf %max3A_1573, %get3A_1577 : vector<16xf32>
        %get3A_1579 = arith.constant 28 : i32
        %get3A_1580 = arith.index_cast %get3A_1579 : i32 to index
        %get3A_1581 = arith.constant 0 : index
        %get3A_1582 = tpu.vector_load %arg8[%get3A_1580, %get3A_1581] {strides = array<i32>} : memref<64x16xf32, #tpu.memory_space<vmem>>, vector<16xf32>,
        %max3A_1583 = arith.maximumf %max3A_1578, %get3A_1582 : vector<16xf32>
        %get3A_1584 = arith.constant 29 : i32
        %get3A_1585 = arith.index_cast %get3A_1584 : i32 to index
        %get3A_1586 = arith.constant 0 : index
        %get3A_1587 = tpu.vector_load %arg8[%get3A_1585, %get3A_1586] {strides = array<i32>} : memref<64x16xf32, #tpu.memory_space<vmem>>, vector<16xf32>,
        %max3A_1588 = arith.maximumf %max3A_1583, %get3A_1587 : vector<16xf32>
        %get3A_1589 = arith.constant 30 : i32
        %get3A_1590 = arith.index_cast %get3A_1589 : i32 to index
        %get3A_1591 = arith.constant 0 : index
        %get3A_1592 = tpu.vector_load %arg8[%get3A_1590, %get3A_1591] {strides = array<i32>} : memref<64x16xf32, #tpu.memory_space<vmem>>, vector<16xf32>,
        %max3A_1593 = arith.maximumf %max3A_1588, %get3A_1592 : vector<16xf32>
        %get3A_1594 = arith.constant 31 : i32
        %get3A_1595 = arith.index_cast %get3A_1594 : i32 to index
        %get3A_1596 = arith.constant 0 : index
        %get3A_1597 = tpu.vector_load %arg8[%get3A_1595, %get3A_1596] {strides = array<i32>} : memref<64x16xf32, #tpu.memory_space<vmem>>, vector<16xf32>,
        %max3A_1598 = arith.maximumf %max3A_1593, %get3A_1597 : vector<16xf32>
        %get3A_1599 = arith.constant 32 : i32
        %get3A_1600 = arith.index_cast %get3A_1599 : i32 to index
        %get3A_1601 = arith.constant 0 : index
        %get3A_1602 = tpu.vector_load %arg8[%get3A_1600, %get3A_1601] {strides = array<i32>} : memref<64x16xf32, #tpu.memory_space<vmem>>, vector<16xf32>,
        %max3A_1603 = arith.maximumf %max3A_1598, %get3A_1602 : vector<16xf32>
        %get3A_1604 = arith.constant 33 : i32
        %get3A_1605 = arith.index_cast %get3A_1604 : i32 to index
        %get3A_1606 = arith.constant 0 : index
        %get3A_1607 = tpu.vector_load %arg8[%get3A_1605, %get3A_1606] {strides = array<i32>} : memref<64x16xf32, #tpu.memory_space<vmem>>, vector<16xf32>,
        %max3A_1608 = arith.maximumf %max3A_1603, %get3A_1607 : vector<16xf32>
        %get3A_1609 = arith.constant 34 : i32
        %get3A_1610 = arith.index_cast %get3A_1609 : i32 to index
        %get3A_1611 = arith.constant 0 : index
        %get3A_1612 = tpu.vector_load %arg8[%get3A_1610, %get3A_1611] {strides = array<i32>} : memref<64x16xf32, #tpu.memory_space<vmem>>, vector<16xf32>,
        %max3A_1613 = arith.maximumf %max3A_1608, %get3A_1612 : vector<16xf32>
        %get3A_1614 = arith.constant 35 : i32
        %get3A_1615 = arith.index_cast %get3A_1614 : i32 to index
        %get3A_1616 = arith.constant 0 : index
        %get3A_1617 = tpu.vector_load %arg8[%get3A_1615, %get3A_1616] {strides = array<i32>} : memref<64x16xf32, #tpu.memory_space<vmem>>, vector<16xf32>,
        %max3A_1618 = arith.maximumf %max3A_1613, %get3A_1617 : vector<16xf32>
        %get3A_1619 = arith.constant 36 : i32
        %get3A_1620 = arith.index_cast %get3A_1619 : i32 to index
        %get3A_1621 = arith.constant 0 : index
        %get3A_1622 = tpu.vector_load %arg8[%get3A_1620, %get3A_1621] {strides = array<i32>} : memref<64x16xf32, #tpu.memory_space<vmem>>, vector<16xf32>,
        %max3A_1623 = arith.maximumf %max3A_1618, %get3A_1622 : vector<16xf32>
        %get3A_1624 = arith.constant 37 : i32
        %get3A_1625 = arith.index_cast %get3A_1624 : i32 to index
        %get3A_1626 = arith.constant 0 : index
        %get3A_1627 = tpu.vector_load %arg8[%get3A_1625, %get3A_1626] {strides = array<i32>} : memref<64x16xf32, #tpu.memory_space<vmem>>, vector<16xf32>,
        %max3A_1628 = arith.maximumf %max3A_1623, %get3A_1627 : vector<16xf32>
        %get3A_1629 = arith.constant 38 : i32
        %get3A_1630 = arith.index_cast %get3A_1629 : i32 to index
        %get3A_1631 = arith.constant 0 : index
        %get3A_1632 = tpu.vector_load %arg8[%get3A_1630, %get3A_1631] {strides = array<i32>} : memref<64x16xf32, #tpu.memory_space<vmem>>, vector<16xf32>,
        %max3A_1633 = arith.maximumf %max3A_1628, %get3A_1632 : vector<16xf32>
        %get3A_1634 = arith.constant 39 : i32
        %get3A_1635 = arith.index_cast %get3A_1634 : i32 to index
        %get3A_1636 = arith.constant 0 : index
        %get3A_1637 = tpu.vector_load %arg8[%get3A_1635, %get3A_1636] {strides = array<i32>} : memref<64x16xf32, #tpu.memory_space<vmem>>, vector<16xf32>,
        %max3A_1638 = arith.maximumf %max3A_1633, %get3A_1637 : vector<16xf32>
        %get3A_1639 = arith.constant 40 : i32
        %get3A_1640 = arith.index_cast %get3A_1639 : i32 to index
        %get3A_1641 = arith.constant 0 : index
        %get3A_1642 = tpu.vector_load %arg8[%get3A_1640, %get3A_1641] {strides = array<i32>} : memref<64x16xf32, #tpu.memory_space<vmem>>, vector<16xf32>,
        %max3A_1643 = arith.maximumf %max3A_1638, %get3A_1642 : vector<16xf32>
        %get3A_1644 = arith.constant 41 : i32
        %get3A_1645 = arith.index_cast %get3A_1644 : i32 to index
        %get3A_1646 = arith.constant 0 : index
        %get3A_1647 = tpu.vector_load %arg8[%get3A_1645, %get3A_1646] {strides = array<i32>} : memref<64x16xf32, #tpu.memory_space<vmem>>, vector<16xf32>,
        %max3A_1648 = arith.maximumf %max3A_1643, %get3A_1647 : vector<16xf32>
        %get3A_1649 = arith.constant 42 : i32
        %get3A_1650 = arith.index_cast %get3A_1649 : i32 to index
        %get3A_1651 = arith.constant 0 : index
        %get3A_1652 = tpu.vector_load %arg8[%get3A_1650, %get3A_1651] {strides = array<i32>} : memref<64x16xf32, #tpu.memory_space<vmem>>, vector<16xf32>,
        %max3A_1653 = arith.maximumf %max3A_1648, %get3A_1652 : vector<16xf32>
        %get3A_1654 = arith.constant 43 : i32
        %get3A_1655 = arith.index_cast %get3A_1654 : i32 to index
        %get3A_1656 = arith.constant 0 : index
        %get3A_1657 = tpu.vector_load %arg8[%get3A_1655, %get3A_1656] {strides = array<i32>} : memref<64x16xf32, #tpu.memory_space<vmem>>, vector<16xf32>,
        %max3A_1658 = arith.maximumf %max3A_1653, %get3A_1657 : vector<16xf32>
        %get3A_1659 = arith.constant 44 : i32
        %get3A_1660 = arith.index_cast %get3A_1659 : i32 to index
        %get3A_1661 = arith.constant 0 : index
        %get3A_1662 = tpu.vector_load %arg8[%get3A_1660, %get3A_1661] {strides = array<i32>} : memref<64x16xf32, #tpu.memory_space<vmem>>, vector<16xf32>,
        %max3A_1663 = arith.maximumf %max3A_1658, %get3A_1662 : vector<16xf32>
        %get3A_1664 = arith.constant 45 : i32
        %get3A_1665 = arith.index_cast %get3A_1664 : i32 to index
        %get3A_1666 = arith.constant 0 : index
        %get3A_1667 = tpu.vector_load %arg8[%get3A_1665, %get3A_1666] {strides = array<i32>} : memref<64x16xf32, #tpu.memory_space<vmem>>, vector<16xf32>,
        %max3A_1668 = arith.maximumf %max3A_1663, %get3A_1667 : vector<16xf32>
        %get3A_1669 = arith.constant 46 : i32
        %get3A_1670 = arith.index_cast %get3A_1669 : i32 to index
        %get3A_1671 = arith.constant 0 : index
        %get3A_1672 = tpu.vector_load %arg8[%get3A_1670, %get3A_1671] {strides = array<i32>} : memref<64x16xf32, #tpu.memory_space<vmem>>, vector<16xf32>,
        %max3A_1673 = arith.maximumf %max3A_1668, %get3A_1672 : vector<16xf32>
        %get3A_1674 = arith.constant 47 : i32
        %get3A_1675 = arith.index_cast %get3A_1674 : i32 to index
        %get3A_1676 = arith.constant 0 : index
        %get3A_1677 = tpu.vector_load %arg8[%get3A_1675, %get3A_1676] {strides = array<i32>} : memref<64x16xf32, #tpu.memory_space<vmem>>, vector<16xf32>,
        %max3A_1678 = arith.maximumf %max3A_1673, %get3A_1677 : vector<16xf32>
        %get3A_1679 = arith.constant 48 : i32
        %get3A_1680 = arith.index_cast %get3A_1679 : i32 to index
        %get3A_1681 = arith.constant 0 : index
        %get3A_1682 = tpu.vector_load %arg8[%get3A_1680, %get3A_1681] {strides = array<i32>} : memref<64x16xf32, #tpu.memory_space<vmem>>, vector<16xf32>,
        %max3A_1683 = arith.maximumf %max3A_1678, %get3A_1682 : vector<16xf32>
        %get3A_1684 = arith.constant 49 : i32
        %get3A_1685 = arith.index_cast %get3A_1684 : i32 to index
        %get3A_1686 = arith.constant 0 : index
        %get3A_1687 = tpu.vector_load %arg8[%get3A_1685, %get3A_1686] {strides = array<i32>} : memref<64x16xf32, #tpu.memory_space<vmem>>, vector<16xf32>,
        %max3A_1688 = arith.maximumf %max3A_1683, %get3A_1687 : vector<16xf32>
        %get3A_1689 = arith.constant 50 : i32
        %get3A_1690 = arith.index_cast %get3A_1689 : i32 to index
        %get3A_1691 = arith.constant 0 : index
        %get3A_1692 = tpu.vector_load %arg8[%get3A_1690, %get3A_1691] {strides = array<i32>} : memref<64x16xf32, #tpu.memory_space<vmem>>, vector<16xf32>,
        %max3A_1693 = arith.maximumf %max3A_1688, %get3A_1692 : vector<16xf32>
        %get3A_1694 = arith.constant 51 : i32
        %get3A_1695 = arith.index_cast %get3A_1694 : i32 to index
        %get3A_1696 = arith.constant 0 : index
        %get3A_1697 = tpu.vector_load %arg8[%get3A_1695, %get3A_1696] {strides = array<i32>} : memref<64x16xf32, #tpu.memory_space<vmem>>, vector<16xf32>,
        %max3A_1698 = arith.maximumf %max3A_1693, %get3A_1697 : vector<16xf32>
        %get3A_1699 = arith.constant 52 : i32
        %get3A_1700 = arith.index_cast %get3A_1699 : i32 to index
        %get3A_1701 = arith.constant 0 : index
        %get3A_1702 = tpu.vector_load %arg8[%get3A_1700, %get3A_1701] {strides = array<i32>} : memref<64x16xf32, #tpu.memory_space<vmem>>, vector<16xf32>,
        %max3A_1703 = arith.maximumf %max3A_1698, %get3A_1702 : vector<16xf32>
        %get3A_1704 = arith.constant 53 : i32
        %get3A_1705 = arith.index_cast %get3A_1704 : i32 to index
        %get3A_1706 = arith.constant 0 : index
        %get3A_1707 = tpu.vector_load %arg8[%get3A_1705, %get3A_1706] {strides = array<i32>} : memref<64x16xf32, #tpu.memory_space<vmem>>, vector<16xf32>,
        %max3A_1708 = arith.maximumf %max3A_1703, %get3A_1707 : vector<16xf32>
        %get3A_1709 = arith.constant 54 : i32
        %get3A_1710 = arith.index_cast %get3A_1709 : i32 to index
        %get3A_1711 = arith.constant 0 : index
        %get3A_1712 = tpu.vector_load %arg8[%get3A_1710, %get3A_1711] {strides = array<i32>} : memref<64x16xf32, #tpu.memory_space<vmem>>, vector<16xf32>,
        %max3A_1713 = arith.maximumf %max3A_1708, %get3A_1712 : vector<16xf32>
        %get3A_1714 = arith.constant 55 : i32
        %get3A_1715 = arith.index_cast %get3A_1714 : i32 to index
        %get3A_1716 = arith.constant 0 : index
        %get3A_1717 = tpu.vector_load %arg8[%get3A_1715, %get3A_1716] {strides = array<i32>} : memref<64x16xf32, #tpu.memory_space<vmem>>, vector<16xf32>,
        %max3A_1718 = arith.maximumf %max3A_1713, %get3A_1717 : vector<16xf32>
        %get3A_1719 = arith.constant 56 : i32
        %get3A_1720 = arith.index_cast %get3A_1719 : i32 to index
        %get3A_1721 = arith.constant 0 : index
        %get3A_1722 = tpu.vector_load %arg8[%get3A_1720, %get3A_1721] {strides = array<i32>} : memref<64x16xf32, #tpu.memory_space<vmem>>, vector<16xf32>,
        %max3A_1723 = arith.maximumf %max3A_1718, %get3A_1722 : vector<16xf32>
        %get3A_1724 = arith.constant 57 : i32
        %get3A_1725 = arith.index_cast %get3A_1724 : i32 to index
        %get3A_1726 = arith.constant 0 : index
        %get3A_1727 = tpu.vector_load %arg8[%get3A_1725, %get3A_1726] {strides = array<i32>} : memref<64x16xf32, #tpu.memory_space<vmem>>, vector<16xf32>,
        %max3A_1728 = arith.maximumf %max3A_1723, %get3A_1727 : vector<16xf32>
        %get3A_1729 = arith.constant 58 : i32
        %get3A_1730 = arith.index_cast %get3A_1729 : i32 to index
        %get3A_1731 = arith.constant 0 : index
        %get3A_1732 = tpu.vector_load %arg8[%get3A_1730, %get3A_1731] {strides = array<i32>} : memref<64x16xf32, #tpu.memory_space<vmem>>, vector<16xf32>,
        %max3A_1733 = arith.maximumf %max3A_1728, %get3A_1732 : vector<16xf32>
        %get3A_1734 = arith.constant 59 : i32
        %get3A_1735 = arith.index_cast %get3A_1734 : i32 to index
        %get3A_1736 = arith.constant 0 : index
        %get3A_1737 = tpu.vector_load %arg8[%get3A_1735, %get3A_1736] {strides = array<i32>} : memref<64x16xf32, #tpu.memory_space<vmem>>, vector<16xf32>,
        %max3A_1738 = arith.maximumf %max3A_1733, %get3A_1737 : vector<16xf32>
        %get3A_1739 = arith.constant 60 : i32
        %get3A_1740 = arith.index_cast %get3A_1739 : i32 to index
        %get3A_1741 = arith.constant 0 : index
        %get3A_1742 = tpu.vector_load %arg8[%get3A_1740, %get3A_1741] {strides = array<i32>} : memref<64x16xf32, #tpu.memory_space<vmem>>, vector<16xf32>,
        %max3A_1743 = arith.maximumf %max3A_1738, %get3A_1742 : vector<16xf32>
        %get3A_1744 = arith.constant 61 : i32
        %get3A_1745 = arith.index_cast %get3A_1744 : i32 to index
        %get3A_1746 = arith.constant 0 : index
        %get3A_1747 = tpu.vector_load %arg8[%get3A_1745, %get3A_1746] {strides = array<i32>} : memref<64x16xf32, #tpu.memory_space<vmem>>, vector<16xf32>,
        %max3A_1748 = arith.maximumf %max3A_1743, %get3A_1747 : vector<16xf32>
        %get3A_1749 = arith.constant 62 : i32
        %get3A_1750 = arith.index_cast %get3A_1749 : i32 to index
        %get3A_1751 = arith.constant 0 : index
        %get3A_1752 = tpu.vector_load %arg8[%get3A_1750, %get3A_1751] {strides = array<i32>} : memref<64x16xf32, #tpu.memory_space<vmem>>, vector<16xf32>,
        %max3A_1753 = arith.maximumf %max3A_1748, %get3A_1752 : vector<16xf32>
        %get3A_1754 = arith.constant 63 : i32
        %get3A_1755 = arith.index_cast %get3A_1754 : i32 to index
        %get3A_1756 = arith.constant 0 : index
        %get3A_1757 = tpu.vector_load %arg8[%get3A_1755, %get3A_1756] {strides = array<i32>} : memref<64x16xf32, #tpu.memory_space<vmem>>, vector<16xf32>,
        %max3A_1758 = arith.maximumf %max3A_1753, %get3A_1757 : vector<16xf32>
        %broadcast_in_dim3A_1759 = arith.constant 64 : i32
        %broadcast_in_dim3A_1760 = vector.broadcast %broadcast_in_dim3A_1759 : i32 to vector<16xi32>
        %get3A_1761 = arith.constant 63 : i32
        %get3A_1762 = arith.index_cast %get3A_1761 : i32 to index
        %get3A_1763 = arith.constant 0 : index
        %get3A_1764 = tpu.vector_load %arg8[%get3A_1762, %get3A_1763] {strides = array<i32>} : memref<64x16xf32, #tpu.memory_space<vmem>>, vector<16xf32>,
        %eq3A_1765 = arith.cmpf oeq, %get3A_1764, %max3A_1758 : vector<16xf32>
        %jit3A_1766 = arith.constant 63 : i32
        %broadcast_in_dim3A_1767 = vector.broadcast %jit3A_1766 : i32 to vector<16xi32>
        %select_n3A_1768 = arith.select %eq3A_1765, %broadcast_in_dim3A_1767, %broadcast_in_dim3A_1760 : vector<16xi1>, vector<16xi32>
        %get3A_1769 = arith.constant 62 : i32
        %get3A_1770 = arith.index_cast %get3A_1769 : i32 to index
        %get3A_1771 = arith.constant 0 : index
        %get3A_1772 = tpu.vector_load %arg8[%get3A_1770, %get3A_1771] {strides = array<i32>} : memref<64x16xf32, #tpu.memory_space<vmem>>, vector<16xf32>,
        %eq3A_1773 = arith.cmpf oeq, %get3A_1772, %max3A_1758 : vector<16xf32>
        %jit3A_1774 = arith.constant 62 : i32
        %broadcast_in_dim3A_1775 = vector.broadcast %jit3A_1774 : i32 to vector<16xi32>
        %select_n3A_1776 = arith.select %eq3A_1773, %broadcast_in_dim3A_1775, %select_n3A_1768 : vector<16xi1>, vector<16xi32>
        %get3A_1777 = arith.constant 61 : i32
        %get3A_1778 = arith.index_cast %get3A_1777 : i32 to index
        %get3A_1779 = arith.constant 0 : index
        %get3A_1780 = tpu.vector_load %arg8[%get3A_1778, %get3A_1779] {strides = array<i32>} : memref<64x16xf32, #tpu.memory_space<vmem>>, vector<16xf32>,
        %eq3A_1781 = arith.cmpf oeq, %get3A_1780, %max3A_1758 : vector<16xf32>
        %jit3A_1782 = arith.constant 61 : i32
        %broadcast_in_dim3A_1783 = vector.broadcast %jit3A_1782 : i32 to vector<16xi32>
        %select_n3A_1784 = arith.select %eq3A_1781, %broadcast_in_dim3A_1783, %select_n3A_1776 : vector<16xi1>, vector<16xi32>
        %get3A_1785 = arith.constant 60 : i32
        %get3A_1786 = arith.index_cast %get3A_1785 : i32 to index
        %get3A_1787 = arith.constant 0 : index
        %get3A_1788 = tpu.vector_load %arg8[%get3A_1786, %get3A_1787] {strides = array<i32>} : memref<64x16xf32, #tpu.memory_space<vmem>>, vector<16xf32>,
        %eq3A_1789 = arith.cmpf oeq, %get3A_1788, %max3A_1758 : vector<16xf32>
        %jit3A_1790 = arith.constant 60 : i32
        %broadcast_in_dim3A_1791 = vector.broadcast %jit3A_1790 : i32 to vector<16xi32>
        %select_n3A_1792 = arith.select %eq3A_1789, %broadcast_in_dim3A_1791, %select_n3A_1784 : vector<16xi1>, vector<16xi32>
        %get3A_1793 = arith.constant 59 : i32
        %get3A_1794 = arith.index_cast %get3A_1793 : i32 to index
        %get3A_1795 = arith.constant 0 : index
        %get3A_1796 = tpu.vector_load %arg8[%get3A_1794, %get3A_1795] {strides = array<i32>} : memref<64x16xf32, #tpu.memory_space<vmem>>, vector<16xf32>,
        %eq3A_1797 = arith.cmpf oeq, %get3A_1796, %max3A_1758 : vector<16xf32>
        %jit3A_1798 = arith.constant 59 : i32
        %broadcast_in_dim3A_1799 = vector.broadcast %jit3A_1798 : i32 to vector<16xi32>
        %select_n3A_1800 = arith.select %eq3A_1797, %broadcast_in_dim3A_1799, %select_n3A_1792 : vector<16xi1>, vector<16xi32>
        %get3A_1801 = arith.constant 58 : i32
        %get3A_1802 = arith.index_cast %get3A_1801 : i32 to index
        %get3A_1803 = arith.constant 0 : index
        %get3A_1804 = tpu.vector_load %arg8[%get3A_1802, %get3A_1803] {strides = array<i32>} : memref<64x16xf32, #tpu.memory_space<vmem>>, vector<16xf32>,
        %eq3A_1805 = arith.cmpf oeq, %get3A_1804, %max3A_1758 : vector<16xf32>
        %jit3A_1806 = arith.constant 58 : i32
        %broadcast_in_dim3A_1807 = vector.broadcast %jit3A_1806 : i32 to vector<16xi32>
        %select_n3A_1808 = arith.select %eq3A_1805, %broadcast_in_dim3A_1807, %select_n3A_1800 : vector<16xi1>, vector<16xi32>
        %get3A_1809 = arith.constant 57 : i32
        %get3A_1810 = arith.index_cast %get3A_1809 : i32 to index
        %get3A_1811 = arith.constant 0 : index
        %get3A_1812 = tpu.vector_load %arg8[%get3A_1810, %get3A_1811] {strides = array<i32>} : memref<64x16xf32, #tpu.memory_space<vmem>>, vector<16xf32>,
        %eq3A_1813 = arith.cmpf oeq, %get3A_1812, %max3A_1758 : vector<16xf32>
        %jit3A_1814 = arith.constant 57 : i32
        %broadcast_in_dim3A_1815 = vector.broadcast %jit3A_1814 : i32 to vector<16xi32>
        %select_n3A_1816 = arith.select %eq3A_1813, %broadcast_in_dim3A_1815, %select_n3A_1808 : vector<16xi1>, vector<16xi32>
        %get3A_1817 = arith.constant 56 : i32
        %get3A_1818 = arith.index_cast %get3A_1817 : i32 to index
        %get3A_1819 = arith.constant 0 : index
        %get3A_1820 = tpu.vector_load %arg8[%get3A_1818, %get3A_1819] {strides = array<i32>} : memref<64x16xf32, #tpu.memory_space<vmem>>, vector<16xf32>,
        %eq3A_1821 = arith.cmpf oeq, %get3A_1820, %max3A_1758 : vector<16xf32>
        %jit3A_1822 = arith.constant 56 : i32
        %broadcast_in_dim3A_1823 = vector.broadcast %jit3A_1822 : i32 to vector<16xi32>
        %select_n3A_1824 = arith.select %eq3A_1821, %broadcast_in_dim3A_1823, %select_n3A_1816 : vector<16xi1>, vector<16xi32>
        %get3A_1825 = arith.constant 55 : i32
        %get3A_1826 = arith.index_cast %get3A_1825 : i32 to index
        %get3A_1827 = arith.constant 0 : index
        %get3A_1828 = tpu.vector_load %arg8[%get3A_1826, %get3A_1827] {strides = array<i32>} : memref<64x16xf32, #tpu.memory_space<vmem>>, vector<16xf32>,
        %eq3A_1829 = arith.cmpf oeq, %get3A_1828, %max3A_1758 : vector<16xf32>
        %jit3A_1830 = arith.constant 55 : i32
        %broadcast_in_dim3A_1831 = vector.broadcast %jit3A_1830 : i32 to vector<16xi32>
        %select_n3A_1832 = arith.select %eq3A_1829, %broadcast_in_dim3A_1831, %select_n3A_1824 : vector<16xi1>, vector<16xi32>
        %get3A_1833 = arith.constant 54 : i32
        %get3A_1834 = arith.index_cast %get3A_1833 : i32 to index
        %get3A_1835 = arith.constant 0 : index
        %get3A_1836 = tpu.vector_load %arg8[%get3A_1834, %get3A_1835] {strides = array<i32>} : memref<64x16xf32, #tpu.memory_space<vmem>>, vector<16xf32>,
        %eq3A_1837 = arith.cmpf oeq, %get3A_1836, %max3A_1758 : vector<16xf32>
        %jit3A_1838 = arith.constant 54 : i32
        %broadcast_in_dim3A_1839 = vector.broadcast %jit3A_1838 : i32 to vector<16xi32>
        %select_n3A_1840 = arith.select %eq3A_1837, %broadcast_in_dim3A_1839, %select_n3A_1832 : vector<16xi1>, vector<16xi32>
        %get3A_1841 = arith.constant 53 : i32
        %get3A_1842 = arith.index_cast %get3A_1841 : i32 to index
        %get3A_1843 = arith.constant 0 : index
        %get3A_1844 = tpu.vector_load %arg8[%get3A_1842, %get3A_1843] {strides = array<i32>} : memref<64x16xf32, #tpu.memory_space<vmem>>, vector<16xf32>,
        %eq3A_1845 = arith.cmpf oeq, %get3A_1844, %max3A_1758 : vector<16xf32>
        %jit3A_1846 = arith.constant 53 : i32
        %broadcast_in_dim3A_1847 = vector.broadcast %jit3A_1846 : i32 to vector<16xi32>
        %select_n3A_1848 = arith.select %eq3A_1845, %broadcast_in_dim3A_1847, %select_n3A_1840 : vector<16xi1>, vector<16xi32>
        %get3A_1849 = arith.constant 52 : i32
        %get3A_1850 = arith.index_cast %get3A_1849 : i32 to index
        %get3A_1851 = arith.constant 0 : index
        %get3A_1852 = tpu.vector_load %arg8[%get3A_1850, %get3A_1851] {strides = array<i32>} : memref<64x16xf32, #tpu.memory_space<vmem>>, vector<16xf32>,
        %eq3A_1853 = arith.cmpf oeq, %get3A_1852, %max3A_1758 : vector<16xf32>
        %jit3A_1854 = arith.constant 52 : i32
        %broadcast_in_dim3A_1855 = vector.broadcast %jit3A_1854 : i32 to vector<16xi32>
        %select_n3A_1856 = arith.select %eq3A_1853, %broadcast_in_dim3A_1855, %select_n3A_1848 : vector<16xi1>, vector<16xi32>
        %get3A_1857 = arith.constant 51 : i32
        %get3A_1858 = arith.index_cast %get3A_1857 : i32 to index
        %get3A_1859 = arith.constant 0 : index
        %get3A_1860 = tpu.vector_load %arg8[%get3A_1858, %get3A_1859] {strides = array<i32>} : memref<64x16xf32, #tpu.memory_space<vmem>>, vector<16xf32>,
        %eq3A_1861 = arith.cmpf oeq, %get3A_1860, %max3A_1758 : vector<16xf32>
        %jit3A_1862 = arith.constant 51 : i32
        %broadcast_in_dim3A_1863 = vector.broadcast %jit3A_1862 : i32 to vector<16xi32>
        %select_n3A_1864 = arith.select %eq3A_1861, %broadcast_in_dim3A_1863, %select_n3A_1856 : vector<16xi1>, vector<16xi32>
        %get3A_1865 = arith.constant 50 : i32
        %get3A_1866 = arith.index_cast %get3A_1865 : i32 to index
        %get3A_1867 = arith.constant 0 : index
        %get3A_1868 = tpu.vector_load %arg8[%get3A_1866, %get3A_1867] {strides = array<i32>} : memref<64x16xf32, #tpu.memory_space<vmem>>, vector<16xf32>,
        %eq3A_1869 = arith.cmpf oeq, %get3A_1868, %max3A_1758 : vector<16xf32>
        %jit3A_1870 = arith.constant 50 : i32
        %broadcast_in_dim3A_1871 = vector.broadcast %jit3A_1870 : i32 to vector<16xi32>
        %select_n3A_1872 = arith.select %eq3A_1869, %broadcast_in_dim3A_1871, %select_n3A_1864 : vector<16xi1>, vector<16xi32>
        %get3A_1873 = arith.constant 49 : i32
        %get3A_1874 = arith.index_cast %get3A_1873 : i32 to index
        %get3A_1875 = arith.constant 0 : index
        %get3A_1876 = tpu.vector_load %arg8[%get3A_1874, %get3A_1875] {strides = array<i32>} : memref<64x16xf32, #tpu.memory_space<vmem>>, vector<16xf32>,
        %eq3A_1877 = arith.cmpf oeq, %get3A_1876, %max3A_1758 : vector<16xf32>
        %jit3A_1878 = arith.constant 49 : i32
        %broadcast_in_dim3A_1879 = vector.broadcast %jit3A_1878 : i32 to vector<16xi32>
        %select_n3A_1880 = arith.select %eq3A_1877, %broadcast_in_dim3A_1879, %select_n3A_1872 : vector<16xi1>, vector<16xi32>
        %get3A_1881 = arith.constant 48 : i32
        %get3A_1882 = arith.index_cast %get3A_1881 : i32 to index
        %get3A_1883 = arith.constant 0 : index
        %get3A_1884 = tpu.vector_load %arg8[%get3A_1882, %get3A_1883] {strides = array<i32>} : memref<64x16xf32, #tpu.memory_space<vmem>>, vector<16xf32>,
        %eq3A_1885 = arith.cmpf oeq, %get3A_1884, %max3A_1758 : vector<16xf32>
        %jit3A_1886 = arith.constant 48 : i32
        %broadcast_in_dim3A_1887 = vector.broadcast %jit3A_1886 : i32 to vector<16xi32>
        %select_n3A_1888 = arith.select %eq3A_1885, %broadcast_in_dim3A_1887, %select_n3A_1880 : vector<16xi1>, vector<16xi32>
        %get3A_1889 = arith.constant 47 : i32
        %get3A_1890 = arith.index_cast %get3A_1889 : i32 to index
        %get3A_1891 = arith.constant 0 : index
        %get3A_1892 = tpu.vector_load %arg8[%get3A_1890, %get3A_1891] {strides = array<i32>} : memref<64x16xf32, #tpu.memory_space<vmem>>, vector<16xf32>,
        %eq3A_1893 = arith.cmpf oeq, %get3A_1892, %max3A_1758 : vector<16xf32>
        %jit3A_1894 = arith.constant 47 : i32
        %broadcast_in_dim3A_1895 = vector.broadcast %jit3A_1894 : i32 to vector<16xi32>
        %select_n3A_1896 = arith.select %eq3A_1893, %broadcast_in_dim3A_1895, %select_n3A_1888 : vector<16xi1>, vector<16xi32>
        %get3A_1897 = arith.constant 46 : i32
        %get3A_1898 = arith.index_cast %get3A_1897 : i32 to index
        %get3A_1899 = arith.constant 0 : index
        %get3A_1900 = tpu.vector_load %arg8[%get3A_1898, %get3A_1899] {strides = array<i32>} : memref<64x16xf32, #tpu.memory_space<vmem>>, vector<16xf32>,
        %eq3A_1901 = arith.cmpf oeq, %get3A_1900, %max3A_1758 : vector<16xf32>
        %jit3A_1902 = arith.constant 46 : i32
        %broadcast_in_dim3A_1903 = vector.broadcast %jit3A_1902 : i32 to vector<16xi32>
        %select_n3A_1904 = arith.select %eq3A_1901, %broadcast_in_dim3A_1903, %select_n3A_1896 : vector<16xi1>, vector<16xi32>
        %get3A_1905 = arith.constant 45 : i32
        %get3A_1906 = arith.index_cast %get3A_1905 : i32 to index
        %get3A_1907 = arith.constant 0 : index
        %get3A_1908 = tpu.vector_load %arg8[%get3A_1906, %get3A_1907] {strides = array<i32>} : memref<64x16xf32, #tpu.memory_space<vmem>>, vector<16xf32>,
        %eq3A_1909 = arith.cmpf oeq, %get3A_1908, %max3A_1758 : vector<16xf32>
        %jit3A_1910 = arith.constant 45 : i32
        %broadcast_in_dim3A_1911 = vector.broadcast %jit3A_1910 : i32 to vector<16xi32>
        %select_n3A_1912 = arith.select %eq3A_1909, %broadcast_in_dim3A_1911, %select_n3A_1904 : vector<16xi1>, vector<16xi32>
        %get3A_1913 = arith.constant 44 : i32
        %get3A_1914 = arith.index_cast %get3A_1913 : i32 to index
        %get3A_1915 = arith.constant 0 : index
        %get3A_1916 = tpu.vector_load %arg8[%get3A_1914, %get3A_1915] {strides = array<i32>} : memref<64x16xf32, #tpu.memory_space<vmem>>, vector<16xf32>,
        %eq3A_1917 = arith.cmpf oeq, %get3A_1916, %max3A_1758 : vector<16xf32>
        %jit3A_1918 = arith.constant 44 : i32
        %broadcast_in_dim3A_1919 = vector.broadcast %jit3A_1918 : i32 to vector<16xi32>
        %select_n3A_1920 = arith.select %eq3A_1917, %broadcast_in_dim3A_1919, %select_n3A_1912 : vector<16xi1>, vector<16xi32>
        %get3A_1921 = arith.constant 43 : i32
        %get3A_1922 = arith.index_cast %get3A_1921 : i32 to index
        %get3A_1923 = arith.constant 0 : index
        %get3A_1924 = tpu.vector_load %arg8[%get3A_1922, %get3A_1923] {strides = array<i32>} : memref<64x16xf32, #tpu.memory_space<vmem>>, vector<16xf32>,
        %eq3A_1925 = arith.cmpf oeq, %get3A_1924, %max3A_1758 : vector<16xf32>
        %jit3A_1926 = arith.constant 43 : i32
        %broadcast_in_dim3A_1927 = vector.broadcast %jit3A_1926 : i32 to vector<16xi32>
        %select_n3A_1928 = arith.select %eq3A_1925, %broadcast_in_dim3A_1927, %select_n3A_1920 : vector<16xi1>, vector<16xi32>
        %get3A_1929 = arith.constant 42 : i32
        %get3A_1930 = arith.index_cast %get3A_1929 : i32 to index
        %get3A_1931 = arith.constant 0 : index
        %get3A_1932 = tpu.vector_load %arg8[%get3A_1930, %get3A_1931] {strides = array<i32>} : memref<64x16xf32, #tpu.memory_space<vmem>>, vector<16xf32>,
        %eq3A_1933 = arith.cmpf oeq, %get3A_1932, %max3A_1758 : vector<16xf32>
        %jit3A_1934 = arith.constant 42 : i32
        %broadcast_in_dim3A_1935 = vector.broadcast %jit3A_1934 : i32 to vector<16xi32>
        %select_n3A_1936 = arith.select %eq3A_1933, %broadcast_in_dim3A_1935, %select_n3A_1928 : vector<16xi1>, vector<16xi32>
        %get3A_1937 = arith.constant 41 : i32
        %get3A_1938 = arith.index_cast %get3A_1937 : i32 to index
        %get3A_1939 = arith.constant 0 : index
        %get3A_1940 = tpu.vector_load %arg8[%get3A_1938, %get3A_1939] {strides = array<i32>} : memref<64x16xf32, #tpu.memory_space<vmem>>, vector<16xf32>,
        %eq3A_1941 = arith.cmpf oeq, %get3A_1940, %max3A_1758 : vector<16xf32>
        %jit3A_1942 = arith.constant 41 : i32
        %broadcast_in_dim3A_1943 = vector.broadcast %jit3A_1942 : i32 to vector<16xi32>
        %select_n3A_1944 = arith.select %eq3A_1941, %broadcast_in_dim3A_1943, %select_n3A_1936 : vector<16xi1>, vector<16xi32>
        %get3A_1945 = arith.constant 40 : i32
        %get3A_1946 = arith.index_cast %get3A_1945 : i32 to index
        %get3A_1947 = arith.constant 0 : index
        %get3A_1948 = tpu.vector_load %arg8[%get3A_1946, %get3A_1947] {strides = array<i32>} : memref<64x16xf32, #tpu.memory_space<vmem>>, vector<16xf32>,
        %eq3A_1949 = arith.cmpf oeq, %get3A_1948, %max3A_1758 : vector<16xf32>
        %jit3A_1950 = arith.constant 40 : i32
        %broadcast_in_dim3A_1951 = vector.broadcast %jit3A_1950 : i32 to vector<16xi32>
        %select_n3A_1952 = arith.select %eq3A_1949, %broadcast_in_dim3A_1951, %select_n3A_1944 : vector<16xi1>, vector<16xi32>
        %get3A_1953 = arith.constant 39 : i32
        %get3A_1954 = arith.index_cast %get3A_1953 : i32 to index
        %get3A_1955 = arith.constant 0 : index
        %get3A_1956 = tpu.vector_load %arg8[%get3A_1954, %get3A_1955] {strides = array<i32>} : memref<64x16xf32, #tpu.memory_space<vmem>>, vector<16xf32>,
        %eq3A_1957 = arith.cmpf oeq, %get3A_1956, %max3A_1758 : vector<16xf32>
        %jit3A_1958 = arith.constant 39 : i32
        %broadcast_in_dim3A_1959 = vector.broadcast %jit3A_1958 : i32 to vector<16xi32>
        %select_n3A_1960 = arith.select %eq3A_1957, %broadcast_in_dim3A_1959, %select_n3A_1952 : vector<16xi1>, vector<16xi32>
        %get3A_1961 = arith.constant 38 : i32
        %get3A_1962 = arith.index_cast %get3A_1961 : i32 to index
        %get3A_1963 = arith.constant 0 : index
        %get3A_1964 = tpu.vector_load %arg8[%get3A_1962, %get3A_1963] {strides = array<i32>} : memref<64x16xf32, #tpu.memory_space<vmem>>, vector<16xf32>,
        %eq3A_1965 = arith.cmpf oeq, %get3A_1964, %max3A_1758 : vector<16xf32>
        %jit3A_1966 = arith.constant 38 : i32
        %broadcast_in_dim3A_1967 = vector.broadcast %jit3A_1966 : i32 to vector<16xi32>
        %select_n3A_1968 = arith.select %eq3A_1965, %broadcast_in_dim3A_1967, %select_n3A_1960 : vector<16xi1>, vector<16xi32>
        %get3A_1969 = arith.constant 37 : i32
        %get3A_1970 = arith.index_cast %get3A_1969 : i32 to index
        %get3A_1971 = arith.constant 0 : index
        %get3A_1972 = tpu.vector_load %arg8[%get3A_1970, %get3A_1971] {strides = array<i32>} : memref<64x16xf32, #tpu.memory_space<vmem>>, vector<16xf32>,
        %eq3A_1973 = arith.cmpf oeq, %get3A_1972, %max3A_1758 : vector<16xf32>
        %jit3A_1974 = arith.constant 37 : i32
        %broadcast_in_dim3A_1975 = vector.broadcast %jit3A_1974 : i32 to vector<16xi32>
        %select_n3A_1976 = arith.select %eq3A_1973, %broadcast_in_dim3A_1975, %select_n3A_1968 : vector<16xi1>, vector<16xi32>
        %get3A_1977 = arith.constant 36 : i32
        %get3A_1978 = arith.index_cast %get3A_1977 : i32 to index
        %get3A_1979 = arith.constant 0 : index
        %get3A_1980 = tpu.vector_load %arg8[%get3A_1978, %get3A_1979] {strides = array<i32>} : memref<64x16xf32, #tpu.memory_space<vmem>>, vector<16xf32>,
        %eq3A_1981 = arith.cmpf oeq, %get3A_1980, %max3A_1758 : vector<16xf32>
        %jit3A_1982 = arith.constant 36 : i32
        %broadcast_in_dim3A_1983 = vector.broadcast %jit3A_1982 : i32 to vector<16xi32>
        %select_n3A_1984 = arith.select %eq3A_1981, %broadcast_in_dim3A_1983, %select_n3A_1976 : vector<16xi1>, vector<16xi32>
        %get3A_1985 = arith.constant 35 : i32
        %get3A_1986 = arith.index_cast %get3A_1985 : i32 to index
        %get3A_1987 = arith.constant 0 : index
        %get3A_1988 = tpu.vector_load %arg8[%get3A_1986, %get3A_1987] {strides = array<i32>} : memref<64x16xf32, #tpu.memory_space<vmem>>, vector<16xf32>,
        %eq3A_1989 = arith.cmpf oeq, %get3A_1988, %max3A_1758 : vector<16xf32>
        %jit3A_1990 = arith.constant 35 : i32
        %broadcast_in_dim3A_1991 = vector.broadcast %jit3A_1990 : i32 to vector<16xi32>
        %select_n3A_1992 = arith.select %eq3A_1989, %broadcast_in_dim3A_1991, %select_n3A_1984 : vector<16xi1>, vector<16xi32>
        %get3A_1993 = arith.constant 34 : i32
        %get3A_1994 = arith.index_cast %get3A_1993 : i32 to index
        %get3A_1995 = arith.constant 0 : index
        %get3A_1996 = tpu.vector_load %arg8[%get3A_1994, %get3A_1995] {strides = array<i32>} : memref<64x16xf32, #tpu.memory_space<vmem>>, vector<16xf32>,
        %eq3A_1997 = arith.cmpf oeq, %get3A_1996, %max3A_1758 : vector<16xf32>
        %jit3A_1998 = arith.constant 34 : i32
        %broadcast_in_dim3A_1999 = vector.broadcast %jit3A_1998 : i32 to vector<16xi32>
        %select_n3A_2000 = arith.select %eq3A_1997, %broadcast_in_dim3A_1999, %select_n3A_1992 : vector<16xi1>, vector<16xi32>
        %get3A_2001 = arith.constant 33 : i32
        %get3A_2002 = arith.index_cast %get3A_2001 : i32 to index
        %get3A_2003 = arith.constant 0 : index
        %get3A_2004 = tpu.vector_load %arg8[%get3A_2002, %get3A_2003] {strides = array<i32>} : memref<64x16xf32, #tpu.memory_space<vmem>>, vector<16xf32>,
        %eq3A_2005 = arith.cmpf oeq, %get3A_2004, %max3A_1758 : vector<16xf32>
        %jit3A_2006 = arith.constant 33 : i32
        %broadcast_in_dim3A_2007 = vector.broadcast %jit3A_2006 : i32 to vector<16xi32>
        %select_n3A_2008 = arith.select %eq3A_2005, %broadcast_in_dim3A_2007, %select_n3A_2000 : vector<16xi1>, vector<16xi32>
        %get3A_2009 = arith.constant 32 : i32
        %get3A_2010 = arith.index_cast %get3A_2009 : i32 to index
        %get3A_2011 = arith.constant 0 : index
        %get3A_2012 = tpu.vector_load %arg8[%get3A_2010, %get3A_2011] {strides = array<i32>} : memref<64x16xf32, #tpu.memory_space<vmem>>, vector<16xf32>,
        %eq3A_2013 = arith.cmpf oeq, %get3A_2012, %max3A_1758 : vector<16xf32>
        %jit3A_2014 = arith.constant 32 : i32
        %broadcast_in_dim3A_2015 = vector.broadcast %jit3A_2014 : i32 to vector<16xi32>
        %select_n3A_2016 = arith.select %eq3A_2013, %broadcast_in_dim3A_2015, %select_n3A_2008 : vector<16xi1>, vector<16xi32>
        %get3A_2017 = arith.constant 31 : i32
        %get3A_2018 = arith.index_cast %get3A_2017 : i32 to index
        %get3A_2019 = arith.constant 0 : index
        %get3A_2020 = tpu.vector_load %arg8[%get3A_2018, %get3A_2019] {strides = array<i32>} : memref<64x16xf32, #tpu.memory_space<vmem>>, vector<16xf32>,
        %eq3A_2021 = arith.cmpf oeq, %get3A_2020, %max3A_1758 : vector<16xf32>
        %jit3A_2022 = arith.constant 31 : i32
        %broadcast_in_dim3A_2023 = vector.broadcast %jit3A_2022 : i32 to vector<16xi32>
        %select_n3A_2024 = arith.select %eq3A_2021, %broadcast_in_dim3A_2023, %select_n3A_2016 : vector<16xi1>, vector<16xi32>
        %get3A_2025 = arith.constant 30 : i32
        %get3A_2026 = arith.index_cast %get3A_2025 : i32 to index
        %get3A_2027 = arith.constant 0 : index
        %get3A_2028 = tpu.vector_load %arg8[%get3A_2026, %get3A_2027] {strides = array<i32>} : memref<64x16xf32, #tpu.memory_space<vmem>>, vector<16xf32>,
        %eq3A_2029 = arith.cmpf oeq, %get3A_2028, %max3A_1758 : vector<16xf32>
        %jit3A_2030 = arith.constant 30 : i32
        %broadcast_in_dim3A_2031 = vector.broadcast %jit3A_2030 : i32 to vector<16xi32>
        %select_n3A_2032 = arith.select %eq3A_2029, %broadcast_in_dim3A_2031, %select_n3A_2024 : vector<16xi1>, vector<16xi32>
        %get3A_2033 = arith.constant 29 : i32
        %get3A_2034 = arith.index_cast %get3A_2033 : i32 to index
        %get3A_2035 = arith.constant 0 : index
        %get3A_2036 = tpu.vector_load %arg8[%get3A_2034, %get3A_2035] {strides = array<i32>} : memref<64x16xf32, #tpu.memory_space<vmem>>, vector<16xf32>,
        %eq3A_2037 = arith.cmpf oeq, %get3A_2036, %max3A_1758 : vector<16xf32>
        %jit3A_2038 = arith.constant 29 : i32
        %broadcast_in_dim3A_2039 = vector.broadcast %jit3A_2038 : i32 to vector<16xi32>
        %select_n3A_2040 = arith.select %eq3A_2037, %broadcast_in_dim3A_2039, %select_n3A_2032 : vector<16xi1>, vector<16xi32>
        %get3A_2041 = arith.constant 28 : i32
        %get3A_2042 = arith.index_cast %get3A_2041 : i32 to index
        %get3A_2043 = arith.constant 0 : index
        %get3A_2044 = tpu.vector_load %arg8[%get3A_2042, %get3A_2043] {strides = array<i32>} : memref<64x16xf32, #tpu.memory_space<vmem>>, vector<16xf32>,
        %eq3A_2045 = arith.cmpf oeq, %get3A_2044, %max3A_1758 : vector<16xf32>
        %jit3A_2046 = arith.constant 28 : i32
        %broadcast_in_dim3A_2047 = vector.broadcast %jit3A_2046 : i32 to vector<16xi32>
        %select_n3A_2048 = arith.select %eq3A_2045, %broadcast_in_dim3A_2047, %select_n3A_2040 : vector<16xi1>, vector<16xi32>
        %get3A_2049 = arith.constant 27 : i32
        %get3A_2050 = arith.index_cast %get3A_2049 : i32 to index
        %get3A_2051 = arith.constant 0 : index
        %get3A_2052 = tpu.vector_load %arg8[%get3A_2050, %get3A_2051] {strides = array<i32>} : memref<64x16xf32, #tpu.memory_space<vmem>>, vector<16xf32>,
        %eq3A_2053 = arith.cmpf oeq, %get3A_2052, %max3A_1758 : vector<16xf32>
        %jit3A_2054 = arith.constant 27 : i32
        %broadcast_in_dim3A_2055 = vector.broadcast %jit3A_2054 : i32 to vector<16xi32>
        %select_n3A_2056 = arith.select %eq3A_2053, %broadcast_in_dim3A_2055, %select_n3A_2048 : vector<16xi1>, vector<16xi32>
        %get3A_2057 = arith.constant 26 : i32
        %get3A_2058 = arith.index_cast %get3A_2057 : i32 to index
        %get3A_2059 = arith.constant 0 : index
        %get3A_2060 = tpu.vector_load %arg8[%get3A_2058, %get3A_2059] {strides = array<i32>} : memref<64x16xf32, #tpu.memory_space<vmem>>, vector<16xf32>,
        %eq3A_2061 = arith.cmpf oeq, %get3A_2060, %max3A_1758 : vector<16xf32>
        %jit3A_2062 = arith.constant 26 : i32
        %broadcast_in_dim3A_2063 = vector.broadcast %jit3A_2062 : i32 to vector<16xi32>
        %select_n3A_2064 = arith.select %eq3A_2061, %broadcast_in_dim3A_2063, %select_n3A_2056 : vector<16xi1>, vector<16xi32>
        %get3A_2065 = arith.constant 25 : i32
        %get3A_2066 = arith.index_cast %get3A_2065 : i32 to index
        %get3A_2067 = arith.constant 0 : index
        %get3A_2068 = tpu.vector_load %arg8[%get3A_2066, %get3A_2067] {strides = array<i32>} : memref<64x16xf32, #tpu.memory_space<vmem>>, vector<16xf32>,
        %eq3A_2069 = arith.cmpf oeq, %get3A_2068, %max3A_1758 : vector<16xf32>
        %jit3A_2070 = arith.constant 25 : i32
        %broadcast_in_dim3A_2071 = vector.broadcast %jit3A_2070 : i32 to vector<16xi32>
        %select_n3A_2072 = arith.select %eq3A_2069, %broadcast_in_dim3A_2071, %select_n3A_2064 : vector<16xi1>, vector<16xi32>
        %get3A_2073 = arith.constant 24 : i32
        %get3A_2074 = arith.index_cast %get3A_2073 : i32 to index
        %get3A_2075 = arith.constant 0 : index
        %get3A_2076 = tpu.vector_load %arg8[%get3A_2074, %get3A_2075] {strides = array<i32>} : memref<64x16xf32, #tpu.memory_space<vmem>>, vector<16xf32>,
        %eq3A_2077 = arith.cmpf oeq, %get3A_2076, %max3A_1758 : vector<16xf32>
        %jit3A_2078 = arith.constant 24 : i32
        %broadcast_in_dim3A_2079 = vector.broadcast %jit3A_2078 : i32 to vector<16xi32>
        %select_n3A_2080 = arith.select %eq3A_2077, %broadcast_in_dim3A_2079, %select_n3A_2072 : vector<16xi1>, vector<16xi32>
        %get3A_2081 = arith.constant 23 : i32
        %get3A_2082 = arith.index_cast %get3A_2081 : i32 to index
        %get3A_2083 = arith.constant 0 : index
        %get3A_2084 = tpu.vector_load %arg8[%get3A_2082, %get3A_2083] {strides = array<i32>} : memref<64x16xf32, #tpu.memory_space<vmem>>, vector<16xf32>,
        %eq3A_2085 = arith.cmpf oeq, %get3A_2084, %max3A_1758 : vector<16xf32>
        %jit3A_2086 = arith.constant 23 : i32
        %broadcast_in_dim3A_2087 = vector.broadcast %jit3A_2086 : i32 to vector<16xi32>
        %select_n3A_2088 = arith.select %eq3A_2085, %broadcast_in_dim3A_2087, %select_n3A_2080 : vector<16xi1>, vector<16xi32>
        %get3A_2089 = arith.constant 22 : i32
        %get3A_2090 = arith.index_cast %get3A_2089 : i32 to index
        %get3A_2091 = arith.constant 0 : index
        %get3A_2092 = tpu.vector_load %arg8[%get3A_2090, %get3A_2091] {strides = array<i32>} : memref<64x16xf32, #tpu.memory_space<vmem>>, vector<16xf32>,
        %eq3A_2093 = arith.cmpf oeq, %get3A_2092, %max3A_1758 : vector<16xf32>
        %jit3A_2094 = arith.constant 22 : i32
        %broadcast_in_dim3A_2095 = vector.broadcast %jit3A_2094 : i32 to vector<16xi32>
        %select_n3A_2096 = arith.select %eq3A_2093, %broadcast_in_dim3A_2095, %select_n3A_2088 : vector<16xi1>, vector<16xi32>
        %get3A_2097 = arith.constant 21 : i32
        %get3A_2098 = arith.index_cast %get3A_2097 : i32 to index
        %get3A_2099 = arith.constant 0 : index
        %get3A_2100 = tpu.vector_load %arg8[%get3A_2098, %get3A_2099] {strides = array<i32>} : memref<64x16xf32, #tpu.memory_space<vmem>>, vector<16xf32>,
        %eq3A_2101 = arith.cmpf oeq, %get3A_2100, %max3A_1758 : vector<16xf32>
        %jit3A_2102 = arith.constant 21 : i32
        %broadcast_in_dim3A_2103 = vector.broadcast %jit3A_2102 : i32 to vector<16xi32>
        %select_n3A_2104 = arith.select %eq3A_2101, %broadcast_in_dim3A_2103, %select_n3A_2096 : vector<16xi1>, vector<16xi32>
        %get3A_2105 = arith.constant 20 : i32
        %get3A_2106 = arith.index_cast %get3A_2105 : i32 to index
        %get3A_2107 = arith.constant 0 : index
        %get3A_2108 = tpu.vector_load %arg8[%get3A_2106, %get3A_2107] {strides = array<i32>} : memref<64x16xf32, #tpu.memory_space<vmem>>, vector<16xf32>,
        %eq3A_2109 = arith.cmpf oeq, %get3A_2108, %max3A_1758 : vector<16xf32>
        %jit3A_2110 = arith.constant 20 : i32
        %broadcast_in_dim3A_2111 = vector.broadcast %jit3A_2110 : i32 to vector<16xi32>
        %select_n3A_2112 = arith.select %eq3A_2109, %broadcast_in_dim3A_2111, %select_n3A_2104 : vector<16xi1>, vector<16xi32>
        %get3A_2113 = arith.constant 19 : i32
        %get3A_2114 = arith.index_cast %get3A_2113 : i32 to index
        %get3A_2115 = arith.constant 0 : index
        %get3A_2116 = tpu.vector_load %arg8[%get3A_2114, %get3A_2115] {strides = array<i32>} : memref<64x16xf32, #tpu.memory_space<vmem>>, vector<16xf32>,
        %eq3A_2117 = arith.cmpf oeq, %get3A_2116, %max3A_1758 : vector<16xf32>
        %jit3A_2118 = arith.constant 19 : i32
        %broadcast_in_dim3A_2119 = vector.broadcast %jit3A_2118 : i32 to vector<16xi32>
        %select_n3A_2120 = arith.select %eq3A_2117, %broadcast_in_dim3A_2119, %select_n3A_2112 : vector<16xi1>, vector<16xi32>
        %get3A_2121 = arith.constant 18 : i32
        %get3A_2122 = arith.index_cast %get3A_2121 : i32 to index
        %get3A_2123 = arith.constant 0 : index
        %get3A_2124 = tpu.vector_load %arg8[%get3A_2122, %get3A_2123] {strides = array<i32>} : memref<64x16xf32, #tpu.memory_space<vmem>>, vector<16xf32>,
        %eq3A_2125 = arith.cmpf oeq, %get3A_2124, %max3A_1758 : vector<16xf32>
        %jit3A_2126 = arith.constant 18 : i32
        %broadcast_in_dim3A_2127 = vector.broadcast %jit3A_2126 : i32 to vector<16xi32>
        %select_n3A_2128 = arith.select %eq3A_2125, %broadcast_in_dim3A_2127, %select_n3A_2120 : vector<16xi1>, vector<16xi32>
        %get3A_2129 = arith.constant 17 : i32
        %get3A_2130 = arith.index_cast %get3A_2129 : i32 to index
        %get3A_2131 = arith.constant 0 : index
        %get3A_2132 = tpu.vector_load %arg8[%get3A_2130, %get3A_2131] {strides = array<i32>} : memref<64x16xf32, #tpu.memory_space<vmem>>, vector<16xf32>,
        %eq3A_2133 = arith.cmpf oeq, %get3A_2132, %max3A_1758 : vector<16xf32>
        %jit3A_2134 = arith.constant 17 : i32
        %broadcast_in_dim3A_2135 = vector.broadcast %jit3A_2134 : i32 to vector<16xi32>
        %select_n3A_2136 = arith.select %eq3A_2133, %broadcast_in_dim3A_2135, %select_n3A_2128 : vector<16xi1>, vector<16xi32>
        %get3A_2137 = arith.constant 16 : i32
        %get3A_2138 = arith.index_cast %get3A_2137 : i32 to index
        %get3A_2139 = arith.constant 0 : index
        %get3A_2140 = tpu.vector_load %arg8[%get3A_2138, %get3A_2139] {strides = array<i32>} : memref<64x16xf32, #tpu.memory_space<vmem>>, vector<16xf32>,
        %eq3A_2141 = arith.cmpf oeq, %get3A_2140, %max3A_1758 : vector<16xf32>
        %jit3A_2142 = arith.constant 16 : i32
        %broadcast_in_dim3A_2143 = vector.broadcast %jit3A_2142 : i32 to vector<16xi32>
        %select_n3A_2144 = arith.select %eq3A_2141, %broadcast_in_dim3A_2143, %select_n3A_2136 : vector<16xi1>, vector<16xi32>
        %get3A_2145 = arith.constant 15 : i32
        %get3A_2146 = arith.index_cast %get3A_2145 : i32 to index
        %get3A_2147 = arith.constant 0 : index
        %get3A_2148 = tpu.vector_load %arg8[%get3A_2146, %get3A_2147] {strides = array<i32>} : memref<64x16xf32, #tpu.memory_space<vmem>>, vector<16xf32>,
        %eq3A_2149 = arith.cmpf oeq, %get3A_2148, %max3A_1758 : vector<16xf32>
        %jit3A_2150 = arith.constant 15 : i32
        %broadcast_in_dim3A_2151 = vector.broadcast %jit3A_2150 : i32 to vector<16xi32>
        %select_n3A_2152 = arith.select %eq3A_2149, %broadcast_in_dim3A_2151, %select_n3A_2144 : vector<16xi1>, vector<16xi32>
        %get3A_2153 = arith.constant 14 : i32
        %get3A_2154 = arith.index_cast %get3A_2153 : i32 to index
        %get3A_2155 = arith.constant 0 : index
        %get3A_2156 = tpu.vector_load %arg8[%get3A_2154, %get3A_2155] {strides = array<i32>} : memref<64x16xf32, #tpu.memory_space<vmem>>, vector<16xf32>,
        %eq3A_2157 = arith.cmpf oeq, %get3A_2156, %max3A_1758 : vector<16xf32>
        %jit3A_2158 = arith.constant 14 : i32
        %broadcast_in_dim3A_2159 = vector.broadcast %jit3A_2158 : i32 to vector<16xi32>
        %select_n3A_2160 = arith.select %eq3A_2157, %broadcast_in_dim3A_2159, %select_n3A_2152 : vector<16xi1>, vector<16xi32>
        %get3A_2161 = arith.constant 13 : i32
        %get3A_2162 = arith.index_cast %get3A_2161 : i32 to index
        %get3A_2163 = arith.constant 0 : index
        %get3A_2164 = tpu.vector_load %arg8[%get3A_2162, %get3A_2163] {strides = array<i32>} : memref<64x16xf32, #tpu.memory_space<vmem>>, vector<16xf32>,
        %eq3A_2165 = arith.cmpf oeq, %get3A_2164, %max3A_1758 : vector<16xf32>
        %jit3A_2166 = arith.constant 13 : i32
        %broadcast_in_dim3A_2167 = vector.broadcast %jit3A_2166 : i32 to vector<16xi32>
        %select_n3A_2168 = arith.select %eq3A_2165, %broadcast_in_dim3A_2167, %select_n3A_2160 : vector<16xi1>, vector<16xi32>
        %get3A_2169 = arith.constant 12 : i32
        %get3A_2170 = arith.index_cast %get3A_2169 : i32 to index
        %get3A_2171 = arith.constant 0 : index
        %get3A_2172 = tpu.vector_load %arg8[%get3A_2170, %get3A_2171] {strides = array<i32>} : memref<64x16xf32, #tpu.memory_space<vmem>>, vector<16xf32>,
        %eq3A_2173 = arith.cmpf oeq, %get3A_2172, %max3A_1758 : vector<16xf32>
        %jit3A_2174 = arith.constant 12 : i32
        %broadcast_in_dim3A_2175 = vector.broadcast %jit3A_2174 : i32 to vector<16xi32>
        %select_n3A_2176 = arith.select %eq3A_2173, %broadcast_in_dim3A_2175, %select_n3A_2168 : vector<16xi1>, vector<16xi32>
        %get3A_2177 = arith.constant 11 : i32
        %get3A_2178 = arith.index_cast %get3A_2177 : i32 to index
        %get3A_2179 = arith.constant 0 : index
        %get3A_2180 = tpu.vector_load %arg8[%get3A_2178, %get3A_2179] {strides = array<i32>} : memref<64x16xf32, #tpu.memory_space<vmem>>, vector<16xf32>,
        %eq3A_2181 = arith.cmpf oeq, %get3A_2180, %max3A_1758 : vector<16xf32>
        %jit3A_2182 = arith.constant 11 : i32
        %broadcast_in_dim3A_2183 = vector.broadcast %jit3A_2182 : i32 to vector<16xi32>
        %select_n3A_2184 = arith.select %eq3A_2181, %broadcast_in_dim3A_2183, %select_n3A_2176 : vector<16xi1>, vector<16xi32>
        %get3A_2185 = arith.constant 10 : i32
        %get3A_2186 = arith.index_cast %get3A_2185 : i32 to index
        %get3A_2187 = arith.constant 0 : index
        %get3A_2188 = tpu.vector_load %arg8[%get3A_2186, %get3A_2187] {strides = array<i32>} : memref<64x16xf32, #tpu.memory_space<vmem>>, vector<16xf32>,
        %eq3A_2189 = arith.cmpf oeq, %get3A_2188, %max3A_1758 : vector<16xf32>
        %jit3A_2190 = arith.constant 10 : i32
        %broadcast_in_dim3A_2191 = vector.broadcast %jit3A_2190 : i32 to vector<16xi32>
        %select_n3A_2192 = arith.select %eq3A_2189, %broadcast_in_dim3A_2191, %select_n3A_2184 : vector<16xi1>, vector<16xi32>
        %get3A_2193 = arith.constant 9 : i32
        %get3A_2194 = arith.index_cast %get3A_2193 : i32 to index
        %get3A_2195 = arith.constant 0 : index
        %get3A_2196 = tpu.vector_load %arg8[%get3A_2194, %get3A_2195] {strides = array<i32>} : memref<64x16xf32, #tpu.memory_space<vmem>>, vector<16xf32>,
        %eq3A_2197 = arith.cmpf oeq, %get3A_2196, %max3A_1758 : vector<16xf32>
        %jit3A_2198 = arith.constant 9 : i32
        %broadcast_in_dim3A_2199 = vector.broadcast %jit3A_2198 : i32 to vector<16xi32>
        %select_n3A_2200 = arith.select %eq3A_2197, %broadcast_in_dim3A_2199, %select_n3A_2192 : vector<16xi1>, vector<16xi32>
        %get3A_2201 = arith.constant 8 : i32
        %get3A_2202 = arith.index_cast %get3A_2201 : i32 to index
        %get3A_2203 = arith.constant 0 : index
        %get3A_2204 = tpu.vector_load %arg8[%get3A_2202, %get3A_2203] {strides = array<i32>} : memref<64x16xf32, #tpu.memory_space<vmem>>, vector<16xf32>,
        %eq3A_2205 = arith.cmpf oeq, %get3A_2204, %max3A_1758 : vector<16xf32>
        %jit3A_2206 = arith.constant 8 : i32
        %broadcast_in_dim3A_2207 = vector.broadcast %jit3A_2206 : i32 to vector<16xi32>
        %select_n3A_2208 = arith.select %eq3A_2205, %broadcast_in_dim3A_2207, %select_n3A_2200 : vector<16xi1>, vector<16xi32>
        %get3A_2209 = arith.constant 7 : i32
        %get3A_2210 = arith.index_cast %get3A_2209 : i32 to index
        %get3A_2211 = arith.constant 0 : index
        %get3A_2212 = tpu.vector_load %arg8[%get3A_2210, %get3A_2211] {strides = array<i32>} : memref<64x16xf32, #tpu.memory_space<vmem>>, vector<16xf32>,
        %eq3A_2213 = arith.cmpf oeq, %get3A_2212, %max3A_1758 : vector<16xf32>
        %jit3A_2214 = arith.constant 7 : i32
        %broadcast_in_dim3A_2215 = vector.broadcast %jit3A_2214 : i32 to vector<16xi32>
        %select_n3A_2216 = arith.select %eq3A_2213, %broadcast_in_dim3A_2215, %select_n3A_2208 : vector<16xi1>, vector<16xi32>
        %get3A_2217 = arith.constant 6 : i32
        %get3A_2218 = arith.index_cast %get3A_2217 : i32 to index
        %get3A_2219 = arith.constant 0 : index
        %get3A_2220 = tpu.vector_load %arg8[%get3A_2218, %get3A_2219] {strides = array<i32>} : memref<64x16xf32, #tpu.memory_space<vmem>>, vector<16xf32>,
        %eq3A_2221 = arith.cmpf oeq, %get3A_2220, %max3A_1758 : vector<16xf32>
        %jit3A_2222 = arith.constant 6 : i32
        %broadcast_in_dim3A_2223 = vector.broadcast %jit3A_2222 : i32 to vector<16xi32>
        %select_n3A_2224 = arith.select %eq3A_2221, %broadcast_in_dim3A_2223, %select_n3A_2216 : vector<16xi1>, vector<16xi32>
        %get3A_2225 = arith.constant 5 : i32
        %get3A_2226 = arith.index_cast %get3A_2225 : i32 to index
        %get3A_2227 = arith.constant 0 : index
        %get3A_2228 = tpu.vector_load %arg8[%get3A_2226, %get3A_2227] {strides = array<i32>} : memref<64x16xf32, #tpu.memory_space<vmem>>, vector<16xf32>,
        %eq3A_2229 = arith.cmpf oeq, %get3A_2228, %max3A_1758 : vector<16xf32>
        %jit3A_2230 = arith.constant 5 : i32
        %broadcast_in_dim3A_2231 = vector.broadcast %jit3A_2230 : i32 to vector<16xi32>
        %select_n3A_2232 = arith.select %eq3A_2229, %broadcast_in_dim3A_2231, %select_n3A_2224 : vector<16xi1>, vector<16xi32>
        %get3A_2233 = arith.constant 4 : i32
        %get3A_2234 = arith.index_cast %get3A_2233 : i32 to index
        %get3A_2235 = arith.constant 0 : index
        %get3A_2236 = tpu.vector_load %arg8[%get3A_2234, %get3A_2235] {strides = array<i32>} : memref<64x16xf32, #tpu.memory_space<vmem>>, vector<16xf32>,
        %eq3A_2237 = arith.cmpf oeq, %get3A_2236, %max3A_1758 : vector<16xf32>
        %jit3A_2238 = arith.constant 4 : i32
        %broadcast_in_dim3A_2239 = vector.broadcast %jit3A_2238 : i32 to vector<16xi32>
        %select_n3A_2240 = arith.select %eq3A_2237, %broadcast_in_dim3A_2239, %select_n3A_2232 : vector<16xi1>, vector<16xi32>
        %get3A_2241 = arith.constant 3 : i32
        %get3A_2242 = arith.index_cast %get3A_2241 : i32 to index
        %get3A_2243 = arith.constant 0 : index
        %get3A_2244 = tpu.vector_load %arg8[%get3A_2242, %get3A_2243] {strides = array<i32>} : memref<64x16xf32, #tpu.memory_space<vmem>>, vector<16xf32>,
        %eq3A_2245 = arith.cmpf oeq, %get3A_2244, %max3A_1758 : vector<16xf32>
        %jit3A_2246 = arith.constant 3 : i32
        %broadcast_in_dim3A_2247 = vector.broadcast %jit3A_2246 : i32 to vector<16xi32>
        %select_n3A_2248 = arith.select %eq3A_2245, %broadcast_in_dim3A_2247, %select_n3A_2240 : vector<16xi1>, vector<16xi32>
        %get3A_2249 = arith.constant 2 : i32
        %get3A_2250 = arith.index_cast %get3A_2249 : i32 to index
        %get3A_2251 = arith.constant 0 : index
        %get3A_2252 = tpu.vector_load %arg8[%get3A_2250, %get3A_2251] {strides = array<i32>} : memref<64x16xf32, #tpu.memory_space<vmem>>, vector<16xf32>,
        %eq3A_2253 = arith.cmpf oeq, %get3A_2252, %max3A_1758 : vector<16xf32>
        %jit3A_2254 = arith.constant 2 : i32
        %broadcast_in_dim3A_2255 = vector.broadcast %jit3A_2254 : i32 to vector<16xi32>
        %select_n3A_2256 = arith.select %eq3A_2253, %broadcast_in_dim3A_2255, %select_n3A_2248 : vector<16xi1>, vector<16xi32>
        %get3A_2257 = arith.constant 1 : i32
        %get3A_2258 = arith.index_cast %get3A_2257 : i32 to index
        %get3A_2259 = arith.constant 0 : index
        %get3A_2260 = tpu.vector_load %arg8[%get3A_2258, %get3A_2259] {strides = array<i32>} : memref<64x16xf32, #tpu.memory_space<vmem>>, vector<16xf32>,
        %eq3A_2261 = arith.cmpf oeq, %get3A_2260, %max3A_1758 : vector<16xf32>
        %jit3A_2262 = arith.constant 1 : i32
        %broadcast_in_dim3A_2263 = vector.broadcast %jit3A_2262 : i32 to vector<16xi32>
        %select_n3A_2264 = arith.select %eq3A_2261, %broadcast_in_dim3A_2263, %select_n3A_2256 : vector<16xi1>, vector<16xi32>
        %get3A_2265 = arith.constant 0 : i32
        %get3A_2266 = arith.index_cast %get3A_2265 : i32 to index
        %get3A_2267 = arith.constant 0 : index
        %get3A_2268 = tpu.vector_load %arg8[%get3A_2266, %get3A_2267] {strides = array<i32>} : memref<64x16xf32, #tpu.memory_space<vmem>>, vector<16xf32>,
        %eq3A_2269 = arith.cmpf oeq, %get3A_2268, %max3A_1758 : vector<16xf32>
        %jit3A_2270 = arith.constant 0 : i32
        %broadcast_in_dim3A_2271 = vector.broadcast %jit3A_2270 : i32 to vector<16xi32>
        %select_n3A_2272 = arith.select %eq3A_2269, %broadcast_in_dim3A_2271, %select_n3A_2264 : vector<16xi1>, vector<16xi32>
        %mul3A_2273 = arith.constant 16 : i32
        %mul3A_2274 = vector.broadcast %mul3A_2273 : i32 to vector<16xi32>
        %mul3A_2275 = arith.muli %select_n3A_2272, %mul3A_2274 : vector<16xi32>
        %broadcast_in_dim3A_2276 = arith.constant 1024 : i32
        %broadcast_in_dim3A_2277 = vector.broadcast %broadcast_in_dim3A_2276 : i32 to vector<16xi32>
        %add3A_2278 = arith.addi %mul3A_35, %mul3A_2275 : vector<16xi32>
        %add3A_2279 = arith.addi %add3A_2278, %and3A_48 : vector<16xi32>
        %gather3A_2280 = tpu.vector_load_idx %arg7[%add3A_2279] : memref<16384xf32, #tpu.memory_space<vmem>>[vector<16xi32>], vector<16xf32>,
        %eq3A_2281 = arith.cmpf oeq, %gather3A_2280, %max3A_1758 : vector<16xf32>
        %add3A_2282 = arith.addi %mul3A_2275, %and3A_48 : vector<16xi32>
        %jit3A_2283 = arith.constant 1024 : i32
        %broadcast_in_dim3A_2284 = vector.broadcast %jit3A_2283 : i32 to vector<16xi32>
        %select_n3A_2285 = arith.select %eq3A_2281, %add3A_2282, %broadcast_in_dim3A_2284 : vector<16xi1>, vector<16xi32>
        %min3A = arith.minsi %broadcast_in_dim3A_2277, %select_n3A_2285 : vector<16xi32>
        %add3A_2286 = arith.addi %mul3A_35, %mul3A_2275 : vector<16xi32>
        %add3A_2287 = arith.addi %add3A_2286, %and3A_54 : vector<16xi32>
        %gather3A_2288 = tpu.vector_load_idx %arg7[%add3A_2287] : memref<16384xf32, #tpu.memory_space<vmem>>[vector<16xi32>], vector<16xf32>,
        %eq3A_2289 = arith.cmpf oeq, %gather3A_2288, %max3A_1758 : vector<16xf32>
        %add3A_2290 = arith.addi %mul3A_2275, %and3A_54 : vector<16xi32>
        %jit3A_2291 = arith.constant 1024 : i32
        %broadcast_in_dim3A_2292 = vector.broadcast %jit3A_2291 : i32 to vector<16xi32>
        %select_n3A_2293 = arith.select %eq3A_2289, %add3A_2290, %broadcast_in_dim3A_2292 : vector<16xi1>, vector<16xi32>
        %min3A_2294 = arith.minsi %min3A, %select_n3A_2293 : vector<16xi32>
        %add3A_2295 = arith.addi %mul3A_35, %mul3A_2275 : vector<16xi32>
        %add3A_2296 = arith.addi %add3A_2295, %and3A_60 : vector<16xi32>
        %gather3A_2297 = tpu.vector_load_idx %arg7[%add3A_2296] : memref<16384xf32, #tpu.memory_space<vmem>>[vector<16xi32>], vector<16xf32>,
        %eq3A_2298 = arith.cmpf oeq, %gather3A_2297, %max3A_1758 : vector<16xf32>
        %add3A_2299 = arith.addi %mul3A_2275, %and3A_60 : vector<16xi32>
        %jit3A_2300 = arith.constant 1024 : i32
        %broadcast_in_dim3A_2301 = vector.broadcast %jit3A_2300 : i32 to vector<16xi32>
        %select_n3A_2302 = arith.select %eq3A_2298, %add3A_2299, %broadcast_in_dim3A_2301 : vector<16xi1>, vector<16xi32>
        %min3A_2303 = arith.minsi %min3A_2294, %select_n3A_2302 : vector<16xi32>
        %add3A_2304 = arith.addi %mul3A_35, %mul3A_2275 : vector<16xi32>
        %add3A_2305 = arith.addi %add3A_2304, %and3A_66 : vector<16xi32>
        %gather3A_2306 = tpu.vector_load_idx %arg7[%add3A_2305] : memref<16384xf32, #tpu.memory_space<vmem>>[vector<16xi32>], vector<16xf32>,
        %eq3A_2307 = arith.cmpf oeq, %gather3A_2306, %max3A_1758 : vector<16xf32>
        %add3A_2308 = arith.addi %mul3A_2275, %and3A_66 : vector<16xi32>
        %jit3A_2309 = arith.constant 1024 : i32
        %broadcast_in_dim3A_2310 = vector.broadcast %jit3A_2309 : i32 to vector<16xi32>
        %select_n3A_2311 = arith.select %eq3A_2307, %add3A_2308, %broadcast_in_dim3A_2310 : vector<16xi1>, vector<16xi32>
        %min3A_2312 = arith.minsi %min3A_2303, %select_n3A_2311 : vector<16xi32>
        %add3A_2313 = arith.addi %mul3A_35, %mul3A_2275 : vector<16xi32>
        %add3A_2314 = arith.addi %add3A_2313, %and3A_72 : vector<16xi32>
        %gather3A_2315 = tpu.vector_load_idx %arg7[%add3A_2314] : memref<16384xf32, #tpu.memory_space<vmem>>[vector<16xi32>], vector<16xf32>,
        %eq3A_2316 = arith.cmpf oeq, %gather3A_2315, %max3A_1758 : vector<16xf32>
        %add3A_2317 = arith.addi %mul3A_2275, %and3A_72 : vector<16xi32>
        %jit3A_2318 = arith.constant 1024 : i32
        %broadcast_in_dim3A_2319 = vector.broadcast %jit3A_2318 : i32 to vector<16xi32>
        %select_n3A_2320 = arith.select %eq3A_2316, %add3A_2317, %broadcast_in_dim3A_2319 : vector<16xi1>, vector<16xi32>
        %min3A_2321 = arith.minsi %min3A_2312, %select_n3A_2320 : vector<16xi32>
        %add3A_2322 = arith.addi %mul3A_35, %mul3A_2275 : vector<16xi32>
        %add3A_2323 = arith.addi %add3A_2322, %and3A_78 : vector<16xi32>
        %gather3A_2324 = tpu.vector_load_idx %arg7[%add3A_2323] : memref<16384xf32, #tpu.memory_space<vmem>>[vector<16xi32>], vector<16xf32>,
        %eq3A_2325 = arith.cmpf oeq, %gather3A_2324, %max3A_1758 : vector<16xf32>
        %add3A_2326 = arith.addi %mul3A_2275, %and3A_78 : vector<16xi32>
        %jit3A_2327 = arith.constant 1024 : i32
        %broadcast_in_dim3A_2328 = vector.broadcast %jit3A_2327 : i32 to vector<16xi32>
        %select_n3A_2329 = arith.select %eq3A_2325, %add3A_2326, %broadcast_in_dim3A_2328 : vector<16xi1>, vector<16xi32>
        %min3A_2330 = arith.minsi %min3A_2321, %select_n3A_2329 : vector<16xi32>
        %add3A_2331 = arith.addi %mul3A_35, %mul3A_2275 : vector<16xi32>
        %add3A_2332 = arith.addi %add3A_2331, %and3A_84 : vector<16xi32>
        %gather3A_2333 = tpu.vector_load_idx %arg7[%add3A_2332] : memref<16384xf32, #tpu.memory_space<vmem>>[vector<16xi32>], vector<16xf32>,
        %eq3A_2334 = arith.cmpf oeq, %gather3A_2333, %max3A_1758 : vector<16xf32>
        %add3A_2335 = arith.addi %mul3A_2275, %and3A_84 : vector<16xi32>
        %jit3A_2336 = arith.constant 1024 : i32
        %broadcast_in_dim3A_2337 = vector.broadcast %jit3A_2336 : i32 to vector<16xi32>
        %select_n3A_2338 = arith.select %eq3A_2334, %add3A_2335, %broadcast_in_dim3A_2337 : vector<16xi1>, vector<16xi32>
        %min3A_2339 = arith.minsi %min3A_2330, %select_n3A_2338 : vector<16xi32>
        %add3A_2340 = arith.addi %mul3A_35, %mul3A_2275 : vector<16xi32>
        %add3A_2341 = arith.addi %add3A_2340, %and3A_90 : vector<16xi32>
        %gather3A_2342 = tpu.vector_load_idx %arg7[%add3A_2341] : memref<16384xf32, #tpu.memory_space<vmem>>[vector<16xi32>], vector<16xf32>,
        %eq3A_2343 = arith.cmpf oeq, %gather3A_2342, %max3A_1758 : vector<16xf32>
        %add3A_2344 = arith.addi %mul3A_2275, %and3A_90 : vector<16xi32>
        %jit3A_2345 = arith.constant 1024 : i32
        %broadcast_in_dim3A_2346 = vector.broadcast %jit3A_2345 : i32 to vector<16xi32>
        %select_n3A_2347 = arith.select %eq3A_2343, %add3A_2344, %broadcast_in_dim3A_2346 : vector<16xi1>, vector<16xi32>
        %min3A_2348 = arith.minsi %min3A_2339, %select_n3A_2347 : vector<16xi32>
        %add3A_2349 = arith.addi %mul3A_35, %mul3A_2275 : vector<16xi32>
        %add3A_2350 = arith.addi %add3A_2349, %and3A_96 : vector<16xi32>
        %gather3A_2351 = tpu.vector_load_idx %arg7[%add3A_2350] : memref<16384xf32, #tpu.memory_space<vmem>>[vector<16xi32>], vector<16xf32>,
        %eq3A_2352 = arith.cmpf oeq, %gather3A_2351, %max3A_1758 : vector<16xf32>
        %add3A_2353 = arith.addi %mul3A_2275, %and3A_96 : vector<16xi32>
        %jit3A_2354 = arith.constant 1024 : i32
        %broadcast_in_dim3A_2355 = vector.broadcast %jit3A_2354 : i32 to vector<16xi32>
        %select_n3A_2356 = arith.select %eq3A_2352, %add3A_2353, %broadcast_in_dim3A_2355 : vector<16xi1>, vector<16xi32>
        %min3A_2357 = arith.minsi %min3A_2348, %select_n3A_2356 : vector<16xi32>
        %add3A_2358 = arith.addi %mul3A_35, %mul3A_2275 : vector<16xi32>
        %add3A_2359 = arith.addi %add3A_2358, %and3A_102 : vector<16xi32>
        %gather3A_2360 = tpu.vector_load_idx %arg7[%add3A_2359] : memref<16384xf32, #tpu.memory_space<vmem>>[vector<16xi32>], vector<16xf32>,
        %eq3A_2361 = arith.cmpf oeq, %gather3A_2360, %max3A_1758 : vector<16xf32>
        %add3A_2362 = arith.addi %mul3A_2275, %and3A_102 : vector<16xi32>
        %jit3A_2363 = arith.constant 1024 : i32
        %broadcast_in_dim3A_2364 = vector.broadcast %jit3A_2363 : i32 to vector<16xi32>
        %select_n3A_2365 = arith.select %eq3A_2361, %add3A_2362, %broadcast_in_dim3A_2364 : vector<16xi1>, vector<16xi32>
        %min3A_2366 = arith.minsi %min3A_2357, %select_n3A_2365 : vector<16xi32>
        %add3A_2367 = arith.addi %mul3A_35, %mul3A_2275 : vector<16xi32>
        %add3A_2368 = arith.addi %add3A_2367, %and3A_108 : vector<16xi32>
        %gather3A_2369 = tpu.vector_load_idx %arg7[%add3A_2368] : memref<16384xf32, #tpu.memory_space<vmem>>[vector<16xi32>], vector<16xf32>,
        %eq3A_2370 = arith.cmpf oeq, %gather3A_2369, %max3A_1758 : vector<16xf32>
        %add3A_2371 = arith.addi %mul3A_2275, %and3A_108 : vector<16xi32>
        %jit3A_2372 = arith.constant 1024 : i32
        %broadcast_in_dim3A_2373 = vector.broadcast %jit3A_2372 : i32 to vector<16xi32>
        %select_n3A_2374 = arith.select %eq3A_2370, %add3A_2371, %broadcast_in_dim3A_2373 : vector<16xi1>, vector<16xi32>
        %min3A_2375 = arith.minsi %min3A_2366, %select_n3A_2374 : vector<16xi32>
        %add3A_2376 = arith.addi %mul3A_35, %mul3A_2275 : vector<16xi32>
        %add3A_2377 = arith.addi %add3A_2376, %and3A_114 : vector<16xi32>
        %gather3A_2378 = tpu.vector_load_idx %arg7[%add3A_2377] : memref<16384xf32, #tpu.memory_space<vmem>>[vector<16xi32>], vector<16xf32>,
        %eq3A_2379 = arith.cmpf oeq, %gather3A_2378, %max3A_1758 : vector<16xf32>
        %add3A_2380 = arith.addi %mul3A_2275, %and3A_114 : vector<16xi32>
        %jit3A_2381 = arith.constant 1024 : i32
        %broadcast_in_dim3A_2382 = vector.broadcast %jit3A_2381 : i32 to vector<16xi32>
        %select_n3A_2383 = arith.select %eq3A_2379, %add3A_2380, %broadcast_in_dim3A_2382 : vector<16xi1>, vector<16xi32>
        %min3A_2384 = arith.minsi %min3A_2375, %select_n3A_2383 : vector<16xi32>
        %add3A_2385 = arith.addi %mul3A_35, %mul3A_2275 : vector<16xi32>
        %add3A_2386 = arith.addi %add3A_2385, %and3A_120 : vector<16xi32>
        %gather3A_2387 = tpu.vector_load_idx %arg7[%add3A_2386] : memref<16384xf32, #tpu.memory_space<vmem>>[vector<16xi32>], vector<16xf32>,
        %eq3A_2388 = arith.cmpf oeq, %gather3A_2387, %max3A_1758 : vector<16xf32>
        %add3A_2389 = arith.addi %mul3A_2275, %and3A_120 : vector<16xi32>
        %jit3A_2390 = arith.constant 1024 : i32
        %broadcast_in_dim3A_2391 = vector.broadcast %jit3A_2390 : i32 to vector<16xi32>
        %select_n3A_2392 = arith.select %eq3A_2388, %add3A_2389, %broadcast_in_dim3A_2391 : vector<16xi1>, vector<16xi32>
        %min3A_2393 = arith.minsi %min3A_2384, %select_n3A_2392 : vector<16xi32>
        %add3A_2394 = arith.addi %mul3A_35, %mul3A_2275 : vector<16xi32>
        %add3A_2395 = arith.addi %add3A_2394, %and3A_126 : vector<16xi32>
        %gather3A_2396 = tpu.vector_load_idx %arg7[%add3A_2395] : memref<16384xf32, #tpu.memory_space<vmem>>[vector<16xi32>], vector<16xf32>,
        %eq3A_2397 = arith.cmpf oeq, %gather3A_2396, %max3A_1758 : vector<16xf32>
        %add3A_2398 = arith.addi %mul3A_2275, %and3A_126 : vector<16xi32>
        %jit3A_2399 = arith.constant 1024 : i32
        %broadcast_in_dim3A_2400 = vector.broadcast %jit3A_2399 : i32 to vector<16xi32>
        %select_n3A_2401 = arith.select %eq3A_2397, %add3A_2398, %broadcast_in_dim3A_2400 : vector<16xi1>, vector<16xi32>
        %min3A_2402 = arith.minsi %min3A_2393, %select_n3A_2401 : vector<16xi32>
        %add3A_2403 = arith.addi %mul3A_35, %mul3A_2275 : vector<16xi32>
        %add3A_2404 = arith.addi %add3A_2403, %and3A_132 : vector<16xi32>
        %gather3A_2405 = tpu.vector_load_idx %arg7[%add3A_2404] : memref<16384xf32, #tpu.memory_space<vmem>>[vector<16xi32>], vector<16xf32>,
        %eq3A_2406 = arith.cmpf oeq, %gather3A_2405, %max3A_1758 : vector<16xf32>
        %add3A_2407 = arith.addi %mul3A_2275, %and3A_132 : vector<16xi32>
        %jit3A_2408 = arith.constant 1024 : i32
        %broadcast_in_dim3A_2409 = vector.broadcast %jit3A_2408 : i32 to vector<16xi32>
        %select_n3A_2410 = arith.select %eq3A_2406, %add3A_2407, %broadcast_in_dim3A_2409 : vector<16xi1>, vector<16xi32>
        %min3A_2411 = arith.minsi %min3A_2402, %select_n3A_2410 : vector<16xi32>
        %add3A_2412 = arith.addi %mul3A_35, %mul3A_2275 : vector<16xi32>
        %add3A_2413 = arith.addi %add3A_2412, %and3A_138 : vector<16xi32>
        %gather3A_2414 = tpu.vector_load_idx %arg7[%add3A_2413] : memref<16384xf32, #tpu.memory_space<vmem>>[vector<16xi32>], vector<16xf32>,
        %eq3A_2415 = arith.cmpf oeq, %gather3A_2414, %max3A_1758 : vector<16xf32>
        %add3A_2416 = arith.addi %mul3A_2275, %and3A_138 : vector<16xi32>
        %jit3A_2417 = arith.constant 1024 : i32
        %broadcast_in_dim3A_2418 = vector.broadcast %jit3A_2417 : i32 to vector<16xi32>
        %select_n3A_2419 = arith.select %eq3A_2415, %add3A_2416, %broadcast_in_dim3A_2418 : vector<16xi1>, vector<16xi32>
        %min3A_2420 = arith.minsi %min3A_2411, %select_n3A_2419 : vector<16xi32>
        %swap3A_2421 = arith.index_cast %scan3A_1439 : i32 to index
        %swap3A_2422 = arith.constant 0 : index
        %swap3A_2423 = tpu.vector_load %arg9[%swap3A_2421, %swap3A_2422] {strides = array<i32>} : memref<16x16xi32, #tpu.memory_space<vmem>>, vector<16xi32>,
        tpu.vector_store %arg9[%swap3A_2421, %swap3A_2422], %min3A_2420 {strides = array<i32>} : memref<16x16xi32, #tpu.memory_space<vmem>>, vector<16xi32>,
        %add3A_2424 = arith.addi %mul3A_35, %min3A_2420 : vector<16xi32>
        %broadcast_in_dim3A_2425 = arith.constant -1.000000e+00 : f32
        %broadcast_in_dim3A_2426 = vector.broadcast %broadcast_in_dim3A_2425 : f32 to vector<16xf32>
        tpu.vector_store_idx %arg7[%add3A_2424], %broadcast_in_dim3A_2426 : memref<16384xf32, #tpu.memory_space<vmem>>[vector<16xi32>], vector<16xf32>,
        %broadcast_in_dim3A_2427 = arith.constant -2.000000e+00 : f32
        %broadcast_in_dim3A_2428 = vector.broadcast %broadcast_in_dim3A_2427 : f32 to vector<16xf32>
        %add3A_2429 = arith.addi %mul3A_2275, %and3A_48 : vector<16xi32>
        %eq3A_2430 = arith.cmpi eq, %add3A_2429, %min3A_2420 : vector<16xi32>
        %jit3A_2431 = arith.constant -1.000000e+00 : f32
        %broadcast_in_dim3A_2432 = vector.broadcast %jit3A_2431 : f32 to vector<16xf32>
        %select_n3A_2433 = arith.select %eq3A_2430, %broadcast_in_dim3A_2432, %gather3A_2280 : vector<16xi1>, vector<16xf32>
        %max3A_2434 = arith.maximumf %broadcast_in_dim3A_2428, %select_n3A_2433 : vector<16xf32>
        %add3A_2435 = arith.addi %mul3A_2275, %and3A_54 : vector<16xi32>
        %eq3A_2436 = arith.cmpi eq, %add3A_2435, %min3A_2420 : vector<16xi32>
        %jit3A_2437 = arith.constant -1.000000e+00 : f32
        %broadcast_in_dim3A_2438 = vector.broadcast %jit3A_2437 : f32 to vector<16xf32>
        %select_n3A_2439 = arith.select %eq3A_2436, %broadcast_in_dim3A_2438, %gather3A_2288 : vector<16xi1>, vector<16xf32>
        %max3A_2440 = arith.maximumf %max3A_2434, %select_n3A_2439 : vector<16xf32>
        %add3A_2441 = arith.addi %mul3A_2275, %and3A_60 : vector<16xi32>
        %eq3A_2442 = arith.cmpi eq, %add3A_2441, %min3A_2420 : vector<16xi32>
        %jit3A_2443 = arith.constant -1.000000e+00 : f32
        %broadcast_in_dim3A_2444 = vector.broadcast %jit3A_2443 : f32 to vector<16xf32>
        %select_n3A_2445 = arith.select %eq3A_2442, %broadcast_in_dim3A_2444, %gather3A_2297 : vector<16xi1>, vector<16xf32>
        %max3A_2446 = arith.maximumf %max3A_2440, %select_n3A_2445 : vector<16xf32>
        %add3A_2447 = arith.addi %mul3A_2275, %and3A_66 : vector<16xi32>
        %eq3A_2448 = arith.cmpi eq, %add3A_2447, %min3A_2420 : vector<16xi32>
        %jit3A_2449 = arith.constant -1.000000e+00 : f32
        %broadcast_in_dim3A_2450 = vector.broadcast %jit3A_2449 : f32 to vector<16xf32>
        %select_n3A_2451 = arith.select %eq3A_2448, %broadcast_in_dim3A_2450, %gather3A_2306 : vector<16xi1>, vector<16xf32>
        %max3A_2452 = arith.maximumf %max3A_2446, %select_n3A_2451 : vector<16xf32>
        %add3A_2453 = arith.addi %mul3A_2275, %and3A_72 : vector<16xi32>
        %eq3A_2454 = arith.cmpi eq, %add3A_2453, %min3A_2420 : vector<16xi32>
        %jit3A_2455 = arith.constant -1.000000e+00 : f32
        %broadcast_in_dim3A_2456 = vector.broadcast %jit3A_2455 : f32 to vector<16xf32>
        %select_n3A_2457 = arith.select %eq3A_2454, %broadcast_in_dim3A_2456, %gather3A_2315 : vector<16xi1>, vector<16xf32>
        %max3A_2458 = arith.maximumf %max3A_2452, %select_n3A_2457 : vector<16xf32>
        %add3A_2459 = arith.addi %mul3A_2275, %and3A_78 : vector<16xi32>
        %eq3A_2460 = arith.cmpi eq, %add3A_2459, %min3A_2420 : vector<16xi32>
        %jit3A_2461 = arith.constant -1.000000e+00 : f32
        %broadcast_in_dim3A_2462 = vector.broadcast %jit3A_2461 : f32 to vector<16xf32>
        %select_n3A_2463 = arith.select %eq3A_2460, %broadcast_in_dim3A_2462, %gather3A_2324 : vector<16xi1>, vector<16xf32>
        %max3A_2464 = arith.maximumf %max3A_2458, %select_n3A_2463 : vector<16xf32>
        %add3A_2465 = arith.addi %mul3A_2275, %and3A_84 : vector<16xi32>
        %eq3A_2466 = arith.cmpi eq, %add3A_2465, %min3A_2420 : vector<16xi32>
        %jit3A_2467 = arith.constant -1.000000e+00 : f32
        %broadcast_in_dim3A_2468 = vector.broadcast %jit3A_2467 : f32 to vector<16xf32>
        %select_n3A_2469 = arith.select %eq3A_2466, %broadcast_in_dim3A_2468, %gather3A_2333 : vector<16xi1>, vector<16xf32>
        %max3A_2470 = arith.maximumf %max3A_2464, %select_n3A_2469 : vector<16xf32>
        %add3A_2471 = arith.addi %mul3A_2275, %and3A_90 : vector<16xi32>
        %eq3A_2472 = arith.cmpi eq, %add3A_2471, %min3A_2420 : vector<16xi32>
        %jit3A_2473 = arith.constant -1.000000e+00 : f32
        %broadcast_in_dim3A_2474 = vector.broadcast %jit3A_2473 : f32 to vector<16xf32>
        %select_n3A_2475 = arith.select %eq3A_2472, %broadcast_in_dim3A_2474, %gather3A_2342 : vector<16xi1>, vector<16xf32>
        %max3A_2476 = arith.maximumf %max3A_2470, %select_n3A_2475 : vector<16xf32>
        %add3A_2477 = arith.addi %mul3A_2275, %and3A_96 : vector<16xi32>
        %eq3A_2478 = arith.cmpi eq, %add3A_2477, %min3A_2420 : vector<16xi32>
        %jit3A_2479 = arith.constant -1.000000e+00 : f32
        %broadcast_in_dim3A_2480 = vector.broadcast %jit3A_2479 : f32 to vector<16xf32>
        %select_n3A_2481 = arith.select %eq3A_2478, %broadcast_in_dim3A_2480, %gather3A_2351 : vector<16xi1>, vector<16xf32>
        %max3A_2482 = arith.maximumf %max3A_2476, %select_n3A_2481 : vector<16xf32>
        %add3A_2483 = arith.addi %mul3A_2275, %and3A_102 : vector<16xi32>
        %eq3A_2484 = arith.cmpi eq, %add3A_2483, %min3A_2420 : vector<16xi32>
        %jit3A_2485 = arith.constant -1.000000e+00 : f32
        %broadcast_in_dim3A_2486 = vector.broadcast %jit3A_2485 : f32 to vector<16xf32>
        %select_n3A_2487 = arith.select %eq3A_2484, %broadcast_in_dim3A_2486, %gather3A_2360 : vector<16xi1>, vector<16xf32>
        %max3A_2488 = arith.maximumf %max3A_2482, %select_n3A_2487 : vector<16xf32>
        %add3A_2489 = arith.addi %mul3A_2275, %and3A_108 : vector<16xi32>
        %eq3A_2490 = arith.cmpi eq, %add3A_2489, %min3A_2420 : vector<16xi32>
        %jit3A_2491 = arith.constant -1.000000e+00 : f32
        %broadcast_in_dim3A_2492 = vector.broadcast %jit3A_2491 : f32 to vector<16xf32>
        %select_n3A_2493 = arith.select %eq3A_2490, %broadcast_in_dim3A_2492, %gather3A_2369 : vector<16xi1>, vector<16xf32>
        %max3A_2494 = arith.maximumf %max3A_2488, %select_n3A_2493 : vector<16xf32>
        %add3A_2495 = arith.addi %mul3A_2275, %and3A_114 : vector<16xi32>
        %eq3A_2496 = arith.cmpi eq, %add3A_2495, %min3A_2420 : vector<16xi32>
        %jit3A_2497 = arith.constant -1.000000e+00 : f32
        %broadcast_in_dim3A_2498 = vector.broadcast %jit3A_2497 : f32 to vector<16xf32>
        %select_n3A_2499 = arith.select %eq3A_2496, %broadcast_in_dim3A_2498, %gather3A_2378 : vector<16xi1>, vector<16xf32>
        %max3A_2500 = arith.maximumf %max3A_2494, %select_n3A_2499 : vector<16xf32>
        %add3A_2501 = arith.addi %mul3A_2275, %and3A_120 : vector<16xi32>
        %eq3A_2502 = arith.cmpi eq, %add3A_2501, %min3A_2420 : vector<16xi32>
        %jit3A_2503 = arith.constant -1.000000e+00 : f32
        %broadcast_in_dim3A_2504 = vector.broadcast %jit3A_2503 : f32 to vector<16xf32>
        %select_n3A_2505 = arith.select %eq3A_2502, %broadcast_in_dim3A_2504, %gather3A_2387 : vector<16xi1>, vector<16xf32>
        %max3A_2506 = arith.maximumf %max3A_2500, %select_n3A_2505 : vector<16xf32>
        %add3A_2507 = arith.addi %mul3A_2275, %and3A_126 : vector<16xi32>
        %eq3A_2508 = arith.cmpi eq, %add3A_2507, %min3A_2420 : vector<16xi32>
        %jit3A_2509 = arith.constant -1.000000e+00 : f32
        %broadcast_in_dim3A_2510 = vector.broadcast %jit3A_2509 : f32 to vector<16xf32>
        %select_n3A_2511 = arith.select %eq3A_2508, %broadcast_in_dim3A_2510, %gather3A_2396 : vector<16xi1>, vector<16xf32>
        %max3A_2512 = arith.maximumf %max3A_2506, %select_n3A_2511 : vector<16xf32>
        %add3A_2513 = arith.addi %mul3A_2275, %and3A_132 : vector<16xi32>
        %eq3A_2514 = arith.cmpi eq, %add3A_2513, %min3A_2420 : vector<16xi32>
        %jit3A_2515 = arith.constant -1.000000e+00 : f32
        %broadcast_in_dim3A_2516 = vector.broadcast %jit3A_2515 : f32 to vector<16xf32>
        %select_n3A_2517 = arith.select %eq3A_2514, %broadcast_in_dim3A_2516, %gather3A_2405 : vector<16xi1>, vector<16xf32>
        %max3A_2518 = arith.maximumf %max3A_2512, %select_n3A_2517 : vector<16xf32>
        %add3A_2519 = arith.addi %mul3A_2275, %and3A_138 : vector<16xi32>
        %eq3A_2520 = arith.cmpi eq, %add3A_2519, %min3A_2420 : vector<16xi32>
        %jit3A_2521 = arith.constant -1.000000e+00 : f32
        %broadcast_in_dim3A_2522 = vector.broadcast %jit3A_2521 : f32 to vector<16xf32>
        %select_n3A_2523 = arith.select %eq3A_2520, %broadcast_in_dim3A_2522, %gather3A_2414 : vector<16xi1>, vector<16xf32>
        %max3A_2524 = arith.maximumf %max3A_2518, %select_n3A_2523 : vector<16xf32>
        tpu.vector_store_idx %arg8[%select_n3A_2272, %iota3A], %max3A_2524 : memref<64x16xf32, #tpu.memory_space<vmem>>[vector<16xi32>, vector<16xi32>], vector<16xf32>,
        %scan3A_2525 = arith.constant 0 : i32
        scf.yield %scan3A_2525 : i32
      }
      %scan3A_295 = arith.constant 16 : i32
      %mul3A_296 = arith.constant 128 : i32
      %mul3A_297 = arith.muli %select_n3A_30, %mul3A_296 : i32
      %mul3A_298 = arith.constant 16 : i32
      %mul3A_299 = arith.muli %scan3A_269, %mul3A_298 : i32
      %add3A_300 = arith.addi %mul3A_297, %mul3A_299 : i32
      %get3A = arith.constant 1 : i32
      %get3A_301 = arith.index_cast %get3A : i32 to index
      %get3A_302 = arith.constant 0 : index
      %get3A_303 = tpu.vector_load %arg9[%get3A_301, %get3A_302] {strides = array<i32>} : memref<16x16xi32, #tpu.memory_space<vmem>>, vector<16xi32>,
      %add3A_304 = arith.constant 0 : i32
      %add3A_305 = arith.addi %mul3A_32, %add3A_304 : i32
      %add3A_306 = vector.broadcast %add3A_305 : i32 to vector<16xi32>
      %add3A_307 = arith.addi %add3A_306, %get3A_303 : vector<16xi32>
      %gather3A = tpu.vector_load_idx %arg6[%add3A_307] : memref<12288xf32, #tpu.memory_space<vmem>>[vector<16xi32>], vector<16xf32>,
      %add3A_308 = arith.constant 0 : i32
      %add3A_309 = arith.addi %mul3A_32, %add3A_308 : i32
      %add3A_310 = arith.addi %add3A_309, %add3A_300 : i32
      %get3A_311 = arith.index_cast %add3A_310 : i32 to index
      %get3A_312 = tpu.vector_load %arg6[%get3A_311] {strides = array<i32>} : memref<12288xf32, #tpu.memory_space<vmem>>, vector<16xf32>,
      %sub3A_313 = arith.subf %gather3A, %get3A_312 : vector<16xf32>
      %mul3A_314 = arith.constant 16 : i32
      %mul3A_315 = arith.muli %scan3A_269, %mul3A_314 : i32
      %swap3A_316 = arith.constant 0 : i32
      %swap3A_317 = arith.constant 0 : i32
      %swap3A_318 = arith.index_cast %swap3A_316 : i32 to index
      %swap3A_319 = arith.index_cast %swap3A_317 : i32 to index
      %swap3A_320 = arith.index_cast %mul3A_315 : i32 to index
      %swap3A_321 = tpu.vector_load %arg10[%swap3A_318, %swap3A_319, %swap3A_320] {strides = array<i32>} : memref<3x15x128xf32, #tpu.memory_space<vmem>>, vector<16xf32>,
      tpu.vector_store %arg10[%swap3A_318, %swap3A_319, %swap3A_320], %sub3A_313 {strides = array<i32>} : memref<3x15x128xf32, #tpu.memory_space<vmem>>, vector<16xf32>,
      %add3A_322 = arith.constant 1024 : i32
      %add3A_323 = arith.addi %mul3A_32, %add3A_322 : i32
      %add3A_324 = vector.broadcast %add3A_323 : i32 to vector<16xi32>
      %add3A_325 = arith.addi %add3A_324, %get3A_303 : vector<16xi32>
      %gather3A_326 = tpu.vector_load_idx %arg6[%add3A_325] : memref<12288xf32, #tpu.memory_space<vmem>>[vector<16xi32>], vector<16xf32>,
      %add3A_327 = arith.constant 1024 : i32
      %add3A_328 = arith.addi %mul3A_32, %add3A_327 : i32
      %add3A_329 = arith.addi %add3A_328, %add3A_300 : i32
      %get3A_330 = arith.index_cast %add3A_329 : i32 to index
      %get3A_331 = tpu.vector_load %arg6[%get3A_330] {strides = array<i32>} : memref<12288xf32, #tpu.memory_space<vmem>>, vector<16xf32>,
      %sub3A_332 = arith.subf %gather3A_326, %get3A_331 : vector<16xf32>
      %mul3A_333 = arith.constant 16 : i32
      %mul3A_334 = arith.muli %scan3A_269, %mul3A_333 : i32
      %swap3A_335 = arith.constant 1 : i32
      %swap3A_336 = arith.constant 0 : i32
      %swap3A_337 = arith.index_cast %swap3A_335 : i32 to index
      %swap3A_338 = arith.index_cast %swap3A_336 : i32 to index
      %swap3A_339 = arith.index_cast %mul3A_334 : i32 to index
      %swap3A_340 = tpu.vector_load %arg10[%swap3A_337, %swap3A_338, %swap3A_339] {strides = array<i32>} : memref<3x15x128xf32, #tpu.memory_space<vmem>>, vector<16xf32>,
      tpu.vector_store %arg10[%swap3A_337, %swap3A_338, %swap3A_339], %sub3A_332 {strides = array<i32>} : memref<3x15x128xf32, #tpu.memory_space<vmem>>, vector<16xf32>,
      %add3A_341 = arith.constant 2048 : i32
      %add3A_342 = arith.addi %mul3A_32, %add3A_341 : i32
      %add3A_343 = vector.broadcast %add3A_342 : i32 to vector<16xi32>
      %add3A_344 = arith.addi %add3A_343, %get3A_303 : vector<16xi32>
      %gather3A_345 = tpu.vector_load_idx %arg6[%add3A_344] : memref<12288xf32, #tpu.memory_space<vmem>>[vector<16xi32>], vector<16xf32>,
      %add3A_346 = arith.constant 2048 : i32
      %add3A_347 = arith.addi %mul3A_32, %add3A_346 : i32
      %add3A_348 = arith.addi %add3A_347, %add3A_300 : i32
      %get3A_349 = arith.index_cast %add3A_348 : i32 to index
      %get3A_350 = tpu.vector_load %arg6[%get3A_349] {strides = array<i32>} : memref<12288xf32, #tpu.memory_space<vmem>>, vector<16xf32>,
      %sub3A_351 = arith.subf %gather3A_345, %get3A_350 : vector<16xf32>
      %mul3A_352 = arith.constant 16 : i32
      %mul3A_353 = arith.muli %scan3A_269, %mul3A_352 : i32
      %swap3A_354 = arith.constant 2 : i32
      %swap3A_355 = arith.constant 0 : i32
      %swap3A_356 = arith.index_cast %swap3A_354 : i32 to index
      %swap3A_357 = arith.index_cast %swap3A_355 : i32 to index
      %swap3A_358 = arith.index_cast %mul3A_353 : i32 to index
      %swap3A_359 = tpu.vector_load %arg10[%swap3A_356, %swap3A_357, %swap3A_358] {strides = array<i32>} : memref<3x15x128xf32, #tpu.memory_space<vmem>>, vector<16xf32>,
      tpu.vector_store %arg10[%swap3A_356, %swap3A_357, %swap3A_358], %sub3A_351 {strides = array<i32>} : memref<3x15x128xf32, #tpu.memory_space<vmem>>, vector<16xf32>,
      %add3A_360 = arith.addf %scan3A_270, %sub3A_313 : vector<16xf32>
      %add3A_361 = arith.addf %scan3A_271, %sub3A_332 : vector<16xf32>
      %add3A_362 = arith.addf %scan3A_272, %sub3A_351 : vector<16xf32>
      %mul3A_363 = arith.mulf %sub3A_313, %sub3A_313 : vector<16xf32>
      %add3A_364 = arith.addf %scan3A_273, %mul3A_363 : vector<16xf32>
      %mul3A_365 = arith.mulf %sub3A_313, %sub3A_332 : vector<16xf32>
      %add3A_366 = arith.addf %scan3A_274, %mul3A_365 : vector<16xf32>
      %mul3A_367 = arith.mulf %sub3A_313, %sub3A_351 : vector<16xf32>
      %add3A_368 = arith.addf %scan3A_275, %mul3A_367 : vector<16xf32>
      %mul3A_369 = arith.mulf %sub3A_332, %sub3A_332 : vector<16xf32>
      %add3A_370 = arith.addf %scan3A_276, %mul3A_369 : vector<16xf32>
      %mul3A_371 = arith.mulf %sub3A_332, %sub3A_351 : vector<16xf32>
      %add3A_372 = arith.addf %scan3A_277, %mul3A_371 : vector<16xf32>
      %mul3A_373 = arith.mulf %sub3A_351, %sub3A_351 : vector<16xf32>
      %add3A_374 = arith.addf %scan3A_278, %mul3A_373 : vector<16xf32>
      %get3A_375 = arith.constant 2 : i32
      %get3A_376 = arith.index_cast %get3A_375 : i32 to index
      %get3A_377 = arith.constant 0 : index
      %get3A_378 = tpu.vector_load %arg9[%get3A_376, %get3A_377] {strides = array<i32>} : memref<16x16xi32, #tpu.memory_space<vmem>>, vector<16xi32>,
      %add3A_379 = arith.constant 0 : i32
      %add3A_380 = arith.addi %mul3A_32, %add3A_379 : i32
      %add3A_381 = vector.broadcast %add3A_380 : i32 to vector<16xi32>
      %add3A_382 = arith.addi %add3A_381, %get3A_378 : vector<16xi32>
      %gather3A_383 = tpu.vector_load_idx %arg6[%add3A_382] : memref<12288xf32, #tpu.memory_space<vmem>>[vector<16xi32>], vector<16xf32>,
      %add3A_384 = arith.constant 0 : i32
      %add3A_385 = arith.addi %mul3A_32, %add3A_384 : i32
      %add3A_386 = arith.addi %add3A_385, %add3A_300 : i32
      %get3A_387 = arith.index_cast %add3A_386 : i32 to index
      %get3A_388 = tpu.vector_load %arg6[%get3A_387] {strides = array<i32>} : memref<12288xf32, #tpu.memory_space<vmem>>, vector<16xf32>,
      %sub3A_389 = arith.subf %gather3A_383, %get3A_388 : vector<16xf32>
      %mul3A_390 = arith.constant 16 : i32
      %mul3A_391 = arith.muli %scan3A_269, %mul3A_390 : i32
      %swap3A_392 = arith.constant 0 : i32
      %swap3A_393 = arith.constant 1 : i32
      %swap3A_394 = arith.index_cast %swap3A_392 : i32 to index
      %swap3A_395 = arith.index_cast %swap3A_393 : i32 to index
      %swap3A_396 = arith.index_cast %mul3A_391 : i32 to index
      %swap3A_397 = tpu.vector_load %arg10[%swap3A_394, %swap3A_395, %swap3A_396] {strides = array<i32>} : memref<3x15x128xf32, #tpu.memory_space<vmem>>, vector<16xf32>,
      tpu.vector_store %arg10[%swap3A_394, %swap3A_395, %swap3A_396], %sub3A_389 {strides = array<i32>} : memref<3x15x128xf32, #tpu.memory_space<vmem>>, vector<16xf32>,
      %add3A_398 = arith.constant 1024 : i32
      %add3A_399 = arith.addi %mul3A_32, %add3A_398 : i32
      %add3A_400 = vector.broadcast %add3A_399 : i32 to vector<16xi32>
      %add3A_401 = arith.addi %add3A_400, %get3A_378 : vector<16xi32>
      %gather3A_402 = tpu.vector_load_idx %arg6[%add3A_401] : memref<12288xf32, #tpu.memory_space<vmem>>[vector<16xi32>], vector<16xf32>,
      %add3A_403 = arith.constant 1024 : i32
      %add3A_404 = arith.addi %mul3A_32, %add3A_403 : i32
      %add3A_405 = arith.addi %add3A_404, %add3A_300 : i32
      %get3A_406 = arith.index_cast %add3A_405 : i32 to index
      %get3A_407 = tpu.vector_load %arg6[%get3A_406] {strides = array<i32>} : memref<12288xf32, #tpu.memory_space<vmem>>, vector<16xf32>,
      %sub3A_408 = arith.subf %gather3A_402, %get3A_407 : vector<16xf32>
      %mul3A_409 = arith.constant 16 : i32
      %mul3A_410 = arith.muli %scan3A_269, %mul3A_409 : i32
      %swap3A_411 = arith.constant 1 : i32
      %swap3A_412 = arith.constant 1 : i32
      %swap3A_413 = arith.index_cast %swap3A_411 : i32 to index
      %swap3A_414 = arith.index_cast %swap3A_412 : i32 to index
      %swap3A_415 = arith.index_cast %mul3A_410 : i32 to index
      %swap3A_416 = tpu.vector_load %arg10[%swap3A_413, %swap3A_414, %swap3A_415] {strides = array<i32>} : memref<3x15x128xf32, #tpu.memory_space<vmem>>, vector<16xf32>,
      tpu.vector_store %arg10[%swap3A_413, %swap3A_414, %swap3A_415], %sub3A_408 {strides = array<i32>} : memref<3x15x128xf32, #tpu.memory_space<vmem>>, vector<16xf32>,
      %add3A_417 = arith.constant 2048 : i32
      %add3A_418 = arith.addi %mul3A_32, %add3A_417 : i32
      %add3A_419 = vector.broadcast %add3A_418 : i32 to vector<16xi32>
      %add3A_420 = arith.addi %add3A_419, %get3A_378 : vector<16xi32>
      %gather3A_421 = tpu.vector_load_idx %arg6[%add3A_420] : memref<12288xf32, #tpu.memory_space<vmem>>[vector<16xi32>], vector<16xf32>,
      %add3A_422 = arith.constant 2048 : i32
      %add3A_423 = arith.addi %mul3A_32, %add3A_422 : i32
      %add3A_424 = arith.addi %add3A_423, %add3A_300 : i32
      %get3A_425 = arith.index_cast %add3A_424 : i32 to index
      %get3A_426 = tpu.vector_load %arg6[%get3A_425] {strides = array<i32>} : memref<12288xf32, #tpu.memory_space<vmem>>, vector<16xf32>,
      %sub3A_427 = arith.subf %gather3A_421, %get3A_426 : vector<16xf32>
      %mul3A_428 = arith.constant 16 : i32
      %mul3A_429 = arith.muli %scan3A_269, %mul3A_428 : i32
      %swap3A_430 = arith.constant 2 : i32
      %swap3A_431 = arith.constant 1 : i32
      %swap3A_432 = arith.index_cast %swap3A_430 : i32 to index
      %swap3A_433 = arith.index_cast %swap3A_431 : i32 to index
      %swap3A_434 = arith.index_cast %mul3A_429 : i32 to index
      %swap3A_435 = tpu.vector_load %arg10[%swap3A_432, %swap3A_433, %swap3A_434] {strides = array<i32>} : memref<3x15x128xf32, #tpu.memory_space<vmem>>, vector<16xf32>,
      tpu.vector_store %arg10[%swap3A_432, %swap3A_433, %swap3A_434], %sub3A_427 {strides = array<i32>} : memref<3x15x128xf32, #tpu.memory_space<vmem>>, vector<16xf32>,
      %add3A_436 = arith.addf %add3A_360, %sub3A_389 : vector<16xf32>
      %add3A_437 = arith.addf %add3A_361, %sub3A_408 : vector<16xf32>
      %add3A_438 = arith.addf %add3A_362, %sub3A_427 : vector<16xf32>
      %mul3A_439 = arith.mulf %sub3A_389, %sub3A_389 : vector<16xf32>
      %add3A_440 = arith.addf %add3A_364, %mul3A_439 : vector<16xf32>
      %mul3A_441 = arith.mulf %sub3A_389, %sub3A_408 : vector<16xf32>
      %add3A_442 = arith.addf %add3A_366, %mul3A_441 : vector<16xf32>
      %mul3A_443 = arith.mulf %sub3A_389, %sub3A_427 : vector<16xf32>
      %add3A_444 = arith.addf %add3A_368, %mul3A_443 : vector<16xf32>
      %mul3A_445 = arith.mulf %sub3A_408, %sub3A_408 : vector<16xf32>
      %add3A_446 = arith.addf %add3A_370, %mul3A_445 : vector<16xf32>
      %mul3A_447 = arith.mulf %sub3A_408, %sub3A_427 : vector<16xf32>
      %add3A_448 = arith.addf %add3A_372, %mul3A_447 : vector<16xf32>
      %mul3A_449 = arith.mulf %sub3A_427, %sub3A_427 : vector<16xf32>
      %add3A_450 = arith.addf %add3A_374, %mul3A_449 : vector<16xf32>
      %get3A_451 = arith.constant 3 : i32
      %get3A_452 = arith.index_cast %get3A_451 : i32 to index
      %get3A_453 = arith.constant 0 : index
      %get3A_454 = tpu.vector_load %arg9[%get3A_452, %get3A_453] {strides = array<i32>} : memref<16x16xi32, #tpu.memory_space<vmem>>, vector<16xi32>,
      %add3A_455 = arith.constant 0 : i32
      %add3A_456 = arith.addi %mul3A_32, %add3A_455 : i32
      %add3A_457 = vector.broadcast %add3A_456 : i32 to vector<16xi32>
      %add3A_458 = arith.addi %add3A_457, %get3A_454 : vector<16xi32>
      %gather3A_459 = tpu.vector_load_idx %arg6[%add3A_458] : memref<12288xf32, #tpu.memory_space<vmem>>[vector<16xi32>], vector<16xf32>,
      %add3A_460 = arith.constant 0 : i32
      %add3A_461 = arith.addi %mul3A_32, %add3A_460 : i32
      %add3A_462 = arith.addi %add3A_461, %add3A_300 : i32
      %get3A_463 = arith.index_cast %add3A_462 : i32 to index
      %get3A_464 = tpu.vector_load %arg6[%get3A_463] {strides = array<i32>} : memref<12288xf32, #tpu.memory_space<vmem>>, vector<16xf32>,
      %sub3A_465 = arith.subf %gather3A_459, %get3A_464 : vector<16xf32>
      %mul3A_466 = arith.constant 16 : i32
      %mul3A_467 = arith.muli %scan3A_269, %mul3A_466 : i32
      %swap3A_468 = arith.constant 0 : i32
      %swap3A_469 = arith.constant 2 : i32
      %swap3A_470 = arith.index_cast %swap3A_468 : i32 to index
      %swap3A_471 = arith.index_cast %swap3A_469 : i32 to index
      %swap3A_472 = arith.index_cast %mul3A_467 : i32 to index
      %swap3A_473 = tpu.vector_load %arg10[%swap3A_470, %swap3A_471, %swap3A_472] {strides = array<i32>} : memref<3x15x128xf32, #tpu.memory_space<vmem>>, vector<16xf32>,
      tpu.vector_store %arg10[%swap3A_470, %swap3A_471, %swap3A_472], %sub3A_465 {strides = array<i32>} : memref<3x15x128xf32, #tpu.memory_space<vmem>>, vector<16xf32>,
      %add3A_474 = arith.constant 1024 : i32
      %add3A_475 = arith.addi %mul3A_32, %add3A_474 : i32
      %add3A_476 = vector.broadcast %add3A_475 : i32 to vector<16xi32>
      %add3A_477 = arith.addi %add3A_476, %get3A_454 : vector<16xi32>
      %gather3A_478 = tpu.vector_load_idx %arg6[%add3A_477] : memref<12288xf32, #tpu.memory_space<vmem>>[vector<16xi32>], vector<16xf32>,
      %add3A_479 = arith.constant 1024 : i32
      %add3A_480 = arith.addi %mul3A_32, %add3A_479 : i32
      %add3A_481 = arith.addi %add3A_480, %add3A_300 : i32
      %get3A_482 = arith.index_cast %add3A_481 : i32 to index
      %get3A_483 = tpu.vector_load %arg6[%get3A_482] {strides = array<i32>} : memref<12288xf32, #tpu.memory_space<vmem>>, vector<16xf32>,
      %sub3A_484 = arith.subf %gather3A_478, %get3A_483 : vector<16xf32>
      %mul3A_485 = arith.constant 16 : i32
      %mul3A_486 = arith.muli %scan3A_269, %mul3A_485 : i32
      %swap3A_487 = arith.constant 1 : i32
      %swap3A_488 = arith.constant 2 : i32
      %swap3A_489 = arith.index_cast %swap3A_487 : i32 to index
      %swap3A_490 = arith.index_cast %swap3A_488 : i32 to index
      %swap3A_491 = arith.index_cast %mul3A_486 : i32 to index
      %swap3A_492 = tpu.vector_load %arg10[%swap3A_489, %swap3A_490, %swap3A_491] {strides = array<i32>} : memref<3x15x128xf32, #tpu.memory_space<vmem>>, vector<16xf32>,
      tpu.vector_store %arg10[%swap3A_489, %swap3A_490, %swap3A_491], %sub3A_484 {strides = array<i32>} : memref<3x15x128xf32, #tpu.memory_space<vmem>>, vector<16xf32>,
      %add3A_493 = arith.constant 2048 : i32
      %add3A_494 = arith.addi %mul3A_32, %add3A_493 : i32
      %add3A_495 = vector.broadcast %add3A_494 : i32 to vector<16xi32>
      %add3A_496 = arith.addi %add3A_495, %get3A_454 : vector<16xi32>
      %gather3A_497 = tpu.vector_load_idx %arg6[%add3A_496] : memref<12288xf32, #tpu.memory_space<vmem>>[vector<16xi32>], vector<16xf32>,
      %add3A_498 = arith.constant 2048 : i32
      %add3A_499 = arith.addi %mul3A_32, %add3A_498 : i32
      %add3A_500 = arith.addi %add3A_499, %add3A_300 : i32
      %get3A_501 = arith.index_cast %add3A_500 : i32 to index
      %get3A_502 = tpu.vector_load %arg6[%get3A_501] {strides = array<i32>} : memref<12288xf32, #tpu.memory_space<vmem>>, vector<16xf32>,
      %sub3A_503 = arith.subf %gather3A_497, %get3A_502 : vector<16xf32>
      %mul3A_504 = arith.constant 16 : i32
      %mul3A_505 = arith.muli %scan3A_269, %mul3A_504 : i32
      %swap3A_506 = arith.constant 2 : i32
      %swap3A_507 = arith.constant 2 : i32
      %swap3A_508 = arith.index_cast %swap3A_506 : i32 to index
      %swap3A_509 = arith.index_cast %swap3A_507 : i32 to index
      %swap3A_510 = arith.index_cast %mul3A_505 : i32 to index
      %swap3A_511 = tpu.vector_load %arg10[%swap3A_508, %swap3A_509, %swap3A_510] {strides = array<i32>} : memref<3x15x128xf32, #tpu.memory_space<vmem>>, vector<16xf32>,
      tpu.vector_store %arg10[%swap3A_508, %swap3A_509, %swap3A_510], %sub3A_503 {strides = array<i32>} : memref<3x15x128xf32, #tpu.memory_space<vmem>>, vector<16xf32>,
      %add3A_512 = arith.addf %add3A_436, %sub3A_465 : vector<16xf32>
      %add3A_513 = arith.addf %add3A_437, %sub3A_484 : vector<16xf32>
      %add3A_514 = arith.addf %add3A_438, %sub3A_503 : vector<16xf32>
      %mul3A_515 = arith.mulf %sub3A_465, %sub3A_465 : vector<16xf32>
      %add3A_516 = arith.addf %add3A_440, %mul3A_515 : vector<16xf32>
      %mul3A_517 = arith.mulf %sub3A_465, %sub3A_484 : vector<16xf32>
      %add3A_518 = arith.addf %add3A_442, %mul3A_517 : vector<16xf32>
      %mul3A_519 = arith.mulf %sub3A_465, %sub3A_503 : vector<16xf32>
      %add3A_520 = arith.addf %add3A_444, %mul3A_519 : vector<16xf32>
      %mul3A_521 = arith.mulf %sub3A_484, %sub3A_484 : vector<16xf32>
      %add3A_522 = arith.addf %add3A_446, %mul3A_521 : vector<16xf32>
      %mul3A_523 = arith.mulf %sub3A_484, %sub3A_503 : vector<16xf32>
      %add3A_524 = arith.addf %add3A_448, %mul3A_523 : vector<16xf32>
      %mul3A_525 = arith.mulf %sub3A_503, %sub3A_503 : vector<16xf32>
      %add3A_526 = arith.addf %add3A_450, %mul3A_525 : vector<16xf32>
      %get3A_527 = arith.constant 4 : i32
      %get3A_528 = arith.index_cast %get3A_527 : i32 to index
      %get3A_529 = arith.constant 0 : index
      %get3A_530 = tpu.vector_load %arg9[%get3A_528, %get3A_529] {strides = array<i32>} : memref<16x16xi32, #tpu.memory_space<vmem>>, vector<16xi32>,
      %add3A_531 = arith.constant 0 : i32
      %add3A_532 = arith.addi %mul3A_32, %add3A_531 : i32
      %add3A_533 = vector.broadcast %add3A_532 : i32 to vector<16xi32>
      %add3A_534 = arith.addi %add3A_533, %get3A_530 : vector<16xi32>
      %gather3A_535 = tpu.vector_load_idx %arg6[%add3A_534] : memref<12288xf32, #tpu.memory_space<vmem>>[vector<16xi32>], vector<16xf32>,
      %add3A_536 = arith.constant 0 : i32
      %add3A_537 = arith.addi %mul3A_32, %add3A_536 : i32
      %add3A_538 = arith.addi %add3A_537, %add3A_300 : i32
      %get3A_539 = arith.index_cast %add3A_538 : i32 to index
      %get3A_540 = tpu.vector_load %arg6[%get3A_539] {strides = array<i32>} : memref<12288xf32, #tpu.memory_space<vmem>>, vector<16xf32>,
      %sub3A_541 = arith.subf %gather3A_535, %get3A_540 : vector<16xf32>
      %mul3A_542 = arith.constant 16 : i32
      %mul3A_543 = arith.muli %scan3A_269, %mul3A_542 : i32
      %swap3A_544 = arith.constant 0 : i32
      %swap3A_545 = arith.constant 3 : i32
      %swap3A_546 = arith.index_cast %swap3A_544 : i32 to index
      %swap3A_547 = arith.index_cast %swap3A_545 : i32 to index
      %swap3A_548 = arith.index_cast %mul3A_543 : i32 to index
      %swap3A_549 = tpu.vector_load %arg10[%swap3A_546, %swap3A_547, %swap3A_548] {strides = array<i32>} : memref<3x15x128xf32, #tpu.memory_space<vmem>>, vector<16xf32>,
      tpu.vector_store %arg10[%swap3A_546, %swap3A_547, %swap3A_548], %sub3A_541 {strides = array<i32>} : memref<3x15x128xf32, #tpu.memory_space<vmem>>, vector<16xf32>,
      %add3A_550 = arith.constant 1024 : i32
      %add3A_551 = arith.addi %mul3A_32, %add3A_550 : i32
      %add3A_552 = vector.broadcast %add3A_551 : i32 to vector<16xi32>
      %add3A_553 = arith.addi %add3A_552, %get3A_530 : vector<16xi32>
      %gather3A_554 = tpu.vector_load_idx %arg6[%add3A_553] : memref<12288xf32, #tpu.memory_space<vmem>>[vector<16xi32>], vector<16xf32>,
      %add3A_555 = arith.constant 1024 : i32
      %add3A_556 = arith.addi %mul3A_32, %add3A_555 : i32
      %add3A_557 = arith.addi %add3A_556, %add3A_300 : i32
      %get3A_558 = arith.index_cast %add3A_557 : i32 to index
      %get3A_559 = tpu.vector_load %arg6[%get3A_558] {strides = array<i32>} : memref<12288xf32, #tpu.memory_space<vmem>>, vector<16xf32>,
      %sub3A_560 = arith.subf %gather3A_554, %get3A_559 : vector<16xf32>
      %mul3A_561 = arith.constant 16 : i32
      %mul3A_562 = arith.muli %scan3A_269, %mul3A_561 : i32
      %swap3A_563 = arith.constant 1 : i32
      %swap3A_564 = arith.constant 3 : i32
      %swap3A_565 = arith.index_cast %swap3A_563 : i32 to index
      %swap3A_566 = arith.index_cast %swap3A_564 : i32 to index
      %swap3A_567 = arith.index_cast %mul3A_562 : i32 to index
      %swap3A_568 = tpu.vector_load %arg10[%swap3A_565, %swap3A_566, %swap3A_567] {strides = array<i32>} : memref<3x15x128xf32, #tpu.memory_space<vmem>>, vector<16xf32>,
      tpu.vector_store %arg10[%swap3A_565, %swap3A_566, %swap3A_567], %sub3A_560 {strides = array<i32>} : memref<3x15x128xf32, #tpu.memory_space<vmem>>, vector<16xf32>,
      %add3A_569 = arith.constant 2048 : i32
      %add3A_570 = arith.addi %mul3A_32, %add3A_569 : i32
      %add3A_571 = vector.broadcast %add3A_570 : i32 to vector<16xi32>
      %add3A_572 = arith.addi %add3A_571, %get3A_530 : vector<16xi32>
      %gather3A_573 = tpu.vector_load_idx %arg6[%add3A_572] : memref<12288xf32, #tpu.memory_space<vmem>>[vector<16xi32>], vector<16xf32>,
      %add3A_574 = arith.constant 2048 : i32
      %add3A_575 = arith.addi %mul3A_32, %add3A_574 : i32
      %add3A_576 = arith.addi %add3A_575, %add3A_300 : i32
      %get3A_577 = arith.index_cast %add3A_576 : i32 to index
      %get3A_578 = tpu.vector_load %arg6[%get3A_577] {strides = array<i32>} : memref<12288xf32, #tpu.memory_space<vmem>>, vector<16xf32>,
      %sub3A_579 = arith.subf %gather3A_573, %get3A_578 : vector<16xf32>
      %mul3A_580 = arith.constant 16 : i32
      %mul3A_581 = arith.muli %scan3A_269, %mul3A_580 : i32
      %swap3A_582 = arith.constant 2 : i32
      %swap3A_583 = arith.constant 3 : i32
      %swap3A_584 = arith.index_cast %swap3A_582 : i32 to index
      %swap3A_585 = arith.index_cast %swap3A_583 : i32 to index
      %swap3A_586 = arith.index_cast %mul3A_581 : i32 to index
      %swap3A_587 = tpu.vector_load %arg10[%swap3A_584, %swap3A_585, %swap3A_586] {strides = array<i32>} : memref<3x15x128xf32, #tpu.memory_space<vmem>>, vector<16xf32>,
      tpu.vector_store %arg10[%swap3A_584, %swap3A_585, %swap3A_586], %sub3A_579 {strides = array<i32>} : memref<3x15x128xf32, #tpu.memory_space<vmem>>, vector<16xf32>,
      %add3A_588 = arith.addf %add3A_512, %sub3A_541 : vector<16xf32>
      %add3A_589 = arith.addf %add3A_513, %sub3A_560 : vector<16xf32>
      %add3A_590 = arith.addf %add3A_514, %sub3A_579 : vector<16xf32>
      %mul3A_591 = arith.mulf %sub3A_541, %sub3A_541 : vector<16xf32>
      %add3A_592 = arith.addf %add3A_516, %mul3A_591 : vector<16xf32>
      %mul3A_593 = arith.mulf %sub3A_541, %sub3A_560 : vector<16xf32>
      %add3A_594 = arith.addf %add3A_518, %mul3A_593 : vector<16xf32>
      %mul3A_595 = arith.mulf %sub3A_541, %sub3A_579 : vector<16xf32>
      %add3A_596 = arith.addf %add3A_520, %mul3A_595 : vector<16xf32>
      %mul3A_597 = arith.mulf %sub3A_560, %sub3A_560 : vector<16xf32>
      %add3A_598 = arith.addf %add3A_522, %mul3A_597 : vector<16xf32>
      %mul3A_599 = arith.mulf %sub3A_560, %sub3A_579 : vector<16xf32>
      %add3A_600 = arith.addf %add3A_524, %mul3A_599 : vector<16xf32>
      %mul3A_601 = arith.mulf %sub3A_579, %sub3A_579 : vector<16xf32>
      %add3A_602 = arith.addf %add3A_526, %mul3A_601 : vector<16xf32>
      %get3A_603 = arith.constant 5 : i32
      %get3A_604 = arith.index_cast %get3A_603 : i32 to index
      %get3A_605 = arith.constant 0 : index
      %get3A_606 = tpu.vector_load %arg9[%get3A_604, %get3A_605] {strides = array<i32>} : memref<16x16xi32, #tpu.memory_space<vmem>>, vector<16xi32>,
      %add3A_607 = arith.constant 0 : i32
      %add3A_608 = arith.addi %mul3A_32, %add3A_607 : i32
      %add3A_609 = vector.broadcast %add3A_608 : i32 to vector<16xi32>
      %add3A_610 = arith.addi %add3A_609, %get3A_606 : vector<16xi32>
      %gather3A_611 = tpu.vector_load_idx %arg6[%add3A_610] : memref<12288xf32, #tpu.memory_space<vmem>>[vector<16xi32>], vector<16xf32>,
      %add3A_612 = arith.constant 0 : i32
      %add3A_613 = arith.addi %mul3A_32, %add3A_612 : i32
      %add3A_614 = arith.addi %add3A_613, %add3A_300 : i32
      %get3A_615 = arith.index_cast %add3A_614 : i32 to index
      %get3A_616 = tpu.vector_load %arg6[%get3A_615] {strides = array<i32>} : memref<12288xf32, #tpu.memory_space<vmem>>, vector<16xf32>,
      %sub3A_617 = arith.subf %gather3A_611, %get3A_616 : vector<16xf32>
      %mul3A_618 = arith.constant 16 : i32
      %mul3A_619 = arith.muli %scan3A_269, %mul3A_618 : i32
      %swap3A_620 = arith.constant 0 : i32
      %swap3A_621 = arith.constant 4 : i32
      %swap3A_622 = arith.index_cast %swap3A_620 : i32 to index
      %swap3A_623 = arith.index_cast %swap3A_621 : i32 to index
      %swap3A_624 = arith.index_cast %mul3A_619 : i32 to index
      %swap3A_625 = tpu.vector_load %arg10[%swap3A_622, %swap3A_623, %swap3A_624] {strides = array<i32>} : memref<3x15x128xf32, #tpu.memory_space<vmem>>, vector<16xf32>,
      tpu.vector_store %arg10[%swap3A_622, %swap3A_623, %swap3A_624], %sub3A_617 {strides = array<i32>} : memref<3x15x128xf32, #tpu.memory_space<vmem>>, vector<16xf32>,
      %add3A_626 = arith.constant 1024 : i32
      %add3A_627 = arith.addi %mul3A_32, %add3A_626 : i32
      %add3A_628 = vector.broadcast %add3A_627 : i32 to vector<16xi32>
      %add3A_629 = arith.addi %add3A_628, %get3A_606 : vector<16xi32>
      %gather3A_630 = tpu.vector_load_idx %arg6[%add3A_629] : memref<12288xf32, #tpu.memory_space<vmem>>[vector<16xi32>], vector<16xf32>,
      %add3A_631 = arith.constant 1024 : i32
      %add3A_632 = arith.addi %mul3A_32, %add3A_631 : i32
      %add3A_633 = arith.addi %add3A_632, %add3A_300 : i32
      %get3A_634 = arith.index_cast %add3A_633 : i32 to index
      %get3A_635 = tpu.vector_load %arg6[%get3A_634] {strides = array<i32>} : memref<12288xf32, #tpu.memory_space<vmem>>, vector<16xf32>,
      %sub3A_636 = arith.subf %gather3A_630, %get3A_635 : vector<16xf32>
      %mul3A_637 = arith.constant 16 : i32
      %mul3A_638 = arith.muli %scan3A_269, %mul3A_637 : i32
      %swap3A_639 = arith.constant 1 : i32
      %swap3A_640 = arith.constant 4 : i32
      %swap3A_641 = arith.index_cast %swap3A_639 : i32 to index
      %swap3A_642 = arith.index_cast %swap3A_640 : i32 to index
      %swap3A_643 = arith.index_cast %mul3A_638 : i32 to index
      %swap3A_644 = tpu.vector_load %arg10[%swap3A_641, %swap3A_642, %swap3A_643] {strides = array<i32>} : memref<3x15x128xf32, #tpu.memory_space<vmem>>, vector<16xf32>,
      tpu.vector_store %arg10[%swap3A_641, %swap3A_642, %swap3A_643], %sub3A_636 {strides = array<i32>} : memref<3x15x128xf32, #tpu.memory_space<vmem>>, vector<16xf32>,
      %add3A_645 = arith.constant 2048 : i32
      %add3A_646 = arith.addi %mul3A_32, %add3A_645 : i32
      %add3A_647 = vector.broadcast %add3A_646 : i32 to vector<16xi32>
      %add3A_648 = arith.addi %add3A_647, %get3A_606 : vector<16xi32>
      %gather3A_649 = tpu.vector_load_idx %arg6[%add3A_648] : memref<12288xf32, #tpu.memory_space<vmem>>[vector<16xi32>], vector<16xf32>,
      %add3A_650 = arith.constant 2048 : i32
      %add3A_651 = arith.addi %mul3A_32, %add3A_650 : i32
      %add3A_652 = arith.addi %add3A_651, %add3A_300 : i32
      %get3A_653 = arith.index_cast %add3A_652 : i32 to index
      %get3A_654 = tpu.vector_load %arg6[%get3A_653] {strides = array<i32>} : memref<12288xf32, #tpu.memory_space<vmem>>, vector<16xf32>,
      %sub3A_655 = arith.subf %gather3A_649, %get3A_654 : vector<16xf32>
      %mul3A_656 = arith.constant 16 : i32
      %mul3A_657 = arith.muli %scan3A_269, %mul3A_656 : i32
      %swap3A_658 = arith.constant 2 : i32
      %swap3A_659 = arith.constant 4 : i32
      %swap3A_660 = arith.index_cast %swap3A_658 : i32 to index
      %swap3A_661 = arith.index_cast %swap3A_659 : i32 to index
      %swap3A_662 = arith.index_cast %mul3A_657 : i32 to index
      %swap3A_663 = tpu.vector_load %arg10[%swap3A_660, %swap3A_661, %swap3A_662] {strides = array<i32>} : memref<3x15x128xf32, #tpu.memory_space<vmem>>, vector<16xf32>,
      tpu.vector_store %arg10[%swap3A_660, %swap3A_661, %swap3A_662], %sub3A_655 {strides = array<i32>} : memref<3x15x128xf32, #tpu.memory_space<vmem>>, vector<16xf32>,
      %add3A_664 = arith.addf %add3A_588, %sub3A_617 : vector<16xf32>
      %add3A_665 = arith.addf %add3A_589, %sub3A_636 : vector<16xf32>
      %add3A_666 = arith.addf %add3A_590, %sub3A_655 : vector<16xf32>
      %mul3A_667 = arith.mulf %sub3A_617, %sub3A_617 : vector<16xf32>
      %add3A_668 = arith.addf %add3A_592, %mul3A_667 : vector<16xf32>
      %mul3A_669 = arith.mulf %sub3A_617, %sub3A_636 : vector<16xf32>
      %add3A_670 = arith.addf %add3A_594, %mul3A_669 : vector<16xf32>
      %mul3A_671 = arith.mulf %sub3A_617, %sub3A_655 : vector<16xf32>
      %add3A_672 = arith.addf %add3A_596, %mul3A_671 : vector<16xf32>
      %mul3A_673 = arith.mulf %sub3A_636, %sub3A_636 : vector<16xf32>
      %add3A_674 = arith.addf %add3A_598, %mul3A_673 : vector<16xf32>
      %mul3A_675 = arith.mulf %sub3A_636, %sub3A_655 : vector<16xf32>
      %add3A_676 = arith.addf %add3A_600, %mul3A_675 : vector<16xf32>
      %mul3A_677 = arith.mulf %sub3A_655, %sub3A_655 : vector<16xf32>
      %add3A_678 = arith.addf %add3A_602, %mul3A_677 : vector<16xf32>
      %get3A_679 = arith.constant 6 : i32
      %get3A_680 = arith.index_cast %get3A_679 : i32 to index
      %get3A_681 = arith.constant 0 : index
      %get3A_682 = tpu.vector_load %arg9[%get3A_680, %get3A_681] {strides = array<i32>} : memref<16x16xi32, #tpu.memory_space<vmem>>, vector<16xi32>,
      %add3A_683 = arith.constant 0 : i32
      %add3A_684 = arith.addi %mul3A_32, %add3A_683 : i32
      %add3A_685 = vector.broadcast %add3A_684 : i32 to vector<16xi32>
      %add3A_686 = arith.addi %add3A_685, %get3A_682 : vector<16xi32>
      %gather3A_687 = tpu.vector_load_idx %arg6[%add3A_686] : memref<12288xf32, #tpu.memory_space<vmem>>[vector<16xi32>], vector<16xf32>,
      %add3A_688 = arith.constant 0 : i32
      %add3A_689 = arith.addi %mul3A_32, %add3A_688 : i32
      %add3A_690 = arith.addi %add3A_689, %add3A_300 : i32
      %get3A_691 = arith.index_cast %add3A_690 : i32 to index
      %get3A_692 = tpu.vector_load %arg6[%get3A_691] {strides = array<i32>} : memref<12288xf32, #tpu.memory_space<vmem>>, vector<16xf32>,
      %sub3A_693 = arith.subf %gather3A_687, %get3A_692 : vector<16xf32>
      %mul3A_694 = arith.constant 16 : i32
      %mul3A_695 = arith.muli %scan3A_269, %mul3A_694 : i32
      %swap3A_696 = arith.constant 0 : i32
      %swap3A_697 = arith.constant 5 : i32
      %swap3A_698 = arith.index_cast %swap3A_696 : i32 to index
      %swap3A_699 = arith.index_cast %swap3A_697 : i32 to index
      %swap3A_700 = arith.index_cast %mul3A_695 : i32 to index
      %swap3A_701 = tpu.vector_load %arg10[%swap3A_698, %swap3A_699, %swap3A_700] {strides = array<i32>} : memref<3x15x128xf32, #tpu.memory_space<vmem>>, vector<16xf32>,
      tpu.vector_store %arg10[%swap3A_698, %swap3A_699, %swap3A_700], %sub3A_693 {strides = array<i32>} : memref<3x15x128xf32, #tpu.memory_space<vmem>>, vector<16xf32>,
      %add3A_702 = arith.constant 1024 : i32
      %add3A_703 = arith.addi %mul3A_32, %add3A_702 : i32
      %add3A_704 = vector.broadcast %add3A_703 : i32 to vector<16xi32>
      %add3A_705 = arith.addi %add3A_704, %get3A_682 : vector<16xi32>
      %gather3A_706 = tpu.vector_load_idx %arg6[%add3A_705] : memref<12288xf32, #tpu.memory_space<vmem>>[vector<16xi32>], vector<16xf32>,
      %add3A_707 = arith.constant 1024 : i32
      %add3A_708 = arith.addi %mul3A_32, %add3A_707 : i32
      %add3A_709 = arith.addi %add3A_708, %add3A_300 : i32
      %get3A_710 = arith.index_cast %add3A_709 : i32 to index
      %get3A_711 = tpu.vector_load %arg6[%get3A_710] {strides = array<i32>} : memref<12288xf32, #tpu.memory_space<vmem>>, vector<16xf32>,
      %sub3A_712 = arith.subf %gather3A_706, %get3A_711 : vector<16xf32>
      %mul3A_713 = arith.constant 16 : i32
      %mul3A_714 = arith.muli %scan3A_269, %mul3A_713 : i32
      %swap3A_715 = arith.constant 1 : i32
      %swap3A_716 = arith.constant 5 : i32
      %swap3A_717 = arith.index_cast %swap3A_715 : i32 to index
      %swap3A_718 = arith.index_cast %swap3A_716 : i32 to index
      %swap3A_719 = arith.index_cast %mul3A_714 : i32 to index
      %swap3A_720 = tpu.vector_load %arg10[%swap3A_717, %swap3A_718, %swap3A_719] {strides = array<i32>} : memref<3x15x128xf32, #tpu.memory_space<vmem>>, vector<16xf32>,
      tpu.vector_store %arg10[%swap3A_717, %swap3A_718, %swap3A_719], %sub3A_712 {strides = array<i32>} : memref<3x15x128xf32, #tpu.memory_space<vmem>>, vector<16xf32>,
      %add3A_721 = arith.constant 2048 : i32
      %add3A_722 = arith.addi %mul3A_32, %add3A_721 : i32
      %add3A_723 = vector.broadcast %add3A_722 : i32 to vector<16xi32>
      %add3A_724 = arith.addi %add3A_723, %get3A_682 : vector<16xi32>
      %gather3A_725 = tpu.vector_load_idx %arg6[%add3A_724] : memref<12288xf32, #tpu.memory_space<vmem>>[vector<16xi32>], vector<16xf32>,
      %add3A_726 = arith.constant 2048 : i32
      %add3A_727 = arith.addi %mul3A_32, %add3A_726 : i32
      %add3A_728 = arith.addi %add3A_727, %add3A_300 : i32
      %get3A_729 = arith.index_cast %add3A_728 : i32 to index
      %get3A_730 = tpu.vector_load %arg6[%get3A_729] {strides = array<i32>} : memref<12288xf32, #tpu.memory_space<vmem>>, vector<16xf32>,
      %sub3A_731 = arith.subf %gather3A_725, %get3A_730 : vector<16xf32>
      %mul3A_732 = arith.constant 16 : i32
      %mul3A_733 = arith.muli %scan3A_269, %mul3A_732 : i32
      %swap3A_734 = arith.constant 2 : i32
      %swap3A_735 = arith.constant 5 : i32
      %swap3A_736 = arith.index_cast %swap3A_734 : i32 to index
      %swap3A_737 = arith.index_cast %swap3A_735 : i32 to index
      %swap3A_738 = arith.index_cast %mul3A_733 : i32 to index
      %swap3A_739 = tpu.vector_load %arg10[%swap3A_736, %swap3A_737, %swap3A_738] {strides = array<i32>} : memref<3x15x128xf32, #tpu.memory_space<vmem>>, vector<16xf32>,
      tpu.vector_store %arg10[%swap3A_736, %swap3A_737, %swap3A_738], %sub3A_731 {strides = array<i32>} : memref<3x15x128xf32, #tpu.memory_space<vmem>>, vector<16xf32>,
      %add3A_740 = arith.addf %add3A_664, %sub3A_693 : vector<16xf32>
      %add3A_741 = arith.addf %add3A_665, %sub3A_712 : vector<16xf32>
      %add3A_742 = arith.addf %add3A_666, %sub3A_731 : vector<16xf32>
      %mul3A_743 = arith.mulf %sub3A_693, %sub3A_693 : vector<16xf32>
      %add3A_744 = arith.addf %add3A_668, %mul3A_743 : vector<16xf32>
      %mul3A_745 = arith.mulf %sub3A_693, %sub3A_712 : vector<16xf32>
      %add3A_746 = arith.addf %add3A_670, %mul3A_745 : vector<16xf32>
      %mul3A_747 = arith.mulf %sub3A_693, %sub3A_731 : vector<16xf32>
      %add3A_748 = arith.addf %add3A_672, %mul3A_747 : vector<16xf32>
      %mul3A_749 = arith.mulf %sub3A_712, %sub3A_712 : vector<16xf32>
      %add3A_750 = arith.addf %add3A_674, %mul3A_749 : vector<16xf32>
      %mul3A_751 = arith.mulf %sub3A_712, %sub3A_731 : vector<16xf32>
      %add3A_752 = arith.addf %add3A_676, %mul3A_751 : vector<16xf32>
      %mul3A_753 = arith.mulf %sub3A_731, %sub3A_731 : vector<16xf32>
      %add3A_754 = arith.addf %add3A_678, %mul3A_753 : vector<16xf32>
      %get3A_755 = arith.constant 7 : i32
      %get3A_756 = arith.index_cast %get3A_755 : i32 to index
      %get3A_757 = arith.constant 0 : index
      %get3A_758 = tpu.vector_load %arg9[%get3A_756, %get3A_757] {strides = array<i32>} : memref<16x16xi32, #tpu.memory_space<vmem>>, vector<16xi32>,
      %add3A_759 = arith.constant 0 : i32
      %add3A_760 = arith.addi %mul3A_32, %add3A_759 : i32
      %add3A_761 = vector.broadcast %add3A_760 : i32 to vector<16xi32>
      %add3A_762 = arith.addi %add3A_761, %get3A_758 : vector<16xi32>
      %gather3A_763 = tpu.vector_load_idx %arg6[%add3A_762] : memref<12288xf32, #tpu.memory_space<vmem>>[vector<16xi32>], vector<16xf32>,
      %add3A_764 = arith.constant 0 : i32
      %add3A_765 = arith.addi %mul3A_32, %add3A_764 : i32
      %add3A_766 = arith.addi %add3A_765, %add3A_300 : i32
      %get3A_767 = arith.index_cast %add3A_766 : i32 to index
      %get3A_768 = tpu.vector_load %arg6[%get3A_767] {strides = array<i32>} : memref<12288xf32, #tpu.memory_space<vmem>>, vector<16xf32>,
      %sub3A_769 = arith.subf %gather3A_763, %get3A_768 : vector<16xf32>
      %mul3A_770 = arith.constant 16 : i32
      %mul3A_771 = arith.muli %scan3A_269, %mul3A_770 : i32
      %swap3A_772 = arith.constant 0 : i32
      %swap3A_773 = arith.constant 6 : i32
      %swap3A_774 = arith.index_cast %swap3A_772 : i32 to index
      %swap3A_775 = arith.index_cast %swap3A_773 : i32 to index
      %swap3A_776 = arith.index_cast %mul3A_771 : i32 to index
      %swap3A_777 = tpu.vector_load %arg10[%swap3A_774, %swap3A_775, %swap3A_776] {strides = array<i32>} : memref<3x15x128xf32, #tpu.memory_space<vmem>>, vector<16xf32>,
      tpu.vector_store %arg10[%swap3A_774, %swap3A_775, %swap3A_776], %sub3A_769 {strides = array<i32>} : memref<3x15x128xf32, #tpu.memory_space<vmem>>, vector<16xf32>,
      %add3A_778 = arith.constant 1024 : i32
      %add3A_779 = arith.addi %mul3A_32, %add3A_778 : i32
      %add3A_780 = vector.broadcast %add3A_779 : i32 to vector<16xi32>
      %add3A_781 = arith.addi %add3A_780, %get3A_758 : vector<16xi32>
      %gather3A_782 = tpu.vector_load_idx %arg6[%add3A_781] : memref<12288xf32, #tpu.memory_space<vmem>>[vector<16xi32>], vector<16xf32>,
      %add3A_783 = arith.constant 1024 : i32
      %add3A_784 = arith.addi %mul3A_32, %add3A_783 : i32
      %add3A_785 = arith.addi %add3A_784, %add3A_300 : i32
      %get3A_786 = arith.index_cast %add3A_785 : i32 to index
      %get3A_787 = tpu.vector_load %arg6[%get3A_786] {strides = array<i32>} : memref<12288xf32, #tpu.memory_space<vmem>>, vector<16xf32>,
      %sub3A_788 = arith.subf %gather3A_782, %get3A_787 : vector<16xf32>
      %mul3A_789 = arith.constant 16 : i32
      %mul3A_790 = arith.muli %scan3A_269, %mul3A_789 : i32
      %swap3A_791 = arith.constant 1 : i32
      %swap3A_792 = arith.constant 6 : i32
      %swap3A_793 = arith.index_cast %swap3A_791 : i32 to index
      %swap3A_794 = arith.index_cast %swap3A_792 : i32 to index
      %swap3A_795 = arith.index_cast %mul3A_790 : i32 to index
      %swap3A_796 = tpu.vector_load %arg10[%swap3A_793, %swap3A_794, %swap3A_795] {strides = array<i32>} : memref<3x15x128xf32, #tpu.memory_space<vmem>>, vector<16xf32>,
      tpu.vector_store %arg10[%swap3A_793, %swap3A_794, %swap3A_795], %sub3A_788 {strides = array<i32>} : memref<3x15x128xf32, #tpu.memory_space<vmem>>, vector<16xf32>,
      %add3A_797 = arith.constant 2048 : i32
      %add3A_798 = arith.addi %mul3A_32, %add3A_797 : i32
      %add3A_799 = vector.broadcast %add3A_798 : i32 to vector<16xi32>
      %add3A_800 = arith.addi %add3A_799, %get3A_758 : vector<16xi32>
      %gather3A_801 = tpu.vector_load_idx %arg6[%add3A_800] : memref<12288xf32, #tpu.memory_space<vmem>>[vector<16xi32>], vector<16xf32>,
      %add3A_802 = arith.constant 2048 : i32
      %add3A_803 = arith.addi %mul3A_32, %add3A_802 : i32
      %add3A_804 = arith.addi %add3A_803, %add3A_300 : i32
      %get3A_805 = arith.index_cast %add3A_804 : i32 to index
      %get3A_806 = tpu.vector_load %arg6[%get3A_805] {strides = array<i32>} : memref<12288xf32, #tpu.memory_space<vmem>>, vector<16xf32>,
      %sub3A_807 = arith.subf %gather3A_801, %get3A_806 : vector<16xf32>
      %mul3A_808 = arith.constant 16 : i32
      %mul3A_809 = arith.muli %scan3A_269, %mul3A_808 : i32
      %swap3A_810 = arith.constant 2 : i32
      %swap3A_811 = arith.constant 6 : i32
      %swap3A_812 = arith.index_cast %swap3A_810 : i32 to index
      %swap3A_813 = arith.index_cast %swap3A_811 : i32 to index
      %swap3A_814 = arith.index_cast %mul3A_809 : i32 to index
      %swap3A_815 = tpu.vector_load %arg10[%swap3A_812, %swap3A_813, %swap3A_814] {strides = array<i32>} : memref<3x15x128xf32, #tpu.memory_space<vmem>>, vector<16xf32>,
      tpu.vector_store %arg10[%swap3A_812, %swap3A_813, %swap3A_814], %sub3A_807 {strides = array<i32>} : memref<3x15x128xf32, #tpu.memory_space<vmem>>, vector<16xf32>,
      %add3A_816 = arith.addf %add3A_740, %sub3A_769 : vector<16xf32>
      %add3A_817 = arith.addf %add3A_741, %sub3A_788 : vector<16xf32>
      %add3A_818 = arith.addf %add3A_742, %sub3A_807 : vector<16xf32>
      %mul3A_819 = arith.mulf %sub3A_769, %sub3A_769 : vector<16xf32>
      %add3A_820 = arith.addf %add3A_744, %mul3A_819 : vector<16xf32>
      %mul3A_821 = arith.mulf %sub3A_769, %sub3A_788 : vector<16xf32>
      %add3A_822 = arith.addf %add3A_746, %mul3A_821 : vector<16xf32>
      %mul3A_823 = arith.mulf %sub3A_769, %sub3A_807 : vector<16xf32>
      %add3A_824 = arith.addf %add3A_748, %mul3A_823 : vector<16xf32>
      %mul3A_825 = arith.mulf %sub3A_788, %sub3A_788 : vector<16xf32>
      %add3A_826 = arith.addf %add3A_750, %mul3A_825 : vector<16xf32>
      %mul3A_827 = arith.mulf %sub3A_788, %sub3A_807 : vector<16xf32>
      %add3A_828 = arith.addf %add3A_752, %mul3A_827 : vector<16xf32>
      %mul3A_829 = arith.mulf %sub3A_807, %sub3A_807 : vector<16xf32>
      %add3A_830 = arith.addf %add3A_754, %mul3A_829 : vector<16xf32>
      %get3A_831 = arith.constant 8 : i32
      %get3A_832 = arith.index_cast %get3A_831 : i32 to index
      %get3A_833 = arith.constant 0 : index
      %get3A_834 = tpu.vector_load %arg9[%get3A_832, %get3A_833] {strides = array<i32>} : memref<16x16xi32, #tpu.memory_space<vmem>>, vector<16xi32>,
      %add3A_835 = arith.constant 0 : i32
      %add3A_836 = arith.addi %mul3A_32, %add3A_835 : i32
      %add3A_837 = vector.broadcast %add3A_836 : i32 to vector<16xi32>
      %add3A_838 = arith.addi %add3A_837, %get3A_834 : vector<16xi32>
      %gather3A_839 = tpu.vector_load_idx %arg6[%add3A_838] : memref<12288xf32, #tpu.memory_space<vmem>>[vector<16xi32>], vector<16xf32>,
      %add3A_840 = arith.constant 0 : i32
      %add3A_841 = arith.addi %mul3A_32, %add3A_840 : i32
      %add3A_842 = arith.addi %add3A_841, %add3A_300 : i32
      %get3A_843 = arith.index_cast %add3A_842 : i32 to index
      %get3A_844 = tpu.vector_load %arg6[%get3A_843] {strides = array<i32>} : memref<12288xf32, #tpu.memory_space<vmem>>, vector<16xf32>,
      %sub3A_845 = arith.subf %gather3A_839, %get3A_844 : vector<16xf32>
      %mul3A_846 = arith.constant 16 : i32
      %mul3A_847 = arith.muli %scan3A_269, %mul3A_846 : i32
      %swap3A_848 = arith.constant 0 : i32
      %swap3A_849 = arith.constant 7 : i32
      %swap3A_850 = arith.index_cast %swap3A_848 : i32 to index
      %swap3A_851 = arith.index_cast %swap3A_849 : i32 to index
      %swap3A_852 = arith.index_cast %mul3A_847 : i32 to index
      %swap3A_853 = tpu.vector_load %arg10[%swap3A_850, %swap3A_851, %swap3A_852] {strides = array<i32>} : memref<3x15x128xf32, #tpu.memory_space<vmem>>, vector<16xf32>,
      tpu.vector_store %arg10[%swap3A_850, %swap3A_851, %swap3A_852], %sub3A_845 {strides = array<i32>} : memref<3x15x128xf32, #tpu.memory_space<vmem>>, vector<16xf32>,
      %add3A_854 = arith.constant 1024 : i32
      %add3A_855 = arith.addi %mul3A_32, %add3A_854 : i32
      %add3A_856 = vector.broadcast %add3A_855 : i32 to vector<16xi32>
      %add3A_857 = arith.addi %add3A_856, %get3A_834 : vector<16xi32>
      %gather3A_858 = tpu.vector_load_idx %arg6[%add3A_857] : memref<12288xf32, #tpu.memory_space<vmem>>[vector<16xi32>], vector<16xf32>,
      %add3A_859 = arith.constant 1024 : i32
      %add3A_860 = arith.addi %mul3A_32, %add3A_859 : i32
      %add3A_861 = arith.addi %add3A_860, %add3A_300 : i32
      %get3A_862 = arith.index_cast %add3A_861 : i32 to index
      %get3A_863 = tpu.vector_load %arg6[%get3A_862] {strides = array<i32>} : memref<12288xf32, #tpu.memory_space<vmem>>, vector<16xf32>,
      %sub3A_864 = arith.subf %gather3A_858, %get3A_863 : vector<16xf32>
      %mul3A_865 = arith.constant 16 : i32
      %mul3A_866 = arith.muli %scan3A_269, %mul3A_865 : i32
      %swap3A_867 = arith.constant 1 : i32
      %swap3A_868 = arith.constant 7 : i32
      %swap3A_869 = arith.index_cast %swap3A_867 : i32 to index
      %swap3A_870 = arith.index_cast %swap3A_868 : i32 to index
      %swap3A_871 = arith.index_cast %mul3A_866 : i32 to index
      %swap3A_872 = tpu.vector_load %arg10[%swap3A_869, %swap3A_870, %swap3A_871] {strides = array<i32>} : memref<3x15x128xf32, #tpu.memory_space<vmem>>, vector<16xf32>,
      tpu.vector_store %arg10[%swap3A_869, %swap3A_870, %swap3A_871], %sub3A_864 {strides = array<i32>} : memref<3x15x128xf32, #tpu.memory_space<vmem>>, vector<16xf32>,
      %add3A_873 = arith.constant 2048 : i32
      %add3A_874 = arith.addi %mul3A_32, %add3A_873 : i32
      %add3A_875 = vector.broadcast %add3A_874 : i32 to vector<16xi32>
      %add3A_876 = arith.addi %add3A_875, %get3A_834 : vector<16xi32>
      %gather3A_877 = tpu.vector_load_idx %arg6[%add3A_876] : memref<12288xf32, #tpu.memory_space<vmem>>[vector<16xi32>], vector<16xf32>,
      %add3A_878 = arith.constant 2048 : i32
      %add3A_879 = arith.addi %mul3A_32, %add3A_878 : i32
      %add3A_880 = arith.addi %add3A_879, %add3A_300 : i32
      %get3A_881 = arith.index_cast %add3A_880 : i32 to index
      %get3A_882 = tpu.vector_load %arg6[%get3A_881] {strides = array<i32>} : memref<12288xf32, #tpu.memory_space<vmem>>, vector<16xf32>,
      %sub3A_883 = arith.subf %gather3A_877, %get3A_882 : vector<16xf32>
      %mul3A_884 = arith.constant 16 : i32
      %mul3A_885 = arith.muli %scan3A_269, %mul3A_884 : i32
      %swap3A_886 = arith.constant 2 : i32
      %swap3A_887 = arith.constant 7 : i32
      %swap3A_888 = arith.index_cast %swap3A_886 : i32 to index
      %swap3A_889 = arith.index_cast %swap3A_887 : i32 to index
      %swap3A_890 = arith.index_cast %mul3A_885 : i32 to index
      %swap3A_891 = tpu.vector_load %arg10[%swap3A_888, %swap3A_889, %swap3A_890] {strides = array<i32>} : memref<3x15x128xf32, #tpu.memory_space<vmem>>, vector<16xf32>,
      tpu.vector_store %arg10[%swap3A_888, %swap3A_889, %swap3A_890], %sub3A_883 {strides = array<i32>} : memref<3x15x128xf32, #tpu.memory_space<vmem>>, vector<16xf32>,
      %add3A_892 = arith.addf %add3A_816, %sub3A_845 : vector<16xf32>
      %add3A_893 = arith.addf %add3A_817, %sub3A_864 : vector<16xf32>
      %add3A_894 = arith.addf %add3A_818, %sub3A_883 : vector<16xf32>
      %mul3A_895 = arith.mulf %sub3A_845, %sub3A_845 : vector<16xf32>
      %add3A_896 = arith.addf %add3A_820, %mul3A_895 : vector<16xf32>
      %mul3A_897 = arith.mulf %sub3A_845, %sub3A_864 : vector<16xf32>
      %add3A_898 = arith.addf %add3A_822, %mul3A_897 : vector<16xf32>
      %mul3A_899 = arith.mulf %sub3A_845, %sub3A_883 : vector<16xf32>
      %add3A_900 = arith.addf %add3A_824, %mul3A_899 : vector<16xf32>
      %mul3A_901 = arith.mulf %sub3A_864, %sub3A_864 : vector<16xf32>
      %add3A_902 = arith.addf %add3A_826, %mul3A_901 : vector<16xf32>
      %mul3A_903 = arith.mulf %sub3A_864, %sub3A_883 : vector<16xf32>
      %add3A_904 = arith.addf %add3A_828, %mul3A_903 : vector<16xf32>
      %mul3A_905 = arith.mulf %sub3A_883, %sub3A_883 : vector<16xf32>
      %add3A_906 = arith.addf %add3A_830, %mul3A_905 : vector<16xf32>
      %get3A_907 = arith.constant 9 : i32
      %get3A_908 = arith.index_cast %get3A_907 : i32 to index
      %get3A_909 = arith.constant 0 : index
      %get3A_910 = tpu.vector_load %arg9[%get3A_908, %get3A_909] {strides = array<i32>} : memref<16x16xi32, #tpu.memory_space<vmem>>, vector<16xi32>,
      %add3A_911 = arith.constant 0 : i32
      %add3A_912 = arith.addi %mul3A_32, %add3A_911 : i32
      %add3A_913 = vector.broadcast %add3A_912 : i32 to vector<16xi32>
      %add3A_914 = arith.addi %add3A_913, %get3A_910 : vector<16xi32>
      %gather3A_915 = tpu.vector_load_idx %arg6[%add3A_914] : memref<12288xf32, #tpu.memory_space<vmem>>[vector<16xi32>], vector<16xf32>,
      %add3A_916 = arith.constant 0 : i32
      %add3A_917 = arith.addi %mul3A_32, %add3A_916 : i32
      %add3A_918 = arith.addi %add3A_917, %add3A_300 : i32
      %get3A_919 = arith.index_cast %add3A_918 : i32 to index
      %get3A_920 = tpu.vector_load %arg6[%get3A_919] {strides = array<i32>} : memref<12288xf32, #tpu.memory_space<vmem>>, vector<16xf32>,
      %sub3A_921 = arith.subf %gather3A_915, %get3A_920 : vector<16xf32>
      %mul3A_922 = arith.constant 16 : i32
      %mul3A_923 = arith.muli %scan3A_269, %mul3A_922 : i32
      %swap3A_924 = arith.constant 0 : i32
      %swap3A_925 = arith.constant 8 : i32
      %swap3A_926 = arith.index_cast %swap3A_924 : i32 to index
      %swap3A_927 = arith.index_cast %swap3A_925 : i32 to index
      %swap3A_928 = arith.index_cast %mul3A_923 : i32 to index
      %swap3A_929 = tpu.vector_load %arg10[%swap3A_926, %swap3A_927, %swap3A_928] {strides = array<i32>} : memref<3x15x128xf32, #tpu.memory_space<vmem>>, vector<16xf32>,
      tpu.vector_store %arg10[%swap3A_926, %swap3A_927, %swap3A_928], %sub3A_921 {strides = array<i32>} : memref<3x15x128xf32, #tpu.memory_space<vmem>>, vector<16xf32>,
      %add3A_930 = arith.constant 1024 : i32
      %add3A_931 = arith.addi %mul3A_32, %add3A_930 : i32
      %add3A_932 = vector.broadcast %add3A_931 : i32 to vector<16xi32>
      %add3A_933 = arith.addi %add3A_932, %get3A_910 : vector<16xi32>
      %gather3A_934 = tpu.vector_load_idx %arg6[%add3A_933] : memref<12288xf32, #tpu.memory_space<vmem>>[vector<16xi32>], vector<16xf32>,
      %add3A_935 = arith.constant 1024 : i32
      %add3A_936 = arith.addi %mul3A_32, %add3A_935 : i32
      %add3A_937 = arith.addi %add3A_936, %add3A_300 : i32
      %get3A_938 = arith.index_cast %add3A_937 : i32 to index
      %get3A_939 = tpu.vector_load %arg6[%get3A_938] {strides = array<i32>} : memref<12288xf32, #tpu.memory_space<vmem>>, vector<16xf32>,
      %sub3A_940 = arith.subf %gather3A_934, %get3A_939 : vector<16xf32>
      %mul3A_941 = arith.constant 16 : i32
      %mul3A_942 = arith.muli %scan3A_269, %mul3A_941 : i32
      %swap3A_943 = arith.constant 1 : i32
      %swap3A_944 = arith.constant 8 : i32
      %swap3A_945 = arith.index_cast %swap3A_943 : i32 to index
      %swap3A_946 = arith.index_cast %swap3A_944 : i32 to index
      %swap3A_947 = arith.index_cast %mul3A_942 : i32 to index
      %swap3A_948 = tpu.vector_load %arg10[%swap3A_945, %swap3A_946, %swap3A_947] {strides = array<i32>} : memref<3x15x128xf32, #tpu.memory_space<vmem>>, vector<16xf32>,
      tpu.vector_store %arg10[%swap3A_945, %swap3A_946, %swap3A_947], %sub3A_940 {strides = array<i32>} : memref<3x15x128xf32, #tpu.memory_space<vmem>>, vector<16xf32>,
      %add3A_949 = arith.constant 2048 : i32
      %add3A_950 = arith.addi %mul3A_32, %add3A_949 : i32
      %add3A_951 = vector.broadcast %add3A_950 : i32 to vector<16xi32>
      %add3A_952 = arith.addi %add3A_951, %get3A_910 : vector<16xi32>
      %gather3A_953 = tpu.vector_load_idx %arg6[%add3A_952] : memref<12288xf32, #tpu.memory_space<vmem>>[vector<16xi32>], vector<16xf32>,
      %add3A_954 = arith.constant 2048 : i32
      %add3A_955 = arith.addi %mul3A_32, %add3A_954 : i32
      %add3A_956 = arith.addi %add3A_955, %add3A_300 : i32
      %get3A_957 = arith.index_cast %add3A_956 : i32 to index
      %get3A_958 = tpu.vector_load %arg6[%get3A_957] {strides = array<i32>} : memref<12288xf32, #tpu.memory_space<vmem>>, vector<16xf32>,
      %sub3A_959 = arith.subf %gather3A_953, %get3A_958 : vector<16xf32>
      %mul3A_960 = arith.constant 16 : i32
      %mul3A_961 = arith.muli %scan3A_269, %mul3A_960 : i32
      %swap3A_962 = arith.constant 2 : i32
      %swap3A_963 = arith.constant 8 : i32
      %swap3A_964 = arith.index_cast %swap3A_962 : i32 to index
      %swap3A_965 = arith.index_cast %swap3A_963 : i32 to index
      %swap3A_966 = arith.index_cast %mul3A_961 : i32 to index
      %swap3A_967 = tpu.vector_load %arg10[%swap3A_964, %swap3A_965, %swap3A_966] {strides = array<i32>} : memref<3x15x128xf32, #tpu.memory_space<vmem>>, vector<16xf32>,
      tpu.vector_store %arg10[%swap3A_964, %swap3A_965, %swap3A_966], %sub3A_959 {strides = array<i32>} : memref<3x15x128xf32, #tpu.memory_space<vmem>>, vector<16xf32>,
      %add3A_968 = arith.addf %add3A_892, %sub3A_921 : vector<16xf32>
      %add3A_969 = arith.addf %add3A_893, %sub3A_940 : vector<16xf32>
      %add3A_970 = arith.addf %add3A_894, %sub3A_959 : vector<16xf32>
      %mul3A_971 = arith.mulf %sub3A_921, %sub3A_921 : vector<16xf32>
      %add3A_972 = arith.addf %add3A_896, %mul3A_971 : vector<16xf32>
      %mul3A_973 = arith.mulf %sub3A_921, %sub3A_940 : vector<16xf32>
      %add3A_974 = arith.addf %add3A_898, %mul3A_973 : vector<16xf32>
      %mul3A_975 = arith.mulf %sub3A_921, %sub3A_959 : vector<16xf32>
      %add3A_976 = arith.addf %add3A_900, %mul3A_975 : vector<16xf32>
      %mul3A_977 = arith.mulf %sub3A_940, %sub3A_940 : vector<16xf32>
      %add3A_978 = arith.addf %add3A_902, %mul3A_977 : vector<16xf32>
      %mul3A_979 = arith.mulf %sub3A_940, %sub3A_959 : vector<16xf32>
      %add3A_980 = arith.addf %add3A_904, %mul3A_979 : vector<16xf32>
      %mul3A_981 = arith.mulf %sub3A_959, %sub3A_959 : vector<16xf32>
      %add3A_982 = arith.addf %add3A_906, %mul3A_981 : vector<16xf32>
      %get3A_983 = arith.constant 10 : i32
      %get3A_984 = arith.index_cast %get3A_983 : i32 to index
      %get3A_985 = arith.constant 0 : index
      %get3A_986 = tpu.vector_load %arg9[%get3A_984, %get3A_985] {strides = array<i32>} : memref<16x16xi32, #tpu.memory_space<vmem>>, vector<16xi32>,
      %add3A_987 = arith.constant 0 : i32
      %add3A_988 = arith.addi %mul3A_32, %add3A_987 : i32
      %add3A_989 = vector.broadcast %add3A_988 : i32 to vector<16xi32>
      %add3A_990 = arith.addi %add3A_989, %get3A_986 : vector<16xi32>
      %gather3A_991 = tpu.vector_load_idx %arg6[%add3A_990] : memref<12288xf32, #tpu.memory_space<vmem>>[vector<16xi32>], vector<16xf32>,
      %add3A_992 = arith.constant 0 : i32
      %add3A_993 = arith.addi %mul3A_32, %add3A_992 : i32
      %add3A_994 = arith.addi %add3A_993, %add3A_300 : i32
      %get3A_995 = arith.index_cast %add3A_994 : i32 to index
      %get3A_996 = tpu.vector_load %arg6[%get3A_995] {strides = array<i32>} : memref<12288xf32, #tpu.memory_space<vmem>>, vector<16xf32>,
      %sub3A_997 = arith.subf %gather3A_991, %get3A_996 : vector<16xf32>
      %mul3A_998 = arith.constant 16 : i32
      %mul3A_999 = arith.muli %scan3A_269, %mul3A_998 : i32
      %swap3A_1000 = arith.constant 0 : i32
      %swap3A_1001 = arith.constant 9 : i32
      %swap3A_1002 = arith.index_cast %swap3A_1000 : i32 to index
      %swap3A_1003 = arith.index_cast %swap3A_1001 : i32 to index
      %swap3A_1004 = arith.index_cast %mul3A_999 : i32 to index
      %swap3A_1005 = tpu.vector_load %arg10[%swap3A_1002, %swap3A_1003, %swap3A_1004] {strides = array<i32>} : memref<3x15x128xf32, #tpu.memory_space<vmem>>, vector<16xf32>,
      tpu.vector_store %arg10[%swap3A_1002, %swap3A_1003, %swap3A_1004], %sub3A_997 {strides = array<i32>} : memref<3x15x128xf32, #tpu.memory_space<vmem>>, vector<16xf32>,
      %add3A_1006 = arith.constant 1024 : i32
      %add3A_1007 = arith.addi %mul3A_32, %add3A_1006 : i32
      %add3A_1008 = vector.broadcast %add3A_1007 : i32 to vector<16xi32>
      %add3A_1009 = arith.addi %add3A_1008, %get3A_986 : vector<16xi32>
      %gather3A_1010 = tpu.vector_load_idx %arg6[%add3A_1009] : memref<12288xf32, #tpu.memory_space<vmem>>[vector<16xi32>], vector<16xf32>,
      %add3A_1011 = arith.constant 1024 : i32
      %add3A_1012 = arith.addi %mul3A_32, %add3A_1011 : i32
      %add3A_1013 = arith.addi %add3A_1012, %add3A_300 : i32
      %get3A_1014 = arith.index_cast %add3A_1013 : i32 to index
      %get3A_1015 = tpu.vector_load %arg6[%get3A_1014] {strides = array<i32>} : memref<12288xf32, #tpu.memory_space<vmem>>, vector<16xf32>,
      %sub3A_1016 = arith.subf %gather3A_1010, %get3A_1015 : vector<16xf32>
      %mul3A_1017 = arith.constant 16 : i32
      %mul3A_1018 = arith.muli %scan3A_269, %mul3A_1017 : i32
      %swap3A_1019 = arith.constant 1 : i32
      %swap3A_1020 = arith.constant 9 : i32
      %swap3A_1021 = arith.index_cast %swap3A_1019 : i32 to index
      %swap3A_1022 = arith.index_cast %swap3A_1020 : i32 to index
      %swap3A_1023 = arith.index_cast %mul3A_1018 : i32 to index
      %swap3A_1024 = tpu.vector_load %arg10[%swap3A_1021, %swap3A_1022, %swap3A_1023] {strides = array<i32>} : memref<3x15x128xf32, #tpu.memory_space<vmem>>, vector<16xf32>,
      tpu.vector_store %arg10[%swap3A_1021, %swap3A_1022, %swap3A_1023], %sub3A_1016 {strides = array<i32>} : memref<3x15x128xf32, #tpu.memory_space<vmem>>, vector<16xf32>,
      %add3A_1025 = arith.constant 2048 : i32
      %add3A_1026 = arith.addi %mul3A_32, %add3A_1025 : i32
      %add3A_1027 = vector.broadcast %add3A_1026 : i32 to vector<16xi32>
      %add3A_1028 = arith.addi %add3A_1027, %get3A_986 : vector<16xi32>
      %gather3A_1029 = tpu.vector_load_idx %arg6[%add3A_1028] : memref<12288xf32, #tpu.memory_space<vmem>>[vector<16xi32>], vector<16xf32>,
      %add3A_1030 = arith.constant 2048 : i32
      %add3A_1031 = arith.addi %mul3A_32, %add3A_1030 : i32
      %add3A_1032 = arith.addi %add3A_1031, %add3A_300 : i32
      %get3A_1033 = arith.index_cast %add3A_1032 : i32 to index
      %get3A_1034 = tpu.vector_load %arg6[%get3A_1033] {strides = array<i32>} : memref<12288xf32, #tpu.memory_space<vmem>>, vector<16xf32>,
      %sub3A_1035 = arith.subf %gather3A_1029, %get3A_1034 : vector<16xf32>
      %mul3A_1036 = arith.constant 16 : i32
      %mul3A_1037 = arith.muli %scan3A_269, %mul3A_1036 : i32
      %swap3A_1038 = arith.constant 2 : i32
      %swap3A_1039 = arith.constant 9 : i32
      %swap3A_1040 = arith.index_cast %swap3A_1038 : i32 to index
      %swap3A_1041 = arith.index_cast %swap3A_1039 : i32 to index
      %swap3A_1042 = arith.index_cast %mul3A_1037 : i32 to index
      %swap3A_1043 = tpu.vector_load %arg10[%swap3A_1040, %swap3A_1041, %swap3A_1042] {strides = array<i32>} : memref<3x15x128xf32, #tpu.memory_space<vmem>>, vector<16xf32>,
      tpu.vector_store %arg10[%swap3A_1040, %swap3A_1041, %swap3A_1042], %sub3A_1035 {strides = array<i32>} : memref<3x15x128xf32, #tpu.memory_space<vmem>>, vector<16xf32>,
      %add3A_1044 = arith.addf %add3A_968, %sub3A_997 : vector<16xf32>
      %add3A_1045 = arith.addf %add3A_969, %sub3A_1016 : vector<16xf32>
      %add3A_1046 = arith.addf %add3A_970, %sub3A_1035 : vector<16xf32>
      %mul3A_1047 = arith.mulf %sub3A_997, %sub3A_997 : vector<16xf32>
      %add3A_1048 = arith.addf %add3A_972, %mul3A_1047 : vector<16xf32>
      %mul3A_1049 = arith.mulf %sub3A_997, %sub3A_1016 : vector<16xf32>
      %add3A_1050 = arith.addf %add3A_974, %mul3A_1049 : vector<16xf32>
      %mul3A_1051 = arith.mulf %sub3A_997, %sub3A_1035 : vector<16xf32>
      %add3A_1052 = arith.addf %add3A_976, %mul3A_1051 : vector<16xf32>
      %mul3A_1053 = arith.mulf %sub3A_1016, %sub3A_1016 : vector<16xf32>
      %add3A_1054 = arith.addf %add3A_978, %mul3A_1053 : vector<16xf32>
      %mul3A_1055 = arith.mulf %sub3A_1016, %sub3A_1035 : vector<16xf32>
      %add3A_1056 = arith.addf %add3A_980, %mul3A_1055 : vector<16xf32>
      %mul3A_1057 = arith.mulf %sub3A_1035, %sub3A_1035 : vector<16xf32>
      %add3A_1058 = arith.addf %add3A_982, %mul3A_1057 : vector<16xf32>
      %get3A_1059 = arith.constant 11 : i32
      %get3A_1060 = arith.index_cast %get3A_1059 : i32 to index
      %get3A_1061 = arith.constant 0 : index
      %get3A_1062 = tpu.vector_load %arg9[%get3A_1060, %get3A_1061] {strides = array<i32>} : memref<16x16xi32, #tpu.memory_space<vmem>>, vector<16xi32>,
      %add3A_1063 = arith.constant 0 : i32
      %add3A_1064 = arith.addi %mul3A_32, %add3A_1063 : i32
      %add3A_1065 = vector.broadcast %add3A_1064 : i32 to vector<16xi32>
      %add3A_1066 = arith.addi %add3A_1065, %get3A_1062 : vector<16xi32>
      %gather3A_1067 = tpu.vector_load_idx %arg6[%add3A_1066] : memref<12288xf32, #tpu.memory_space<vmem>>[vector<16xi32>], vector<16xf32>,
      %add3A_1068 = arith.constant 0 : i32
      %add3A_1069 = arith.addi %mul3A_32, %add3A_1068 : i32
      %add3A_1070 = arith.addi %add3A_1069, %add3A_300 : i32
      %get3A_1071 = arith.index_cast %add3A_1070 : i32 to index
      %get3A_1072 = tpu.vector_load %arg6[%get3A_1071] {strides = array<i32>} : memref<12288xf32, #tpu.memory_space<vmem>>, vector<16xf32>,
      %sub3A_1073 = arith.subf %gather3A_1067, %get3A_1072 : vector<16xf32>
      %mul3A_1074 = arith.constant 16 : i32
      %mul3A_1075 = arith.muli %scan3A_269, %mul3A_1074 : i32
      %swap3A_1076 = arith.constant 0 : i32
      %swap3A_1077 = arith.constant 10 : i32
      %swap3A_1078 = arith.index_cast %swap3A_1076 : i32 to index
      %swap3A_1079 = arith.index_cast %swap3A_1077 : i32 to index
      %swap3A_1080 = arith.index_cast %mul3A_1075 : i32 to index
      %swap3A_1081 = tpu.vector_load %arg10[%swap3A_1078, %swap3A_1079, %swap3A_1080] {strides = array<i32>} : memref<3x15x128xf32, #tpu.memory_space<vmem>>, vector<16xf32>,
      tpu.vector_store %arg10[%swap3A_1078, %swap3A_1079, %swap3A_1080], %sub3A_1073 {strides = array<i32>} : memref<3x15x128xf32, #tpu.memory_space<vmem>>, vector<16xf32>,
      %add3A_1082 = arith.constant 1024 : i32
      %add3A_1083 = arith.addi %mul3A_32, %add3A_1082 : i32
      %add3A_1084 = vector.broadcast %add3A_1083 : i32 to vector<16xi32>
      %add3A_1085 = arith.addi %add3A_1084, %get3A_1062 : vector<16xi32>
      %gather3A_1086 = tpu.vector_load_idx %arg6[%add3A_1085] : memref<12288xf32, #tpu.memory_space<vmem>>[vector<16xi32>], vector<16xf32>,
      %add3A_1087 = arith.constant 1024 : i32
      %add3A_1088 = arith.addi %mul3A_32, %add3A_1087 : i32
      %add3A_1089 = arith.addi %add3A_1088, %add3A_300 : i32
      %get3A_1090 = arith.index_cast %add3A_1089 : i32 to index
      %get3A_1091 = tpu.vector_load %arg6[%get3A_1090] {strides = array<i32>} : memref<12288xf32, #tpu.memory_space<vmem>>, vector<16xf32>,
      %sub3A_1092 = arith.subf %gather3A_1086, %get3A_1091 : vector<16xf32>
      %mul3A_1093 = arith.constant 16 : i32
      %mul3A_1094 = arith.muli %scan3A_269, %mul3A_1093 : i32
      %swap3A_1095 = arith.constant 1 : i32
      %swap3A_1096 = arith.constant 10 : i32
      %swap3A_1097 = arith.index_cast %swap3A_1095 : i32 to index
      %swap3A_1098 = arith.index_cast %swap3A_1096 : i32 to index
      %swap3A_1099 = arith.index_cast %mul3A_1094 : i32 to index
      %swap3A_1100 = tpu.vector_load %arg10[%swap3A_1097, %swap3A_1098, %swap3A_1099] {strides = array<i32>} : memref<3x15x128xf32, #tpu.memory_space<vmem>>, vector<16xf32>,
      tpu.vector_store %arg10[%swap3A_1097, %swap3A_1098, %swap3A_1099], %sub3A_1092 {strides = array<i32>} : memref<3x15x128xf32, #tpu.memory_space<vmem>>, vector<16xf32>,
      %add3A_1101 = arith.constant 2048 : i32
      %add3A_1102 = arith.addi %mul3A_32, %add3A_1101 : i32
      %add3A_1103 = vector.broadcast %add3A_1102 : i32 to vector<16xi32>
      %add3A_1104 = arith.addi %add3A_1103, %get3A_1062 : vector<16xi32>
      %gather3A_1105 = tpu.vector_load_idx %arg6[%add3A_1104] : memref<12288xf32, #tpu.memory_space<vmem>>[vector<16xi32>], vector<16xf32>,
      %add3A_1106 = arith.constant 2048 : i32
      %add3A_1107 = arith.addi %mul3A_32, %add3A_1106 : i32
      %add3A_1108 = arith.addi %add3A_1107, %add3A_300 : i32
      %get3A_1109 = arith.index_cast %add3A_1108 : i32 to index
      %get3A_1110 = tpu.vector_load %arg6[%get3A_1109] {strides = array<i32>} : memref<12288xf32, #tpu.memory_space<vmem>>, vector<16xf32>,
      %sub3A_1111 = arith.subf %gather3A_1105, %get3A_1110 : vector<16xf32>
      %mul3A_1112 = arith.constant 16 : i32
      %mul3A_1113 = arith.muli %scan3A_269, %mul3A_1112 : i32
      %swap3A_1114 = arith.constant 2 : i32
      %swap3A_1115 = arith.constant 10 : i32
      %swap3A_1116 = arith.index_cast %swap3A_1114 : i32 to index
      %swap3A_1117 = arith.index_cast %swap3A_1115 : i32 to index
      %swap3A_1118 = arith.index_cast %mul3A_1113 : i32 to index
      %swap3A_1119 = tpu.vector_load %arg10[%swap3A_1116, %swap3A_1117, %swap3A_1118] {strides = array<i32>} : memref<3x15x128xf32, #tpu.memory_space<vmem>>, vector<16xf32>,
      tpu.vector_store %arg10[%swap3A_1116, %swap3A_1117, %swap3A_1118], %sub3A_1111 {strides = array<i32>} : memref<3x15x128xf32, #tpu.memory_space<vmem>>, vector<16xf32>,
      %add3A_1120 = arith.addf %add3A_1044, %sub3A_1073 : vector<16xf32>
      %add3A_1121 = arith.addf %add3A_1045, %sub3A_1092 : vector<16xf32>
      %add3A_1122 = arith.addf %add3A_1046, %sub3A_1111 : vector<16xf32>
      %mul3A_1123 = arith.mulf %sub3A_1073, %sub3A_1073 : vector<16xf32>
      %add3A_1124 = arith.addf %add3A_1048, %mul3A_1123 : vector<16xf32>
      %mul3A_1125 = arith.mulf %sub3A_1073, %sub3A_1092 : vector<16xf32>
      %add3A_1126 = arith.addf %add3A_1050, %mul3A_1125 : vector<16xf32>
      %mul3A_1127 = arith.mulf %sub3A_1073, %sub3A_1111 : vector<16xf32>
      %add3A_1128 = arith.addf %add3A_1052, %mul3A_1127 : vector<16xf32>
      %mul3A_1129 = arith.mulf %sub3A_1092, %sub3A_1092 : vector<16xf32>
      %add3A_1130 = arith.addf %add3A_1054, %mul3A_1129 : vector<16xf32>
      %mul3A_1131 = arith.mulf %sub3A_1092, %sub3A_1111 : vector<16xf32>
      %add3A_1132 = arith.addf %add3A_1056, %mul3A_1131 : vector<16xf32>
      %mul3A_1133 = arith.mulf %sub3A_1111, %sub3A_1111 : vector<16xf32>
      %add3A_1134 = arith.addf %add3A_1058, %mul3A_1133 : vector<16xf32>
      %get3A_1135 = arith.constant 12 : i32
      %get3A_1136 = arith.index_cast %get3A_1135 : i32 to index
      %get3A_1137 = arith.constant 0 : index
      %get3A_1138 = tpu.vector_load %arg9[%get3A_1136, %get3A_1137] {strides = array<i32>} : memref<16x16xi32, #tpu.memory_space<vmem>>, vector<16xi32>,
      %add3A_1139 = arith.constant 0 : i32
      %add3A_1140 = arith.addi %mul3A_32, %add3A_1139 : i32
      %add3A_1141 = vector.broadcast %add3A_1140 : i32 to vector<16xi32>
      %add3A_1142 = arith.addi %add3A_1141, %get3A_1138 : vector<16xi32>
      %gather3A_1143 = tpu.vector_load_idx %arg6[%add3A_1142] : memref<12288xf32, #tpu.memory_space<vmem>>[vector<16xi32>], vector<16xf32>,
      %add3A_1144 = arith.constant 0 : i32
      %add3A_1145 = arith.addi %mul3A_32, %add3A_1144 : i32
      %add3A_1146 = arith.addi %add3A_1145, %add3A_300 : i32
      %get3A_1147 = arith.index_cast %add3A_1146 : i32 to index
      %get3A_1148 = tpu.vector_load %arg6[%get3A_1147] {strides = array<i32>} : memref<12288xf32, #tpu.memory_space<vmem>>, vector<16xf32>,
      %sub3A_1149 = arith.subf %gather3A_1143, %get3A_1148 : vector<16xf32>
      %mul3A_1150 = arith.constant 16 : i32
      %mul3A_1151 = arith.muli %scan3A_269, %mul3A_1150 : i32
      %swap3A_1152 = arith.constant 0 : i32
      %swap3A_1153 = arith.constant 11 : i32
      %swap3A_1154 = arith.index_cast %swap3A_1152 : i32 to index
      %swap3A_1155 = arith.index_cast %swap3A_1153 : i32 to index
      %swap3A_1156 = arith.index_cast %mul3A_1151 : i32 to index
      %swap3A_1157 = tpu.vector_load %arg10[%swap3A_1154, %swap3A_1155, %swap3A_1156] {strides = array<i32>} : memref<3x15x128xf32, #tpu.memory_space<vmem>>, vector<16xf32>,
      tpu.vector_store %arg10[%swap3A_1154, %swap3A_1155, %swap3A_1156], %sub3A_1149 {strides = array<i32>} : memref<3x15x128xf32, #tpu.memory_space<vmem>>, vector<16xf32>,
      %add3A_1158 = arith.constant 1024 : i32
      %add3A_1159 = arith.addi %mul3A_32, %add3A_1158 : i32
      %add3A_1160 = vector.broadcast %add3A_1159 : i32 to vector<16xi32>
      %add3A_1161 = arith.addi %add3A_1160, %get3A_1138 : vector<16xi32>
      %gather3A_1162 = tpu.vector_load_idx %arg6[%add3A_1161] : memref<12288xf32, #tpu.memory_space<vmem>>[vector<16xi32>], vector<16xf32>,
      %add3A_1163 = arith.constant 1024 : i32
      %add3A_1164 = arith.addi %mul3A_32, %add3A_1163 : i32
      %add3A_1165 = arith.addi %add3A_1164, %add3A_300 : i32
      %get3A_1166 = arith.index_cast %add3A_1165 : i32 to index
      %get3A_1167 = tpu.vector_load %arg6[%get3A_1166] {strides = array<i32>} : memref<12288xf32, #tpu.memory_space<vmem>>, vector<16xf32>,
      %sub3A_1168 = arith.subf %gather3A_1162, %get3A_1167 : vector<16xf32>
      %mul3A_1169 = arith.constant 16 : i32
      %mul3A_1170 = arith.muli %scan3A_269, %mul3A_1169 : i32
      %swap3A_1171 = arith.constant 1 : i32
      %swap3A_1172 = arith.constant 11 : i32
      %swap3A_1173 = arith.index_cast %swap3A_1171 : i32 to index
      %swap3A_1174 = arith.index_cast %swap3A_1172 : i32 to index
      %swap3A_1175 = arith.index_cast %mul3A_1170 : i32 to index
      %swap3A_1176 = tpu.vector_load %arg10[%swap3A_1173, %swap3A_1174, %swap3A_1175] {strides = array<i32>} : memref<3x15x128xf32, #tpu.memory_space<vmem>>, vector<16xf32>,
      tpu.vector_store %arg10[%swap3A_1173, %swap3A_1174, %swap3A_1175], %sub3A_1168 {strides = array<i32>} : memref<3x15x128xf32, #tpu.memory_space<vmem>>, vector<16xf32>,
      %add3A_1177 = arith.constant 2048 : i32
      %add3A_1178 = arith.addi %mul3A_32, %add3A_1177 : i32
      %add3A_1179 = vector.broadcast %add3A_1178 : i32 to vector<16xi32>
      %add3A_1180 = arith.addi %add3A_1179, %get3A_1138 : vector<16xi32>
      %gather3A_1181 = tpu.vector_load_idx %arg6[%add3A_1180] : memref<12288xf32, #tpu.memory_space<vmem>>[vector<16xi32>], vector<16xf32>,
      %add3A_1182 = arith.constant 2048 : i32
      %add3A_1183 = arith.addi %mul3A_32, %add3A_1182 : i32
      %add3A_1184 = arith.addi %add3A_1183, %add3A_300 : i32
      %get3A_1185 = arith.index_cast %add3A_1184 : i32 to index
      %get3A_1186 = tpu.vector_load %arg6[%get3A_1185] {strides = array<i32>} : memref<12288xf32, #tpu.memory_space<vmem>>, vector<16xf32>,
      %sub3A_1187 = arith.subf %gather3A_1181, %get3A_1186 : vector<16xf32>
      %mul3A_1188 = arith.constant 16 : i32
      %mul3A_1189 = arith.muli %scan3A_269, %mul3A_1188 : i32
      %swap3A_1190 = arith.constant 2 : i32
      %swap3A_1191 = arith.constant 11 : i32
      %swap3A_1192 = arith.index_cast %swap3A_1190 : i32 to index
      %swap3A_1193 = arith.index_cast %swap3A_1191 : i32 to index
      %swap3A_1194 = arith.index_cast %mul3A_1189 : i32 to index
      %swap3A_1195 = tpu.vector_load %arg10[%swap3A_1192, %swap3A_1193, %swap3A_1194] {strides = array<i32>} : memref<3x15x128xf32, #tpu.memory_space<vmem>>, vector<16xf32>,
      tpu.vector_store %arg10[%swap3A_1192, %swap3A_1193, %swap3A_1194], %sub3A_1187 {strides = array<i32>} : memref<3x15x128xf32, #tpu.memory_space<vmem>>, vector<16xf32>,
      %add3A_1196 = arith.addf %add3A_1120, %sub3A_1149 : vector<16xf32>
      %add3A_1197 = arith.addf %add3A_1121, %sub3A_1168 : vector<16xf32>
      %add3A_1198 = arith.addf %add3A_1122, %sub3A_1187 : vector<16xf32>
      %mul3A_1199 = arith.mulf %sub3A_1149, %sub3A_1149 : vector<16xf32>
      %add3A_1200 = arith.addf %add3A_1124, %mul3A_1199 : vector<16xf32>
      %mul3A_1201 = arith.mulf %sub3A_1149, %sub3A_1168 : vector<16xf32>
      %add3A_1202 = arith.addf %add3A_1126, %mul3A_1201 : vector<16xf32>
      %mul3A_1203 = arith.mulf %sub3A_1149, %sub3A_1187 : vector<16xf32>
      %add3A_1204 = arith.addf %add3A_1128, %mul3A_1203 : vector<16xf32>
      %mul3A_1205 = arith.mulf %sub3A_1168, %sub3A_1168 : vector<16xf32>
      %add3A_1206 = arith.addf %add3A_1130, %mul3A_1205 : vector<16xf32>
      %mul3A_1207 = arith.mulf %sub3A_1168, %sub3A_1187 : vector<16xf32>
      %add3A_1208 = arith.addf %add3A_1132, %mul3A_1207 : vector<16xf32>
      %mul3A_1209 = arith.mulf %sub3A_1187, %sub3A_1187 : vector<16xf32>
      %add3A_1210 = arith.addf %add3A_1134, %mul3A_1209 : vector<16xf32>
      %get3A_1211 = arith.constant 13 : i32
      %get3A_1212 = arith.index_cast %get3A_1211 : i32 to index
      %get3A_1213 = arith.constant 0 : index
      %get3A_1214 = tpu.vector_load %arg9[%get3A_1212, %get3A_1213] {strides = array<i32>} : memref<16x16xi32, #tpu.memory_space<vmem>>, vector<16xi32>,
      %add3A_1215 = arith.constant 0 : i32
      %add3A_1216 = arith.addi %mul3A_32, %add3A_1215 : i32
      %add3A_1217 = vector.broadcast %add3A_1216 : i32 to vector<16xi32>
      %add3A_1218 = arith.addi %add3A_1217, %get3A_1214 : vector<16xi32>
      %gather3A_1219 = tpu.vector_load_idx %arg6[%add3A_1218] : memref<12288xf32, #tpu.memory_space<vmem>>[vector<16xi32>], vector<16xf32>,
      %add3A_1220 = arith.constant 0 : i32
      %add3A_1221 = arith.addi %mul3A_32, %add3A_1220 : i32
      %add3A_1222 = arith.addi %add3A_1221, %add3A_300 : i32
      %get3A_1223 = arith.index_cast %add3A_1222 : i32 to index
      %get3A_1224 = tpu.vector_load %arg6[%get3A_1223] {strides = array<i32>} : memref<12288xf32, #tpu.memory_space<vmem>>, vector<16xf32>,
      %sub3A_1225 = arith.subf %gather3A_1219, %get3A_1224 : vector<16xf32>
      %mul3A_1226 = arith.constant 16 : i32
      %mul3A_1227 = arith.muli %scan3A_269, %mul3A_1226 : i32
      %swap3A_1228 = arith.constant 0 : i32
      %swap3A_1229 = arith.constant 12 : i32
      %swap3A_1230 = arith.index_cast %swap3A_1228 : i32 to index
      %swap3A_1231 = arith.index_cast %swap3A_1229 : i32 to index
      %swap3A_1232 = arith.index_cast %mul3A_1227 : i32 to index
      %swap3A_1233 = tpu.vector_load %arg10[%swap3A_1230, %swap3A_1231, %swap3A_1232] {strides = array<i32>} : memref<3x15x128xf32, #tpu.memory_space<vmem>>, vector<16xf32>,
      tpu.vector_store %arg10[%swap3A_1230, %swap3A_1231, %swap3A_1232], %sub3A_1225 {strides = array<i32>} : memref<3x15x128xf32, #tpu.memory_space<vmem>>, vector<16xf32>,
      %add3A_1234 = arith.constant 1024 : i32
      %add3A_1235 = arith.addi %mul3A_32, %add3A_1234 : i32
      %add3A_1236 = vector.broadcast %add3A_1235 : i32 to vector<16xi32>
      %add3A_1237 = arith.addi %add3A_1236, %get3A_1214 : vector<16xi32>
      %gather3A_1238 = tpu.vector_load_idx %arg6[%add3A_1237] : memref<12288xf32, #tpu.memory_space<vmem>>[vector<16xi32>], vector<16xf32>,
      %add3A_1239 = arith.constant 1024 : i32
      %add3A_1240 = arith.addi %mul3A_32, %add3A_1239 : i32
      %add3A_1241 = arith.addi %add3A_1240, %add3A_300 : i32
      %get3A_1242 = arith.index_cast %add3A_1241 : i32 to index
      %get3A_1243 = tpu.vector_load %arg6[%get3A_1242] {strides = array<i32>} : memref<12288xf32, #tpu.memory_space<vmem>>, vector<16xf32>,
      %sub3A_1244 = arith.subf %gather3A_1238, %get3A_1243 : vector<16xf32>
      %mul3A_1245 = arith.constant 16 : i32
      %mul3A_1246 = arith.muli %scan3A_269, %mul3A_1245 : i32
      %swap3A_1247 = arith.constant 1 : i32
      %swap3A_1248 = arith.constant 12 : i32
      %swap3A_1249 = arith.index_cast %swap3A_1247 : i32 to index
      %swap3A_1250 = arith.index_cast %swap3A_1248 : i32 to index
      %swap3A_1251 = arith.index_cast %mul3A_1246 : i32 to index
      %swap3A_1252 = tpu.vector_load %arg10[%swap3A_1249, %swap3A_1250, %swap3A_1251] {strides = array<i32>} : memref<3x15x128xf32, #tpu.memory_space<vmem>>, vector<16xf32>,
      tpu.vector_store %arg10[%swap3A_1249, %swap3A_1250, %swap3A_1251], %sub3A_1244 {strides = array<i32>} : memref<3x15x128xf32, #tpu.memory_space<vmem>>, vector<16xf32>,
      %add3A_1253 = arith.constant 2048 : i32
      %add3A_1254 = arith.addi %mul3A_32, %add3A_1253 : i32
      %add3A_1255 = vector.broadcast %add3A_1254 : i32 to vector<16xi32>
      %add3A_1256 = arith.addi %add3A_1255, %get3A_1214 : vector<16xi32>
      %gather3A_1257 = tpu.vector_load_idx %arg6[%add3A_1256] : memref<12288xf32, #tpu.memory_space<vmem>>[vector<16xi32>], vector<16xf32>,
      %add3A_1258 = arith.constant 2048 : i32
      %add3A_1259 = arith.addi %mul3A_32, %add3A_1258 : i32
      %add3A_1260 = arith.addi %add3A_1259, %add3A_300 : i32
      %get3A_1261 = arith.index_cast %add3A_1260 : i32 to index
      %get3A_1262 = tpu.vector_load %arg6[%get3A_1261] {strides = array<i32>} : memref<12288xf32, #tpu.memory_space<vmem>>, vector<16xf32>,
      %sub3A_1263 = arith.subf %gather3A_1257, %get3A_1262 : vector<16xf32>
      %mul3A_1264 = arith.constant 16 : i32
      %mul3A_1265 = arith.muli %scan3A_269, %mul3A_1264 : i32
      %swap3A_1266 = arith.constant 2 : i32
      %swap3A_1267 = arith.constant 12 : i32
      %swap3A_1268 = arith.index_cast %swap3A_1266 : i32 to index
      %swap3A_1269 = arith.index_cast %swap3A_1267 : i32 to index
      %swap3A_1270 = arith.index_cast %mul3A_1265 : i32 to index
      %swap3A_1271 = tpu.vector_load %arg10[%swap3A_1268, %swap3A_1269, %swap3A_1270] {strides = array<i32>} : memref<3x15x128xf32, #tpu.memory_space<vmem>>, vector<16xf32>,
      tpu.vector_store %arg10[%swap3A_1268, %swap3A_1269, %swap3A_1270], %sub3A_1263 {strides = array<i32>} : memref<3x15x128xf32, #tpu.memory_space<vmem>>, vector<16xf32>,
      %add3A_1272 = arith.addf %add3A_1196, %sub3A_1225 : vector<16xf32>
      %add3A_1273 = arith.addf %add3A_1197, %sub3A_1244 : vector<16xf32>
      %add3A_1274 = arith.addf %add3A_1198, %sub3A_1263 : vector<16xf32>
      %mul3A_1275 = arith.mulf %sub3A_1225, %sub3A_1225 : vector<16xf32>
      %add3A_1276 = arith.addf %add3A_1200, %mul3A_1275 : vector<16xf32>
      %mul3A_1277 = arith.mulf %sub3A_1225, %sub3A_1244 : vector<16xf32>
      %add3A_1278 = arith.addf %add3A_1202, %mul3A_1277 : vector<16xf32>
      %mul3A_1279 = arith.mulf %sub3A_1225, %sub3A_1263 : vector<16xf32>
      %add3A_1280 = arith.addf %add3A_1204, %mul3A_1279 : vector<16xf32>
      %mul3A_1281 = arith.mulf %sub3A_1244, %sub3A_1244 : vector<16xf32>
      %add3A_1282 = arith.addf %add3A_1206, %mul3A_1281 : vector<16xf32>
      %mul3A_1283 = arith.mulf %sub3A_1244, %sub3A_1263 : vector<16xf32>
      %add3A_1284 = arith.addf %add3A_1208, %mul3A_1283 : vector<16xf32>
      %mul3A_1285 = arith.mulf %sub3A_1263, %sub3A_1263 : vector<16xf32>
      %add3A_1286 = arith.addf %add3A_1210, %mul3A_1285 : vector<16xf32>
      %get3A_1287 = arith.constant 14 : i32
      %get3A_1288 = arith.index_cast %get3A_1287 : i32 to index
      %get3A_1289 = arith.constant 0 : index
      %get3A_1290 = tpu.vector_load %arg9[%get3A_1288, %get3A_1289] {strides = array<i32>} : memref<16x16xi32, #tpu.memory_space<vmem>>, vector<16xi32>,
      %add3A_1291 = arith.constant 0 : i32
      %add3A_1292 = arith.addi %mul3A_32, %add3A_1291 : i32
      %add3A_1293 = vector.broadcast %add3A_1292 : i32 to vector<16xi32>
      %add3A_1294 = arith.addi %add3A_1293, %get3A_1290 : vector<16xi32>
      %gather3A_1295 = tpu.vector_load_idx %arg6[%add3A_1294] : memref<12288xf32, #tpu.memory_space<vmem>>[vector<16xi32>], vector<16xf32>,
      %add3A_1296 = arith.constant 0 : i32
      %add3A_1297 = arith.addi %mul3A_32, %add3A_1296 : i32
      %add3A_1298 = arith.addi %add3A_1297, %add3A_300 : i32
      %get3A_1299 = arith.index_cast %add3A_1298 : i32 to index
      %get3A_1300 = tpu.vector_load %arg6[%get3A_1299] {strides = array<i32>} : memref<12288xf32, #tpu.memory_space<vmem>>, vector<16xf32>,
      %sub3A_1301 = arith.subf %gather3A_1295, %get3A_1300 : vector<16xf32>
      %mul3A_1302 = arith.constant 16 : i32
      %mul3A_1303 = arith.muli %scan3A_269, %mul3A_1302 : i32
      %swap3A_1304 = arith.constant 0 : i32
      %swap3A_1305 = arith.constant 13 : i32
      %swap3A_1306 = arith.index_cast %swap3A_1304 : i32 to index
      %swap3A_1307 = arith.index_cast %swap3A_1305 : i32 to index
      %swap3A_1308 = arith.index_cast %mul3A_1303 : i32 to index
      %swap3A_1309 = tpu.vector_load %arg10[%swap3A_1306, %swap3A_1307, %swap3A_1308] {strides = array<i32>} : memref<3x15x128xf32, #tpu.memory_space<vmem>>, vector<16xf32>,
      tpu.vector_store %arg10[%swap3A_1306, %swap3A_1307, %swap3A_1308], %sub3A_1301 {strides = array<i32>} : memref<3x15x128xf32, #tpu.memory_space<vmem>>, vector<16xf32>,
      %add3A_1310 = arith.constant 1024 : i32
      %add3A_1311 = arith.addi %mul3A_32, %add3A_1310 : i32
      %add3A_1312 = vector.broadcast %add3A_1311 : i32 to vector<16xi32>
      %add3A_1313 = arith.addi %add3A_1312, %get3A_1290 : vector<16xi32>
      %gather3A_1314 = tpu.vector_load_idx %arg6[%add3A_1313] : memref<12288xf32, #tpu.memory_space<vmem>>[vector<16xi32>], vector<16xf32>,
      %add3A_1315 = arith.constant 1024 : i32
      %add3A_1316 = arith.addi %mul3A_32, %add3A_1315 : i32
      %add3A_1317 = arith.addi %add3A_1316, %add3A_300 : i32
      %get3A_1318 = arith.index_cast %add3A_1317 : i32 to index
      %get3A_1319 = tpu.vector_load %arg6[%get3A_1318] {strides = array<i32>} : memref<12288xf32, #tpu.memory_space<vmem>>, vector<16xf32>,
      %sub3A_1320 = arith.subf %gather3A_1314, %get3A_1319 : vector<16xf32>
      %mul3A_1321 = arith.constant 16 : i32
      %mul3A_1322 = arith.muli %scan3A_269, %mul3A_1321 : i32
      %swap3A_1323 = arith.constant 1 : i32
      %swap3A_1324 = arith.constant 13 : i32
      %swap3A_1325 = arith.index_cast %swap3A_1323 : i32 to index
      %swap3A_1326 = arith.index_cast %swap3A_1324 : i32 to index
      %swap3A_1327 = arith.index_cast %mul3A_1322 : i32 to index
      %swap3A_1328 = tpu.vector_load %arg10[%swap3A_1325, %swap3A_1326, %swap3A_1327] {strides = array<i32>} : memref<3x15x128xf32, #tpu.memory_space<vmem>>, vector<16xf32>,
      tpu.vector_store %arg10[%swap3A_1325, %swap3A_1326, %swap3A_1327], %sub3A_1320 {strides = array<i32>} : memref<3x15x128xf32, #tpu.memory_space<vmem>>, vector<16xf32>,
      %add3A_1329 = arith.constant 2048 : i32
      %add3A_1330 = arith.addi %mul3A_32, %add3A_1329 : i32
      %add3A_1331 = vector.broadcast %add3A_1330 : i32 to vector<16xi32>
      %add3A_1332 = arith.addi %add3A_1331, %get3A_1290 : vector<16xi32>
      %gather3A_1333 = tpu.vector_load_idx %arg6[%add3A_1332] : memref<12288xf32, #tpu.memory_space<vmem>>[vector<16xi32>], vector<16xf32>,
      %add3A_1334 = arith.constant 2048 : i32
      %add3A_1335 = arith.addi %mul3A_32, %add3A_1334 : i32
      %add3A_1336 = arith.addi %add3A_1335, %add3A_300 : i32
      %get3A_1337 = arith.index_cast %add3A_1336 : i32 to index
      %get3A_1338 = tpu.vector_load %arg6[%get3A_1337] {strides = array<i32>} : memref<12288xf32, #tpu.memory_space<vmem>>, vector<16xf32>,
      %sub3A_1339 = arith.subf %gather3A_1333, %get3A_1338 : vector<16xf32>
      %mul3A_1340 = arith.constant 16 : i32
      %mul3A_1341 = arith.muli %scan3A_269, %mul3A_1340 : i32
      %swap3A_1342 = arith.constant 2 : i32
      %swap3A_1343 = arith.constant 13 : i32
      %swap3A_1344 = arith.index_cast %swap3A_1342 : i32 to index
      %swap3A_1345 = arith.index_cast %swap3A_1343 : i32 to index
      %swap3A_1346 = arith.index_cast %mul3A_1341 : i32 to index
      %swap3A_1347 = tpu.vector_load %arg10[%swap3A_1344, %swap3A_1345, %swap3A_1346] {strides = array<i32>} : memref<3x15x128xf32, #tpu.memory_space<vmem>>, vector<16xf32>,
      tpu.vector_store %arg10[%swap3A_1344, %swap3A_1345, %swap3A_1346], %sub3A_1339 {strides = array<i32>} : memref<3x15x128xf32, #tpu.memory_space<vmem>>, vector<16xf32>,
      %add3A_1348 = arith.addf %add3A_1272, %sub3A_1301 : vector<16xf32>
      %add3A_1349 = arith.addf %add3A_1273, %sub3A_1320 : vector<16xf32>
      %add3A_1350 = arith.addf %add3A_1274, %sub3A_1339 : vector<16xf32>
      %mul3A_1351 = arith.mulf %sub3A_1301, %sub3A_1301 : vector<16xf32>
      %add3A_1352 = arith.addf %add3A_1276, %mul3A_1351 : vector<16xf32>
      %mul3A_1353 = arith.mulf %sub3A_1301, %sub3A_1320 : vector<16xf32>
      %add3A_1354 = arith.addf %add3A_1278, %mul3A_1353 : vector<16xf32>
      %mul3A_1355 = arith.mulf %sub3A_1301, %sub3A_1339 : vector<16xf32>
      %add3A_1356 = arith.addf %add3A_1280, %mul3A_1355 : vector<16xf32>
      %mul3A_1357 = arith.mulf %sub3A_1320, %sub3A_1320 : vector<16xf32>
      %add3A_1358 = arith.addf %add3A_1282, %mul3A_1357 : vector<16xf32>
      %mul3A_1359 = arith.mulf %sub3A_1320, %sub3A_1339 : vector<16xf32>
      %add3A_1360 = arith.addf %add3A_1284, %mul3A_1359 : vector<16xf32>
      %mul3A_1361 = arith.mulf %sub3A_1339, %sub3A_1339 : vector<16xf32>
      %add3A_1362 = arith.addf %add3A_1286, %mul3A_1361 : vector<16xf32>
      %get3A_1363 = arith.constant 15 : i32
      %get3A_1364 = arith.index_cast %get3A_1363 : i32 to index
      %get3A_1365 = arith.constant 0 : index
      %get3A_1366 = tpu.vector_load %arg9[%get3A_1364, %get3A_1365] {strides = array<i32>} : memref<16x16xi32, #tpu.memory_space<vmem>>, vector<16xi32>,
      %add3A_1367 = arith.constant 0 : i32
      %add3A_1368 = arith.addi %mul3A_32, %add3A_1367 : i32
      %add3A_1369 = vector.broadcast %add3A_1368 : i32 to vector<16xi32>
      %add3A_1370 = arith.addi %add3A_1369, %get3A_1366 : vector<16xi32>
      %gather3A_1371 = tpu.vector_load_idx %arg6[%add3A_1370] : memref<12288xf32, #tpu.memory_space<vmem>>[vector<16xi32>], vector<16xf32>,
      %add3A_1372 = arith.constant 0 : i32
      %add3A_1373 = arith.addi %mul3A_32, %add3A_1372 : i32
      %add3A_1374 = arith.addi %add3A_1373, %add3A_300 : i32
      %get3A_1375 = arith.index_cast %add3A_1374 : i32 to index
      %get3A_1376 = tpu.vector_load %arg6[%get3A_1375] {strides = array<i32>} : memref<12288xf32, #tpu.memory_space<vmem>>, vector<16xf32>,
      %sub3A_1377 = arith.subf %gather3A_1371, %get3A_1376 : vector<16xf32>
      %mul3A_1378 = arith.constant 16 : i32
      %mul3A_1379 = arith.muli %scan3A_269, %mul3A_1378 : i32
      %swap3A_1380 = arith.constant 0 : i32
      %swap3A_1381 = arith.constant 14 : i32
      %swap3A_1382 = arith.index_cast %swap3A_1380 : i32 to index
      %swap3A_1383 = arith.index_cast %swap3A_1381 : i32 to index
      %swap3A_1384 = arith.index_cast %mul3A_1379 : i32 to index
      %swap3A_1385 = tpu.vector_load %arg10[%swap3A_1382, %swap3A_1383, %swap3A_1384] {strides = array<i32>} : memref<3x15x128xf32, #tpu.memory_space<vmem>>, vector<16xf32>,
      tpu.vector_store %arg10[%swap3A_1382, %swap3A_1383, %swap3A_1384], %sub3A_1377 {strides = array<i32>} : memref<3x15x128xf32, #tpu.memory_space<vmem>>, vector<16xf32>,
      %add3A_1386 = arith.constant 1024 : i32
      %add3A_1387 = arith.addi %mul3A_32, %add3A_1386 : i32
      %add3A_1388 = vector.broadcast %add3A_1387 : i32 to vector<16xi32>
      %add3A_1389 = arith.addi %add3A_1388, %get3A_1366 : vector<16xi32>
      %gather3A_1390 = tpu.vector_load_idx %arg6[%add3A_1389] : memref<12288xf32, #tpu.memory_space<vmem>>[vector<16xi32>], vector<16xf32>,
      %add3A_1391 = arith.constant 1024 : i32
      %add3A_1392 = arith.addi %mul3A_32, %add3A_1391 : i32
      %add3A_1393 = arith.addi %add3A_1392, %add3A_300 : i32
      %get3A_1394 = arith.index_cast %add3A_1393 : i32 to index
      %get3A_1395 = tpu.vector_load %arg6[%get3A_1394] {strides = array<i32>} : memref<12288xf32, #tpu.memory_space<vmem>>, vector<16xf32>,
      %sub3A_1396 = arith.subf %gather3A_1390, %get3A_1395 : vector<16xf32>
      %mul3A_1397 = arith.constant 16 : i32
      %mul3A_1398 = arith.muli %scan3A_269, %mul3A_1397 : i32
      %swap3A_1399 = arith.constant 1 : i32
      %swap3A_1400 = arith.constant 14 : i32
      %swap3A_1401 = arith.index_cast %swap3A_1399 : i32 to index
      %swap3A_1402 = arith.index_cast %swap3A_1400 : i32 to index
      %swap3A_1403 = arith.index_cast %mul3A_1398 : i32 to index
      %swap3A_1404 = tpu.vector_load %arg10[%swap3A_1401, %swap3A_1402, %swap3A_1403] {strides = array<i32>} : memref<3x15x128xf32, #tpu.memory_space<vmem>>, vector<16xf32>,
      tpu.vector_store %arg10[%swap3A_1401, %swap3A_1402, %swap3A_1403], %sub3A_1396 {strides = array<i32>} : memref<3x15x128xf32, #tpu.memory_space<vmem>>, vector<16xf32>,
      %add3A_1405 = arith.constant 2048 : i32
      %add3A_1406 = arith.addi %mul3A_32, %add3A_1405 : i32
      %add3A_1407 = vector.broadcast %add3A_1406 : i32 to vector<16xi32>
      %add3A_1408 = arith.addi %add3A_1407, %get3A_1366 : vector<16xi32>
      %gather3A_1409 = tpu.vector_load_idx %arg6[%add3A_1408] : memref<12288xf32, #tpu.memory_space<vmem>>[vector<16xi32>], vector<16xf32>,
      %add3A_1410 = arith.constant 2048 : i32
      %add3A_1411 = arith.addi %mul3A_32, %add3A_1410 : i32
      %add3A_1412 = arith.addi %add3A_1411, %add3A_300 : i32
      %get3A_1413 = arith.index_cast %add3A_1412 : i32 to index
      %get3A_1414 = tpu.vector_load %arg6[%get3A_1413] {strides = array<i32>} : memref<12288xf32, #tpu.memory_space<vmem>>, vector<16xf32>,
      %sub3A_1415 = arith.subf %gather3A_1409, %get3A_1414 : vector<16xf32>
      %mul3A_1416 = arith.constant 16 : i32
      %mul3A_1417 = arith.muli %scan3A_269, %mul3A_1416 : i32
      %swap3A_1418 = arith.constant 2 : i32
      %swap3A_1419 = arith.constant 14 : i32
      %swap3A_1420 = arith.index_cast %swap3A_1418 : i32 to index
      %swap3A_1421 = arith.index_cast %swap3A_1419 : i32 to index
      %swap3A_1422 = arith.index_cast %mul3A_1417 : i32 to index
      %swap3A_1423 = tpu.vector_load %arg10[%swap3A_1420, %swap3A_1421, %swap3A_1422] {strides = array<i32>} : memref<3x15x128xf32, #tpu.memory_space<vmem>>, vector<16xf32>,
      tpu.vector_store %arg10[%swap3A_1420, %swap3A_1421, %swap3A_1422], %sub3A_1415 {strides = array<i32>} : memref<3x15x128xf32, #tpu.memory_space<vmem>>, vector<16xf32>,
      %add3A_1424 = arith.addf %add3A_1348, %sub3A_1377 : vector<16xf32>
      %add3A_1425 = arith.addf %add3A_1349, %sub3A_1396 : vector<16xf32>
      %add3A_1426 = arith.addf %add3A_1350, %sub3A_1415 : vector<16xf32>
      %mul3A_1427 = arith.mulf %sub3A_1377, %sub3A_1377 : vector<16xf32>
      %add3A_1428 = arith.addf %add3A_1352, %mul3A_1427 : vector<16xf32>
      %mul3A_1429 = arith.mulf %sub3A_1377, %sub3A_1396 : vector<16xf32>
      %add3A_1430 = arith.addf %add3A_1354, %mul3A_1429 : vector<16xf32>
      %mul3A_1431 = arith.mulf %sub3A_1377, %sub3A_1415 : vector<16xf32>
      %add3A_1432 = arith.addf %add3A_1356, %mul3A_1431 : vector<16xf32>
      %mul3A_1433 = arith.mulf %sub3A_1396, %sub3A_1396 : vector<16xf32>
      %add3A_1434 = arith.addf %add3A_1358, %mul3A_1433 : vector<16xf32>
      %mul3A_1435 = arith.mulf %sub3A_1396, %sub3A_1415 : vector<16xf32>
      %add3A_1436 = arith.addf %add3A_1360, %mul3A_1435 : vector<16xf32>
      %mul3A_1437 = arith.mulf %sub3A_1415, %sub3A_1415 : vector<16xf32>
      %add3A_1438 = arith.addf %add3A_1362, %mul3A_1437 : vector<16xf32>
      scf.yield %add3A_1424, %add3A_1425, %add3A_1426, %add3A_1428, %add3A_1430, %add3A_1432, %add3A_1434, %add3A_1436, %add3A_1438 : vector<16xf32>, vector<16xf32>, vector<16xf32>, vector<16xf32>, vector<16xf32>, vector<16xf32>, vector<16xf32>, vector<16xf32>, vector<16xf32>
    }
    %scan3A_144 = arith.constant 8 : i32
    %eq3A_145 = arith.constant 0 : i32
    %eq3A_146 = vector.broadcast %eq3A_145 : i32 to vector<16xi32>
    %eq3A_147 = arith.cmpi eq, %iota3A, %eq3A_146 : vector<16xi32>
    %reduce_sum3A = arith.constant true
    %reduce_sum3A_148 = vector.broadcast %reduce_sum3A : i1 to vector<16xi1>
    %reduce_sum3A_149 = tpu.scan <sum>, %scan3A_143#0 masked %reduce_sum3A_148 : vector<16xf32>, vector<16xi1> -> vector<16xf32>
    %reduce_sum3A_150 = vector.extract %reduce_sum3A_149[15] : f32 from vector<16xf32>
    %jit3A_151 = arith.constant 0.000000e+00 : f32
    %broadcast_in_dim3A_152 = vector.broadcast %reduce_sum3A_150 : f32 to vector<16xf32>
    %broadcast_in_dim3A_153 = vector.broadcast %jit3A_151 : f32 to vector<16xf32>
    %select_n3A_154 = arith.select %eq3A_147, %broadcast_in_dim3A_152, %broadcast_in_dim3A_153 : vector<16xi1>, vector<16xf32>
    %eq3A_155 = arith.constant 1 : i32
    %eq3A_156 = vector.broadcast %eq3A_155 : i32 to vector<16xi32>
    %eq3A_157 = arith.cmpi eq, %iota3A, %eq3A_156 : vector<16xi32>
    %reduce_sum3A_158 = arith.constant true
    %reduce_sum3A_159 = vector.broadcast %reduce_sum3A_158 : i1 to vector<16xi1>
    %reduce_sum3A_160 = tpu.scan <sum>, %scan3A_143#3 masked %reduce_sum3A_159 : vector<16xf32>, vector<16xi1> -> vector<16xf32>
    %reduce_sum3A_161 = vector.extract %reduce_sum3A_160[15] : f32 from vector<16xf32>
    %broadcast_in_dim3A_162 = vector.broadcast %reduce_sum3A_161 : f32 to vector<16xf32>
    %select_n3A_163 = arith.select %eq3A_157, %broadcast_in_dim3A_162, %select_n3A_154 : vector<16xi1>, vector<16xf32>
    %eq3A_164 = arith.constant 2 : i32
    %eq3A_165 = vector.broadcast %eq3A_164 : i32 to vector<16xi32>
    %eq3A_166 = arith.cmpi eq, %iota3A, %eq3A_165 : vector<16xi32>
    %reduce_sum3A_167 = arith.constant true
    %reduce_sum3A_168 = vector.broadcast %reduce_sum3A_167 : i1 to vector<16xi1>
    %reduce_sum3A_169 = tpu.scan <sum>, %scan3A_143#4 masked %reduce_sum3A_168 : vector<16xf32>, vector<16xi1> -> vector<16xf32>
    %reduce_sum3A_170 = vector.extract %reduce_sum3A_169[15] : f32 from vector<16xf32>
    %broadcast_in_dim3A_171 = vector.broadcast %reduce_sum3A_170 : f32 to vector<16xf32>
    %select_n3A_172 = arith.select %eq3A_166, %broadcast_in_dim3A_171, %select_n3A_163 : vector<16xi1>, vector<16xf32>
    %eq3A_173 = arith.constant 3 : i32
    %eq3A_174 = vector.broadcast %eq3A_173 : i32 to vector<16xi32>
    %eq3A_175 = arith.cmpi eq, %iota3A, %eq3A_174 : vector<16xi32>
    %reduce_sum3A_176 = arith.constant true
    %reduce_sum3A_177 = vector.broadcast %reduce_sum3A_176 : i1 to vector<16xi1>
    %reduce_sum3A_178 = tpu.scan <sum>, %scan3A_143#5 masked %reduce_sum3A_177 : vector<16xf32>, vector<16xi1> -> vector<16xf32>
    %reduce_sum3A_179 = vector.extract %reduce_sum3A_178[15] : f32 from vector<16xf32>
    %broadcast_in_dim3A_180 = vector.broadcast %reduce_sum3A_179 : f32 to vector<16xf32>
    %select_n3A_181 = arith.select %eq3A_175, %broadcast_in_dim3A_180, %select_n3A_172 : vector<16xi1>, vector<16xf32>
    %swap3A = arith.constant 0 : i32
    %swap3A_182 = arith.index_cast %swap3A : i32 to index
    %swap3A_183 = arith.constant 0 : index
    %swap3A_184 = tpu.vector_load %arg11[%swap3A_182, %swap3A_183] {strides = array<i32>} : memref<3x16xf32, #tpu.memory_space<vmem>>, vector<16xf32>,
    tpu.vector_store %arg11[%swap3A_182, %swap3A_183], %select_n3A_181 {strides = array<i32>} : memref<3x16xf32, #tpu.memory_space<vmem>>, vector<16xf32>,
    %eq3A_185 = arith.constant 0 : i32
    %eq3A_186 = vector.broadcast %eq3A_185 : i32 to vector<16xi32>
    %eq3A_187 = arith.cmpi eq, %iota3A, %eq3A_186 : vector<16xi32>
    %reduce_sum3A_188 = arith.constant true
    %reduce_sum3A_189 = vector.broadcast %reduce_sum3A_188 : i1 to vector<16xi1>
    %reduce_sum3A_190 = tpu.scan <sum>, %scan3A_143#1 masked %reduce_sum3A_189 : vector<16xf32>, vector<16xi1> -> vector<16xf32>
    %reduce_sum3A_191 = vector.extract %reduce_sum3A_190[15] : f32 from vector<16xf32>
    %jit3A_192 = arith.constant 0.000000e+00 : f32
    %broadcast_in_dim3A_193 = vector.broadcast %reduce_sum3A_191 : f32 to vector<16xf32>
    %broadcast_in_dim3A_194 = vector.broadcast %jit3A_192 : f32 to vector<16xf32>
    %select_n3A_195 = arith.select %eq3A_187, %broadcast_in_dim3A_193, %broadcast_in_dim3A_194 : vector<16xi1>, vector<16xf32>
    %eq3A_196 = arith.constant 1 : i32
    %eq3A_197 = vector.broadcast %eq3A_196 : i32 to vector<16xi32>
    %eq3A_198 = arith.cmpi eq, %iota3A, %eq3A_197 : vector<16xi32>
    %reduce_sum3A_199 = arith.constant true
    %reduce_sum3A_200 = vector.broadcast %reduce_sum3A_199 : i1 to vector<16xi1>
    %reduce_sum3A_201 = tpu.scan <sum>, %scan3A_143#4 masked %reduce_sum3A_200 : vector<16xf32>, vector<16xi1> -> vector<16xf32>
    %reduce_sum3A_202 = vector.extract %reduce_sum3A_201[15] : f32 from vector<16xf32>
    %broadcast_in_dim3A_203 = vector.broadcast %reduce_sum3A_202 : f32 to vector<16xf32>
    %select_n3A_204 = arith.select %eq3A_198, %broadcast_in_dim3A_203, %select_n3A_195 : vector<16xi1>, vector<16xf32>
    %eq3A_205 = arith.constant 2 : i32
    %eq3A_206 = vector.broadcast %eq3A_205 : i32 to vector<16xi32>
    %eq3A_207 = arith.cmpi eq, %iota3A, %eq3A_206 : vector<16xi32>
    %reduce_sum3A_208 = arith.constant true
    %reduce_sum3A_209 = vector.broadcast %reduce_sum3A_208 : i1 to vector<16xi1>
    %reduce_sum3A_210 = tpu.scan <sum>, %scan3A_143#6 masked %reduce_sum3A_209 : vector<16xf32>, vector<16xi1> -> vector<16xf32>
    %reduce_sum3A_211 = vector.extract %reduce_sum3A_210[15] : f32 from vector<16xf32>
    %broadcast_in_dim3A_212 = vector.broadcast %reduce_sum3A_211 : f32 to vector<16xf32>
    %select_n3A_213 = arith.select %eq3A_207, %broadcast_in_dim3A_212, %select_n3A_204 : vector<16xi1>, vector<16xf32>
    %eq3A_214 = arith.constant 3 : i32
    %eq3A_215 = vector.broadcast %eq3A_214 : i32 to vector<16xi32>
    %eq3A_216 = arith.cmpi eq, %iota3A, %eq3A_215 : vector<16xi32>
    %reduce_sum3A_217 = arith.constant true
    %reduce_sum3A_218 = vector.broadcast %reduce_sum3A_217 : i1 to vector<16xi1>
    %reduce_sum3A_219 = tpu.scan <sum>, %scan3A_143#7 masked %reduce_sum3A_218 : vector<16xf32>, vector<16xi1> -> vector<16xf32>
    %reduce_sum3A_220 = vector.extract %reduce_sum3A_219[15] : f32 from vector<16xf32>
    %broadcast_in_dim3A_221 = vector.broadcast %reduce_sum3A_220 : f32 to vector<16xf32>
    %select_n3A_222 = arith.select %eq3A_216, %broadcast_in_dim3A_221, %select_n3A_213 : vector<16xi1>, vector<16xf32>
    %swap3A_223 = arith.constant 1 : i32
    %swap3A_224 = arith.index_cast %swap3A_223 : i32 to index
    %swap3A_225 = arith.constant 0 : index
    %swap3A_226 = tpu.vector_load %arg11[%swap3A_224, %swap3A_225] {strides = array<i32>} : memref<3x16xf32, #tpu.memory_space<vmem>>, vector<16xf32>,
    tpu.vector_store %arg11[%swap3A_224, %swap3A_225], %select_n3A_222 {strides = array<i32>} : memref<3x16xf32, #tpu.memory_space<vmem>>, vector<16xf32>,
    %eq3A_227 = arith.constant 0 : i32
    %eq3A_228 = vector.broadcast %eq3A_227 : i32 to vector<16xi32>
    %eq3A_229 = arith.cmpi eq, %iota3A, %eq3A_228 : vector<16xi32>
    %reduce_sum3A_230 = arith.constant true
    %reduce_sum3A_231 = vector.broadcast %reduce_sum3A_230 : i1 to vector<16xi1>
    %reduce_sum3A_232 = tpu.scan <sum>, %scan3A_143#2 masked %reduce_sum3A_231 : vector<16xf32>, vector<16xi1> -> vector<16xf32>
    %reduce_sum3A_233 = vector.extract %reduce_sum3A_232[15] : f32 from vector<16xf32>
    %jit3A_234 = arith.constant 0.000000e+00 : f32
    %broadcast_in_dim3A_235 = vector.broadcast %reduce_sum3A_233 : f32 to vector<16xf32>
    %broadcast_in_dim3A_236 = vector.broadcast %jit3A_234 : f32 to vector<16xf32>
    %select_n3A_237 = arith.select %eq3A_229, %broadcast_in_dim3A_235, %broadcast_in_dim3A_236 : vector<16xi1>, vector<16xf32>
    %eq3A_238 = arith.constant 1 : i32
    %eq3A_239 = vector.broadcast %eq3A_238 : i32 to vector<16xi32>
    %eq3A_240 = arith.cmpi eq, %iota3A, %eq3A_239 : vector<16xi32>
    %reduce_sum3A_241 = arith.constant true
    %reduce_sum3A_242 = vector.broadcast %reduce_sum3A_241 : i1 to vector<16xi1>
    %reduce_sum3A_243 = tpu.scan <sum>, %scan3A_143#5 masked %reduce_sum3A_242 : vector<16xf32>, vector<16xi1> -> vector<16xf32>
    %reduce_sum3A_244 = vector.extract %reduce_sum3A_243[15] : f32 from vector<16xf32>
    %broadcast_in_dim3A_245 = vector.broadcast %reduce_sum3A_244 : f32 to vector<16xf32>
    %select_n3A_246 = arith.select %eq3A_240, %broadcast_in_dim3A_245, %select_n3A_237 : vector<16xi1>, vector<16xf32>
    %eq3A_247 = arith.constant 2 : i32
    %eq3A_248 = vector.broadcast %eq3A_247 : i32 to vector<16xi32>
    %eq3A_249 = arith.cmpi eq, %iota3A, %eq3A_248 : vector<16xi32>
    %reduce_sum3A_250 = arith.constant true
    %reduce_sum3A_251 = vector.broadcast %reduce_sum3A_250 : i1 to vector<16xi1>
    %reduce_sum3A_252 = tpu.scan <sum>, %scan3A_143#7 masked %reduce_sum3A_251 : vector<16xf32>, vector<16xi1> -> vector<16xf32>
    %reduce_sum3A_253 = vector.extract %reduce_sum3A_252[15] : f32 from vector<16xf32>
    %broadcast_in_dim3A_254 = vector.broadcast %reduce_sum3A_253 : f32 to vector<16xf32>
    %select_n3A_255 = arith.select %eq3A_249, %broadcast_in_dim3A_254, %select_n3A_246 : vector<16xi1>, vector<16xf32>
    %eq3A_256 = arith.constant 3 : i32
    %eq3A_257 = vector.broadcast %eq3A_256 : i32 to vector<16xi32>
    %eq3A_258 = arith.cmpi eq, %iota3A, %eq3A_257 : vector<16xi32>
    %reduce_sum3A_259 = arith.constant true
    %reduce_sum3A_260 = vector.broadcast %reduce_sum3A_259 : i1 to vector<16xi1>
    %reduce_sum3A_261 = tpu.scan <sum>, %scan3A_143#8 masked %reduce_sum3A_260 : vector<16xf32>, vector<16xi1> -> vector<16xf32>
    %reduce_sum3A_262 = vector.extract %reduce_sum3A_261[15] : f32 from vector<16xf32>
    %broadcast_in_dim3A_263 = vector.broadcast %reduce_sum3A_262 : f32 to vector<16xf32>
    %select_n3A_264 = arith.select %eq3A_258, %broadcast_in_dim3A_263, %select_n3A_255 : vector<16xi1>, vector<16xf32>
    %swap3A_265 = arith.constant 2 : i32
    %swap3A_266 = arith.index_cast %swap3A_265 : i32 to index
    %swap3A_267 = arith.constant 0 : index
    %swap3A_268 = tpu.vector_load %arg11[%swap3A_266, %swap3A_267] {strides = array<i32>} : memref<3x16xf32, #tpu.memory_space<vmem>>, vector<16xf32>,
    tpu.vector_store %arg11[%swap3A_266, %swap3A_267], %select_n3A_264 {strides = array<i32>} : memref<3x16xf32, #tpu.memory_space<vmem>>, vector<16xf32>,
    "tpu.region"() ({
      %run_scoped3A = tpu.sem_alloc : memref<!tpu.dma_semaphore, #tpu.memory_space<semaphore_mem>>
      %dma_start3A = arith.constant 0 : i32
      %dma_start3A_269 = arith.constant 0 : i32
      %dma_start3A_270 = arith.constant 0 : i32
      %dma_start3A_271 = tpu.memref_slice %arg4[%add3A, %dma_start3A, %dma_start3A_269, %dma_start3A_270] : memref<32x3x15x128xf32, #tpu.memory_space<hbm>> -> memref<1x3x15x128xf32, #tpu.memory_space<hbm>>
      %dma_start3A_272 = tpu.memref_squeeze %dma_start3A_271 : memref<1x3x15x128xf32, #tpu.memory_space<hbm>> -> memref<3x15x128xf32, #tpu.memory_space<hbm>>
      %dma_start3A_273 = arith.constant 0 : i32
      %dma_start3A_274 = arith.constant 0 : i32
      %dma_start3A_275 = arith.constant 0 : i32
      %dma_start3A_276 = tpu.memref_slice %arg4[%add3A, %dma_start3A_273, %dma_start3A_274, %dma_start3A_275] : memref<32x3x15x128xf32, #tpu.memory_space<hbm>> -> memref<1x3x15x128xf32, #tpu.memory_space<hbm>>
      %dma_start3A_277 = tpu.memref_squeeze %dma_start3A_276 : memref<1x3x15x128xf32, #tpu.memory_space<hbm>> -> memref<3x15x128xf32, #tpu.memory_space<hbm>>
      tpu.enqueue_dma source(%arg10 : memref<3x15x128xf32, #tpu.memory_space<vmem>>) target(%dma_start3A_277 : memref<3x15x128xf32, #tpu.memory_space<hbm>>) target_semaphore(%run_scoped3A : memref<!tpu.dma_semaphore, #tpu.memory_space<semaphore_mem>>)
      %dma_wait3A = arith.constant 0 : i32
      %dma_wait3A_278 = arith.constant 0 : i32
      %dma_wait3A_279 = arith.constant 0 : i32
      %dma_wait3A_280 = tpu.memref_slice %arg4[%add3A, %dma_wait3A, %dma_wait3A_278, %dma_wait3A_279] : memref<32x3x15x128xf32, #tpu.memory_space<hbm>> -> memref<1x3x15x128xf32, #tpu.memory_space<hbm>>
      %dma_wait3A_281 = tpu.memref_squeeze %dma_wait3A_280 : memref<1x3x15x128xf32, #tpu.memory_space<hbm>> -> memref<3x15x128xf32, #tpu.memory_space<hbm>>
      %dma_wait3A_282 = arith.constant 0 : i32
      %dma_wait3A_283 = arith.constant 0 : i32
      %dma_wait3A_284 = arith.constant 0 : i32
      %dma_wait3A_285 = tpu.memref_slice %arg4[%add3A, %dma_wait3A_282, %dma_wait3A_283, %dma_wait3A_284] : memref<32x3x15x128xf32, #tpu.memory_space<hbm>> -> memref<1x3x15x128xf32, #tpu.memory_space<hbm>>
      %dma_wait3A_286 = tpu.memref_squeeze %dma_wait3A_285 : memref<1x3x15x128xf32, #tpu.memory_space<hbm>> -> memref<3x15x128xf32, #tpu.memory_space<hbm>>
      tpu.wait_dma2 semaphore(%run_scoped3A : memref<!tpu.dma_semaphore, #tpu.memory_space<semaphore_mem>>) src(%arg10 : memref<3x15x128xf32, #tpu.memory_space<vmem>>) dst(%dma_wait3A_286 : memref<3x15x128xf32, #tpu.memory_space<hbm>>)
      tpu.yield
    }) : () -> ()
    "tpu.region"() ({
      %run_scoped3A = tpu.sem_alloc : memref<!tpu.dma_semaphore, #tpu.memory_space<semaphore_mem>>
      %dma_start3A = arith.constant 0 : i32
      %dma_start3A_269 = arith.constant 0 : i32
      %dma_start3A_270 = tpu.memref_slice %arg5[%add3A, %dma_start3A, %dma_start3A_269] : memref<32x3x16xf32, #tpu.memory_space<hbm>> -> memref<1x3x16xf32, #tpu.memory_space<hbm>>
      %dma_start3A_271 = tpu.memref_squeeze %dma_start3A_270 : memref<1x3x16xf32, #tpu.memory_space<hbm>> -> memref<3x16xf32, #tpu.memory_space<hbm>>
      %dma_start3A_272 = arith.constant 0 : i32
      %dma_start3A_273 = arith.constant 0 : i32
      %dma_start3A_274 = tpu.memref_slice %arg5[%add3A, %dma_start3A_272, %dma_start3A_273] : memref<32x3x16xf32, #tpu.memory_space<hbm>> -> memref<1x3x16xf32, #tpu.memory_space<hbm>>
      %dma_start3A_275 = tpu.memref_squeeze %dma_start3A_274 : memref<1x3x16xf32, #tpu.memory_space<hbm>> -> memref<3x16xf32, #tpu.memory_space<hbm>>
      tpu.enqueue_dma source(%arg11 : memref<3x16xf32, #tpu.memory_space<vmem>>) target(%dma_start3A_275 : memref<3x16xf32, #tpu.memory_space<hbm>>) target_semaphore(%run_scoped3A : memref<!tpu.dma_semaphore, #tpu.memory_space<semaphore_mem>>)
      %dma_wait3A = arith.constant 0 : i32
      %dma_wait3A_276 = arith.constant 0 : i32
      %dma_wait3A_277 = tpu.memref_slice %arg5[%add3A, %dma_wait3A, %dma_wait3A_276] : memref<32x3x16xf32, #tpu.memory_space<hbm>> -> memref<1x3x16xf32, #tpu.memory_space<hbm>>
      %dma_wait3A_278 = tpu.memref_squeeze %dma_wait3A_277 : memref<1x3x16xf32, #tpu.memory_space<hbm>> -> memref<3x16xf32, #tpu.memory_space<hbm>>
      %dma_wait3A_279 = arith.constant 0 : i32
      %dma_wait3A_280 = arith.constant 0 : i32
      %dma_wait3A_281 = tpu.memref_slice %arg5[%add3A, %dma_wait3A_279, %dma_wait3A_280] : memref<32x3x16xf32, #tpu.memory_space<hbm>> -> memref<1x3x16xf32, #tpu.memory_space<hbm>>
      %dma_wait3A_282 = tpu.memref_squeeze %dma_wait3A_281 : memref<1x3x16xf32, #tpu.memory_space<hbm>> -> memref<3x16xf32, #tpu.memory_space<hbm>>
      tpu.wait_dma2 semaphore(%run_scoped3A : memref<!tpu.dma_semaphore, #tpu.memory_space<semaphore_mem>>) src(%arg11 : memref<3x16xf32, #tpu.memory_space<vmem>>) dst(%dma_wait3A_282 : memref<3x16xf32, #tpu.memory_space<hbm>>)
      tpu.yield
    }) : () -> ()
    return
  }
}

module attributes {stable_mosaic.version = 14 : i64} {
  func.func @_ka_body(%arg0: i32, %arg1: i32, %arg2: memref<4x3x1024xf32, #tpu.memory_space<vmem>>, %arg3: memref<3x1xf32, #tpu.memory_space<vmem>>, %arg4: memref<3x1xf32, #tpu.memory_space<vmem>>, %arg5: memref<768x3xf32, #tpu.memory_space<vmem>>, %arg6: memref<768x1xf32, #tpu.memory_space<vmem>>, %arg7: memref<1x768x256xf32, #tpu.memory_space<vmem>>, %arg8: memref<1x3x256xf32, #tpu.memory_space<vmem>>, %arg9: memref<1x256x1024xf32, #tpu.memory_space<vmem>>) attributes {dimension_semantics = [#tpu.dimension_semantics<arbitrary>, #tpu.dimension_semantics<arbitrary>], iteration_bounds = array<i64: 4, 4>, scalar_prefetch = 0 : i64, scratch_operands = 0 : i64, tpu.core_type = #tpu.core_type<tc>, window_params = [{pipeline_mode = #tpu.pipeline_mode<synchronous>, transform_indices = @transform_0, window_bounds = array<i64: 4, 3, 1024>}, {pipeline_mode = #tpu.pipeline_mode<synchronous>, transform_indices = @transform_1, window_bounds = array<i64: 3, 1>}, {pipeline_mode = #tpu.pipeline_mode<synchronous>, transform_indices = @transform_2, window_bounds = array<i64: 3, 1>}, {pipeline_mode = #tpu.pipeline_mode<synchronous>, transform_indices = @transform_3, window_bounds = array<i64: 768, 3>}, {pipeline_mode = #tpu.pipeline_mode<synchronous>, transform_indices = @transform_4, window_bounds = array<i64: 768, 1>}, {transform_indices = @transform_5, window_bounds = array<i64: 1, 768, 256>}, {transform_indices = @transform_6, window_bounds = array<i64: 1, 3, 256>}, {transform_indices = @transform_7, window_bounds = array<i64: 1, 256, 1024>}]} {
    %get3A = arith.constant 0 : index
    %get3A_0 = arith.constant 0 : index
    %get3A_1 = arith.constant 0 : index
    %get3A_2 = vector.load %arg2[%get3A, %get3A_0, %get3A_1] : memref<4x3x1024xf32, #tpu.memory_space<vmem>>, vector<4x3x1024xf32>
    %reduce_sum3A = arith.constant dense<0.000000e+00> : vector<3xf32>
    %reduce_sum3A_3 = vector.multi_reduction <add>, %get3A_2, %reduce_sum3A [0, 2] : vector<4x3x1024xf32> to vector<3xf32>
    %broadcast_in_dim3A = vector.shape_cast %reduce_sum3A_3 : vector<3xf32> to vector<1x3x1xf32>
    %div3A = arith.constant 4.096000e+03 : f32
    %div3A_4 = vector.broadcast %div3A : f32 to vector<1x3x1xf32>
    %div3A_5 = arith.divf %broadcast_in_dim3A, %div3A_4 : vector<1x3x1xf32>
    %sub3A = vector.broadcast %div3A_5 : vector<1x3x1xf32> to vector<4x3x1024xf32>
    %sub3A_6 = arith.subf %get3A_2, %sub3A : vector<4x3x1024xf32>
    %integer_pow3A = arith.mulf %sub3A_6, %sub3A_6 : vector<4x3x1024xf32>
    %reduce_sum3A_7 = arith.constant dense<0.000000e+00> : vector<3xf32>
    %reduce_sum3A_8 = vector.multi_reduction <add>, %integer_pow3A, %reduce_sum3A_7 [0, 2] : vector<4x3x1024xf32> to vector<3xf32>
    %broadcast_in_dim3A_9 = vector.shape_cast %reduce_sum3A_8 : vector<3xf32> to vector<1x3x1xf32>
    %div3A_10 = arith.constant 4.096000e+03 : f32
    %div3A_11 = vector.broadcast %div3A_10 : f32 to vector<1x3x1xf32>
    %div3A_12 = arith.divf %broadcast_in_dim3A_9, %div3A_11 : vector<1x3x1xf32>
    %squeeze3A = vector.shape_cast %div3A_12 : vector<1x3x1xf32> to vector<3x1xf32>
    %add3A = arith.constant 9.99999974E-6 : f32
    %add3A_13 = vector.broadcast %add3A : f32 to vector<3x1xf32>
    %add3A_14 = arith.addf %squeeze3A, %add3A_13 : vector<3x1xf32>
    %sqrt3A = math.sqrt %add3A_14 : vector<3x1xf32>
    %squeeze3A_15 = vector.shape_cast %div3A_5 : vector<1x3x1xf32> to vector<3x1xf32>
    %get3A_16 = arith.constant 0 : index
    %get3A_17 = arith.constant 0 : index
    %get3A_18 = vector.load %arg3[%get3A_16, %get3A_17] : memref<3x1xf32, #tpu.memory_space<vmem>>, vector<3x1xf32>
    %get3A_19 = arith.constant 0 : index
    %get3A_20 = arith.constant 0 : index
    %get3A_21 = vector.load %arg4[%get3A_19, %get3A_20] : memref<3x1xf32, #tpu.memory_space<vmem>>, vector<3x1xf32>
    %get3A_22 = arith.index_cast %arg0 : i32 to index
    %get3A_23 = arith.constant 0 : index
    %get3A_24 = arith.constant 0 : index
    %get3A_25 = vector.load %arg2[%get3A_22, %get3A_23, %get3A_24] : memref<4x3x1024xf32, #tpu.memory_space<vmem>>, vector<1x3x1024xf32>
    %get3A_26 = vector.shape_cast %get3A_25 : vector<1x3x1024xf32> to vector<3x1024xf32>
    %sub3A_27 = vector.broadcast %squeeze3A_15 : vector<3x1xf32> to vector<3x1024xf32>
    %sub3A_28 = arith.subf %get3A_26, %sub3A_27 : vector<3x1024xf32>
    %div3A_29 = vector.broadcast %sqrt3A : vector<3x1xf32> to vector<3x1024xf32>
    %div3A_30 = arith.divf %sub3A_28, %div3A_29 : vector<3x1024xf32>
    %mul3A = vector.broadcast %get3A_18 : vector<3x1xf32> to vector<3x1024xf32>
    %mul3A_31 = arith.mulf %div3A_30, %mul3A : vector<3x1024xf32>
    %add3A_32 = vector.broadcast %get3A_21 : vector<3x1xf32> to vector<3x1024xf32>
    %add3A_33 = arith.addf %mul3A_31, %add3A_32 : vector<3x1024xf32>
    %mul3A_34 = arith.constant 256 : i32
    %mul3A_35 = arith.muli %arg1, %mul3A_34 : i32
    %get3A_36 = arith.index_cast %arg0 : i32 to index
    %get3A_37 = arith.constant 0 : index
    %get3A_38 = arith.index_cast %mul3A_35 : i32 to index
    %get3A_39 = vector.load %arg2[%get3A_36, %get3A_37, %get3A_38] : memref<4x3x1024xf32, #tpu.memory_space<vmem>>, vector<1x3x256xf32>
    %get3A_40 = vector.shape_cast %get3A_39 : vector<1x3x256xf32> to vector<3x256xf32>
    %sub3A_41 = vector.broadcast %squeeze3A_15 : vector<3x1xf32> to vector<3x256xf32>
    %sub3A_42 = arith.subf %get3A_40, %sub3A_41 : vector<3x256xf32>
    %div3A_43 = vector.broadcast %sqrt3A : vector<3x1xf32> to vector<3x256xf32>
    %div3A_44 = arith.divf %sub3A_42, %div3A_43 : vector<3x256xf32>
    %mul3A_45 = vector.broadcast %get3A_18 : vector<3x1xf32> to vector<3x256xf32>
    %mul3A_46 = arith.mulf %div3A_44, %mul3A_45 : vector<3x256xf32>
    %add3A_47 = vector.broadcast %get3A_21 : vector<3x1xf32> to vector<3x256xf32>
    %add3A_48 = arith.addf %mul3A_46, %add3A_47 : vector<3x256xf32>
    %swap3A = arith.constant 0 : index
    %swap3A_49 = arith.constant 0 : index
    %swap3A_50 = arith.constant 0 : index
    %swap3A_51 = vector.load %arg8[%swap3A, %swap3A_49, %swap3A_50] : memref<1x3x256xf32, #tpu.memory_space<vmem>>, vector<1x3x256xf32>
    %swap3A_52 = vector.shape_cast %swap3A_51 : vector<1x3x256xf32> to vector<3x256xf32>
    %swap3A_53 = vector.shape_cast %add3A_48 : vector<3x256xf32> to vector<1x3x256xf32>
    tpu.vector_store %arg8[%swap3A, %swap3A_49, %swap3A_50], %swap3A_53 {strides = array<i32>} : memref<1x3x256xf32, #tpu.memory_space<vmem>>, vector<1x3x256xf32>,
    %get3A_54 = arith.constant 0 : index
    %get3A_55 = arith.constant 0 : index
    %get3A_56 = vector.load %arg5[%get3A_54, %get3A_55] : memref<768x3xf32, #tpu.memory_space<vmem>>, vector<768x3xf32>
    %dot_general3A = arith.constant dense<0.000000e+00> : vector<768x256xf32>
    %dot_general3A_57 = tpu.matmul %get3A_56, %add3A_48, %dot_general3A {dimension_numbers = #tpu.dot_dimension_numbers<[1], [0], [0], [1], [0, 0, 1, 1], [], []>, transpose_lhs_hint = false} : vector<768x3xf32>, vector<3x256xf32>, vector<768x256xf32> -> vector<768x256xf32>
    %get3A_58 = arith.constant 0 : index
    %get3A_59 = arith.constant 0 : index
    %get3A_60 = vector.load %arg6[%get3A_58, %get3A_59] : memref<768x1xf32, #tpu.memory_space<vmem>>, vector<768x1xf32>
    %add3A_61 = vector.broadcast %get3A_60 : vector<768x1xf32> to vector<768x256xf32>
    %add3A_62 = arith.addf %dot_general3A_57, %add3A_61 : vector<768x256xf32>
    %swap3A_63 = arith.constant 0 : index
    %swap3A_64 = arith.constant 0 : index
    %swap3A_65 = arith.constant 0 : index
    %swap3A_66 = vector.load %arg7[%swap3A_63, %swap3A_64, %swap3A_65] : memref<1x768x256xf32, #tpu.memory_space<vmem>>, vector<1x768x256xf32>
    %swap3A_67 = vector.shape_cast %swap3A_66 : vector<1x768x256xf32> to vector<768x256xf32>
    %swap3A_68 = vector.shape_cast %add3A_62 : vector<768x256xf32> to vector<1x768x256xf32>
    tpu.vector_store %arg7[%swap3A_63, %swap3A_64, %swap3A_65], %swap3A_68 {strides = array<i32>} : memref<1x768x256xf32, #tpu.memory_space<vmem>>, vector<1x768x256xf32>,
    %broadcast_in_dim3A_69 = arith.constant 1.000000e+00 : f32
    %broadcast_in_dim3A_70 = vector.broadcast %broadcast_in_dim3A_69 : f32 to vector<3x1xf32>
    %mul3A_71 = arith.mulf %add3A_48, %add3A_48 : vector<3x256xf32>
    %dot_general3A_72 = arith.constant dense<0.000000e+00> : vector<256x1xf32>
    %dot_general3A_73 = tpu.matmul %mul3A_71, %broadcast_in_dim3A_70, %dot_general3A_72 {dimension_numbers = #tpu.dot_dimension_numbers<[0], [0], [1], [1], [0, 1, 1, 1], [], []>, precision = #tpu.contract_precision<fp32>, transpose_lhs_hint = false} : vector<3x256xf32>, vector<3x1xf32>, vector<256x1xf32> -> vector<256x1xf32>
    %mul3A_74 = arith.mulf %add3A_33, %add3A_33 : vector<3x1024xf32>
    %dot_general3A_75 = arith.constant dense<0.000000e+00> : vector<1x1024xf32>
    %dot_general3A_76 = tpu.matmul %broadcast_in_dim3A_70, %mul3A_74, %dot_general3A_75 {dimension_numbers = #tpu.dot_dimension_numbers<[0], [0], [1], [1], [0, 1, 1, 1], [], []>, precision = #tpu.contract_precision<fp32>, transpose_lhs_hint = false} : vector<3x1xf32>, vector<3x1024xf32>, vector<1x1024xf32> -> vector<1x1024xf32>
    %dot_general3A_77 = arith.constant dense<0.000000e+00> : vector<256x1024xf32>
    %dot_general3A_78 = tpu.matmul %add3A_48, %add3A_33, %dot_general3A_77 {dimension_numbers = #tpu.dot_dimension_numbers<[0], [0], [1], [1], [0, 1, 1, 1], [], []>, transpose_lhs_hint = false} : vector<3x256xf32>, vector<3x1024xf32>, vector<256x1024xf32> -> vector<256x1024xf32>
    %add3A_79 = vector.broadcast %dot_general3A_73 : vector<256x1xf32> to vector<256x1024xf32>
    %add3A_80 = vector.broadcast %dot_general3A_76 : vector<1x1024xf32> to vector<256x1024xf32>
    %add3A_81 = arith.addf %add3A_79, %add3A_80 : vector<256x1024xf32>
    %mul3A_82 = arith.constant 2.000000e+00 : f32
    %mul3A_83 = vector.broadcast %mul3A_82 : f32 to vector<256x1024xf32>
    %mul3A_84 = arith.mulf %mul3A_83, %dot_general3A_78 : vector<256x1024xf32>
    %sub3A_85 = arith.subf %add3A_81, %mul3A_84 : vector<256x1024xf32>
    %max3A = arith.constant 0.000000e+00 : f32
    %max3A_86 = vector.broadcast %max3A : f32 to vector<256x1024xf32>
    %max3A_87 = arith.maximumf %sub3A_85, %max3A_86 : vector<256x1024xf32>
    %sqrt3A_88 = math.sqrt %max3A_87 : vector<256x1024xf32>
    %swap3A_89 = arith.constant 0 : index
    %swap3A_90 = arith.constant 0 : index
    %swap3A_91 = arith.constant 0 : index
    %swap3A_92 = vector.load %arg9[%swap3A_89, %swap3A_90, %swap3A_91] : memref<1x256x1024xf32, #tpu.memory_space<vmem>>, vector<1x256x1024xf32>
    %swap3A_93 = vector.shape_cast %swap3A_92 : vector<1x256x1024xf32> to vector<256x1024xf32>
    %swap3A_94 = vector.shape_cast %sqrt3A_88 : vector<256x1024xf32> to vector<1x256x1024xf32>
    tpu.vector_store %arg9[%swap3A_89, %swap3A_90, %swap3A_91], %swap3A_94 {strides = array<i32>} : memref<1x256x1024xf32, #tpu.memory_space<vmem>>, vector<1x256x1024xf32>,
    return
  }
  func.func @transform_0(%arg0: i32, %arg1: i32) -> (i32, i32, i32) {
    %c0_i32 = arith.constant 0 : i32
    %c0_i32_0 = arith.constant 0 : i32
    %c0_i32_1 = arith.constant 0 : i32
    %c0_i32_2 = arith.constant 0 : i32
    return %c0_i32, %c0_i32_0, %c0_i32_1 : i32, i32, i32
  }
  func.func @transform_1(%arg0: i32, %arg1: i32) -> (i32, i32) {
    %c0_i32 = arith.constant 0 : i32
    %c0_i32_0 = arith.constant 0 : i32
    %c0_i32_1 = arith.constant 0 : i32
    return %c0_i32, %c0_i32_0 : i32, i32
  }
  func.func @transform_2(%arg0: i32, %arg1: i32) -> (i32, i32) {
    %c0_i32 = arith.constant 0 : i32
    %c0_i32_0 = arith.constant 0 : i32
    %c0_i32_1 = arith.constant 0 : i32
    return %c0_i32, %c0_i32_0 : i32, i32
  }
  func.func @transform_3(%arg0: i32, %arg1: i32) -> (i32, i32) {
    %c0_i32 = arith.constant 0 : i32
    %c0_i32_0 = arith.constant 0 : i32
    %c0_i32_1 = arith.constant 0 : i32
    return %c0_i32, %c0_i32_0 : i32, i32
  }
  func.func @transform_4(%arg0: i32, %arg1: i32) -> (i32, i32) {
    %c0_i32 = arith.constant 0 : i32
    %c0_i32_0 = arith.constant 0 : i32
    %c0_i32_1 = arith.constant 0 : i32
    return %c0_i32, %c0_i32_0 : i32, i32
  }
  func.func @transform_5(%arg0: i32, %arg1: i32) -> (i32, i32, i32) {
    %c0_i32 = arith.constant 0 : i32
    %c0_i32_0 = arith.constant 0 : i32
    return %arg0, %c0_i32, %arg1 : i32, i32, i32
  }
  func.func @transform_6(%arg0: i32, %arg1: i32) -> (i32, i32, i32) {
    %c0_i32 = arith.constant 0 : i32
    %c0_i32_0 = arith.constant 0 : i32
    return %arg0, %c0_i32, %arg1 : i32, i32, i32
  }
  func.func @transform_7(%arg0: i32, %arg1: i32) -> (i32, i32, i32) {
    %c0_i32 = arith.constant 0 : i32
    %c0_i32_0 = arith.constant 0 : i32
    return %arg0, %arg1, %c0_i32 : i32, i32, i32
  }
}

module attributes {stable_mosaic.version = 14 : i64} {
  func.func @_kb_body(%arg0: i32, %arg1: i32, %arg2: memref<1x3x15x128xf32, #tpu.memory_space<vmem>>, %arg3: memref<1x768x128xf32, #tpu.memory_space<vmem>>, %arg4: memref<32x3x16xf32, #tpu.memory_space<vmem>>, %arg5: memref<768x3xf32, #tpu.memory_space<vmem>>, %arg6: memref<3x1xf32, #tpu.memory_space<vmem>>, %arg7: memref<3x1xf32, #tpu.memory_space<vmem>>, %arg8: memref<768x1xf32, #tpu.memory_space<vmem>>, %arg9: memref<768x1xf32, #tpu.memory_space<vmem>>, %arg10: memref<768x768xf32, #tpu.memory_space<vmem>>, %arg11: memref<768x768xf32, #tpu.memory_space<vmem>>, %arg12: memref<768x768xf32, #tpu.memory_space<vmem>>, %arg13: memref<768x1xf32, #tpu.memory_space<vmem>>, %arg14: memref<1x768x128xf32, #tpu.memory_space<vmem>>) attributes {dimension_semantics = [#tpu.dimension_semantics<arbitrary>, #tpu.dimension_semantics<arbitrary>], iteration_bounds = array<i64: 4, 8>, scalar_prefetch = 0 : i64, scratch_operands = 0 : i64, tpu.core_type = #tpu.core_type<tc>, window_params = [{transform_indices = @transform_0, window_bounds = array<i64: 1, 3, 15, 128>}, {transform_indices = @transform_1, window_bounds = array<i64: 1, 768, 128>}, {pipeline_mode = #tpu.pipeline_mode<synchronous>, transform_indices = @transform_2, window_bounds = array<i64: 32, 3, 16>}, {pipeline_mode = #tpu.pipeline_mode<synchronous>, transform_indices = @transform_3, window_bounds = array<i64: 768, 3>}, {pipeline_mode = #tpu.pipeline_mode<synchronous>, transform_indices = @transform_4, window_bounds = array<i64: 3, 1>}, {pipeline_mode = #tpu.pipeline_mode<synchronous>, transform_indices = @transform_5, window_bounds = array<i64: 3, 1>}, {pipeline_mode = #tpu.pipeline_mode<synchronous>, transform_indices = @transform_6, window_bounds = array<i64: 768, 1>}, {pipeline_mode = #tpu.pipeline_mode<synchronous>, transform_indices = @transform_7, window_bounds = array<i64: 768, 1>}, {pipeline_mode = #tpu.pipeline_mode<synchronous>, transform_indices = @transform_8, window_bounds = array<i64: 768, 768>}, {pipeline_mode = #tpu.pipeline_mode<synchronous>, transform_indices = @transform_9, window_bounds = array<i64: 768, 768>}, {pipeline_mode = #tpu.pipeline_mode<synchronous>, transform_indices = @transform_10, window_bounds = array<i64: 768, 768>}, {pipeline_mode = #tpu.pipeline_mode<synchronous>, transform_indices = @transform_11, window_bounds = array<i64: 768, 1>}, {transform_indices = @transform_12, window_bounds = array<i64: 1, 768, 128>}]} {
    %get3A = arith.constant 0 : index
    %get3A_0 = arith.constant 0 : index
    %get3A_1 = arith.constant 0 : index
    %get3A_2 = vector.load %arg4[%get3A, %get3A_0, %get3A_1] : memref<32x3x16xf32, #tpu.memory_space<vmem>>, vector<32x3x16xf32>
    %reduce_sum3A = arith.constant dense<0.000000e+00> : vector<3x16xf32>
    %reduce_sum3A_3 = vector.multi_reduction <add>, %get3A_2, %reduce_sum3A [0] : vector<32x3x16xf32> to vector<3x16xf32>
    %slice3A = vector.extract_strided_slice %reduce_sum3A_3 {offsets = [0, 0], sizes = [3, 1], strides = [1, 1]} : vector<3x16xf32> to vector<3x1xf32>
    %slice3A_4 = vector.extract_strided_slice %reduce_sum3A_3 {offsets = [0, 1], sizes = [3, 3], strides = [1, 1]} : vector<3x16xf32> to vector<3x3xf32>
    %div3A = arith.constant 6.144000e+04 : f32
    %div3A_5 = vector.broadcast %div3A : f32 to vector<3x1xf32>
    %div3A_6 = arith.divf %slice3A, %div3A_5 : vector<3x1xf32>
    %iota3A = tpu.iota {dimensions = array<i32: 0>} : vector<3x3xi32>
    %iota3A_7 = tpu.iota {dimensions = array<i32: 1>} : vector<3x3xi32>
    %eq3A = arith.cmpi eq, %iota3A, %iota3A_7 : vector<3x3xi32>
    %convert_element_type3A = arith.extui %eq3A : vector<3x3xi1> to vector<3x3xi32>
    %convert_element_type3A_8 = arith.sitofp %convert_element_type3A : vector<3x3xi32> to vector<3x3xf32>
    %mul3A = arith.mulf %slice3A_4, %convert_element_type3A_8 : vector<3x3xf32>
    %reduce_sum3A_9 = arith.constant dense<0.000000e+00> : vector<3xf32>
    %reduce_sum3A_10 = vector.multi_reduction <add>, %mul3A, %reduce_sum3A_9 [1] : vector<3x3xf32> to vector<3xf32>
    %broadcast_in_dim3A = vector.shape_cast %reduce_sum3A_10 : vector<3xf32> to vector<3x1xf32>
    %div3A_11 = arith.constant 6.144000e+04 : f32
    %div3A_12 = vector.broadcast %div3A_11 : f32 to vector<3x1xf32>
    %div3A_13 = arith.divf %broadcast_in_dim3A, %div3A_12 : vector<3x1xf32>
    %mul3A_14 = arith.mulf %div3A_6, %div3A_6 : vector<3x1xf32>
    %sub3A = arith.subf %div3A_13, %mul3A_14 : vector<3x1xf32>
    %get3A_15 = arith.constant 0 : index
    %get3A_16 = arith.constant 0 : index
    %get3A_17 = vector.load %arg6[%get3A_15, %get3A_16] : memref<3x1xf32, #tpu.memory_space<vmem>>, vector<3x1xf32>
    %add3A = arith.constant 9.99999974E-6 : f32
    %add3A_18 = vector.broadcast %add3A : f32 to vector<3x1xf32>
    %add3A_19 = arith.addf %sub3A, %add3A_18 : vector<3x1xf32>
    %sqrt3A = math.sqrt %add3A_19 : vector<3x1xf32>
    %div3A_20 = arith.divf %get3A_17, %sqrt3A : vector<3x1xf32>
    %get3A_21 = arith.constant 0 : index
    %get3A_22 = arith.constant 0 : index
    %get3A_23 = vector.load %arg7[%get3A_21, %get3A_22] : memref<3x1xf32, #tpu.memory_space<vmem>>, vector<3x1xf32>
    %mul3A_24 = arith.mulf %div3A_6, %div3A_20 : vector<3x1xf32>
    %sub3A_25 = arith.subf %get3A_23, %mul3A_24 : vector<3x1xf32>
    %get3A_26 = arith.constant 0 : index
    %get3A_27 = arith.constant 0 : index
    %get3A_28 = vector.load %arg5[%get3A_26, %get3A_27] : memref<768x3xf32, #tpu.memory_space<vmem>>, vector<768x3xf32>
    %dot_general3A = arith.constant dense<0.000000e+00> : vector<1x3xf32>
    %dot_general3A_29 = tpu.matmul %div3A_20, %convert_element_type3A_8, %dot_general3A {dimension_numbers = #tpu.dot_dimension_numbers<[0], [0], [1], [1], [0, 1, 1, 1], [], []>, precision = #tpu.contract_precision<fp32>, transpose_lhs_hint = false} : vector<3x1xf32>, vector<3x3xf32>, vector<1x3xf32> -> vector<1x3xf32>
    %dot_general3A_30 = arith.constant dense<0.000000e+00> : vector<1x3xf32>
    %dot_general3A_31 = tpu.matmul %div3A_6, %convert_element_type3A_8, %dot_general3A_30 {dimension_numbers = #tpu.dot_dimension_numbers<[0], [0], [1], [1], [0, 1, 1, 1], [], []>, precision = #tpu.contract_precision<fp32>, transpose_lhs_hint = false} : vector<3x1xf32>, vector<3x3xf32>, vector<1x3xf32> -> vector<1x3xf32>
    %mul3A_32 = vector.broadcast %dot_general3A_29 : vector<1x3xf32> to vector<768x3xf32>
    %mul3A_33 = arith.mulf %get3A_28, %mul3A_32 : vector<768x3xf32>
    %mul3A_34 = arith.mulf %div3A_20, %div3A_6 : vector<3x1xf32>
    %add3A_35 = arith.addf %mul3A_34, %sub3A_25 : vector<3x1xf32>
    %dot_general3A_36 = arith.constant dense<0.000000e+00> : vector<768x1xf32>
    %dot_general3A_37 = tpu.matmul %get3A_28, %add3A_35, %dot_general3A_36 {dimension_numbers = #tpu.dot_dimension_numbers<[1], [0], [0], [1], [0, 0, 1, 1], [], []>, precision = #tpu.contract_precision<fp32>, transpose_lhs_hint = false} : vector<768x3xf32>, vector<3x1xf32>, vector<768x1xf32> -> vector<768x1xf32>
    %div3A_38 = arith.constant 6.144000e+04 : f32
    %div3A_39 = vector.broadcast %div3A_38 : f32 to vector<3x3xf32>
    %div3A_40 = arith.divf %slice3A_4, %div3A_39 : vector<3x3xf32>
    %dot_general3A_41 = arith.constant dense<0.000000e+00> : vector<3x3xf32>
    %dot_general3A_42 = tpu.matmul %div3A_6, %dot_general3A_31, %dot_general3A_41 {dimension_numbers = #tpu.dot_dimension_numbers<[1], [0], [0], [1], [0, 0, 1, 1], [], []>, precision = #tpu.contract_precision<fp32>, transpose_lhs_hint = false} : vector<3x1xf32>, vector<1x3xf32>, vector<3x3xf32> -> vector<3x3xf32>
    %sub3A_43 = arith.subf %div3A_40, %dot_general3A_42 : vector<3x3xf32>
    %dot_general3A_44 = arith.constant dense<0.000000e+00> : vector<768x3xf32>
    %dot_general3A_45 = tpu.matmul %mul3A_33, %sub3A_43, %dot_general3A_44 {dimension_numbers = #tpu.dot_dimension_numbers<[1], [0], [0], [1], [0, 0, 1, 1], [], []>, precision = #tpu.contract_precision<fp32>, transpose_lhs_hint = false} : vector<768x3xf32>, vector<3x3xf32>, vector<768x3xf32> -> vector<768x3xf32>
    %mul3A_46 = arith.mulf %dot_general3A_45, %mul3A_33 : vector<768x3xf32>
    %reduce_sum3A_47 = arith.constant dense<0.000000e+00> : vector<768xf32>
    %reduce_sum3A_48 = vector.multi_reduction <add>, %mul3A_46, %reduce_sum3A_47 [1] : vector<768x3xf32> to vector<768xf32>
    %broadcast_in_dim3A_49 = vector.shape_cast %reduce_sum3A_48 : vector<768xf32> to vector<768x1xf32>
    %add3A_50 = arith.constant 9.99999974E-6 : f32
    %add3A_51 = vector.broadcast %add3A_50 : f32 to vector<768x1xf32>
    %add3A_52 = arith.addf %broadcast_in_dim3A_49, %add3A_51 : vector<768x1xf32>
    %sqrt3A_53 = math.sqrt %add3A_52 : vector<768x1xf32>
    %div3A_54 = arith.constant 1.000000e+00 : f32
    %div3A_55 = vector.broadcast %div3A_54 : f32 to vector<768x1xf32>
    %div3A_56 = arith.divf %div3A_55, %sqrt3A_53 : vector<768x1xf32>
    %get3A_57 = arith.constant 0 : index
    %get3A_58 = arith.constant 0 : index
    %get3A_59 = vector.load %arg8[%get3A_57, %get3A_58] : memref<768x1xf32, #tpu.memory_space<vmem>>, vector<768x1xf32>
    %get3A_60 = arith.constant 0 : index
    %get3A_61 = arith.constant 0 : index
    %get3A_62 = vector.load %arg9[%get3A_60, %get3A_61] : memref<768x1xf32, #tpu.memory_space<vmem>>, vector<768x1xf32>
    %get3A_63 = arith.constant 0 : index
    %get3A_64 = arith.constant 0 : index
    %get3A_65 = arith.constant 0 : index
    %get3A_66 = arith.constant 0 : index
    %get3A_67 = vector.load %arg2[%get3A_63, %get3A_64, %get3A_65, %get3A_66] : memref<1x3x15x128xf32, #tpu.memory_space<vmem>>, vector<1x3x1x128xf32>
    %get3A_68 = vector.shape_cast %get3A_67 : vector<1x3x1x128xf32> to vector<3x128xf32>
    %get3A_69 = arith.constant 0 : index
    %get3A_70 = arith.constant 0 : index
    %get3A_71 = arith.constant 1 : index
    %get3A_72 = arith.constant 0 : index
    %get3A_73 = vector.load %arg2[%get3A_69, %get3A_70, %get3A_71, %get3A_72] : memref<1x3x15x128xf32, #tpu.memory_space<vmem>>, vector<1x3x1x128xf32>
    %get3A_74 = vector.shape_cast %get3A_73 : vector<1x3x1x128xf32> to vector<3x128xf32>
    %get3A_75 = arith.constant 0 : index
    %get3A_76 = arith.constant 0 : index
    %get3A_77 = arith.constant 2 : index
    %get3A_78 = arith.constant 0 : index
    %get3A_79 = vector.load %arg2[%get3A_75, %get3A_76, %get3A_77, %get3A_78] : memref<1x3x15x128xf32, #tpu.memory_space<vmem>>, vector<1x3x1x128xf32>
    %get3A_80 = vector.shape_cast %get3A_79 : vector<1x3x1x128xf32> to vector<3x128xf32>
    %get3A_81 = arith.constant 0 : index
    %get3A_82 = arith.constant 0 : index
    %get3A_83 = arith.constant 3 : index
    %get3A_84 = arith.constant 0 : index
    %get3A_85 = vector.load %arg2[%get3A_81, %get3A_82, %get3A_83, %get3A_84] : memref<1x3x15x128xf32, #tpu.memory_space<vmem>>, vector<1x3x1x128xf32>
    %get3A_86 = vector.shape_cast %get3A_85 : vector<1x3x1x128xf32> to vector<3x128xf32>
    %get3A_87 = arith.constant 0 : index
    %get3A_88 = arith.constant 0 : index
    %get3A_89 = arith.constant 4 : index
    %get3A_90 = arith.constant 0 : index
    %get3A_91 = vector.load %arg2[%get3A_87, %get3A_88, %get3A_89, %get3A_90] : memref<1x3x15x128xf32, #tpu.memory_space<vmem>>, vector<1x3x1x128xf32>
    %get3A_92 = vector.shape_cast %get3A_91 : vector<1x3x1x128xf32> to vector<3x128xf32>
    %get3A_93 = arith.constant 0 : index
    %get3A_94 = arith.constant 0 : index
    %get3A_95 = arith.constant 5 : index
    %get3A_96 = arith.constant 0 : index
    %get3A_97 = vector.load %arg2[%get3A_93, %get3A_94, %get3A_95, %get3A_96] : memref<1x3x15x128xf32, #tpu.memory_space<vmem>>, vector<1x3x1x128xf32>
    %get3A_98 = vector.shape_cast %get3A_97 : vector<1x3x1x128xf32> to vector<3x128xf32>
    %get3A_99 = arith.constant 0 : index
    %get3A_100 = arith.constant 0 : index
    %get3A_101 = arith.constant 6 : index
    %get3A_102 = arith.constant 0 : index
    %get3A_103 = vector.load %arg2[%get3A_99, %get3A_100, %get3A_101, %get3A_102] : memref<1x3x15x128xf32, #tpu.memory_space<vmem>>, vector<1x3x1x128xf32>
    %get3A_104 = vector.shape_cast %get3A_103 : vector<1x3x1x128xf32> to vector<3x128xf32>
    %get3A_105 = arith.constant 0 : index
    %get3A_106 = arith.constant 0 : index
    %get3A_107 = arith.constant 7 : index
    %get3A_108 = arith.constant 0 : index
    %get3A_109 = vector.load %arg2[%get3A_105, %get3A_106, %get3A_107, %get3A_108] : memref<1x3x15x128xf32, #tpu.memory_space<vmem>>, vector<1x3x1x128xf32>
    %get3A_110 = vector.shape_cast %get3A_109 : vector<1x3x1x128xf32> to vector<3x128xf32>
    %get3A_111 = arith.constant 0 : index
    %get3A_112 = arith.constant 0 : index
    %get3A_113 = arith.constant 8 : index
    %get3A_114 = arith.constant 0 : index
    %get3A_115 = vector.load %arg2[%get3A_111, %get3A_112, %get3A_113, %get3A_114] : memref<1x3x15x128xf32, #tpu.memory_space<vmem>>, vector<1x3x1x128xf32>
    %get3A_116 = vector.shape_cast %get3A_115 : vector<1x3x1x128xf32> to vector<3x128xf32>
    %get3A_117 = arith.constant 0 : index
    %get3A_118 = arith.constant 0 : index
    %get3A_119 = arith.constant 9 : index
    %get3A_120 = arith.constant 0 : index
    %get3A_121 = vector.load %arg2[%get3A_117, %get3A_118, %get3A_119, %get3A_120] : memref<1x3x15x128xf32, #tpu.memory_space<vmem>>, vector<1x3x1x128xf32>
    %get3A_122 = vector.shape_cast %get3A_121 : vector<1x3x1x128xf32> to vector<3x128xf32>
    %get3A_123 = arith.constant 0 : index
    %get3A_124 = arith.constant 0 : index
    %get3A_125 = arith.constant 10 : index
    %get3A_126 = arith.constant 0 : index
    %get3A_127 = vector.load %arg2[%get3A_123, %get3A_124, %get3A_125, %get3A_126] : memref<1x3x15x128xf32, #tpu.memory_space<vmem>>, vector<1x3x1x128xf32>
    %get3A_128 = vector.shape_cast %get3A_127 : vector<1x3x1x128xf32> to vector<3x128xf32>
    %get3A_129 = arith.constant 0 : index
    %get3A_130 = arith.constant 0 : index
    %get3A_131 = arith.constant 11 : index
    %get3A_132 = arith.constant 0 : index
    %get3A_133 = vector.load %arg2[%get3A_129, %get3A_130, %get3A_131, %get3A_132] : memref<1x3x15x128xf32, #tpu.memory_space<vmem>>, vector<1x3x1x128xf32>
    %get3A_134 = vector.shape_cast %get3A_133 : vector<1x3x1x128xf32> to vector<3x128xf32>
    %get3A_135 = arith.constant 0 : index
    %get3A_136 = arith.constant 0 : index
    %get3A_137 = arith.constant 12 : index
    %get3A_138 = arith.constant 0 : index
    %get3A_139 = vector.load %arg2[%get3A_135, %get3A_136, %get3A_137, %get3A_138] : memref<1x3x15x128xf32, #tpu.memory_space<vmem>>, vector<1x3x1x128xf32>
    %get3A_140 = vector.shape_cast %get3A_139 : vector<1x3x1x128xf32> to vector<3x128xf32>
    %get3A_141 = arith.constant 0 : index
    %get3A_142 = arith.constant 0 : index
    %get3A_143 = arith.constant 13 : index
    %get3A_144 = arith.constant 0 : index
    %get3A_145 = vector.load %arg2[%get3A_141, %get3A_142, %get3A_143, %get3A_144] : memref<1x3x15x128xf32, #tpu.memory_space<vmem>>, vector<1x3x1x128xf32>
    %get3A_146 = vector.shape_cast %get3A_145 : vector<1x3x1x128xf32> to vector<3x128xf32>
    %get3A_147 = arith.constant 0 : index
    %get3A_148 = arith.constant 0 : index
    %get3A_149 = arith.constant 14 : index
    %get3A_150 = arith.constant 0 : index
    %get3A_151 = vector.load %arg2[%get3A_147, %get3A_148, %get3A_149, %get3A_150] : memref<1x3x15x128xf32, #tpu.memory_space<vmem>>, vector<1x3x1x128xf32>
    %get3A_152 = vector.shape_cast %get3A_151 : vector<1x3x1x128xf32> to vector<3x128xf32>
    %concatenate3A = tpu.concatenate %get3A_68, %get3A_74, %get3A_80, %get3A_86, %get3A_92, %get3A_98, %get3A_104, %get3A_110, %get3A_116, %get3A_122, %get3A_128, %get3A_134, %get3A_140, %get3A_146, %get3A_152 in 1 : vector<3x128xf32>, vector<3x128xf32>, vector<3x128xf32>, vector<3x128xf32>, vector<3x128xf32>, vector<3x128xf32>, vector<3x128xf32>, vector<3x128xf32>, vector<3x128xf32>, vector<3x128xf32>, vector<3x128xf32>, vector<3x128xf32>, vector<3x128xf32>, vector<3x128xf32>, vector<3x128xf32> -> vector<3x1920xf32>
    %mul3A_153 = vector.broadcast %div3A_20 : vector<3x1xf32> to vector<3x1920xf32>
    %mul3A_154 = arith.mulf %concatenate3A, %mul3A_153 : vector<3x1920xf32>
    %add3A_155 = vector.broadcast %sub3A_25 : vector<3x1xf32> to vector<3x1920xf32>
    %add3A_156 = arith.addf %mul3A_154, %add3A_155 : vector<3x1920xf32>
    %dot_general3A_157 = arith.constant dense<0.000000e+00> : vector<768x1920xf32>
    %dot_general3A_158 = tpu.matmul %get3A_28, %add3A_156, %dot_general3A_157 {dimension_numbers = #tpu.dot_dimension_numbers<[1], [0], [0], [1], [0, 0, 1, 1], [], []>, transpose_lhs_hint = false} : vector<768x3xf32>, vector<3x1920xf32>, vector<768x1920xf32> -> vector<768x1920xf32>
    %sub3A_159 = vector.broadcast %dot_general3A_37 : vector<768x1xf32> to vector<768x1920xf32>
    %sub3A_160 = arith.subf %dot_general3A_158, %sub3A_159 : vector<768x1920xf32>
    %mul3A_161 = vector.broadcast %div3A_56 : vector<768x1xf32> to vector<768x1920xf32>
    %mul3A_162 = arith.mulf %sub3A_160, %mul3A_161 : vector<768x1920xf32>
    %mul3A_163 = vector.broadcast %get3A_59 : vector<768x1xf32> to vector<768x1920xf32>
    %mul3A_164 = arith.mulf %mul3A_162, %mul3A_163 : vector<768x1920xf32>
    %add3A_165 = vector.broadcast %get3A_62 : vector<768x1xf32> to vector<768x1920xf32>
    %add3A_166 = arith.addf %mul3A_164, %add3A_165 : vector<768x1920xf32>
    %mul3A_167 = arith.constant 5.000000e-01 : f32
    %mul3A_168 = vector.broadcast %mul3A_167 : f32 to vector<768x1920xf32>
    %mul3A_169 = arith.mulf %mul3A_168, %add3A_166 : vector<768x1920xf32>
    %mul3A_170 = arith.constant 0.707106769 : f32
    %mul3A_171 = vector.broadcast %mul3A_170 : f32 to vector<768x1920xf32>
    %mul3A_172 = arith.mulf %add3A_166, %mul3A_171 : vector<768x1920xf32>
    %erf3A = math.erf %mul3A_172 : vector<768x1920xf32>
    %add3A_173 = arith.constant 1.000000e+00 : f32
    %add3A_174 = vector.broadcast %add3A_173 : f32 to vector<768x1920xf32>
    %add3A_175 = arith.addf %add3A_174, %erf3A : vector<768x1920xf32>
    %mul3A_176 = arith.mulf %mul3A_169, %add3A_175 : vector<768x1920xf32>
    %get3A_177 = arith.constant 0 : index
    %get3A_178 = arith.constant 0 : index
    %get3A_179 = vector.load %arg10[%get3A_177, %get3A_178] : memref<768x768xf32, #tpu.memory_space<vmem>>, vector<768x768xf32>
    %dot_general3A_180 = arith.constant dense<0.000000e+00> : vector<768x1920xf32>
    %dot_general3A_181 = tpu.matmul %get3A_179, %mul3A_176, %dot_general3A_180 {dimension_numbers = #tpu.dot_dimension_numbers<[1], [0], [0], [1], [0, 0, 1, 1], [], []>, transpose_lhs_hint = false} : vector<768x768xf32>, vector<768x1920xf32>, vector<768x1920xf32> -> vector<768x1920xf32>
    %slice3A_182 = vector.extract_strided_slice %dot_general3A_181 {offsets = [0, 0], sizes = [768, 128], strides = [1, 1]} : vector<768x1920xf32> to vector<768x128xf32>
    %slice3A_183 = vector.extract_strided_slice %dot_general3A_181 {offsets = [0, 128], sizes = [768, 128], strides = [1, 1]} : vector<768x1920xf32> to vector<768x128xf32>
    %max3A = arith.maximumf %slice3A_182, %slice3A_183 : vector<768x128xf32>
    %slice3A_184 = vector.extract_strided_slice %dot_general3A_181 {offsets = [0, 256], sizes = [768, 128], strides = [1, 1]} : vector<768x1920xf32> to vector<768x128xf32>
    %max3A_185 = arith.maximumf %max3A, %slice3A_184 : vector<768x128xf32>
    %slice3A_186 = vector.extract_strided_slice %dot_general3A_181 {offsets = [0, 384], sizes = [768, 128], strides = [1, 1]} : vector<768x1920xf32> to vector<768x128xf32>
    %max3A_187 = arith.maximumf %max3A_185, %slice3A_186 : vector<768x128xf32>
    %slice3A_188 = vector.extract_strided_slice %dot_general3A_181 {offsets = [0, 512], sizes = [768, 128], strides = [1, 1]} : vector<768x1920xf32> to vector<768x128xf32>
    %max3A_189 = arith.maximumf %max3A_187, %slice3A_188 : vector<768x128xf32>
    %slice3A_190 = vector.extract_strided_slice %dot_general3A_181 {offsets = [0, 640], sizes = [768, 128], strides = [1, 1]} : vector<768x1920xf32> to vector<768x128xf32>
    %max3A_191 = arith.maximumf %max3A_189, %slice3A_190 : vector<768x128xf32>
    %slice3A_192 = vector.extract_strided_slice %dot_general3A_181 {offsets = [0, 768], sizes = [768, 128], strides = [1, 1]} : vector<768x1920xf32> to vector<768x128xf32>
    %max3A_193 = arith.maximumf %max3A_191, %slice3A_192 : vector<768x128xf32>
    %slice3A_194 = vector.extract_strided_slice %dot_general3A_181 {offsets = [0, 896], sizes = [768, 128], strides = [1, 1]} : vector<768x1920xf32> to vector<768x128xf32>
    %max3A_195 = arith.maximumf %max3A_193, %slice3A_194 : vector<768x128xf32>
    %slice3A_196 = vector.extract_strided_slice %dot_general3A_181 {offsets = [0, 1024], sizes = [768, 128], strides = [1, 1]} : vector<768x1920xf32> to vector<768x128xf32>
    %max3A_197 = arith.maximumf %max3A_195, %slice3A_196 : vector<768x128xf32>
    %slice3A_198 = vector.extract_strided_slice %dot_general3A_181 {offsets = [0, 1152], sizes = [768, 128], strides = [1, 1]} : vector<768x1920xf32> to vector<768x128xf32>
    %max3A_199 = arith.maximumf %max3A_197, %slice3A_198 : vector<768x128xf32>
    %slice3A_200 = vector.extract_strided_slice %dot_general3A_181 {offsets = [0, 1280], sizes = [768, 128], strides = [1, 1]} : vector<768x1920xf32> to vector<768x128xf32>
    %max3A_201 = arith.maximumf %max3A_199, %slice3A_200 : vector<768x128xf32>
    %slice3A_202 = vector.extract_strided_slice %dot_general3A_181 {offsets = [0, 1408], sizes = [768, 128], strides = [1, 1]} : vector<768x1920xf32> to vector<768x128xf32>
    %max3A_203 = arith.maximumf %max3A_201, %slice3A_202 : vector<768x128xf32>
    %slice3A_204 = vector.extract_strided_slice %dot_general3A_181 {offsets = [0, 1536], sizes = [768, 128], strides = [1, 1]} : vector<768x1920xf32> to vector<768x128xf32>
    %max3A_205 = arith.maximumf %max3A_203, %slice3A_204 : vector<768x128xf32>
    %slice3A_206 = vector.extract_strided_slice %dot_general3A_181 {offsets = [0, 1664], sizes = [768, 128], strides = [1, 1]} : vector<768x1920xf32> to vector<768x128xf32>
    %max3A_207 = arith.maximumf %max3A_205, %slice3A_206 : vector<768x128xf32>
    %slice3A_208 = vector.extract_strided_slice %dot_general3A_181 {offsets = [0, 1792], sizes = [768, 128], strides = [1, 1]} : vector<768x1920xf32> to vector<768x128xf32>
    %max3A_209 = arith.maximumf %max3A_207, %slice3A_208 : vector<768x128xf32>
    %get3A_210 = arith.constant 0 : index
    %get3A_211 = arith.constant 0 : index
    %get3A_212 = vector.load %arg11[%get3A_210, %get3A_211] : memref<768x768xf32, #tpu.memory_space<vmem>>, vector<768x768xf32>
    %get3A_213 = arith.constant 0 : index
    %get3A_214 = arith.constant 0 : index
    %get3A_215 = arith.constant 0 : index
    %get3A_216 = vector.load %arg3[%get3A_213, %get3A_214, %get3A_215] : memref<1x768x128xf32, #tpu.memory_space<vmem>>, vector<1x768x128xf32>
    %get3A_217 = vector.shape_cast %get3A_216 : vector<1x768x128xf32> to vector<768x128xf32>
    %dot_general3A_218 = arith.constant dense<0.000000e+00> : vector<768x128xf32>
    %dot_general3A_219 = tpu.matmul %get3A_212, %get3A_217, %dot_general3A_218 {dimension_numbers = #tpu.dot_dimension_numbers<[1], [0], [0], [1], [0, 0, 1, 1], [], []>, transpose_lhs_hint = false} : vector<768x768xf32>, vector<768x128xf32>, vector<768x128xf32> -> vector<768x128xf32>
    %get3A_220 = arith.constant 0 : index
    %get3A_221 = arith.constant 0 : index
    %get3A_222 = vector.load %arg12[%get3A_220, %get3A_221] : memref<768x768xf32, #tpu.memory_space<vmem>>, vector<768x768xf32>
    %dot_general3A_223 = arith.constant dense<0.000000e+00> : vector<768x128xf32>
    %dot_general3A_224 = tpu.matmul %get3A_222, %max3A_209, %dot_general3A_223 {dimension_numbers = #tpu.dot_dimension_numbers<[1], [0], [0], [1], [0, 0, 1, 1], [], []>, transpose_lhs_hint = false} : vector<768x768xf32>, vector<768x128xf32>, vector<768x128xf32> -> vector<768x128xf32>
    %add3A_225 = arith.addf %dot_general3A_219, %dot_general3A_224 : vector<768x128xf32>
    %get3A_226 = arith.constant 0 : index
    %get3A_227 = arith.constant 0 : index
    %get3A_228 = vector.load %arg13[%get3A_226, %get3A_227] : memref<768x1xf32, #tpu.memory_space<vmem>>, vector<768x1xf32>
    %add3A_229 = vector.broadcast %get3A_228 : vector<768x1xf32> to vector<768x128xf32>
    %add3A_230 = arith.addf %add3A_225, %add3A_229 : vector<768x128xf32>
    %swap3A = arith.constant 0 : index
    %swap3A_231 = arith.constant 0 : index
    %swap3A_232 = arith.constant 0 : index
    %swap3A_233 = vector.load %arg14[%swap3A, %swap3A_231, %swap3A_232] : memref<1x768x128xf32, #tpu.memory_space<vmem>>, vector<1x768x128xf32>
    %swap3A_234 = vector.shape_cast %swap3A_233 : vector<1x768x128xf32> to vector<768x128xf32>
    %swap3A_235 = vector.shape_cast %add3A_230 : vector<768x128xf32> to vector<1x768x128xf32>
    tpu.vector_store %arg14[%swap3A, %swap3A_231, %swap3A_232], %swap3A_235 {strides = array<i32>} : memref<1x768x128xf32, #tpu.memory_space<vmem>>, vector<1x768x128xf32>,
    return
  }
  func.func @transform_0(%arg0: i32, %arg1: i32) -> (i32, i32, i32, i32) {
    %mul3A = arith.constant 8 : i32
    %mul3A_0 = arith.muli %arg0, %mul3A : i32
    %add3A = arith.addi %mul3A_0, %arg1 : i32
    %c0_i32 = arith.constant 0 : i32
    %c0_i32_1 = arith.constant 0 : i32
    %c0_i32_2 = arith.constant 0 : i32
    %c0_i32_3 = arith.constant 0 : i32
    return %add3A, %c0_i32, %c0_i32_1, %c0_i32_2 : i32, i32, i32, i32
  }
  func.func @transform_1(%arg0: i32, %arg1: i32) -> (i32, i32, i32) {
    %c0_i32 = arith.constant 0 : i32
    %c0_i32_0 = arith.constant 0 : i32
    return %arg0, %c0_i32, %arg1 : i32, i32, i32
  }
  func.func @transform_2(%arg0: i32, %arg1: i32) -> (i32, i32, i32) {
    %c0_i32 = arith.constant 0 : i32
    %c0_i32_0 = arith.constant 0 : i32
    %c0_i32_1 = arith.constant 0 : i32
    %c0_i32_2 = arith.constant 0 : i32
    return %c0_i32, %c0_i32_0, %c0_i32_1 : i32, i32, i32
  }
  func.func @transform_3(%arg0: i32, %arg1: i32) -> (i32, i32) {
    %c0_i32 = arith.constant 0 : i32
    %c0_i32_0 = arith.constant 0 : i32
    %c0_i32_1 = arith.constant 0 : i32
    return %c0_i32, %c0_i32_0 : i32, i32
  }
  func.func @transform_4(%arg0: i32, %arg1: i32) -> (i32, i32) {
    %c0_i32 = arith.constant 0 : i32
    %c0_i32_0 = arith.constant 0 : i32
    %c0_i32_1 = arith.constant 0 : i32
    return %c0_i32, %c0_i32_0 : i32, i32
  }
  func.func @transform_5(%arg0: i32, %arg1: i32) -> (i32, i32) {
    %c0_i32 = arith.constant 0 : i32
    %c0_i32_0 = arith.constant 0 : i32
    %c0_i32_1 = arith.constant 0 : i32
    return %c0_i32, %c0_i32_0 : i32, i32
  }
  func.func @transform_6(%arg0: i32, %arg1: i32) -> (i32, i32) {
    %c0_i32 = arith.constant 0 : i32
    %c0_i32_0 = arith.constant 0 : i32
    %c0_i32_1 = arith.constant 0 : i32
    return %c0_i32, %c0_i32_0 : i32, i32
  }
  func.func @transform_7(%arg0: i32, %arg1: i32) -> (i32, i32) {
    %c0_i32 = arith.constant 0 : i32
    %c0_i32_0 = arith.constant 0 : i32
    %c0_i32_1 = arith.constant 0 : i32
    return %c0_i32, %c0_i32_0 : i32, i32
  }
  func.func @transform_8(%arg0: i32, %arg1: i32) -> (i32, i32) {
    %c0_i32 = arith.constant 0 : i32
    %c0_i32_0 = arith.constant 0 : i32
    %c0_i32_1 = arith.constant 0 : i32
    return %c0_i32, %c0_i32_0 : i32, i32
  }
  func.func @transform_9(%arg0: i32, %arg1: i32) -> (i32, i32) {
    %c0_i32 = arith.constant 0 : i32
    %c0_i32_0 = arith.constant 0 : i32
    %c0_i32_1 = arith.constant 0 : i32
    return %c0_i32, %c0_i32_0 : i32, i32
  }
  func.func @transform_10(%arg0: i32, %arg1: i32) -> (i32, i32) {
    %c0_i32 = arith.constant 0 : i32
    %c0_i32_0 = arith.constant 0 : i32
    %c0_i32_1 = arith.constant 0 : i32
    return %c0_i32, %c0_i32_0 : i32, i32
  }
  func.func @transform_11(%arg0: i32, %arg1: i32) -> (i32, i32) {
    %c0_i32 = arith.constant 0 : i32
    %c0_i32_0 = arith.constant 0 : i32
    %c0_i32_1 = arith.constant 0 : i32
    return %c0_i32, %c0_i32_0 : i32, i32
  }
  func.func @transform_12(%arg0: i32, %arg1: i32) -> (i32, i32, i32) {
    %c0_i32 = arith.constant 0 : i32
    %c0_i32_0 = arith.constant 0 : i32
    return %arg0, %c0_i32, %arg1 : i32, i32, i32
  }
}

</mosaic_0001>

<sc_bundles>
// kernel: kernel.5.cloned.1.call-start
scs
__scs_entry_jumppad:
0x0: {  	(pc) =	sbr.rel $0x88, $3  }
0x1: {  	(tag) =	ssettag $0x0;
	lr =	simm.s32 $0x1  }
0x2: {  	[smem:$0x3F94] =	sst lr;
	_ =	strace $0xD0000000  }
0x3: {  	_ = 	snop  }
0x4: {  	_ = 	snop  }
0x5: {  	_ = 	snop  }
0x6: {  	_ = 	snop  }
0x7: {  	_ = 	snop  }
__scs_overlays_trampoline_lowered:
0x8: {  	[smem:$0x3FA3] =	sst s0  }
0x9: {  	[smem:$0x3FA4] =	sst s1  }
0xa: {  	[smem:$0x3FA5] =	sst s2  }
0xb: {  	[smem:$0x3FA6] =	sst s3  }
0xc: {  	[smem:$0x3FA7] =	sst s4  }
0xd: {  	[smem:$0x3FA8] =	sst s5  }
0xe: {  	[smem:$0x3FA9] =	sst s6  }
0xf: {  	[smem:$0x3FAA] =	sst s7  }
0x10: {  	[smem:$0x3FAB] =	sst s8  }
0x11: {  	[smem:$0x3FAC] =	sst s9;
	s0 =	simm.s32 @!p0 $0x0  }
0x12: {  	s1 =	sld [smem:$0x3F92];
	s0 =	simm.s32 @p0 $0x1  }
0x13: {  	[smem:$0x3FAD] =	sst s0;
	s0 =	simm.s32 @!p1 $0x0  }
0x14: {  	s2 =	sld [smem:$0x3F91];
	s0 =	simm.s32 @p1 $0x1  }
0x15: {  	[smem:$0x3FAE] =	sst s0;
	s0 =	simm.s32 @!p2 $0x0  }
0x16: {  	s3 =	sld [smem:$0x3FDB];
	s0 =	simm.s32 @p2 $0x1  }
0x17: {  	s4 =	simm.s32 $0x1BF5;
	[smem:$0x3FB0] =	sst s0  }
0x18: {  	s0 =	sld [smem:$0x3F93];
	_ =	swait.ge [sflag:s4], $0x0  }
0x19: {  	s7 =	sld [smem:$0x3F94]  }
0x1a: {  	s8 =	sadd.s32 $0xFFFFE003, lr  }
0x1b: {  	s9 =	sadd.s32 $0xFFFFFEF7, lr;
	s5 =	simm.s32 $0xFFFFFFFF;
	p2 =	slt.u32 s8, $0xFFFFF086  }
0x1c: {  	p1 =	slt.u32 s9, $0xF7A;
	s5 =	simm.s32 @!p2 $0x0  }
0x1d: {  	s5 =	simm.s32 @p1 $0x1;
	p0 =	seq.s32 s7, s2  }
0x1e: {  	s7 =	smul.u32 @!p0 $0xF7A, s2;
	p2 =	seq.s32 @!p0 s5, $0x0  }
0x1f: {  	s9 =	smul.u32 $0xF7A, s1;
	s8 =	simm.s32 @!p0 $0x1BF5;
	p2 =	por !p2, p0  }
0x20: {  	[sflag:s8] =	ssyncset.s32 @!p0 $0xFFFFF086;
	s6 =	sadd.s32 @!p0 s3, s7;
	s7 =	simm.s32 @!p0 $0x108  }
0x21: {  	s3 =	sadd.s32 s3, s9;
	s6 =	sadd.s32 @!p0 $0x88, s6;
	s7 =	simm.s32 @p2 $0x1082  }
0x22: {  	[simem:s7], [sflag:s8] =	dma.local @!p0 [hbm:s6], $0xF7A  }
0x23: {  	s9 =	sor.u32 $0xD0000000, s2;
	s6 =	simm.s32 $0x108;
	_ =	swait.ge @!p0 [sflag:s8], $0x0  }
0x24: {  	s3 =	sadd.s32 $0x88, s3;
	s6 =	simm.s32 @!p1 $0x1082;
	[sflag:s4] =	ssyncset.s32 $0xFFFFF086  }
0x25: {  	[simem:s6], [sflag:s4] =	dma.local [hbm:s3], $0xF7A  }
0x26: {  	[smem:$0x3F94] =	sst s1;
	(tag) =	ssettag s2;
	_ =	strace s9  }
0x27: {  	s1 =	sld [smem:$0x3FA4]  }
0x28: {  	s2 =	sld [smem:$0x3FA5]  }
0x29: {  	s4 =	sld [smem:$0x3FA7]  }
0x2a: {  	p0 =	seq.s32 s5, $0x0;
	s5 =	sld [smem:$0x3FA8]  }
0x2b: {  	s6 =	sld [smem:$0x3FA9]  }
0x2c: {  	s7 =	sld [smem:$0x3FAA]  }
0x2d: {  	s3 =	simm.s32 $0x108;
	s8 =	sld [smem:$0x3FAB]  }
0x2e: {  	s3 =	simm.s32 @!p0 $0x1082;
	s9 =	sld [smem:$0x3FAC]  }
0x2f: {  	lr =	sadd.s32 s0, s3;
	s0 =	sld [smem:$0x3FA3]  }
0x30: {  	s3 =	sld [smem:$0x3FA6]  }
0x31: {  	[smem:$0x3FAF] =	sst s10  }
0x32: {  	s10 =	sld [smem:$0x3FAD];
	_ =	sdelay $0x3  }
0x33: {  	p0 =	seq.s32 s10, $0x1;
	s10 =	sld [smem:$0x3FAF];
	_ =	sdelay $0x3  }
0x34: {  	[smem:$0x3FAF] =	sst s10  }
0x35: {  	s10 =	sld [smem:$0x3FAE];
	_ =	sdelay $0x3  }
0x36: {  	p1 =	seq.s32 s10, $0x1;
	s10 =	sld [smem:$0x3FAF];
	_ =	sdelay $0x3  }
0x37: {  	[smem:$0x3FAF] =	sst s10  }
0x38: {  	s10 =	sld [smem:$0x3FB0]  }
0x39: {  	_ = 	snop;
	(pc) =	sbr.ind lr, $3  }
0x3a: {  	_ = 	snop  }
0x3b: {  	_ = 	snop  }
0x3c: {  	p2 =	seq.s32 s10, $0x1;
	s10 =	sld [smem:$0x3FAF]  }
0x3d: {  	_ =	shalt  }
0x3e: {  	_ =	shalt  }
0x3f: {  	_ =	shalt  }
0x40: {  	_ =	shalt  }
0x41: {  	_ =	shalt  }
0x42: {  	_ =	shalt  }
0x43: {  	_ =	shalt  }
0x44: {  	_ =	shalt  }
0x45: {  	_ =	shalt  }
0x46: {  	_ =	shalt  }
0x47: {  	_ =	shalt  }
0x48: {  	_ =	shalt  }
0x49: {  	_ =	shalt  }
0x4a: {  	_ =	shalt  }
0x4b: {  	_ =	shalt  }
0x4c: {  	_ =	shalt  }
0x4d: {  	_ =	shalt  }
0x4e: {  	_ =	shalt  }
0x4f: {  	_ =	shalt  }
0x50: {  	_ =	shalt  }
0x51: {  	_ =	shalt  }
0x52: {  	_ =	shalt  }
0x53: {  	_ =	shalt  }
0x54: {  	_ =	shalt  }
0x55: {  	_ =	shalt  }
0x56: {  	_ =	shalt  }
0x57: {  	_ =	shalt  }
0x58: {  	_ =	shalt  }
0x59: {  	_ =	shalt  }
0x5a: {  	_ =	shalt  }
0x5b: {  	_ =	shalt  }
0x5c: {  	_ =	shalt  }
0x5d: {  	_ =	shalt  }
0x5e: {  	_ =	shalt  }
0x5f: {  	_ =	shalt  }
0x60: {  	_ =	shalt  }
0x61: {  	_ =	shalt  }
0x62: {  	_ =	shalt  }
0x63: {  	_ =	shalt  }
0x64: {  	_ =	shalt  }
0x65: {  	_ =	shalt  }
0x66: {  	_ =	shalt  }
0x67: {  	_ =	shalt  }
0x68: {  	_ =	shalt  }
0x69: {  	_ =	shalt  }
0x6a: {  	_ =	shalt  }
0x6b: {  	_ =	shalt  }
0x6c: {  	_ =	shalt  }
0x6d: {  	_ =	shalt  }
0x6e: {  	_ =	shalt  }
0x6f: {  	_ =	shalt  }
0x70: {  	_ =	shalt  }
0x71: {  	_ =	shalt  }
0x72: {  	_ =	shalt  }
0x73: {  	_ =	shalt  }
0x74: {  	_ =	shalt  }
0x75: {  	_ =	shalt  }
0x76: {  	_ =	shalt  }
0x77: {  	_ =	shalt  }
0x78: {  	_ =	shalt  }
0x79: {  	_ =	shalt  }
0x7a: {  	_ =	shalt  }
0x7b: {  	_ =	shalt  }
0x7c: {  	_ =	shalt  }
0x7d: {  	_ =	shalt  }
0x7e: {  	_ =	shalt  }
0x7f: {  	_ =	shalt  }
0x80: {  	_ =	shalt  }
0x81: {  	_ =	shalt  }
0x82: {  	_ =	shalt  }
0x83: {  	_ =	shalt  }
0x84: {  	_ =	shalt  }
0x85: {  	_ =	shalt  }
0x86: {  	_ =	shalt  }
0x87: {  	_ =	shalt  }
.Lfunc_end0:
.L_simem_size_0:
called_computation_lowered:
.L_overlay_start_0:
0x88: {  	s2 =	sld [smem:$0x3FD9]  }
0x89: {  	s3 =	sld [smem:$0x3FFE];
	_ =	sdelay $0x1  }
0x8a: {  	s1 =	srdreg.scid  }
0x8b: {  	s0 =	sand.u32 $0x1, s1  }
0x8c: {  	s16 =	sshll.u32 s0, $0xA;
	s2 =	sadd.s32 s3, s2  }
0x8d: {  	s2 =	sadd.s32 s2, s16  }
0x8e: {  	[smem:$0x3FBB] =	sst s2  }
0x8f: {  	_ = 	snop  }
0x90: {  	(tm) =	ssettm $0x1  }
0x91: {  	s17 =	sld [smem:$0x3FFB];
	_ =	sdelay $0x3  }
0x92: {  	_ =	strace s17  }
0x93: {  	s2 =	sld [smem:$0x3FFC];
	_ =	sdelay $0x3  }
0x94: {  	_ =	strace s2  }
0x95: {  	s2 =	sld [smem:$0x3FFD];
	_ =	sdelay $0x3  }
0x96: {  	_ =	strace s2  }
0x97: {  	_ =	strace $0x8FFFFFFF  }
0x98: {  	s18 =	sld [smem:$0x3FDB];
	_ =	sdelay $0x1  }
0x99: {  	s19 =	simm.s32 $_scs_section_size  }
0x9a: {  	s4 =	simm.s32 $_size__tile_overlayer_lowered;
	s5 =	simm.s32 $_tile_overlayer_lowered  }
0x9b: {  	s22 =	simm.s32 $0x1BFF;
	s21 =	sshll.u32 s5, $0x1;
	s2 =	sadd.s32 s19, s18  }
0x9c: {  	s6 =	simm.s32 $0x0;
	s20 =	sshll.u32 s4, $0x1;
	s4 =	sadd.s32 s21, s2  }
0x9d: {  	[timem:s6], [sflag:s22] =	dma.local [hbm:s4], s20  }
0x9e: {  	_ =	swait.ge [sflag:s22], s20  }
0x9f: {  	s3 =	ssub.s32 $0x0, s20;
	[sflag:s22] =	ssyncset.done $0x0  }
0xa0: {  	[sflag:s22] =	ssyncadd.s32 s3;
	_ =	sdelay $0x1  }
0xa1: {  	s23 =	simm.s32 $0x1B8B  }
0xa2: {  	_ =	swait.ge [sflag:s23], $0x1  }
0xa3: {  	[sflag:s23] =	ssyncset.done $0x0  }
0xa4: {  	s25 =	simm.s32 $0x1B8E;
	s24 =	sld [smem:$0x3FFE];
	[sflag:s23] =	ssyncadd.s32 $0xFFFFFFFF  }
0xa5: {  	s26 =	simm.s32 $execute0_lowered;
	[smem:$0x3FD2] =	sst s25  }
0xa6: {  	s4 =	sshll.u32 s26, $0x1;
	_ =	strace $0x80000046;
	[dreg:$0x1] =	wrdreg $0xFFFFFFFF  }
0xa7: {  	s28 =	simm.s32 $_size_execute0_lowered;
	s2 =	sadd.s32 s2, s4;
	[dreg:$0x0] =	wrdreg $0x0  }
0xa8: {  	s4 =	sshll.u32 s28, $0x1;
	[dreg:$0x2] =	wrdreg s2  }
0xa9: {  	[dreg:$0x3] =	wrdreg s4  }
0xaa: {  	[dreg:$0x4] =	wrdreg $0xC0  }
0xab: {  	_ =	task [dreg:s6], $0x5FFFF  }
0xac: {  	[dreg:$0x1] =	wrdreg $0xFFFFFFFF  }
0xad: {  	[dreg:$0x0] =	wrdreg $0x60  }
0xae: {  	[dreg:$0x2] =	wrdreg s24  }
0xaf: {  	[dreg:$0x3] =	wrdreg $0x9  }
0xb0: {  	_ =	task.clear_ibuf [dreg:s6], $0x4FFFF;
	_ =	strace $0x90000046  }
0xb1: {  	s29 =	simm.s32 $0x9;
	_ =	strace $0x80000048  }
0xb2: {  	_ =	swait.ge [sflag:s29], $0x1  }
0xb3: {  	[sflag:s29] =	ssyncadd.s32 $0xFFFFFFFF  }
0xb4: {  	_ =	strace $0x90000048  }
0xb5: {  	_ =	sfence  }
0xb6: {  	s30 =	sld [smem:$0x0];
	_ =	sdelay $0x2  }
0xb7: {  	s31 =	sshll.u32 s1, $0xD;
	s1 =	sshrl.u32 s1, $0x2  }
0xb8: {  	s3 =	sand.u32 $0x4000, s31;
	s1 =	sadd.s32 s1, s30  }
0xb9: {  	s0 =	sor.u32 s3, s0;
	s1 =	sshll.u32 s1, $0x11  }
0xba: {  	s0 =	sor.u32 s1, s0  }
0xbb: {  	s0 =	sadd.s32 $0x8F2B, s0  }
0xbc: {  	[sflag:s0] =	ssyncadd.remote.s32 $0x1  }
0xbd: {  	_ =	sfence.sel $0xFFFF  }
0xbe: {  	[dreg:$0x0] =	wrdreg $0xFFFFFFFF;
	(pc) =	sbr.abs _section_cstart, $3  }
0xbf: {  	[dreg:$0x1] =	wrdreg $0xFFFFFFFF  }
0xc0: {  	_ =	task.clear_ibuf [dreg:s6], $0x2FFFF;
	_ =	strace $0x9FFFFFFF  }
0xc1: {  	(tm) =	ssettm $0x7FFFFFFF  }
tec
execute0_lowered:
.L_overlay_start_1:
0x0: {  	(tag) =	ssettag $0x1  }
0x1: {  	v0 =	vimm.s32 $0x3C00;
	vm0 =	vcmask $0x300;
	vm1 =	vcmask $0x704  }
0x2: {  	vm5 =	vcmask $0xB08;
	vm6 =	vcmask $0xF0C;
	vm7 =	vcmask $0x1310  }
0x3: {  	vm8 =	vcmask $0x1714;
	vm2 =	vcmask $0x1B18;
	v56 =	vimm.s32 $0x3C01  }
0x4: {  	vm3 =	vcmask $0x1F1C;
	vm4 =	vcmask $0x2320;
	v2 =	vimm.s32 $0x3C02  }
0x5: {  	vm9 =	vcmask $0x2724;
	vm10 =	vcmask $0x2B28;
	vm11 =	vcmask $0x2F2C  }
0x6: {  	vm12 =	vcmask $0x3330;
	vm13 =	vcmask $0x3734;
	vm14 =	vcmask $0x3B38  }
0x7: {  	v58 =	vimm.s32 $0x3C03;
	v59 =	vimm.s32 $0x3C04;
	v62 =	vimm.s32 $0x3C05  }
0x8: {  	v5 =	vimm.s32 $0x3C06;
	v21 =	vimm.s32 $0x3C07;
	v24 =	vimm.s32 $0x3C08  }
0x9: {  	v26 =	vimm.s32 $0x3C09;
	v27 =	vimm.s32 $0x3C0A;
	v30 =	vimm.s32 $0x3C0B  }
0xa: {  	v32 =	vimm.s32 $0x3C0C;
	v33 =	vimm.s32 $0x3C0D;
	v39 =	vimm.s32 $0x3C0E  }
0xb: {  	v3 =	vimm.s32 $0xFEDCBA9;
	v17 =	vimm.s32 $0x87654321;
	v42 =	vimm.s32 $0x10FEDCBA  }
0xc: {  	s0 =	stileid.u32;
	v43 =	vimm.s32 $0x98765432;
	v0 =	vsel vm0, $0x1, v0;
	v2 =	vsel vm0, $0x3, v2  }
0xd: {  	s3 =	sshrl.u32 s0, $0x2;
	v3 =	vunpack.c.l.s4.s8 v3;
	v17 =	vunpack.c.l.s4.s8 v17;
	v0 =	vsel vm1, $0x402, v0  }
0xe: {  	v46 =	vimm.s32 $0x3210FEDC;
	s1 =	smul.u32 $0xC00, s3;
	v2 =	vsel vm1, $0x404, v2;
	v0 =	vsel vm5, $0x803, v0  }
0xf: {  	v2 =	vsel vm5, $0x805, v2;
	v3 =	vunpack.c.0.s8.s32 v3;
	v20 =	vunpack.c.0.s8.s32 v17  }
0x10: {  	v1 =	vmov s1;
	s2 =	sadd.s32 $0x400, s1;
	s1 =	sadd.s32 $0x800, s1;
	v0 =	vsel vm6, $0xC04, v0;
	v2 =	vsel vm6, $0xC06, v2  }
0x11: {  	v54 =	vmov s2;
	v55 =	vmov s1;
	v0 =	vsel vm7, $0x1005, v0  }
0x12: {  	[tilespmem:$0x1FE00] =	vst v1;
	v1 =	vsel vm0, $0x2, v56;
	v2 =	vsel vm7, $0x1007, v2;
	v41 =	vcombine.low v20, v3  }
0x13: {  	v0 =	vsel vm8, $0x1406, v0;
	v1 =	vsel vm1, $0x403, v1;
	v2 =	vsel vm8, $0x1408, v2  }
0x14: {  	v0 =	vsel vm2, $0x1807, v0;
	v1 =	vsel vm5, $0x804, v1;
	v2 =	vsel vm2, $0x1809, v2  }
0x15: {  	v0 =	vsel vm3, $0x1C08, v0;
	v1 =	vsel vm6, $0xC05, v1;
	v2 =	vsel vm3, $0x1C0A, v2  }
0x16: {  	v0 =	vsel vm4, $0x2009, v0;
	v1 =	vsel vm7, $0x1006, v1;
	v2 =	vsel vm4, $0x200B, v2  }
0x17: {  	v0 =	vsel vm9, $0x240A, v0;
	v1 =	vsel vm8, $0x1407, v1;
	v2 =	vsel vm9, $0x240C, v2  }
0x18: {  	v0 =	vsel vm10, $0x280B, v0;
	v1 =	vsel vm2, $0x1808, v1;
	v2 =	vsel vm10, $0x280D, v2  }
0x19: {  	v1 =	vsel vm3, $0x1C09, v1;
	v0 =	vsel vm11, $0x2C0C, v0;
	v57 =	vsel vm11, $0x2C0E, v2  }
0x1a: {  	v2 =	vsel vm0, $0x5, v59;
	v1 =	vsel vm4, $0x200A, v1;
	v0 =	vsel vm12, $0x300D, v0  }
0x1b: {  	v61 =	vsel vm1, $0x406, v2;
	v2 =	vsel vm0, $0x6, v62;
	v1 =	vsel vm9, $0x240B, v1  }
0x1c: {  	v0 =	vsel vm13, $0x340E, v0;
	v2 =	vsel vm1, $0x407, v2;
	v1 =	vsel vm10, $0x280C, v1  }
0x1d: {  	v36 =	vsel vm14, $0x380F, v0;
	v2 =	vsel vm5, $0x808, v2;
	v1 =	vsel vm11, $0x2C0D, v1  }
0x1e: {  	v0 =	vsel vm12, $0x300F, v57;
	v2 =	vsel vm6, $0xC09, v2;
	v1 =	vsel vm12, $0x300E, v1  }
0x1f: {  	v0 =	vsel vm13, $0x3400, v0;
	v2 =	vsel vm7, $0x100A, v2;
	v1 =	vsel vm13, $0x340F, v1  }
0x20: {  	v2 =	vsel vm8, $0x140B, v2;
	v4 =	vsel vm14, $0x3800, v1;
	v1 =	vsel vm0, $0x4, v58  }
0x21: {  	v8 =	vsel vm14, $0x3801, v0;
	v2 =	vsel vm2, $0x180C, v2;
	v60 =	vsel vm1, $0x405, v1  }
0x22: {  	v1 =	vsel vm5, $0x807, v61;
	v2 =	vsel vm3, $0x1C0D, v2;
	v0 =	vsel vm5, $0x806, v60  }
0x23: {  	v1 =	vsel vm6, $0xC08, v1;
	v2 =	vsel vm4, $0x200E, v2;
	v0 =	vsel vm6, $0xC07, v0  }
0x24: {  	v1 =	vsel vm7, $0x1009, v1;
	v2 =	vsel vm9, $0x240F, v2;
	v0 =	vsel vm7, $0x1008, v0  }
0x25: {  	v1 =	vsel vm8, $0x140A, v1;
	v2 =	vsel vm10, $0x2800, v2;
	v0 =	vsel vm8, $0x1409, v0  }
0x26: {  	v1 =	vsel vm2, $0x180B, v1;
	v63 =	vsel vm11, $0x2C01, v2;
	v2 =	vsel vm0, $0x8, v21  }
0x27: {  	v21 =	vimm.s32 $0x210FEDCB;
	v0 =	vsel vm2, $0x180A, v0;
	v1 =	vsel vm3, $0x1C0C, v1  }
0x28: {  	v23 =	vsel vm1, $0x409, v2;
	v2 =	vsel vm0, $0x9, v24;
	v24 =	vimm.s32 $0x43210FED  }
0x29: {  	v0 =	vsel vm3, $0x1C0B, v0;
	v1 =	vsel vm4, $0x200D, v1;
	v2 =	vsel vm1, $0x40A, v2  }
0x2a: {  	v24 =	vunpack.c.l.s4.s8 v24;
	v0 =	vsel vm4, $0x200C, v0;
	v1 =	vsel vm9, $0x240E, v1  }
0x2b: {  	v2 =	vsel vm5, $0x80B, v2;
	v0 =	vsel vm9, $0x240D, v0;
	v1 =	vsel vm10, $0x280F, v1  }
0x2c: {  	v2 =	vsel vm6, $0xC0C, v2;
	v24 =	vunpack.c.0.s8.s32 v24;
	v0 =	vsel vm10, $0x280E, v0  }
0x2d: {  	v1 =	vsel vm11, $0x2C00, v1;
	v2 =	vsel vm7, $0x100D, v2;
	v0 =	vsel vm11, $0x2C0F, v0  }
0x2e: {  	v1 =	vsel vm12, $0x3001, v1;
	v2 =	vsel vm8, $0x140E, v2;
	v0 =	vsel vm12, $0x3000, v0  }
0x2f: {  	v1 =	vsel vm13, $0x3402, v1;
	v2 =	vsel vm2, $0x180F, v2;
	v0 =	vsel vm13, $0x3401, v0  }
0x30: {  	v10 =	vsel vm14, $0x3803, v1;
	v1 =	vsel vm0, $0x7, v5;
	v2 =	vsel vm3, $0x1C00, v2  }
0x31: {  	v9 =	vsel vm14, $0x3802, v0;
	v0 =	vsel vm12, $0x3002, v63;
	v22 =	vsel vm1, $0x408, v1  }
0x32: {  	v1 =	vsel vm5, $0x80A, v23;
	v2 =	vsel vm4, $0x2001, v2;
	v23 =	vimm.s32 $0xBA987654  }
0x33: {  	v0 =	vsel vm13, $0x3403, v0;
	v1 =	vsel vm6, $0xC0B, v1;
	v2 =	vsel vm9, $0x2402, v2  }
0x34: {  	v23 =	vunpack.c.l.s4.s8 v23;
	v11 =	vsel vm14, $0x3804, v0;
	v0 =	vsel vm5, $0x809, v22  }
0x35: {  	v1 =	vsel vm7, $0x100C, v1;
	v2 =	vsel vm10, $0x2803, v2;
	v22 =	vimm.s32 $0xA9876543  }
0x36: {  	v0 =	vsel vm6, $0xC0A, v0;
	v1 =	vsel vm8, $0x140D, v1;
	v25 =	vsel vm11, $0x2C04, v2  }
0x37: {  	v2 =	vsel vm0, $0xB, v27;
	v45 =	vunpack.c.l.s4.s8 v22;
	v22 =	vunpack.c.l.s4.s8 v46  }
0x38: {  	v23 =	vunpack.c.0.s8.s32 v23;
	v0 =	vsel vm7, $0x100B, v0;
	v1 =	vsel vm2, $0x180E, v1  }
0x39: {  	v29 =	vsel vm1, $0x40C, v2;
	v2 =	vsel vm0, $0xC, v30;
	v30 =	vimm.s32 $0x6543210F  }
0x3a: {  	v0 =	vsel vm8, $0x140C, v0;
	v1 =	vsel vm3, $0x1C0F, v1;
	v2 =	vsel vm1, $0x40D, v2  }
0x3b: {  	v22 =	vunpack.c.0.s8.s32 v22;
	v30 =	vunpack.c.l.s4.s8 v30;
	v0 =	vsel vm2, $0x180D, v0  }
0x3c: {  	v1 =	vsel vm4, $0x2000, v1;
	v2 =	vsel vm5, $0x80E, v2;
	v0 =	vsel vm3, $0x1C0E, v0  }
0x3d: {  	v1 =	vsel vm9, $0x2401, v1;
	v2 =	vsel vm6, $0xC0F, v2;
	v47 =	vcombine.low v23, v22  }
0x3e: {  	v30 =	vunpack.c.0.s8.s32 v30;
	v0 =	vsel vm4, $0x200F, v0;
	v1 =	vsel vm10, $0x2802, v1  }
0x3f: {  	v2 =	vsel vm7, $0x1000, v2;
	v0 =	vsel vm9, $0x2400, v0;
	v1 =	vsel vm11, $0x2C03, v1  }
0x40: {  	v2 =	vsel vm8, $0x1401, v2;
	v49 =	vand.u32 $0xF, v47;
	v0 =	vsel vm10, $0x2801, v0  }
0x41: {  	v1 =	vsel vm12, $0x3004, v1;
	v2 =	vsel vm2, $0x1802, v2;
	v0 =	vsel vm11, $0x2C02, v0  }
0x42: {  	v1 =	vsel vm13, $0x3405, v1;
	v2 =	vsel vm3, $0x1C03, v2;
	v0 =	vsel vm12, $0x3003, v0  }
0x43: {  	v13 =	vsel vm14, $0x3806, v1;
	v1 =	vsel vm0, $0xA, v26;
	v2 =	vsel vm4, $0x2004, v2  }
0x44: {  	v0 =	vsel vm13, $0x3404, v0;
	v28 =	vsel vm1, $0x40B, v1;
	v1 =	vsel vm5, $0x80D, v29  }
0x45: {  	v2 =	vsel vm9, $0x2405, v2;
	v12 =	vsel vm14, $0x3805, v0;
	v0 =	vsel vm12, $0x3005, v25  }
0x46: {  	v1 =	vsel vm6, $0xC0E, v1;
	v2 =	vsel vm10, $0x2806, v2;
	v25 =	vimm.s32 $0xCBA98765  }
0x47: {  	v0 =	vsel vm13, $0x3406, v0;
	v1 =	vsel vm7, $0x100F, v1;
	v31 =	vsel vm11, $0x2C07, v2  }
0x48: {  	v2 =	vsel vm0, $0xE, v33;
	v25 =	vunpack.c.l.s4.s8 v25;
	v33 =	vimm.s32 $0x76543210  }
0x49: {  	v14 =	vsel vm14, $0x3807, v0;
	v0 =	vsel vm5, $0x80C, v28;
	v1 =	vsel vm8, $0x1400, v1  }
0x4a: {  	v38 =	vsel vm1, $0x40F, v2;
	v2 =	vsel vm0, $0xF, v39;
	v33 =	vunpack.c.l.s4.s8 v33  }
0x4b: {  	v0 =	vsel vm6, $0xC0D, v0;
	v1 =	vsel vm2, $0x1801, v1;
	v2 =	vsel vm1, $0x400, v2  }
0x4c: {  	v25 =	vunpack.c.0.s8.s32 v25;
	v0 =	vsel vm7, $0x100E, v0;
	v1 =	vsel vm3, $0x1C02, v1  }
0x4d: {  	v2 =	vsel vm5, $0x801, v2;
	v33 =	vunpack.c.0.s8.s32 v33;
	v1 =	vsel vm4, $0x2003, v1  }
0x4e: {  	v0 =	vsel vm8, $0x140F, v0;
	v2 =	vsel vm6, $0xC02, v2;
	v1 =	vsel vm9, $0x2404, v1  }
0x4f: {  	v0 =	vsel vm2, $0x1800, v0;
	v2 =	vsel vm7, $0x1003, v2;
	v1 =	vsel vm10, $0x2805, v1  }
0x50: {  	v0 =	vsel vm3, $0x1C01, v0;
	v2 =	vsel vm8, $0x1404, v2;
	v1 =	vsel vm11, $0x2C06, v1  }
0x51: {  	v0 =	vsel vm4, $0x2002, v0;
	v2 =	vsel vm2, $0x1805, v2;
	v1 =	vsel vm12, $0x3007, v1  }
0x52: {  	v0 =	vsel vm9, $0x2403, v0;
	v2 =	vsel vm3, $0x1C06, v2;
	v1 =	vsel vm13, $0x3408, v1  }
0x53: {  	v0 =	vsel vm10, $0x2804, v0;
	v16 =	vsel vm14, $0x3809, v1;
	v1 =	vsel vm0, $0xD, v32  }
0x54: {  	v0 =	vsel vm11, $0x2C05, v0;
	v37 =	vsel vm1, $0x40E, v1;
	v1 =	vsel vm5, $0x800, v38  }
0x55: {  	v2 =	vsel vm4, $0x2007, v2;
	v0 =	vsel vm12, $0x3006, v0;
	v1 =	vsel vm6, $0xC01, v1  }
0x56: {  	v2 =	vsel vm9, $0x2408, v2;
	v0 =	vsel vm13, $0x3407, v0;
	v1 =	vsel vm7, $0x1002, v1  }
0x57: {  	v15 =	vsel vm14, $0x3808, v0;
	v0 =	vsel vm12, $0x3008, v31;
	v1 =	vsel vm8, $0x1403, v1  }
0x58: {  	v2 =	vsel vm10, $0x2809, v2;
	v0 =	vsel vm13, $0x3409, v0;
	v1 =	vsel vm2, $0x1804, v1  }
0x59: {  	v18 =	vsel vm14, $0x380A, v0;
	v0 =	vsel vm5, $0x80F, v37;
	v1 =	vsel vm3, $0x1C05, v1  }
0x5a: {  	v2 =	vsel vm11, $0x2C0A, v2;
	v0 =	vsel vm6, $0xC00, v0;
	v1 =	vsel vm4, $0x2006, v1  }
0x5b: {  	v2 =	vsel vm12, $0x300B, v2;
	v0 =	vsel vm7, $0x1001, v0;
	v1 =	vsel vm9, $0x2407, v1  }
0x5c: {  	v31 =	vimm.s32 $0xFEDCBA98;
	v0 =	vsel vm8, $0x1402, v0;
	v1 =	vsel vm10, $0x2808, v1  }
0x5d: {  	v2 =	vsel vm13, $0x340C, v2;
	v0 =	vsel vm2, $0x1803, v0;
	v1 =	vsel vm11, $0x2C09, v1  }
0x5e: {  	v40 =	vsel vm14, $0x380D, v2;
	v0 =	vsel vm3, $0x1C04, v0;
	v1 =	vsel vm12, $0x300A, v1  }
0x5f: {  	v2 =	vunpack.c.l.s4.s8 v43;
	v0 =	vsel vm4, $0x2005, v0;
	v1 =	vsel vm13, $0x340B, v1  }
0x60: {  	v0 =	vsel vm9, $0x2406, v0;
	v19 =	vsel vm14, $0x380C, v1;
	v1 =	vunpack.c.l.s4.s8 v42  }
0x61: {  	v32 =	vimm.s32 $0xEDCBA987;
	v31 =	vunpack.c.l.s4.s8 v31;
	v0 =	vsel vm10, $0x2807, v0  }
0x62: {  	[tilespmem:$0x1FE10] =	vst v54;
	v2 =	vunpack.c.0.s8.s32 v2;
	v0 =	vsel vm11, $0x2C08, v0;
	v44 =	vunpack.c.0.s8.s32 v1  }
0x63: {  	[tilespmem:$0x1FE20] =	vst v55;
	v28 =	vcombine.low v25, v24;
	v32 =	vunpack.c.l.s4.s8 v32;
	v0 =	vsel vm12, $0x3009, v0  }
0x64: {  	[tilespmem:$0x1FE60] =	vst v49;
	v31 =	vunpack.c.0.s8.s32 v31;
	v0 =	vsel vm13, $0x340A, v0;
	v26 =	vcombine.low v2, v44  }
0x65: {  	v32 =	vunpack.c.0.s8.s32 v32;
	[tilespmem:$0x1FE30] =	vst v40;
	v17 =	vsel vm14, $0x380B, v0;
	v0 =	vand.u32 $0xF, v41  }
0x66: {  	s4 =	rddreg [dreg:$0x0];
	s2 =	simm.s32 $0x0;
	v21 =	vunpack.c.l.s4.s8 v21;
	v31 =	vand.u32 $0xF, v31;
	[tilespmem:$0x1FE40] =	vst v0;
	v5 =	vand.u32 $0xF, v26  }
0x67: {  	[smem:$0x7FF] =	sst s2;
	v51 =	vand.u32 $0xF, v28;
	v52 =	vcombine.low v32, v30;
	v53 =	vcombine.low v31, v33;
	[tilespmem:$0x1FE50] =	vst v5  }
0x68: {  	s1 =	rddreg [dreg:$0x1];
	v3 =	vcombine.low v3, v20;
	v21 =	vunpack.c.0.s8.s32 v21;
	v1 =	vunpack.c.0.s8.s32 v45;
	_ =	strace $0x80000047;
	[tilespmem:$0x1FE70] =	vst v51  }
0x69: {  	v55 =	vand.u32 $0xF, v52;
	v0 =	vcombine.low v44, v2;
	[tilespmem:$0x1FE80] =	vst v53  }
0x6a: {  	v3 =	vand.u32 $0xF, v3;
	v27 =	vcombine.low v1, v21;
	v1 =	vcombine.low v21, v1;
	[tilespmem:$0x1FEA0] =	vst v55  }
0x6b: {  	v56 =	vcombine.low v22, v23;
	v0 =	vand.u32 $0xF, v0;
	[tilespmem:$0x1FEB0] =	vst v3  }
0x6c: {  	v57 =	vcombine.low v24, v25;
	v58 =	vand.u32 $0xF, v1;
	[tilespmem:$0x1FEC0] =	vst v0  }
0x6d: {  	v34 =	vlaneseq.u32;
	v60 =	vand.u32 $0xF, v56;
	[tilespmem:$0x1FED0] =	vst v58  }
0x6e: {  	v63 =	vmul.u32 $0x400, v34;
	v61 =	vand.u32 $0xF, v57;
	[tilespmem:$0x1FEE0] =	vst v60  }
0x6f: {  	[tilespmem:$0x1FEF0] =	vst v61  }
0x70: {  	v37 =	vand.u32 $0xF, v27;
	[tilespmem:$0x1FF20] =	vst v63  }
0x71: {  	[tilespmem:$0x1FF30] =	vst v37  }
0x72: {  	[tilespmem:$0x1FF40] =	vst v8  }
0x73: {  	[tilespmem:$0x1FF50] =	vst v9  }
0x74: {  	[tilespmem:$0x1FF60] =	vst v10  }
0x75: {  	[tilespmem:$0x1FF70] =	vst v11  }
0x76: {  	[tilespmem:$0x1FF80] =	vst v12  }
0x77: {  	v48 =	vimm.s32 $0x543210FE;
	s5 =	srdreg.scid;
	v29 =	vimm.s32 $0xDCBA9876;
	[tilespmem:$0x1FF90] =	vst v13  }
0x78: {  	s11 =	simm.s32 $0x7000;
	s12 =	simm.s32 $0x7500;
	s13 =	simm.s32 $0x8B80;
	v29 =	vunpack.c.l.s4.s8 v29;
	v27 =	vunpack.c.l.s4.s8 v48;
	[tilespmem:$0x1FFA0] =	vst v14  }
0x79: {  	s14 =	simm.s32 $0x0;
	s5 =	sand.u32 $0x1, s5;
	s6 =	sshll.u32 s0, $0x1;
	[tilespmem:$0x1FFB0] =	vst v15  }
0x7a: {  	s3 =	sshll.u32 s3, $0x11;
	s6 =	sor.u32 s5, s6;
	s5 =	ssub.s32 $0x2, s5;
	v29 =	vunpack.c.0.s8.s32 v29;
	v27 =	vunpack.c.0.s8.s32 v27;
	[tilespmem:$0x1FFC0] =	vst v16  }
0x7b: {  	s7 =	sadd.s32 s3, s4;
	s8 =	smul.u32 $0x2D0, s6;
	s3 =	sadd.s32 $0x3000, s4;
	v59 =	vcombine.low v30, v32;
	[tilespmem:$0x1FFD0] =	vst v18  }
0x7c: {  	s9 =	smul.u32 $0x6, s6;
	s6 =	sand.u32 $0x7, s6;
	s30 =	sshrl.u32 s5, $0x1;
	[tilespmem:$0x1FFE0] =	vst v17;
	v50 =	vcombine.low v29, v27  }
0x7d: {  	s10 =	sshll.u32 s6, $0xE;
	s31 =	ssub.s32 s5, s30;
	s8 =	sadd.s32 s8, s4;
	v0 =	vand.u32 $0xF, v59;
	[tilespmem:$0x1FFF0] =	vst v19;
	v20 =	vcombine.low v27, v29  }
0x7e: {  	s9 =	sadd.s32 s9, s4;
	s7 =	sadd.s32 s10, s7;
	s4 =	sshll.u32 s6, $0x7;
	[tilespmem:$0x1FF10] =	vst v0;
	v54 =	vand.u32 $0xF, v50  }
0x7f: {  	s10 =	simm.s32 $0x3000;
	s5 =	sadd.s32 $0x83000, s7;
	s6 =	sadd.s32 $0x3600, s8;
	v62 =	vand.u32 $0xF, v20;
	[tilespmem:$0x1FE90] =	vst v54  }
0x80: {  	v35 =	vmul.u32 $0x401, v34;
	s7 =	sadd.s32 $0x9000, s9;
	s8 =	smax.u32 s31, $0x1;
	s9 =	simm.s32 $0x1;
	v33 =	vmov v4;
	[tilespmem:$0x1FF00] =	vst v62  }
.LBB2_1:
0x81: {  	[tilespmem:s2], [sflag:$0x1] =	stream.linear.gather [hbm4b:s3+s2], $0x3000, $0x38;
	[tilespmem:$0x8BB0] =	vst v63  }
0x82: {  	v1 =	vimm.f32 $0.0e+00;
	v0 =	vimm.f32 $0.0e+00;
	v3 =	vimm.f32 $0.0e+00;
	_ =	swait.ge [sflag:s9], $0x3000  }
0x83: {  	v7 =	vimm.f32 $0.0e+00;
	v22 =	vimm.f32 $0.0e+00;
	v24 =	vimm.f32 $0.0e+00;
	[sflag:s9] =	ssyncset.done $0x0  }
0x84: {  	v20 =	vimm.f32 $0.0e+00;
	v23 =	vimm.f32 $0.0e+00;
	v25 =	vimm.f32 $0.0e+00;
	s15 =	simm.s32 $0x0;
	[sflag:s9] =	ssyncadd.s32 $0xFFFFD000  }
.LBB2_2:
0x85: {  	[tilespmem:$0x1FD70] =	vst v25  }
0x86: {  	[tilespmem:$0x1FD80] =	vst v24  }
0x87: {  	[tilespmem:$0x1FD90] =	vst v23  }
0x88: {  	[tilespmem:$0x1FDA0] =	vst v22  }
0x89: {  	[tilespmem:$0x1FDB0] =	vst v20  }
0x8a: {  	[tilespmem:$0x1FDC0] =	vst v7  }
0x8b: {  	[tilespmem:$0x1FDD0] =	vst v3  }
0x8c: {  	[tilespmem:$0x1FDE0] =	vst v0;
	s16 =	sshll.u32 s15, $0xB;
	s17 =	simm.s32 $0x0  }
0x8d: {  	[tilespmem:$0x1FDF0] =	vst v1;
	s16 =	sadd.s32 s16, s5;
	v0 =	vor.u32 s17, v36  }
0x8e: {  	v1 =	vor.u32 s17, v35;
	[tilespmem:s10], [sflag:$0x1] =	stream.linear.gather [hbm4b:s16+s17], $0x4000, $0x38;
	[tilespmem:$0x8BB0] =	vst v63  }
0x8f: {  	v2 =	vor.u32 s17, v33;
	_ =	swait.ge [sflag:s9], $0x4000  }
0x90: {  	v3 =	vor.u32 s17, v8;
	[sflag:s9] =	ssyncset.done $0x0  }
0x91: {  	v20 =	vor.u32 s17, v9;
	v4 =	vld [tilespmem:$0x1FE30];
	[sflag:s9] =	ssyncadd.s32 $0xFFFFC000  }
0x92: {  	v21 =	vor.u32 s17, v10;
	v0 =	vld.idx.msk [tilespmem:v0+s10+$0x0], $0xffff  }
0x93: {  	v22 =	vor.u32 s17, v11;
	v1 =	vld.idx.msk [tilespmem:v1+s10+$0x0], $0xffff  }
0x94: {  	v23 =	vor.u32 s17, v12;
	v2 =	vld.idx.msk [tilespmem:v2+s10+$0x0], $0xffff  }
0x95: {  	v54 =	vor.u32 s17, v13;
	v3 =	vld.idx.msk [tilespmem:v3+s10+$0x0], $0xffff  }
0x96: {  	v55 =	vor.u32 s17, v14;
	v20 =	vld.idx.msk [tilespmem:v20+s10+$0x0], $0xffff  }
0x97: {  	v26 =	vor.u32 s17, v15;
	v21 =	vld.idx.msk [tilespmem:v21+s10+$0x0], $0xffff  }
0x98: {  	v27 =	vor.u32 s17, v16;
	v22 =	vld.idx.msk [tilespmem:v22+s10+$0x0], $0xffff;
	v0 =	vmax.f32 v1, v0  }
0x99: {  	v1 =	vld.idx.msk [tilespmem:v23+s10+$0x0], $0xffff;
	v23 =	vor.u32 s17, v18;
	v0 =	vmax.f32 v0, v2  }
0x9a: {  	v56 =	vor.u32 s17, v17;
	v2 =	vld.idx.msk [tilespmem:v54+s10+$0x0], $0xffff;
	v0 =	vmax.f32 v0, v3  }
0x9b: {  	v57 =	vor.u32 s17, v19;
	v3 =	vld.idx.msk [tilespmem:v55+s10+$0x0], $0xffff;
	v0 =	vmax.f32 v0, v20  }
0x9c: {  	v58 =	vor.u32 s17, v4;
	v20 =	vld.idx.msk [tilespmem:v26+s10+$0x0], $0xffff;
	v0 =	vmax.f32 v0, v21  }
0x9d: {  	v21 =	vld.idx.msk [tilespmem:v27+s10+$0x0], $0xffff;
	v0 =	vmax.f32 v0, v22  }
0x9e: {  	v22 =	vld.idx.msk [tilespmem:v23+s10+$0x0], $0xffff;
	v0 =	vmax.f32 v0, v1  }
0x9f: {  	v1 =	vld.idx.msk [tilespmem:v56+s10+$0x0], $0xffff;
	v0 =	vmax.f32 v0, v2  }
0xa0: {  	v2 =	vld.idx.msk [tilespmem:v57+s10+$0x0], $0xffff;
	v0 =	vmax.f32 v0, v3  }
0xa1: {  	v3 =	vld.idx.msk [tilespmem:v58+s10+$0x0], $0xffff;
	v0 =	vmax.f32 v0, v20  }
0xa2: {  	s31 =	simm.s32 $0x10;
	v0 =	vmax.f32 v0, v21  }
0xa3: {  	v20 =	vor.u32 s31, v36;
	v0 =	vmax.f32 v0, v22  }
0xa4: {  	v21 =	vor.u32 s31, v35;
	v0 =	vmax.f32 v0, v1  }
0xa5: {  	v1 =	vor.u32 s31, v33;
	v0 =	vmax.f32 v0, v2  }
0xa6: {  	s16 =	simm.s32 $0x7000;
	v2 =	vor.u32 s31, v8;
	v0 =	vmax.f32 v0, v3  }
0xa7: {  	v3 =	vor.u32 s31, v9;
	[tilespmem:s16+$0x0] =	vst v0  }
0xa8: {  	v0 =	vld.idx.msk [tilespmem:v20+s10+$0x0], $0xffff;
	v20 =	vor.u32 s31, v10  }
0xa9: {  	v22 =	vor.u32 s31, v11;
	v21 =	vld.idx.msk [tilespmem:v21+s10+$0x0], $0xffff  }
0xaa: {  	v23 =	vor.u32 s31, v12;
	v1 =	vld.idx.msk [tilespmem:v1+s10+$0x0], $0xffff  }
0xab: {  	v2 =	vld.idx.msk [tilespmem:v2+s10+$0x0], $0xffff  }
0xac: {  	v3 =	vld.idx.msk [tilespmem:v3+s10+$0x0], $0xffff  }
0xad: {  	v59 =	vor.u32 s31, v13;
	v20 =	vld.idx.msk [tilespmem:v20+s10+$0x0], $0xffff  }
0xae: {  	v60 =	vor.u32 s31, v14;
	v22 =	vld.idx.msk [tilespmem:v22+s10+$0x0], $0xffff;
	v0 =	vmax.f32 v21, v0  }
0xaf: {  	v61 =	vor.u32 s31, v15;
	v21 =	vld.idx.msk [tilespmem:v23+s10+$0x0], $0xffff;
	v0 =	vmax.f32 v0, v1  }
0xb0: {  	v62 =	vor.u32 s31, v16;
	v0 =	vmax.f32 v0, v2  }
0xb1: {  	v23 =	vor.u32 s31, v18;
	v0 =	vmax.f32 v0, v3  }
0xb2: {  	v63 =	vor.u32 s31, v17;
	v1 =	vld.idx.msk [tilespmem:v59+s10+$0x0], $0xffff;
	v0 =	vmax.f32 v0, v20  }
0xb3: {  	v2 =	vld.idx.msk [tilespmem:v60+s10+$0x0], $0xffff;
	v0 =	vmax.f32 v0, v22;
	v22 =	vor.u32 s31, v19  }
0xb4: {  	v3 =	vld.idx.msk [tilespmem:v61+s10+$0x0], $0xffff;
	v0 =	vmax.f32 v0, v21;
	v21 =	vor.u32 s31, v4  }
0xb5: {  	v20 =	vld.idx.msk [tilespmem:v62+s10+$0x0], $0xffff  }
0xb6: {  	v23 =	vld.idx.msk [tilespmem:v23+s10+$0x0], $0xffff  }
0xb7: {  	v24 =	vld.idx.msk [tilespmem:v63+s10+$0x0], $0xffff;
	v0 =	vmax.f32 v0, v1  }
0xb8: {  	v0 =	vmax.f32 v0, v2;
	v2 =	vld.idx.msk [tilespmem:v22+s10+$0x0], $0xffff  }
0xb9: {  	v0 =	vmax.f32 v0, v3;
	v3 =	vld.idx.msk [tilespmem:v21+s10+$0x0], $0xffff  }
0xba: {  	s17 =	simm.s32 $0x20;
	v0 =	vmax.f32 v0, v20  }
0xbb: {  	v1 =	vor.u32 s17, v36;
	v20 =	vmax.f32 v0, v23  }
0xbc: {  	s18 =	simm.s32 $0x30;
	v0 =	vor.u32 s17, v35;
	v20 =	vmax.f32 v20, v24  }
.LBB2_3:
0xbd: {  	p0 =	sne.s32 s18, $0x3F0;
	v21 =	vor.u32 s17, v33;
	v2 =	vmax.f32 v20, v2  }
0xbe: {  	v20 =	vor.u32 s17, v8;
	s16 =	sadd.s32 $0x10, s16;
	v2 =	vmax.f32 v2, v3  }
0xbf: {  	v3 =	vor.u32 s17, v9;
	[tilespmem:s16+$0x0] =	vst v2  }
0xc0: {  	v2 =	vor.u32 s17, v10;
	v1 =	vld.idx.msk [tilespmem:v1+s10+$0x0], $0xffff  }
0xc1: {  	v22 =	vor.u32 s17, v11;
	v0 =	vld.idx.msk [tilespmem:v0+s10+$0x0], $0xffff  }
0xc2: {  	v23 =	vor.u32 s17, v12;
	v21 =	vld.idx.msk [tilespmem:v21+s10+$0x0], $0xffff  }
0xc3: {  	v24 =	vor.u32 s17, v13;
	v20 =	vld.idx.msk [tilespmem:v20+s10+$0x0], $0xffff  }
0xc4: {  	v25 =	vor.u32 s17, v14;
	v3 =	vld.idx.msk [tilespmem:v3+s10+$0x0], $0xffff  }
0xc5: {  	v26 =	vor.u32 s17, v15;
	v2 =	vld.idx.msk [tilespmem:v2+s10+$0x0], $0xffff  }
0xc6: {  	v27 =	vor.u32 s17, v16;
	v22 =	vld.idx.msk [tilespmem:v22+s10+$0x0], $0xffff  }
0xc7: {  	v0 =	vmax.f32 v0, v1;
	v1 =	vld.idx.msk [tilespmem:v23+s10+$0x0], $0xffff;
	v23 =	vor.u32 s17, v18  }
0xc8: {  	v0 =	vmax.f32 v0, v21;
	v21 =	vld.idx.msk [tilespmem:v24+s10+$0x0], $0xffff;
	v24 =	vor.u32 s17, v17  }
0xc9: {  	v0 =	vmax.f32 v0, v20;
	v20 =	vld.idx.msk [tilespmem:v25+s10+$0x0], $0xffff;
	v25 =	vor.u32 s17, v19  }
0xca: {  	v0 =	vmax.f32 v0, v3;
	v3 =	vor.u32 s17, v4;
	s17 =	smov.u32 s18;
	v26 =	vld.idx.msk [tilespmem:v26+s10+$0x0], $0xffff  }
0xcb: {  	v0 =	vmax.f32 v0, v2;
	v27 =	vld.idx.msk [tilespmem:v27+s10+$0x0], $0xffff  }
0xcc: {  	v0 =	vmax.f32 v0, v22;
	v22 =	vld.idx.msk [tilespmem:v23+s10+$0x0], $0xffff  }
0xcd: {  	v0 =	vmax.f32 v0, v1;
	v23 =	vld.idx.msk [tilespmem:v24+s10+$0x0], $0xffff  }
0xce: {  	v0 =	vmax.f32 v0, v21;
	v2 =	vld.idx.msk [tilespmem:v25+s10+$0x0], $0xffff  }
.Ltmp0:
0xcf: {  	v0 =	vmax.f32 v0, v20;
	v3 =	vld.idx.msk [tilespmem:v3+s10+$0x0], $0xffff;
	(pc) =	sbr.rel @p0 .LBB2_3-.Ltmp0, $4  }
0xd0: {  	v0 =	vmax.f32 v0, v26  }
0xd1: {  	v0 =	vmax.f32 v0, v27  }
0xd2: {  	v1 =	vor.u32 s18, v36;
	v20 =	vmax.f32 v0, v22  }
0xd3: {  	s18 =	sadd.s32 $0x10, s18;
	v0 =	vor.u32 s17, v35;
	v20 =	vmax.f32 v20, v23  }
0xd4: {  	_ = 	snop  }
0xd5: {  	v21 =	vor.u32 s17, v33;
	v2 =	vmax.f32 v20, v2  }
0xd6: {  	v29 =	vor.u32 s17, v8;
	s16 =	sadd.s32 $0x10, s16;
	v2 =	vmax.f32 v2, v3  }
0xd7: {  	v3 =	vor.u32 s17, v9;
	[tilespmem:s16+$0x0] =	vst v2  }
0xd8: {  	v2 =	vor.u32 s17, v10;
	v1 =	vld.idx.msk [tilespmem:v1+s10+$0x0], $0xffff  }
0xd9: {  	v22 =	vor.u32 s17, v11;
	v0 =	vld.idx.msk [tilespmem:v0+s10+$0x0], $0xffff  }
0xda: {  	v23 =	vor.u32 s17, v12;
	v21 =	vld.idx.msk [tilespmem:v21+s10+$0x0], $0xffff  }
0xdb: {  	v24 =	vor.u32 s17, v13;
	v20 =	vld.idx.msk [tilespmem:v29+s10+$0x0], $0xffff  }
0xdc: {  	v25 =	vor.u32 s17, v14;
	v3 =	vld.idx.msk [tilespmem:v3+s10+$0x0], $0xffff  }
0xdd: {  	v26 =	vor.u32 s17, v15;
	v2 =	vld.idx.msk [tilespmem:v2+s10+$0x0], $0xffff  }
0xde: {  	v27 =	vor.u32 s17, v16;
	v22 =	vld.idx.msk [tilespmem:v22+s10+$0x0], $0xffff;
	v0 =	vmax.f32 v0, v1  }
0xdf: {  	v30 =	vor.u32 s17, v18;
	v1 =	vld.idx.msk [tilespmem:v23+s10+$0x0], $0xffff;
	v0 =	vmax.f32 v0, v21  }
0xe0: {  	v32 =	vor.u32 s17, v17;
	v31 =	vld.idx.msk [tilespmem:v24+s10+$0x0], $0xffff;
	v0 =	vmax.f32 v0, v20  }
0xe1: {  	v38 =	vor.u32 s17, v19;
	v37 =	vld.idx.msk [tilespmem:v25+s10+$0x0], $0xffff;
	v0 =	vmax.f32 v0, v3  }
0xe2: {  	v39 =	vor.u32 s17, v4;
	v3 =	vld.idx.msk [tilespmem:v26+s10+$0x0], $0xffff;
	v0 =	vmax.f32 v0, v2  }
0xe3: {  	v2 =	vld.idx.msk [tilespmem:v27+s10+$0x0], $0xffff;
	v0 =	vmax.f32 v0, v22  }
0xe4: {  	v40 =	vld.idx.msk [tilespmem:v30+s10+$0x0], $0xffff;
	v0 =	vmax.f32 v0, v1  }
0xe5: {  	v1 =	vld.idx.msk [tilespmem:v32+s10+$0x0], $0xffff;
	v0 =	vmax.f32 v0, v31  }
0xe6: {  	v41 =	vld.idx.msk [tilespmem:v38+s10+$0x0], $0xffff;
	v0 =	vmax.f32 v0, v37  }
0xe7: {  	v42 =	vld.idx.msk [tilespmem:v39+s10+$0x0], $0xffff;
	v0 =	vmax.f32 v0, v3  }
0xe8: {  	v0 =	vmax.f32 v0, v2  }
0xe9: {  	v0 =	vmax.f32 v0, v40  }
0xea: {  	v0 =	vmax.f32 v0, v1  }
0xeb: {  	v0 =	vmax.f32 v0, v41  }
0xec: {  	s16 =	sadd.s32 $0x10, s16;
	v0 =	vmax.f32 v0, v42  }
0xed: {  	[tilespmem:s16+$0x0] =	vst v0  }
0xee: {  	v0 =	vld [tilespmem:$0x7000]  }
0xef: {  	v2 =	vld [tilespmem:$0x7010]  }
0xf0: {  	v6 =	vld [tilespmem:$0x7020]  }
0xf1: {  	v1 =	vld [tilespmem:$0x7030]  }
0xf2: {  	v5 =	vld [tilespmem:$0x7040]  }
0xf3: {  	v3 =	vld [tilespmem:$0x7050];
	[tilespmem:$0x1FD60] =	vst v0  }
0xf4: {  	[tilespmem:$0x1FD50] =	vst v2;
	v0 =	vmax.f32 v0, v2;
	v2 =	vld [tilespmem:$0x7060]  }
0xf5: {  	v43 =	vld [tilespmem:$0x7070];
	v0 =	vmax.f32 v0, v6  }
0xf6: {  	v7 =	vld [tilespmem:$0x7080];
	v0 =	vmax.f32 v0, v1  }
0xf7: {  	v44 =	vld [tilespmem:$0x7090];
	v0 =	vmax.f32 v0, v5  }
0xf8: {  	v45 =	vld [tilespmem:$0x70A0];
	v0 =	vmax.f32 v0, v3  }
0xf9: {  	v46 =	vld [tilespmem:$0x70B0];
	v0 =	vmax.f32 v0, v2  }
0xfa: {  	[tilespmem:$0x1FD30] =	vst v1;
	v1 =	vmax.f32 v0, v43;
	v0 =	vld [tilespmem:$0x70C0]  }
0xfb: {  	[tilespmem:$0x1FD00] =	vst v2;
	v2 =	vmax.f32 v1, v7;
	v1 =	vld [tilespmem:$0x70D0]  }
0xfc: {  	v47 =	vld [tilespmem:$0x70E0];
	[tilespmem:$0x1FD10] =	vst v3;
	v3 =	vmax.f32 v2, v44  }
0xfd: {  	v2 =	vld [tilespmem:$0x70F0];
	v3 =	vmax.f32 v3, v45  }
0xfe: {  	v48 =	vld [tilespmem:$0x7100];
	v3 =	vmax.f32 v3, v46  }
0xff: {  	[tilespmem:$0x1FCA0] =	vst v0;
	v3 =	vmax.f32 v3, v0;
	v0 =	vld [tilespmem:$0x7110]  }
0x100: {  	[tilespmem:$0x1FCE0] =	vst v7;
	v7 =	vld [tilespmem:$0x7120];
	v3 =	vmax.f32 v3, v1  }
0x101: {  	v50 =	vld [tilespmem:$0x7130];
	v49 =	vmax.f32 v3, v47  }
0x102: {  	[tilespmem:$0x1FC70] =	vst v2;
	v20 =	vmax.f32 v49, v2;
	v2 =	vld [tilespmem:$0x7140]  }
0x103: {  	v55 =	vld [tilespmem:$0x7150];
	v57 =	vmax.f32 v20, v48  }
0x104: {  	v54 =	vld [tilespmem:$0x7160];
	v58 =	vmax.f32 v57, v0  }
0x105: {  	v53 =	vld [tilespmem:$0x7170];
	v59 =	vmax.f32 v58, v7  }
0x106: {  	v52 =	vld [tilespmem:$0x7180];
	v60 =	vmax.f32 v59, v50  }
0x107: {  	v51 =	vld [tilespmem:$0x7190];
	v61 =	vmax.f32 v60, v2  }
0x108: {  	[tilespmem:$0x1FD40] =	vst v6;
	v6 =	vmov v50;
	v50 =	vld [tilespmem:$0x71A0];
	v62 =	vmax.f32 v61, v55  }
0x109: {  	v49 =	vld [tilespmem:$0x71B0];
	v63 =	vmax.f32 v62, v54  }
0x10a: {  	[tilespmem:$0x1FC60] =	vst v48;
	v48 =	vld [tilespmem:$0x71C0];
	v28 =	vmax.f32 v63, v53  }
0x10b: {  	[tilespmem:$0x1FC80] =	vst v47;
	v47 =	vld [tilespmem:$0x71D0];
	v29 =	vmax.f32 v28, v52  }
0x10c: {  	[tilespmem:$0x1FCC0] =	vst v45;
	v45 =	vld [tilespmem:$0x71E0];
	v30 =	vmax.f32 v29, v51  }
0x10d: {  	[tilespmem:$0x1FCD0] =	vst v44;
	v44 =	vld [tilespmem:$0x71F0];
	v31 =	vmax.f32 v30, v50  }
0x10e: {  	[tilespmem:$0x1FCF0] =	vst v43;
	v43 =	vld [tilespmem:$0x7200];
	v32 =	vmax.f32 v31, v49  }
0x10f: {  	v42 =	vld [tilespmem:$0x7210];
	v32 =	vmax.f32 v32, v48  }
0x110: {  	[tilespmem:$0x1FCB0] =	vst v46;
	v46 =	vld [tilespmem:$0x7220];
	v32 =	vmax.f32 v32, v47  }
0x111: {  	v57 =	vld [tilespmem:$0x7230];
	v32 =	vmax.f32 v32, v45  }
0x112: {  	v58 =	vld [tilespmem:$0x7240];
	v32 =	vmax.f32 v32, v44  }
0x113: {  	v59 =	vld [tilespmem:$0x7250];
	v32 =	vmax.f32 v32, v43  }
0x114: {  	v60 =	vld [tilespmem:$0x7260];
	v32 =	vmax.f32 v32, v42  }
0x115: {  	v61 =	vld [tilespmem:$0x7270];
	v32 =	vmax.f32 v32, v46  }
0x116: {  	v62 =	vld [tilespmem:$0x7280];
	v32 =	vmax.f32 v32, v57  }
0x117: {  	v63 =	vld [tilespmem:$0x7290];
	v32 =	vmax.f32 v32, v58  }
0x118: {  	v41 =	vld [tilespmem:$0x72A0];
	v32 =	vmax.f32 v32, v59  }
0x119: {  	v40 =	vld [tilespmem:$0x72B0];
	v32 =	vmax.f32 v32, v60  }
0x11a: {  	v39 =	vld [tilespmem:$0x72C0];
	v32 =	vmax.f32 v32, v61  }
0x11b: {  	v38 =	vld [tilespmem:$0x72D0];
	v32 =	vmax.f32 v32, v62  }
0x11c: {  	v37 =	vld [tilespmem:$0x72E0];
	v32 =	vmax.f32 v32, v63  }
0x11d: {  	v31 =	vld [tilespmem:$0x72F0];
	v32 =	vmax.f32 v32, v41  }
0x11e: {  	v30 =	vld [tilespmem:$0x7300];
	v32 =	vmax.f32 v32, v40  }
0x11f: {  	v29 =	vld [tilespmem:$0x7310];
	v32 =	vmax.f32 v32, v39  }
0x120: {  	v28 =	vld [tilespmem:$0x7320];
	v32 =	vmax.f32 v32, v38  }
0x121: {  	v27 =	vld [tilespmem:$0x7330];
	v32 =	vmax.f32 v32, v37  }
0x122: {  	v26 =	vld [tilespmem:$0x7340];
	v32 =	vmax.f32 v32, v31  }
0x123: {  	v25 =	vld [tilespmem:$0x7350];
	v32 =	vmax.f32 v32, v30  }
0x124: {  	v24 =	vld [tilespmem:$0x7360];
	v32 =	vmax.f32 v32, v29  }
0x125: {  	v23 =	vld [tilespmem:$0x7370];
	v32 =	vmax.f32 v32, v28  }
0x126: {  	v22 =	vld [tilespmem:$0x7380];
	v32 =	vmax.f32 v32, v27  }
0x127: {  	v21 =	vld [tilespmem:$0x7390];
	v32 =	vmax.f32 v32, v26  }
0x128: {  	v20 =	vld [tilespmem:$0x73A0];
	v32 =	vmax.f32 v32, v25  }
0x129: {  	v3 =	vld [tilespmem:$0x73B0];
	v32 =	vmax.f32 v32, v24  }
0x12a: {  	[tilespmem:$0x1FD20] =	vst v5;
	v5 =	vmov v2;
	v2 =	vld [tilespmem:$0x73C0];
	v32 =	vmax.f32 v32, v23  }
0x12b: {  	[tilespmem:$0x1FC90] =	vst v1;
	v1 =	vld [tilespmem:$0x73D0];
	v32 =	vmax.f32 v32, v22  }
0x12c: {  	v56 =	vmax.f32 v32, v21;
	v32 =	vld [tilespmem:$0x73E0]  }
0x12d: {  	[tilespmem:$0x1FC50] =	vst v0;
	v0 =	vld [tilespmem:$0x73F0];
	v56 =	vmax.f32 v56, v20  }
0x12e: {  	v56 =	vmax.f32 v56, v3  }
0x12f: {  	v56 =	vmax.f32 v56, v2  }
0x130: {  	v56 =	vmax.f32 v56, v1  }
0x131: {  	v56 =	vmax.f32 v56, v32  }
0x132: {  	v56 =	vmax.f32 v56, v0  }
0x133: {  	vm0 =	veq.f32 v0, v56;
	v0 =	vimm.s32 $0x400  }
0x134: {  	vm1 =	veq.f32 v32, v56;
	v0 =	vsel vm0, $0x3F0, v0  }
0x135: {  	vm6 =	veq.f32 v1, v56;
	v0 =	vsel vm1, $0x3E0, v0  }
0x136: {  	vm7 =	veq.f32 v2, v56;
	v0 =	vsel vm6, $0x3D0, v0  }
0x137: {  	vm8 =	veq.f32 v3, v56;
	v0 =	vsel vm7, $0x3C0, v0  }
0x138: {  	vm9 =	veq.f32 v20, v56;
	v0 =	vsel vm8, $0x3B0, v0  }
0x139: {  	vm10 =	veq.f32 v21, v56;
	v0 =	vsel vm9, $0x3A0, v0  }
0x13a: {  	vm11 =	veq.f32 v22, v56;
	v0 =	vsel vm10, $0x390, v0  }
0x13b: {  	vm12 =	veq.f32 v23, v56;
	v0 =	vsel vm11, $0x380, v0  }
0x13c: {  	vm13 =	veq.f32 v24, v56;
	v0 =	vsel vm12, $0x370, v0  }
0x13d: {  	vm14 =	veq.f32 v25, v56;
	v0 =	vsel vm13, $0x360, v0  }
0x13e: {  	vm15 =	veq.f32 v26, v56;
	v0 =	vsel vm14, $0x350, v0  }
0x13f: {  	vm4 =	veq.f32 v27, v56;
	v0 =	vsel vm15, $0x340, v0  }
0x140: {  	vm5 =	veq.f32 v28, v56;
	v0 =	vsel vm4, $0x330, v0  }
0x141: {  	vm6 =	veq.f32 v29, v56;
	v0 =	vsel vm5, $0x320, v0  }
0x142: {  	vm7 =	veq.f32 v30, v56;
	v0 =	vsel vm6, $0x310, v0  }
0x143: {  	vm8 =	veq.f32 v31, v56;
	v0 =	vsel vm7, $0x300, v0  }
0x144: {  	vm9 =	veq.f32 v37, v56;
	v0 =	vsel vm8, $0x2F0, v0  }
0x145: {  	vm10 =	veq.f32 v38, v56;
	v0 =	vsel vm9, $0x2E0, v0  }
0x146: {  	vm11 =	veq.f32 v39, v56;
	v0 =	vsel vm10, $0x2D0, v0  }
0x147: {  	vm12 =	veq.f32 v40, v56;
	v0 =	vsel vm11, $0x2C0, v0  }
0x148: {  	vm13 =	veq.f32 v41, v56;
	v0 =	vsel vm12, $0x2B0, v0  }
0x149: {  	vm14 =	veq.f32 v63, v56;
	v0 =	vsel vm13, $0x2A0, v0  }
0x14a: {  	vm15 =	veq.f32 v62, v56;
	v0 =	vsel vm14, $0x290, v0  }
0x14b: {  	vm4 =	veq.f32 v61, v56;
	v0 =	vsel vm15, $0x280, v0  }
0x14c: {  	vm5 =	veq.f32 v60, v56;
	v0 =	vsel vm4, $0x270, v0  }
0x14d: {  	vm6 =	veq.f32 v59, v56;
	v0 =	vsel vm5, $0x260, v0  }
0x14e: {  	vm7 =	veq.f32 v58, v56;
	v0 =	vsel vm6, $0x250, v0  }
0x14f: {  	vm8 =	veq.f32 v57, v56;
	v0 =	vsel vm7, $0x240, v0  }
0x150: {  	vm9 =	veq.f32 v46, v56;
	v0 =	vsel vm8, $0x230, v0  }
0x151: {  	v1 =	vld [tilespmem:$0x1FC50];
	vm10 =	veq.f32 v42, v56;
	v0 =	vsel vm9, $0x220, v0  }
0x152: {  	vm11 =	veq.f32 v43, v56;
	v0 =	vsel vm10, $0x210, v0  }
0x153: {  	vm12 =	veq.f32 v44, v56;
	v0 =	vsel vm11, $0x200, v0  }
0x154: {  	vm13 =	veq.f32 v45, v56;
	v0 =	vsel vm12, $0x1F0, v0  }
0x155: {  	vm14 =	veq.f32 v47, v56;
	v0 =	vsel vm13, $0x1E0, v0  }
0x156: {  	v0 =	vsel vm14, $0x1D0, v0;
	vm14 =	veq.f32 v1, v56;
	v1 =	vld [tilespmem:$0x1FC60];
	_ =	sdelay $0x3  }
0x157: {  	vm15 =	veq.f32 v48, v56  }
0x158: {  	v0 =	vsel vm15, $0x1C0, v0;
	vm15 =	veq.f32 v1, v56;
	v1 =	vld [tilespmem:$0x1FC70];
	_ =	sdelay $0x3  }
0x159: {  	vm4 =	veq.f32 v49, v56  }
0x15a: {  	v0 =	vsel vm4, $0x1B0, v0;
	vm4 =	veq.f32 v1, v56;
	v1 =	vld [tilespmem:$0x1FC80];
	_ =	sdelay $0x3  }
0x15b: {  	vm5 =	veq.f32 v50, v56  }
0x15c: {  	v0 =	vsel vm5, $0x1A0, v0;
	vm5 =	veq.f32 v1, v56;
	v1 =	vld [tilespmem:$0x1FC90];
	_ =	sdelay $0x3  }
0x15d: {  	vm6 =	veq.f32 v51, v56  }
0x15e: {  	v0 =	vsel vm6, $0x190, v0;
	vm6 =	veq.f32 v1, v56;
	v1 =	vld [tilespmem:$0x1FCA0];
	_ =	sdelay $0x3  }
0x15f: {  	vm7 =	veq.f32 v52, v56  }
0x160: {  	v0 =	vsel vm7, $0x180, v0;
	vm7 =	veq.f32 v1, v56;
	v1 =	vld [tilespmem:$0x1FCB0];
	_ =	sdelay $0x3  }
0x161: {  	vm8 =	veq.f32 v53, v56  }
0x162: {  	v0 =	vsel vm8, $0x170, v0;
	vm8 =	veq.f32 v1, v56;
	v1 =	vld [tilespmem:$0x1FCC0];
	_ =	sdelay $0x3  }
0x163: {  	vm9 =	veq.f32 v54, v56  }
0x164: {  	v0 =	vsel vm9, $0x160, v0;
	vm9 =	veq.f32 v1, v56;
	v1 =	vld [tilespmem:$0x1FCD0];
	_ =	sdelay $0x3  }
0x165: {  	vm10 =	veq.f32 v55, v56  }
0x166: {  	v0 =	vsel vm10, $0x150, v0;
	vm10 =	veq.f32 v1, v56;
	v1 =	vld [tilespmem:$0x1FCE0];
	_ =	sdelay $0x3  }
0x167: {  	vm11 =	veq.f32 v5, v56  }
0x168: {  	v0 =	vsel vm11, $0x140, v0;
	vm11 =	veq.f32 v1, v56;
	v1 =	vld [tilespmem:$0x1FCF0];
	_ =	sdelay $0x3  }
0x169: {  	vm12 =	veq.f32 v6, v56  }
0x16a: {  	v0 =	vsel vm12, $0x130, v0;
	vm12 =	veq.f32 v1, v56;
	v1 =	vld [tilespmem:$0x1FD00];
	_ =	sdelay $0x3  }
0x16b: {  	vm13 =	veq.f32 v7, v56  }
0x16c: {  	v0 =	vsel vm13, $0x120, v0;
	vm13 =	veq.f32 v1, v56;
	v1 =	vld [tilespmem:$0x1FD10];
	_ =	sdelay $0x4  }
0x16d: {  	v0 =	vsel vm14, $0x110, v0;
	vm14 =	veq.f32 v1, v56;
	v1 =	vld [tilespmem:$0x1FD20];
	_ =	sdelay $0x4  }
0x16e: {  	v0 =	vsel vm15, $0x100, v0;
	vm15 =	veq.f32 v1, v56;
	v1 =	vld [tilespmem:$0x1FD30];
	_ =	sdelay $0x4  }
0x16f: {  	v0 =	vsel vm4, $0xF0, v0;
	vm4 =	veq.f32 v1, v56;
	v1 =	vld [tilespmem:$0x1FD40];
	_ =	sdelay $0x1  }
0x170: {  	v0 =	vsel vm5, $0xE0, v0  }
0x171: {  	v0 =	vsel vm6, $0xD0, v0  }
0x172: {  	v0 =	vsel vm7, $0xC0, v0  }
0x173: {  	v0 =	vsel vm8, $0xB0, v0;
	vm5 =	veq.f32 v1, v56;
	v1 =	vld [tilespmem:$0x1FD50]  }
0x174: {  	v0 =	vsel vm9, $0xA0, v0  }
0x175: {  	v0 =	vsel vm10, $0x90, v0  }
0x176: {  	v63 =	vld [tilespmem:$0x1FE50];
	v0 =	vsel vm11, $0x80, v0  }
0x177: {  	v61 =	vld [tilespmem:$0x1FE70];
	v0 =	vsel vm12, $0x70, v0  }
0x178: {  	v0 =	vsel vm13, $0x60, v0;
	vm6 =	veq.f32 v1, v56;
	v1 =	vld [tilespmem:$0x1FD60]  }
0x179: {  	v60 =	vld [tilespmem:$0x1FE40];
	v0 =	vsel vm14, $0x50, v0  }
0x17a: {  	v59 =	vld [tilespmem:$0x1FE60];
	v0 =	vsel vm15, $0x40, v0  }
0x17b: {  	v57 =	vld [tilespmem:$0x1FE80];
	v0 =	vsel vm4, $0x30, v0  }
0x17c: {  	v49 =	vld [tilespmem:$0x1FEE0];
	v0 =	vsel vm5, $0x20, v0  }
0x17d: {  	v50 =	vld [tilespmem:$0x1FEF0];
	v0 =	vsel vm6, $0x10, v0;
	vm7 =	veq.f32 v1, v56  }
0x17e: {  	v51 =	vld [tilespmem:$0x1FEB0];
	v0 =	vsel vm7, $0x0, v0  }
0x17f: {  	v52 =	vld [tilespmem:$0x1FEC0];
	v1 =	vadd.s32 v35, v0  }
0x180: {  	v53 =	vld [tilespmem:$0x1FED0];
	v2 =	vadd.s32 v36, v0  }
0x181: {  	v54 =	vld [tilespmem:$0x1FE90];
	v3 =	vadd.s32 v33, v0  }
0x182: {  	v55 =	vld [tilespmem:$0x1FEA0];
	v7 =	vadd.s32 v8, v0  }
0x183: {  	v8 =	vadd.s32 v9, v0;
	v9 =	vadd.s32 v10, v0;
	v46 =	vadd.s32 v59, v0;
	v59 =	vld [tilespmem:$0x1FF00]  }
0x184: {  	v10 =	vadd.s32 v11, v0;
	v1 =	vld.idx.msk [tilespmem:v1+s10+$0x0], $0xffff  }
0x185: {  	v11 =	vadd.s32 v12, v0;
	v12 =	vadd.s32 v13, v0;
	v13 =	vadd.s32 v14, v0;
	v2 =	vld.idx.msk [tilespmem:v2+s10+$0x0], $0xffff  }
0x186: {  	v14 =	vadd.s32 v15, v0;
	v15 =	vadd.s32 v16, v0;
	v16 =	vadd.s32 v18, v0;
	v3 =	vld.idx.msk [tilespmem:v3+s10+$0x0], $0xffff  }
0x187: {  	v17 =	vadd.s32 v17, v0;
	v31 =	vadd.s32 v19, v0;
	v32 =	vadd.s32 v4, v0;
	v20 =	vld.idx.msk [tilespmem:v7+s10+$0x0], $0xffff  }
0x188: {  	v37 =	vadd.s32 v49, v0;
	v38 =	vadd.s32 v50, v0;
	v39 =	vadd.s32 v51, v0;
	v22 =	vld.idx.msk [tilespmem:v9+s10+$0x0], $0xffff  }
0x189: {  	v40 =	vadd.s32 v52, v0;
	v41 =	vadd.s32 v53, v0;
	v42 =	vadd.s32 v54, v0;
	v9 =	vld [tilespmem:$0x1FF30]  }
0x18a: {  	v43 =	vadd.s32 v55, v0;
	v47 =	vadd.s32 v34, v0;
	v44 =	vadd.s32 v57, v0;
	v21 =	vld.idx.msk [tilespmem:v8+s10+$0x0], $0xffff  }
0x18b: {  	v48 =	vadd.s32 v60, v0;
	v49 =	vadd.s32 v61, v0;
	v58 =	vmin.u32 v47, $0x400  }
0x18c: {  	v23 =	vld.idx.msk [tilespmem:v10+s10+$0x0], $0xffff;
	v8 =	vadd.s32 v63, v0;
	v60 =	vadd.s32 v59, v0;
	vm8 =	veq.f32 v1, v56  }
0x18d: {  	v24 =	vld.idx.msk [tilespmem:v11+s10+$0x0], $0xffff;
	vm9 =	veq.f32 v2, v56;
	vm10 =	veq.f32 v3, v56;
	v45 =	vnsel vm8, $0x400, v58  }
0x18e: {  	v25 =	vld.idx.msk [tilespmem:v12+s10+$0x0], $0xffff;
	v10 =	vadd.s32 v9, v0;
	vm11 =	veq.f32 v20, v56;
	v62 =	vmin.u32 v45, v48  }
0x18f: {  	v26 =	vld.idx.msk [tilespmem:v13+s10+$0x0], $0xffff;
	vm12 =	veq.f32 v21, v56;
	v11 =	vnsel vm10, $0x400, v8;
	v45 =	vsel vm9, v62, v45  }
0x190: {  	v27 =	vld.idx.msk [tilespmem:v14+s10+$0x0], $0xffff;
	vm13 =	veq.f32 v22, v56;
	v12 =	vnsel vm11, $0x400, v10;
	v45 =	vmin.u32 v45, v11  }
0x191: {  	v28 =	vld.idx.msk [tilespmem:v15+s10+$0x0], $0xffff;
	vm14 =	veq.f32 v23, v56;
	v13 =	vnsel vm12, $0x400, v46;
	v45 =	vmin.u32 v45, v12  }
0x192: {  	v61 =	vld [tilespmem:$0x1FF10];
	vm15 =	veq.f32 v24, v56;
	v14 =	vnsel vm13, $0x400, v49;
	v45 =	vmin.u32 v45, v13  }
0x193: {  	v29 =	vld.idx.msk [tilespmem:v16+s10+$0x0], $0xffff;
	vm4 =	veq.f32 v25, v56;
	v15 =	vnsel vm14, $0x400, v42;
	v45 =	vmin.u32 v45, v14  }
0x194: {  	v30 =	vld.idx.msk [tilespmem:v17+s10+$0x0], $0xffff;
	vm5 =	veq.f32 v26, v56;
	v16 =	vnsel vm15, $0x400, v43;
	v45 =	vmin.u32 v45, v15  }
0x195: {  	v31 =	vld.idx.msk [tilespmem:v31+s10+$0x0], $0xffff;
	vm6 =	veq.f32 v27, v56;
	v17 =	vnsel vm4, $0x400, v44;
	v45 =	vmin.u32 v45, v16  }
0x196: {  	v32 =	vld.idx.msk [tilespmem:v32+s10+$0x0], $0xffff;
	vm7 =	veq.f32 v28, v56;
	v18 =	vnsel vm5, $0x400, v39;
	v45 =	vmin.u32 v45, v17  }
0x197: {  	v0 =	vadd.s32 v61, v0;
	v19 =	vnsel vm6, $0x400, v40;
	v45 =	vmin.u32 v45, v18  }
0x198: {  	v34 =	vnsel vm7, $0x400, v41;
	vm8 =	veq.f32 v29, v56;
	v45 =	vmin.u32 v45, v19  }
0x199: {  	v57 =	vnsel vm8, $0x400, v37;
	vm9 =	veq.f32 v30, v56;
	v45 =	vmin.u32 v45, v34  }
0x19a: {  	vm10 =	veq.f32 v31, v56;
	v58 =	vnsel vm9, $0x400, v38;
	v45 =	vmin.u32 v45, v57  }
0x19b: {  	vm11 =	veq.f32 v32, v56;
	v62 =	vnsel vm10, $0x400, v60;
	v45 =	vmin.u32 v45, v58  }
0x19c: {  	v63 =	vnsel vm11, $0x400, v0;
	v45 =	vmin.u32 v45, v62  }
0x19d: {  	v45 =	vmin.u32 v45, v63  }
0x19e: {  	v1 =	vmax.f32 v1, $-2.000000000e+00;
	vm12 =	veq.s32 v48, v45;
	vm13 =	veq.s32 v47, v45  }
0x19f: {  	vm14 =	veq.s32 v8, v45;
	v1 =	vsel vm13, $0xBF800000, v1;
	v2 =	vsel vm12, $0xBF800000, v2  }
0x1a0: {  	vm15 =	veq.s32 v10, v45;
	v3 =	vsel vm14, $0xBF800000, v3;
	v1 =	vmax.f32 v1, v2  }
0x1a1: {  	vm4 =	veq.s32 v46, v45;
	v2 =	vsel vm15, $0xBF800000, v20;
	v1 =	vmax.f32 v1, v3  }
0x1a2: {  	vm5 =	veq.s32 v49, v45;
	v3 =	vsel vm4, $0xBF800000, v21;
	v1 =	vmax.f32 v1, v2  }
0x1a3: {  	vm6 =	veq.s32 v42, v45;
	v2 =	vsel vm5, $0xBF800000, v22;
	v1 =	vmax.f32 v1, v3  }
0x1a4: {  	vm7 =	veq.s32 v43, v45;
	v3 =	vsel vm6, $0xBF800000, v23;
	v1 =	vmax.f32 v1, v2  }
0x1a5: {  	vm8 =	veq.s32 v44, v45;
	v2 =	vsel vm7, $0xBF800000, v24;
	v1 =	vmax.f32 v1, v3  }
0x1a6: {  	v3 =	vsel vm8, $0xBF800000, v25;
	v1 =	vmax.f32 v1, v2  }
0x1a7: {  	v1 =	vmax.f32 v1, v3;
	v3 =	vld [tilespmem:$0x1FF20];
	_ =	sdelay $0x1  }
0x1a8: {  	vm9 =	veq.s32 v39, v45  }
0x1a9: {  	vm10 =	veq.s32 v40, v45;
	vm11 =	veq.s32 v41, v45;
	v2 =	vsel vm9, $0xBF800000, v26  }
0x1aa: {  	vm12 =	veq.s32 v37, v45;
	v1 =	vmax.f32 v1, v2;
	v2 =	vsel vm10, $0xBF800000, v27  }
0x1ab: {  	v1 =	vmax.f32 v1, v2;
	v2 =	vsel vm11, $0xBF800000, v28;
	v3 =	vadd.s32 v3, v45  }
0x1ac: {  	vm13 =	veq.s32 v38, v45;
	v1 =	vmax.f32 v1, v2;
	v2 =	vsel vm12, $0xBF800000, v29  }
0x1ad: {  	vm14 =	veq.s32 v60, v45;
	v1 =	vmax.f32 v1, v2;
	v2 =	vsel vm13, $0xBF800000, v30  }
0x1ae: {  	s31 =	simm.s32 $0x0;
	vm15 =	veq.s32 v0, v45;
	v1 =	vmax.f32 v1, v2;
	v2 =	vsel vm14, $0xBF800000, v31  }
0x1af: {  	[tilespmem:s31+$0x7400] =	vst v45;
	v0 =	vsel vm15, $0xBF800000, v32;
	v1 =	vmax.f32 v1, v2;
	v2 =	vimm.f32 $-1.000000000e+00  }
0x1b0: {  	s16 =	simm.s32 $0x40;
	v0 =	vmax.f32 v1, v0;
	[tilespmem:v3+s10+$0x0] =	vst.idx.msk $0xffff, v2  }
.LBB2_5:
0x1b1: {  	[tilespmem:v47+s11+$0x0] =	vst.idx.msk $0xffff, v0  }
0x1b2: {  	v0 =	vld [tilespmem:$0x7000]  }
0x1b3: {  	v1 =	vld [tilespmem:$0x7010]  }
0x1b4: {  	v3 =	vld [tilespmem:$0x7020]  }
0x1b5: {  	v2 =	vld [tilespmem:$0x7030]  }
0x1b6: {  	v52 =	vld [tilespmem:$0x7040]  }
0x1b7: {  	v53 =	vld [tilespmem:$0x7050]  }
0x1b8: {  	v54 =	vld [tilespmem:$0x7060];
	[tilespmem:$0x1FB30] =	vst v0;
	v0 =	vmax.f32 v0, v1  }
0x1b9: {  	v55 =	vld [tilespmem:$0x7070];
	v0 =	vmax.f32 v0, v3  }
0x1ba: {  	v56 =	vld [tilespmem:$0x7080];
	v0 =	vmax.f32 v0, v2  }
0x1bb: {  	v57 =	vld [tilespmem:$0x7090];
	v0 =	vmax.f32 v0, v52  }
0x1bc: {  	v58 =	vld [tilespmem:$0x70A0];
	v0 =	vmax.f32 v0, v53  }
0x1bd: {  	v59 =	vld [tilespmem:$0x70B0];
	v0 =	vmax.f32 v0, v54  }
0x1be: {  	v60 =	vld [tilespmem:$0x70C0];
	v0 =	vmax.f32 v0, v55  }
0x1bf: {  	v61 =	vld [tilespmem:$0x70D0];
	v0 =	vmax.f32 v0, v56  }
0x1c0: {  	v63 =	vld [tilespmem:$0x70E0];
	v0 =	vmax.f32 v0, v57  }
0x1c1: {  	v50 =	vld [tilespmem:$0x70F0];
	v0 =	vmax.f32 v0, v58  }
0x1c2: {  	v47 =	vld [tilespmem:$0x7100];
	v0 =	vmax.f32 v0, v59  }
0x1c3: {  	v40 =	vld [tilespmem:$0x7110];
	v0 =	vmax.f32 v0, v60  }
0x1c4: {  	v42 =	vld [tilespmem:$0x7120];
	v0 =	vmax.f32 v0, v61  }
0x1c5: {  	v44 =	vld [tilespmem:$0x7130];
	v0 =	vmax.f32 v0, v63  }
0x1c6: {  	v46 =	vld [tilespmem:$0x7140];
	v0 =	vmax.f32 v0, v50  }
0x1c7: {  	v20 =	vld [tilespmem:$0x7150];
	v0 =	vmax.f32 v0, v47  }
0x1c8: {  	v21 =	vld [tilespmem:$0x7160];
	v0 =	vmax.f32 v0, v40  }
0x1c9: {  	v23 =	vld [tilespmem:$0x7170];
	v0 =	vmax.f32 v0, v42  }
0x1ca: {  	v25 =	vld [tilespmem:$0x7180];
	v0 =	vmax.f32 v0, v44  }
0x1cb: {  	v27 =	vld [tilespmem:$0x7190];
	v0 =	vmax.f32 v0, v46  }
0x1cc: {  	v29 =	vld [tilespmem:$0x71A0];
	v0 =	vmax.f32 v0, v20  }
0x1cd: {  	v31 =	vld [tilespmem:$0x71B0];
	v0 =	vmax.f32 v0, v21  }
0x1ce: {  	v39 =	vmov v33;
	v33 =	vld [tilespmem:$0x71C0];
	v0 =	vmax.f32 v0, v23  }
0x1cf: {  	v34 =	vld [tilespmem:$0x71D0];
	v0 =	vmax.f32 v0, v25  }
0x1d0: {  	v38 =	vmov v35;
	v35 =	vld [tilespmem:$0x71E0];
	v0 =	vmax.f32 v0, v27  }
0x1d1: {  	[tilespmem:$0x1FB20] =	vst v1;
	v1 =	vmov v36;
	v36 =	vld [tilespmem:$0x71F0];
	v0 =	vmax.f32 v0, v29  }
0x1d2: {  	v62 =	vld [tilespmem:$0x7200];
	v0 =	vmax.f32 v0, v31  }
0x1d3: {  	v51 =	vld [tilespmem:$0x7210];
	v0 =	vmax.f32 v0, v33  }
0x1d4: {  	v49 =	vld [tilespmem:$0x7220];
	v0 =	vmax.f32 v0, v34  }
0x1d5: {  	v41 =	vld [tilespmem:$0x7230];
	[tilespmem:$0x1FB00] =	vst v2;
	v2 =	vmax.f32 v0, v35  }
0x1d6: {  	[tilespmem:$0x1FB10] =	vst v3;
	v3 =	vmax.f32 v2, v36;
	v2 =	vld [tilespmem:$0x7240]  }
0x1d7: {  	v43 =	vld [tilespmem:$0x7250];
	v3 =	vmax.f32 v3, v62  }
0x1d8: {  	v45 =	vld [tilespmem:$0x7260];
	v3 =	vmax.f32 v3, v51  }
0x1d9: {  	v22 =	vmax.f32 v3, v49;
	v3 =	vld [tilespmem:$0x7270]  }
0x1da: {  	v37 =	vld [tilespmem:$0x7280];
	v22 =	vmax.f32 v22, v41  }
0x1db: {  	v24 =	vmax.f32 v22, v2;
	v22 =	vld [tilespmem:$0x7290]  }
0x1dc: {  	v26 =	vmax.f32 v24, v43;
	v24 =	vld [tilespmem:$0x72A0]  }
0x1dd: {  	v28 =	vmax.f32 v26, v45;
	v26 =	vld [tilespmem:$0x72B0]  }
0x1de: {  	v30 =	vmax.f32 v28, v3;
	v28 =	vld [tilespmem:$0x72C0]  }
0x1df: {  	v32 =	vmax.f32 v30, v37;
	v30 =	vld [tilespmem:$0x72D0]  }
0x1e0: {  	v48 =	vmax.f32 v32, v22;
	v32 =	vld [tilespmem:$0x72E0]  }
0x1e1: {  	v4 =	vld [tilespmem:$0x72F0];
	v48 =	vmax.f32 v48, v24  }
0x1e2: {  	v5 =	vld [tilespmem:$0x7300];
	v48 =	vmax.f32 v48, v26  }
0x1e3: {  	v6 =	vld [tilespmem:$0x7310];
	v48 =	vmax.f32 v48, v28  }
0x1e4: {  	v7 =	vld [tilespmem:$0x7320];
	v48 =	vmax.f32 v48, v30  }
0x1e5: {  	v8 =	vld [tilespmem:$0x7330];
	v48 =	vmax.f32 v48, v32  }
0x1e6: {  	v9 =	vld [tilespmem:$0x7340];
	v48 =	vmax.f32 v48, v4  }
0x1e7: {  	v10 =	vld [tilespmem:$0x7350];
	v48 =	vmax.f32 v48, v5  }
0x1e8: {  	v11 =	vld [tilespmem:$0x7360];
	v48 =	vmax.f32 v48, v6  }
0x1e9: {  	v12 =	vld [tilespmem:$0x7370];
	v48 =	vmax.f32 v48, v7  }
0x1ea: {  	v13 =	vld [tilespmem:$0x7380];
	v48 =	vmax.f32 v48, v8  }
0x1eb: {  	v14 =	vld [tilespmem:$0x7390];
	v48 =	vmax.f32 v48, v9  }
0x1ec: {  	v15 =	vld [tilespmem:$0x73A0];
	v48 =	vmax.f32 v48, v10  }
0x1ed: {  	v16 =	vld [tilespmem:$0x73B0];
	v48 =	vmax.f32 v48, v11  }
0x1ee: {  	v17 =	vld [tilespmem:$0x73C0];
	v48 =	vmax.f32 v48, v12  }
0x1ef: {  	v18 =	vld [tilespmem:$0x73D0];
	v48 =	vmax.f32 v48, v13  }
0x1f0: {  	v19 =	vld [tilespmem:$0x73E0];
	v48 =	vmax.f32 v48, v14  }
0x1f1: {  	v0 =	vld [tilespmem:$0x73F0];
	v48 =	vmax.f32 v48, v15  }
0x1f2: {  	v48 =	vmax.f32 v48, v16  }
0x1f3: {  	v48 =	vmax.f32 v48, v17  }
0x1f4: {  	v48 =	vmax.f32 v48, v18  }
0x1f5: {  	v48 =	vmax.f32 v48, v19  }
0x1f6: {  	v48 =	vmax.f32 v48, v0  }
0x1f7: {  	vm1 =	veq.f32 v36, v48;
	v36 =	vmovc v1;
	vm5 =	veq.f32 v34, v48;
	v1 =	vimm.s32 $0x0  }
0x1f8: {  	v1 =	vsel vm5, $0xFFFFFFFF, v1  }
0x1f9: {  	vm7 =	veq.f32 v33, v48;
	[tilespmem:$0x1FB60] =	vst v1;
	v1 =	vimm.s32 $0x0  }
0x1fa: {  	vm0 =	veq.f32 v0, v48;
	v0 =	vimm.s32 $0x0;
	v1 =	vsel vm7, $0xFFFFFFFF, v1  }
0x1fb: {  	vm15 =	veq.f32 v35, v48;
	vm9 =	veq.f32 v31, v48;
	[tilespmem:$0x1FB70] =	vst v1;
	v1 =	vimm.s32 $0x0  }
0x1fc: {  	vm4 =	veq.f32 v19, v48;
	vm6 =	veq.f32 v18, v48;
	v1 =	vsel vm9, $0xFFFFFFFF, v1  }
0x1fd: {  	vm8 =	veq.f32 v17, v48;
	vm11 =	veq.f32 v29, v48;
	[tilespmem:$0x1FB80] =	vst v1;
	v1 =	vimm.s32 $0x0  }
0x1fe: {  	vm10 =	veq.f32 v16, v48;
	vm12 =	veq.f32 v15, v48;
	v1 =	vsel vm11, $0xFFFFFFFF, v1  }
0x1ff: {  	vm13 =	veq.f32 v27, v48;
	v0 =	vsel vm1, $0xFFFFFFFF, v0;
	[tilespmem:$0x1FB90] =	vst v1;
	v1 =	vimm.s32 $0x0  }
0x200: {  	vm14 =	veq.f32 v14, v48;
	[tilespmem:$0x1FB40] =	vst v0;
	v0 =	vimm.s32 $0x0;
	v1 =	vsel vm13, $0xFFFFFFFF, v1  }
0x201: {  	v0 =	vsel vm15, $0xFFFFFFFF, v0;
	vm15 =	veq.f32 v25, v48;
	[tilespmem:$0x1FBA0] =	vst v1;
	v1 =	vimm.s32 $0x0  }
0x202: {  	vm5 =	veq.f32 v23, v48;
	[tilespmem:$0x1FB50] =	vst v0;
	v0 =	vimm.s32 $0x400;
	v1 =	vsel vm15, $0xFFFFFFFF, v1  }
0x203: {  	vm7 =	veq.f32 v21, v48;
	v0 =	vsel vm0, $0x3F0, v0;
	[tilespmem:$0x1FBB0] =	vst v1;
	v1 =	vimm.s32 $0x0  }
0x204: {  	vm9 =	veq.f32 v20, v48;
	v0 =	vsel vm4, $0x3E0, v0;
	v1 =	vsel vm5, $0xFFFFFFFF, v1  }
0x205: {  	vm4 =	veq.f32 v13, v48;
	v0 =	vsel vm6, $0x3D0, v0;
	[tilespmem:$0x1FBC0] =	vst v1;
	v1 =	vimm.s32 $0x0  }
0x206: {  	vm6 =	veq.f32 v12, v48;
	vm11 =	veq.f32 v46, v48;
	v1 =	vsel vm7, $0xFFFFFFFF, v1  }
0x207: {  	v0 =	vsel vm8, $0x3C0, v0;
	vm8 =	veq.f32 v11, v48;
	[tilespmem:$0x1FBD0] =	vst v1;
	v1 =	vimm.s32 $0x0  }
0x208: {  	v0 =	vsel vm10, $0x3B0, v0;
	vm10 =	veq.f32 v10, v48;
	v1 =	vsel vm9, $0xFFFFFFFF, v1  }
0x209: {  	vm13 =	veq.f32 v44, v48;
	v0 =	vsel vm12, $0x3A0, v0;
	[tilespmem:$0x1FBE0] =	vst v1;
	v1 =	vimm.s32 $0x0  }
0x20a: {  	vm12 =	veq.f32 v9, v48;
	v0 =	vsel vm14, $0x390, v0;
	v1 =	vsel vm11, $0xFFFFFFFF, v1  }
0x20b: {  	vm14 =	veq.f32 v8, v48;
	v0 =	vsel vm4, $0x380, v0;
	[tilespmem:$0x1FBF0] =	vst v1;
	v1 =	vimm.s32 $0x0  }
0x20c: {  	vm15 =	veq.f32 v42, v48;
	v0 =	vsel vm6, $0x370, v0;
	v1 =	vsel vm13, $0xFFFFFFFF, v1  }
0x20d: {  	vm4 =	veq.f32 v7, v48;
	v0 =	vsel vm8, $0x360, v0;
	[tilespmem:$0x1FC00] =	vst v1;
	v1 =	vimm.s32 $0x0  }
0x20e: {  	vm5 =	veq.f32 v40, v48;
	v0 =	vsel vm10, $0x350, v0;
	v1 =	vsel vm15, $0xFFFFFFFF, v1  }
0x20f: {  	vm6 =	veq.f32 v6, v48;
	v0 =	vsel vm12, $0x340, v0;
	[tilespmem:$0x1FC10] =	vst v1;
	v1 =	vimm.s32 $0x0  }
0x210: {  	vm8 =	veq.f32 v5, v48;
	v0 =	vsel vm14, $0x330, v0;
	v1 =	vsel vm5, $0xFFFFFFFF, v1  }
0x211: {  	vm7 =	veq.f32 v47, v48;
	v0 =	vsel vm4, $0x320, v0;
	[tilespmem:$0x1FC20] =	vst v1;
	v1 =	vimm.s32 $0x0  }
0x212: {  	vm10 =	veq.f32 v4, v48;
	v0 =	vsel vm6, $0x310, v0;
	v1 =	vsel vm7, $0xFFFFFFFF, v1  }
0x213: {  	vm9 =	veq.f32 v50, v48;
	v0 =	vsel vm8, $0x300, v0;
	[tilespmem:$0x1FC30] =	vst v1;
	v1 =	vimm.s32 $0x0  }
0x214: {  	vm11 =	veq.f32 v32, v48;
	v0 =	vsel vm10, $0x2F0, v0;
	v1 =	vsel vm9, $0xFFFFFFFF, v1  }
0x215: {  	vm4 =	veq.f32 v30, v48;
	v0 =	vsel vm11, $0x2E0, v0;
	[tilespmem:$0x1FC40] =	vst v1;
	v1 =	vld [tilespmem:$0x1FB00]  }
0x216: {  	v0 =	vsel vm4, $0x2D0, v0;
	vm5 =	veq.f32 v28, v48  }
0x217: {  	vm6 =	veq.f32 v26, v48;
	v0 =	vsel vm5, $0x2C0, v0  }
0x218: {  	v0 =	vsel vm6, $0x2B0, v0;
	vm7 =	veq.f32 v24, v48  }
0x219: {  	vm4 =	veq.f32 v22, v48;
	v0 =	vsel vm7, $0x2A0, v0  }
0x21a: {  	v0 =	vsel vm4, $0x290, v0;
	vm4 =	veq.f32 v1, v48;
	v1 =	vld [tilespmem:$0x1FB10];
	_ =	sdelay $0x4  }
0x21b: {  	vm3 =	veq.f32 v1, v48;
	v1 =	vld [tilespmem:$0x1FB20];
	_ =	sdelay $0x4  }
0x21c: {  	vm2 =	veq.f32 v1, v48;
	v1 =	vld [tilespmem:$0x1FB30]  }
0x21d: {  	vm5 =	veq.f32 v37, v48  }
0x21e: {  	vm0 =	veq.f32 v3, v48;
	v0 =	vsel vm5, $0x280, v0  }
0x21f: {  	v0 =	vsel vm0, $0x270, v0;
	vm0 =	veq.f32 v45, v48  }
0x220: {  	v0 =	vsel vm0, $0x260, v0;
	vm0 =	veq.f32 v43, v48  }
0x221: {  	v0 =	vsel vm0, $0x250, v0;
	vm0 =	veq.f32 v2, v48;
	vm1 =	veq.f32 v1, v48;
	v1 =	vld [tilespmem:$0x1FB40]  }
0x222: {  	v0 =	vsel vm0, $0x240, v0;
	vm0 =	veq.f32 v41, v48  }
0x223: {  	v0 =	vsel vm0, $0x230, v0;
	vm0 =	veq.f32 v49, v48  }
0x224: {  	v0 =	vsel vm0, $0x220, v0;
	vm0 =	veq.f32 v51, v48  }
0x225: {  	v0 =	vsel vm0, $0x210, v0;
	vm0 =	veq.f32 v62, v48  }
0x226: {  	v0 =	vsel vm0, $0x200, v0;
	vm0 =	vnez.u8 v1;
	v1 =	vld [tilespmem:$0x1FB50];
	_ =	sdelay $0x4  }
0x227: {  	v0 =	vsel vm0, $0x1F0, v0;
	vm0 =	vnez.u8 v1;
	v1 =	vld [tilespmem:$0x1FB60];
	_ =	sdelay $0x4  }
0x228: {  	v0 =	vsel vm0, $0x1E0, v0;
	vm0 =	vnez.u8 v1;
	v1 =	vld [tilespmem:$0x1FB70];
	_ =	sdelay $0x4  }
0x229: {  	v0 =	vsel vm0, $0x1D0, v0;
	vm0 =	vnez.u8 v1;
	v1 =	vld [tilespmem:$0x1FB80];
	_ =	sdelay $0x4  }
0x22a: {  	v0 =	vsel vm0, $0x1C0, v0;
	vm0 =	vnez.u8 v1;
	v1 =	vld [tilespmem:$0x1FB90];
	_ =	sdelay $0x4  }
0x22b: {  	v0 =	vsel vm0, $0x1B0, v0;
	vm0 =	vnez.u8 v1;
	v1 =	vld [tilespmem:$0x1FBA0];
	_ =	sdelay $0x4  }
0x22c: {  	v0 =	vsel vm0, $0x1A0, v0;
	vm0 =	vnez.u8 v1;
	v1 =	vld [tilespmem:$0x1FBB0];
	_ =	sdelay $0x4  }
0x22d: {  	v0 =	vsel vm0, $0x190, v0;
	vm0 =	vnez.u8 v1;
	v1 =	vld [tilespmem:$0x1FBC0];
	_ =	sdelay $0x4  }
0x22e: {  	v0 =	vsel vm0, $0x180, v0;
	vm0 =	vnez.u8 v1;
	v1 =	vld [tilespmem:$0x1FBD0];
	_ =	sdelay $0x4  }
0x22f: {  	v0 =	vsel vm0, $0x170, v0;
	vm0 =	vnez.u8 v1;
	v1 =	vld [tilespmem:$0x1FBE0];
	_ =	sdelay $0x4  }
0x230: {  	v0 =	vsel vm0, $0x160, v0;
	vm0 =	vnez.u8 v1;
	v1 =	vld [tilespmem:$0x1FBF0];
	_ =	sdelay $0x4  }
0x231: {  	v0 =	vsel vm0, $0x150, v0;
	vm0 =	vnez.u8 v1;
	v1 =	vld [tilespmem:$0x1FC00];
	_ =	sdelay $0x4  }
0x232: {  	v0 =	vsel vm0, $0x140, v0;
	vm0 =	vnez.u8 v1;
	v1 =	vld [tilespmem:$0x1FC10];
	_ =	sdelay $0x4  }
0x233: {  	v0 =	vsel vm0, $0x130, v0;
	vm0 =	vnez.u8 v1;
	v1 =	vld [tilespmem:$0x1FC20];
	_ =	sdelay $0x4  }
0x234: {  	v0 =	vsel vm0, $0x120, v0;
	vm0 =	vnez.u8 v1;
	v1 =	vld [tilespmem:$0x1FC30];
	_ =	sdelay $0x4  }
0x235: {  	v0 =	vsel vm0, $0x110, v0;
	vm0 =	vnez.u8 v1;
	v1 =	vld [tilespmem:$0x1FC40];
	_ =	sdelay $0x4  }
0x236: {  	v0 =	vsel vm0, $0x100, v0;
	vm0 =	vnez.u8 v1  }
0x237: {  	vm15 =	veq.f32 v63, v48;
	v0 =	vsel vm0, $0xF0, v0  }
0x238: {  	vm14 =	veq.f32 v61, v48;
	v0 =	vsel vm15, $0xE0, v0  }
0x239: {  	vm13 =	veq.f32 v60, v48;
	v0 =	vsel vm14, $0xD0, v0  }
0x23a: {  	vm12 =	veq.f32 v59, v48;
	v0 =	vsel vm13, $0xC0, v0  }
0x23b: {  	vm11 =	veq.f32 v58, v48;
	v0 =	vsel vm12, $0xB0, v0  }
0x23c: {  	vm10 =	veq.f32 v57, v48;
	v0 =	vsel vm11, $0xA0, v0  }
0x23d: {  	vm9 =	veq.f32 v56, v48;
	v0 =	vsel vm10, $0x90, v0  }
0x23e: {  	vm8 =	veq.f32 v55, v48;
	v0 =	vsel vm9, $0x80, v0  }
0x23f: {  	vm7 =	veq.f32 v54, v48;
	v0 =	vsel vm8, $0x70, v0  }
0x240: {  	vm6 =	veq.f32 v53, v48;
	v0 =	vsel vm7, $0x60, v0  }
0x241: {  	vm5 =	veq.f32 v52, v48;
	v0 =	vsel vm6, $0x50, v0  }
0x242: {  	v3 =	vld [tilespmem:$0x1FF40];
	v0 =	vsel vm5, $0x40, v0  }
0x243: {  	v0 =	vsel vm4, $0x30, v0  }
0x244: {  	v0 =	vsel vm3, $0x20, v0  }
0x245: {  	v0 =	vsel vm2, $0x10, v0  }
0x246: {  	v4 =	vsel vm1, $0x0, v0  }
0x247: {  	v56 =	vadd.s32 v3, v4;
	v3 =	vld [tilespmem:$0x1FF50];
	_ =	sdelay $0x4  }
0x248: {  	v57 =	vadd.s32 v3, v4;
	v3 =	vld [tilespmem:$0x1FF60];
	_ =	sdelay $0x4  }
0x249: {  	v58 =	vadd.s32 v3, v4;
	v3 =	vld [tilespmem:$0x1FF70];
	_ =	sdelay $0x4  }
0x24a: {  	v59 =	vadd.s32 v3, v4;
	v3 =	vld [tilespmem:$0x1FF80];
	_ =	sdelay $0x4  }
0x24b: {  	v60 =	vadd.s32 v3, v4;
	v3 =	vld [tilespmem:$0x1FF90];
	_ =	sdelay $0x4  }
0x24c: {  	v61 =	vadd.s32 v3, v4;
	v3 =	vld [tilespmem:$0x1FFA0];
	_ =	sdelay $0x4  }
0x24d: {  	v62 =	vadd.s32 v3, v4;
	v3 =	vld [tilespmem:$0x1FFB0];
	_ =	sdelay $0x4  }
0x24e: {  	v63 =	vadd.s32 v3, v4;
	v3 =	vld [tilespmem:$0x1FFC0]  }
0x24f: {  	v47 =	vld [tilespmem:$0x1FEB0]  }
0x250: {  	v50 =	vld [tilespmem:$0x1FED0]  }
0x251: {  	v55 =	vld [tilespmem:$0x1FE70]  }
0x252: {  	v53 =	vld [tilespmem:$0x1FE80]  }
0x253: {  	v13 =	vadd.s32 v3, v4;
	v3 =	vld [tilespmem:$0x1FFD0]  }
0x254: {  	v54 =	vld [tilespmem:$0x1FE60];
	v0 =	vadd.s32 v38, v4  }
0x255: {  	v52 =	vld [tilespmem:$0x1FEA0]  }
0x256: {  	v49 =	vld [tilespmem:$0x1FEC0];
	v1 =	vadd.s32 v36, v4  }
0x257: {  	v51 =	vld [tilespmem:$0x1FE90]  }
0x258: {  	v40 =	vadd.s32 v3, v4;
	v3 =	vld [tilespmem:$0x1FFE0]  }
0x259: {  	v2 =	vadd.s32 v39, v4;
	v17 =	vld.idx.msk [tilespmem:v0+s10+$0x0], $0xffff  }
0x25a: {  	v0 =	vld [tilespmem:$0x1FE30]  }
0x25b: {  	v22 =	vld.idx.msk [tilespmem:v1+s10+$0x0], $0xffff  }
0x25c: {  	v1 =	vld [tilespmem:$0x1FEE0]  }
0x25d: {  	v41 =	vadd.s32 v3, v4;
	v3 =	vld [tilespmem:$0x1FFF0]  }
0x25e: {  	v19 =	vld.idx.msk [tilespmem:v2+s10+$0x0], $0xffff  }
0x25f: {  	v43 =	vadd.s32 v0, v4;
	v0 =	vld [tilespmem:$0x1FF10]  }
0x260: {  	v6 =	vld.idx.msk [tilespmem:v57+s10+$0x0], $0xffff  }
0x261: {  	v57 =	vld [tilespmem:$0x1FF30]  }
0x262: {  	v42 =	vadd.s32 v3, v4;
	v3 =	vadd.s32 v1, v4;
	v1 =	vld [tilespmem:$0x1FEF0]  }
0x263: {  	v7 =	vld.idx.msk [tilespmem:v58+s10+$0x0], $0xffff  }
0x264: {  	v58 =	vld [tilespmem:$0x1FE40]  }
0x265: {  	v34 =	vlaneseq.u32;
	v9 =	vld.idx.msk [tilespmem:v60+s10+$0x0], $0xffff  }
0x266: {  	v23 =	vadd.s32 v47, v4;
	v21 =	vadd.s32 v49, v4;
	v20 =	vadd.s32 v50, v4;
	v60 =	vld [tilespmem:$0x1FE50]  }
0x267: {  	v24 =	vadd.s32 v51, v4;
	v25 =	vadd.s32 v52, v4;
	v2 =	vadd.s32 v1, v4;
	v1 =	vld [tilespmem:$0x1FF00]  }
0x268: {  	v26 =	vadd.s32 v53, v4;
	v47 =	vadd.s32 v34, v4;
	v27 =	vadd.s32 v54, v4;
	v5 =	vld.idx.msk [tilespmem:v56+s10+$0x0], $0xffff  }
0x269: {  	v28 =	vadd.s32 v55, v4;
	v56 =	vmin.u32 v47, $0x400;
	vm8 =	veq.f32 v17, v48  }
0x26a: {  	vm9 =	veq.f32 v19, v48;
	vm10 =	veq.f32 v22, v48;
	v29 =	vnsel vm8, $0x400, v56  }
0x26b: {  	v0 =	vadd.s32 v0, v4;
	v30 =	vadd.s32 v57, v4;
	v8 =	vld.idx.msk [tilespmem:v59+s10+$0x0], $0xffff;
	v31 =	vadd.s32 v58, v4  }
0x26c: {  	v59 =	vmin.u32 v29, v31;
	v1 =	vadd.s32 v1, v4;
	v4 =	vadd.s32 v60, v4  }
0x26d: {  	vm11 =	veq.f32 v5, v48;
	v29 =	vsel vm10, v59, v29;
	v10 =	vld.idx.msk [tilespmem:v61+s10+$0x0], $0xffff;
	v61 =	vnsel vm9, $0x400, v4  }
0x26e: {  	vm12 =	veq.f32 v6, v48;
	v11 =	vld.idx.msk [tilespmem:v62+s10+$0x0], $0xffff;
	v62 =	vnsel vm11, $0x400, v30;
	v29 =	vmin.u32 v29, v61  }
0x26f: {  	vm13 =	veq.f32 v7, v48;
	v12 =	vld.idx.msk [tilespmem:v63+s10+$0x0], $0xffff;
	v63 =	vnsel vm12, $0x400, v27;
	v29 =	vmin.u32 v29, v62  }
0x270: {  	v37 =	vnsel vm13, $0x400, v28;
	vm14 =	veq.f32 v8, v48;
	v13 =	vld.idx.msk [tilespmem:v13+s10+$0x0], $0xffff;
	v29 =	vmin.u32 v29, v63  }
0x271: {  	v35 =	vmovc v38;
	v38 =	vnsel vm14, $0x400, v24;
	vm15 =	veq.f32 v9, v48;
	v14 =	vld.idx.msk [tilespmem:v40+s10+$0x0], $0xffff;
	v29 =	vmin.u32 v29, v37  }
0x272: {  	v33 =	vmovc v39;
	v39 =	vnsel vm15, $0x400, v25;
	vm4 =	veq.f32 v10, v48;
	v15 =	vld.idx.msk [tilespmem:v41+s10+$0x0], $0xffff;
	v29 =	vmin.u32 v29, v38  }
0x273: {  	vm5 =	veq.f32 v11, v48;
	v40 =	vnsel vm4, $0x400, v26;
	v16 =	vld.idx.msk [tilespmem:v42+s10+$0x0], $0xffff;
	v29 =	vmin.u32 v29, v39  }
0x274: {  	v18 =	vld.idx.msk [tilespmem:v43+s10+$0x0], $0xffff;
	vm6 =	veq.f32 v12, v48;
	v41 =	vnsel vm5, $0x400, v23;
	v29 =	vmin.u32 v29, v40  }
0x275: {  	vm7 =	veq.f32 v13, v48;
	v42 =	vnsel vm6, $0x400, v21;
	v29 =	vmin.u32 v29, v41  }
0x276: {  	v43 =	vnsel vm7, $0x400, v20;
	vm8 =	veq.f32 v14, v48;
	v29 =	vmin.u32 v29, v42  }
0x277: {  	v44 =	vnsel vm8, $0x400, v3;
	vm9 =	veq.f32 v15, v48;
	v29 =	vmin.u32 v29, v43  }
0x278: {  	vm10 =	veq.f32 v16, v48;
	v45 =	vnsel vm9, $0x400, v2;
	v29 =	vmin.u32 v29, v44  }
0x279: {  	vm11 =	veq.f32 v18, v48;
	v46 =	vnsel vm10, $0x400, v1;
	v29 =	vmin.u32 v29, v45  }
0x27a: {  	v48 =	vnsel vm11, $0x400, v0;
	v29 =	vmin.u32 v29, v46  }
0x27b: {  	v17 =	vmax.f32 v17, $-2.000000000e+00;
	v29 =	vmin.u32 v29, v48  }
0x27c: {  	vm12 =	veq.s32 v47, v29;
	vm13 =	veq.s32 v31, v29;
	vm14 =	veq.s32 v4, v29  }
0x27d: {  	vm15 =	veq.s32 v30, v29;
	v49 =	vsel vm12, $0xBF800000, v17;
	v50 =	vsel vm13, $0xBF800000, v22  }
0x27e: {  	vm4 =	veq.s32 v27, v29;
	v52 =	vsel vm14, $0xBF800000, v19;
	v4 =	vmax.f32 v49, v50  }
0x27f: {  	vm5 =	veq.s32 v28, v29;
	v5 =	vsel vm15, $0xBF800000, v5;
	v4 =	vmax.f32 v4, v52  }
0x280: {  	vm6 =	veq.s32 v24, v29;
	v53 =	vsel vm4, $0xBF800000, v6;
	v4 =	vmax.f32 v4, v5  }
0x281: {  	v58 =	vld [tilespmem:$0x1FF20];
	vm7 =	veq.s32 v25, v29;
	v54 =	vsel vm5, $0xBF800000, v7;
	v4 =	vmax.f32 v4, v53  }
0x282: {  	vm8 =	veq.s32 v26, v29;
	v55 =	vsel vm6, $0xBF800000, v8;
	v4 =	vmax.f32 v4, v54  }
0x283: {  	vm9 =	veq.s32 v23, v29;
	v56 =	vsel vm7, $0xBF800000, v9;
	v4 =	vmax.f32 v4, v55  }
0x284: {  	vm10 =	veq.s32 v21, v29;
	v57 =	vsel vm8, $0xBF800000, v10;
	v4 =	vmax.f32 v4, v56  }
0x285: {  	vm11 =	veq.s32 v20, v29;
	v59 =	vsel vm9, $0xBF800000, v11;
	v4 =	vmax.f32 v4, v57  }
0x286: {  	v60 =	vadd.s32 v58, v29;
	v61 =	vsel vm10, $0xBF800000, v12;
	v4 =	vmax.f32 v4, v59  }
0x287: {  	p0 =	sne.s32 s16, $0x3C0;
	v62 =	vsel vm11, $0xBF800000, v13;
	vm12 =	veq.s32 v3, v29;
	v4 =	vmax.f32 v4, v61  }
.Ltmp1:
0x288: {  	vm13 =	veq.s32 v2, v29;
	v63 =	vsel vm12, $0xBF800000, v14;
	v3 =	vmax.f32 v4, v62;
	(pc) =	sbr.rel @p0 .LBB2_5-.Ltmp1, $4  }
0x289: {  	s17 =	smov.u32 s16;
	vm14 =	veq.s32 v1, v29;
	v2 =	vmax.f32 v3, v63;
	v3 =	vsel vm13, $0xBF800000, v15  }
0x28a: {  	s17 =	sshra.s32 s17, $0x2;
	vm15 =	veq.s32 v0, v29;
	v1 =	vmax.f32 v2, v3;
	v2 =	vsel vm14, $0xBF800000, v16  }
0x28b: {  	v51 =	vimm.f32 $-1.000000000e+00;
	[tilespmem:s17+$0x7400] =	vst v29;
	v0 =	vmax.f32 v1, v2;
	v1 =	vsel vm15, $0xBF800000, v18  }
0x28c: {  	s16 =	sadd.s32 $0x40, s16;
	[tilespmem:v60+s10+$0x0] =	vst.idx.msk $0xffff, v51;
	v0 =	vmax.f32 v0, v1  }
0x28d: {  	_ =	sdelay $0x3  }
0x28e: {  	[tilespmem:v47+s11+$0x0] =	vst.idx.msk $0xffff, v0;
	v18 =	vld [tilespmem:$0x1FE00]  }
0x28f: {  	v0 =	vld [tilespmem:$0x7410];
	_ =	sdelay $0x4  }
0x290: {  	v1 =	vadd.s32 v18, v0;
	_ =	sdelay $0x1  }
0x291: {  	s16 =	sshll.u32 s15, $0x4  }
0x292: {  	v19 =	vld [tilespmem:$0x1FE10];
	s17 =	sadd.s32 s4, s16  }
0x293: {  	v2 =	vld.idx.msk [tilespmem:v18+s17+$0x0 ss:$0x1], $0xffff  }
0x294: {  	v1 =	vld.idx.msk [tilespmem:v1+s2+$0x0], $0xffff;
	_ =	sdelay $0x2  }
0x295: {  	v3 =	vadd.s32 v19, v0;
	_ =	sdelay $0x1  }
0x296: {  	v44 =	vsub.f32 v1, v2;
	_ =	sdelay $0x1  }
0x297: {  	v20 =	vld [tilespmem:$0x1FE20];
	[tilespmem:s16+$0x7500] =	vst v44  }
0x298: {  	v1 =	vld.idx.msk [tilespmem:v3+s2+$0x0], $0xffff  }
0x299: {  	v2 =	vld.idx.msk [tilespmem:v19+s17+$0x0 ss:$0x1], $0xffff;
	_ =	sdelay $0x2  }
0x29a: {  	v0 =	vadd.s32 v20, v0;
	_ =	sdelay $0x1  }
0x29b: {  	v38 =	vsub.f32 v1, v2;
	_ =	sdelay $0x1  }
0x29c: {  	[tilespmem:s16+$0x7C80] =	vst v38  }
0x29d: {  	v0 =	vld.idx.msk [tilespmem:v0+s2+$0x0], $0xffff  }
0x29e: {  	v1 =	vld.idx.msk [tilespmem:v20+s17+$0x0 ss:$0x1], $0xffff;
	_ =	sdelay $0x4  }
0x29f: {  	v0 =	vsub.f32 v0, v1;
	_ =	sdelay $0x1  }
0x2a0: {  	[tilespmem:s16+$0x8400] =	vst v0  }
0x2a1: {  	v1 =	vld [tilespmem:$0x7420];
	_ =	sdelay $0x4  }
0x2a2: {  	v2 =	vadd.s32 v18, v1;
	_ =	sdelay $0x3  }
0x2a3: {  	v3 =	vld.idx.msk [tilespmem:v18+s17+$0x0 ss:$0x1], $0xffff  }
0x2a4: {  	v2 =	vld.idx.msk [tilespmem:v2+s2+$0x0], $0xffff;
	_ =	sdelay $0x2  }
0x2a5: {  	v4 =	vadd.s32 v19, v1;
	_ =	sdelay $0x1  }
0x2a6: {  	v46 =	vsub.f32 v2, v3;
	_ =	sdelay $0x1  }
0x2a7: {  	[tilespmem:s16+$0x7580] =	vst v46  }
0x2a8: {  	v2 =	vld.idx.msk [tilespmem:v4+s2+$0x0], $0xffff  }
0x2a9: {  	v3 =	vld.idx.msk [tilespmem:v19+s17+$0x0 ss:$0x1], $0xffff;
	_ =	sdelay $0x2  }
0x2aa: {  	v1 =	vadd.s32 v20, v1;
	_ =	sdelay $0x1  }
0x2ab: {  	v41 =	vsub.f32 v2, v3;
	_ =	sdelay $0x1  }
0x2ac: {  	[tilespmem:s16+$0x7D00] =	vst v41  }
0x2ad: {  	v1 =	vld.idx.msk [tilespmem:v1+s2+$0x0], $0xffff  }
0x2ae: {  	v2 =	vld.idx.msk [tilespmem:v20+s17+$0x0 ss:$0x1], $0xffff;
	_ =	sdelay $0x4  }
0x2af: {  	v1 =	vsub.f32 v1, v2;
	_ =	sdelay $0x1  }
0x2b0: {  	[tilespmem:s16+$0x8480] =	vst v1  }
0x2b1: {  	v2 =	vld [tilespmem:$0x7430];
	_ =	sdelay $0x4  }
0x2b2: {  	v3 =	vadd.s32 v18, v2;
	_ =	sdelay $0x3  }
0x2b3: {  	v4 =	vld.idx.msk [tilespmem:v18+s17+$0x0 ss:$0x1], $0xffff  }
0x2b4: {  	v3 =	vld.idx.msk [tilespmem:v3+s2+$0x0], $0xffff;
	_ =	sdelay $0x2  }
0x2b5: {  	v5 =	vadd.s32 v19, v2;
	_ =	sdelay $0x1  }
0x2b6: {  	v43 =	vsub.f32 v3, v4;
	_ =	sdelay $0x1  }
0x2b7: {  	[tilespmem:s16+$0x7600] =	vst v43  }
0x2b8: {  	v3 =	vld.idx.msk [tilespmem:v5+s2+$0x0], $0xffff  }
0x2b9: {  	v4 =	vld.idx.msk [tilespmem:v19+s17+$0x0 ss:$0x1], $0xffff;
	_ =	sdelay $0x2  }
0x2ba: {  	v2 =	vadd.s32 v20, v2;
	_ =	sdelay $0x1  }
0x2bb: {  	v40 =	vsub.f32 v3, v4;
	_ =	sdelay $0x1  }
0x2bc: {  	[tilespmem:s16+$0x7D80] =	vst v40  }
0x2bd: {  	v2 =	vld.idx.msk [tilespmem:v2+s2+$0x0], $0xffff  }
0x2be: {  	v3 =	vld.idx.msk [tilespmem:v20+s17+$0x0 ss:$0x1], $0xffff;
	_ =	sdelay $0x4  }
0x2bf: {  	v2 =	vsub.f32 v2, v3;
	_ =	sdelay $0x1  }
0x2c0: {  	[tilespmem:s16+$0x8500] =	vst v2  }
0x2c1: {  	v3 =	vld [tilespmem:$0x7440];
	_ =	sdelay $0x4  }
0x2c2: {  	v4 =	vadd.s32 v18, v3;
	_ =	sdelay $0x3  }
0x2c3: {  	v5 =	vld.idx.msk [tilespmem:v18+s17+$0x0 ss:$0x1], $0xffff  }
0x2c4: {  	v4 =	vld.idx.msk [tilespmem:v4+s2+$0x0], $0xffff;
	_ =	sdelay $0x2  }
0x2c5: {  	v6 =	vadd.s32 v19, v3;
	_ =	sdelay $0x1  }
0x2c6: {  	v48 =	vsub.f32 v4, v5;
	_ =	sdelay $0x1  }
0x2c7: {  	[tilespmem:s16+$0x7680] =	vst v48  }
0x2c8: {  	v4 =	vld.idx.msk [tilespmem:v6+s2+$0x0], $0xffff  }
0x2c9: {  	v5 =	vld.idx.msk [tilespmem:v19+s17+$0x0 ss:$0x1], $0xffff;
	_ =	sdelay $0x2  }
0x2ca: {  	v3 =	vadd.s32 v20, v3;
	_ =	sdelay $0x1  }
0x2cb: {  	v42 =	vsub.f32 v4, v5;
	_ =	sdelay $0x1  }
0x2cc: {  	[tilespmem:s16+$0x7E00] =	vst v42  }
0x2cd: {  	v3 =	vld.idx.msk [tilespmem:v3+s2+$0x0], $0xffff  }
0x2ce: {  	v4 =	vld.idx.msk [tilespmem:v20+s17+$0x0 ss:$0x1], $0xffff;
	_ =	sdelay $0x4  }
0x2cf: {  	v39 =	vsub.f32 v3, v4;
	_ =	sdelay $0x1  }
0x2d0: {  	[tilespmem:s16+$0x8580] =	vst v39  }
0x2d1: {  	v3 =	vld [tilespmem:$0x7450];
	_ =	sdelay $0x4  }
0x2d2: {  	v4 =	vadd.s32 v18, v3;
	_ =	sdelay $0x3  }
0x2d3: {  	v5 =	vld.idx.msk [tilespmem:v18+s17+$0x0 ss:$0x1], $0xffff  }
0x2d4: {  	v4 =	vld.idx.msk [tilespmem:v4+s2+$0x0], $0xffff;
	_ =	sdelay $0x2  }
0x2d5: {  	v6 =	vadd.s32 v19, v3;
	_ =	sdelay $0x1  }
0x2d6: {  	v37 =	vsub.f32 v4, v5;
	_ =	sdelay $0x1  }
0x2d7: {  	[tilespmem:s16+$0x7700] =	vst v37  }
0x2d8: {  	v4 =	vld.idx.msk [tilespmem:v6+s2+$0x0], $0xffff  }
0x2d9: {  	v5 =	vld.idx.msk [tilespmem:v19+s17+$0x0 ss:$0x1], $0xffff;
	_ =	sdelay $0x2  }
0x2da: {  	v3 =	vadd.s32 v20, v3;
	_ =	sdelay $0x1  }
0x2db: {  	v50 =	vsub.f32 v4, v5;
	_ =	sdelay $0x1  }
0x2dc: {  	[tilespmem:s16+$0x7E80] =	vst v50  }
0x2dd: {  	v3 =	vld.idx.msk [tilespmem:v3+s2+$0x0], $0xffff  }
0x2de: {  	v4 =	vld.idx.msk [tilespmem:v20+s17+$0x0 ss:$0x1], $0xffff;
	_ =	sdelay $0x4  }
0x2df: {  	v45 =	vsub.f32 v3, v4;
	_ =	sdelay $0x1  }
0x2e0: {  	[tilespmem:s16+$0x8600] =	vst v45  }
0x2e1: {  	v3 =	vld [tilespmem:$0x7460];
	_ =	sdelay $0x4  }
0x2e2: {  	v4 =	vadd.s32 v18, v3;
	_ =	sdelay $0x3  }
0x2e3: {  	v5 =	vld.idx.msk [tilespmem:v18+s17+$0x0 ss:$0x1], $0xffff  }
0x2e4: {  	v4 =	vld.idx.msk [tilespmem:v4+s2+$0x0], $0xffff;
	_ =	sdelay $0x2  }
0x2e5: {  	v6 =	vadd.s32 v19, v3;
	_ =	sdelay $0x1  }
0x2e6: {  	v60 =	vsub.f32 v4, v5;
	_ =	sdelay $0x1  }
0x2e7: {  	[tilespmem:s16+$0x7780] =	vst v60  }
0x2e8: {  	v4 =	vld.idx.msk [tilespmem:v6+s2+$0x0], $0xffff  }
0x2e9: {  	v5 =	vld.idx.msk [tilespmem:v19+s17+$0x0 ss:$0x1], $0xffff;
	_ =	sdelay $0x2  }
0x2ea: {  	v3 =	vadd.s32 v20, v3;
	_ =	sdelay $0x1  }
0x2eb: {  	v51 =	vsub.f32 v4, v5;
	_ =	sdelay $0x1  }
0x2ec: {  	[tilespmem:s16+$0x7F00] =	vst v51  }
0x2ed: {  	v3 =	vld.idx.msk [tilespmem:v3+s2+$0x0], $0xffff  }
0x2ee: {  	v4 =	vld.idx.msk [tilespmem:v20+s17+$0x0 ss:$0x1], $0xffff;
	_ =	sdelay $0x4  }
0x2ef: {  	v49 =	vsub.f32 v3, v4;
	_ =	sdelay $0x1  }
0x2f0: {  	[tilespmem:s16+$0x8680] =	vst v49  }
0x2f1: {  	v3 =	vld [tilespmem:$0x7470];
	_ =	sdelay $0x4  }
0x2f2: {  	v4 =	vadd.s32 v18, v3;
	_ =	sdelay $0x3  }
0x2f3: {  	v5 =	vld.idx.msk [tilespmem:v18+s17+$0x0 ss:$0x1], $0xffff  }
0x2f4: {  	v4 =	vld.idx.msk [tilespmem:v4+s2+$0x0], $0xffff;
	_ =	sdelay $0x2  }
0x2f5: {  	v6 =	vadd.s32 v19, v3;
	_ =	sdelay $0x1  }
0x2f6: {  	v54 =	vsub.f32 v4, v5;
	_ =	sdelay $0x1  }
0x2f7: {  	[tilespmem:s16+$0x7800] =	vst v54  }
0x2f8: {  	v4 =	vld.idx.msk [tilespmem:v6+s2+$0x0], $0xffff  }
0x2f9: {  	v5 =	vld.idx.msk [tilespmem:v19+s17+$0x0 ss:$0x1], $0xffff;
	_ =	sdelay $0x2  }
0x2fa: {  	v3 =	vadd.s32 v20, v3;
	_ =	sdelay $0x1  }
0x2fb: {  	v57 =	vsub.f32 v4, v5;
	_ =	sdelay $0x1  }
0x2fc: {  	[tilespmem:s16+$0x7F80] =	vst v57  }
0x2fd: {  	v3 =	vld.idx.msk [tilespmem:v3+s2+$0x0], $0xffff  }
0x2fe: {  	v4 =	vld.idx.msk [tilespmem:v20+s17+$0x0 ss:$0x1], $0xffff;
	_ =	sdelay $0x4  }
0x2ff: {  	v52 =	vsub.f32 v3, v4;
	_ =	sdelay $0x1  }
0x300: {  	[tilespmem:s16+$0x8700] =	vst v52  }
0x301: {  	v3 =	vld [tilespmem:$0x7480];
	_ =	sdelay $0x4  }
0x302: {  	v4 =	vadd.s32 v18, v3;
	_ =	sdelay $0x3  }
0x303: {  	v5 =	vld.idx.msk [tilespmem:v18+s17+$0x0 ss:$0x1], $0xffff  }
0x304: {  	v4 =	vld.idx.msk [tilespmem:v4+s2+$0x0], $0xffff;
	_ =	sdelay $0x2  }
0x305: {  	v6 =	vadd.s32 v19, v3;
	_ =	sdelay $0x1  }
0x306: {  	v53 =	vsub.f32 v4, v5;
	_ =	sdelay $0x1  }
0x307: {  	[tilespmem:s16+$0x7880] =	vst v53  }
0x308: {  	v4 =	vld.idx.msk [tilespmem:v6+s2+$0x0], $0xffff  }
0x309: {  	v5 =	vld.idx.msk [tilespmem:v19+s17+$0x0 ss:$0x1], $0xffff;
	_ =	sdelay $0x2  }
0x30a: {  	v3 =	vadd.s32 v20, v3;
	_ =	sdelay $0x1  }
0x30b: {  	v61 =	vsub.f32 v4, v5;
	_ =	sdelay $0x1  }
0x30c: {  	[tilespmem:s16+$0x8000] =	vst v61  }
0x30d: {  	v3 =	vld.idx.msk [tilespmem:v3+s2+$0x0], $0xffff  }
0x30e: {  	v4 =	vld.idx.msk [tilespmem:v20+s17+$0x0 ss:$0x1], $0xffff;
	_ =	sdelay $0x4  }
0x30f: {  	v62 =	vsub.f32 v3, v4;
	_ =	sdelay $0x1  }
0x310: {  	[tilespmem:s16+$0x8780] =	vst v62  }
0x311: {  	v3 =	vld [tilespmem:$0x7490];
	_ =	sdelay $0x4  }
0x312: {  	v4 =	vadd.s32 v18, v3;
	_ =	sdelay $0x3  }
0x313: {  	v5 =	vld.idx.msk [tilespmem:v18+s17+$0x0 ss:$0x1], $0xffff  }
0x314: {  	v4 =	vld.idx.msk [tilespmem:v4+s2+$0x0], $0xffff;
	_ =	sdelay $0x2  }
0x315: {  	v6 =	vadd.s32 v19, v3;
	_ =	sdelay $0x1  }
0x316: {  	v17 =	vsub.f32 v4, v5;
	_ =	sdelay $0x1  }
0x317: {  	[tilespmem:s16+$0x7900] =	vst v17  }
0x318: {  	v4 =	vld.idx.msk [tilespmem:v6+s2+$0x0], $0xffff  }
0x319: {  	v5 =	vld.idx.msk [tilespmem:v19+s17+$0x0 ss:$0x1], $0xffff;
	_ =	sdelay $0x2  }
0x31a: {  	v3 =	vadd.s32 v20, v3;
	_ =	sdelay $0x1  }
0x31b: {  	v58 =	vsub.f32 v4, v5;
	_ =	sdelay $0x1  }
0x31c: {  	[tilespmem:s16+$0x8080] =	vst v58  }
0x31d: {  	v3 =	vld.idx.msk [tilespmem:v3+s2+$0x0], $0xffff  }
0x31e: {  	v4 =	vld.idx.msk [tilespmem:v20+s17+$0x0 ss:$0x1], $0xffff;
	_ =	sdelay $0x4  }
0x31f: {  	v59 =	vsub.f32 v3, v4;
	_ =	sdelay $0x1  }
0x320: {  	[tilespmem:s16+$0x8800] =	vst v59  }
0x321: {  	v3 =	vld [tilespmem:$0x74A0];
	_ =	sdelay $0x4  }
0x322: {  	v4 =	vadd.s32 v18, v3;
	_ =	sdelay $0x3  }
0x323: {  	v5 =	vld.idx.msk [tilespmem:v18+s17+$0x0 ss:$0x1], $0xffff  }
0x324: {  	v4 =	vld.idx.msk [tilespmem:v4+s2+$0x0], $0xffff;
	_ =	sdelay $0x2  }
0x325: {  	v6 =	vadd.s32 v19, v3;
	_ =	sdelay $0x1  }
0x326: {  	v29 =	vsub.f32 v4, v5;
	_ =	sdelay $0x1  }
0x327: {  	[tilespmem:s16+$0x7980] =	vst v29  }
0x328: {  	v4 =	vld.idx.msk [tilespmem:v6+s2+$0x0], $0xffff  }
0x329: {  	v5 =	vld.idx.msk [tilespmem:v19+s17+$0x0 ss:$0x1], $0xffff;
	_ =	sdelay $0x2  }
0x32a: {  	v3 =	vadd.s32 v20, v3;
	_ =	sdelay $0x1  }
0x32b: {  	v55 =	vsub.f32 v4, v5;
	_ =	sdelay $0x1  }
0x32c: {  	[tilespmem:s16+$0x8100] =	vst v55  }
0x32d: {  	v3 =	vld.idx.msk [tilespmem:v3+s2+$0x0], $0xffff  }
0x32e: {  	v4 =	vld.idx.msk [tilespmem:v20+s17+$0x0 ss:$0x1], $0xffff;
	_ =	sdelay $0x4  }
0x32f: {  	v63 =	vsub.f32 v3, v4;
	_ =	sdelay $0x1  }
0x330: {  	[tilespmem:s16+$0x8880] =	vst v63  }
0x331: {  	v3 =	vld [tilespmem:$0x74B0];
	_ =	sdelay $0x4  }
0x332: {  	v4 =	vadd.s32 v18, v3;
	_ =	sdelay $0x3  }
0x333: {  	v5 =	vld.idx.msk [tilespmem:v18+s17+$0x0 ss:$0x1], $0xffff  }
0x334: {  	v4 =	vld.idx.msk [tilespmem:v4+s2+$0x0], $0xffff;
	_ =	sdelay $0x2  }
0x335: {  	v6 =	vadd.s32 v19, v3;
	_ =	sdelay $0x1  }
0x336: {  	v26 =	vsub.f32 v4, v5;
	_ =	sdelay $0x1  }
0x337: {  	[tilespmem:s16+$0x7A00] =	vst v26  }
0x338: {  	v4 =	vld.idx.msk [tilespmem:v6+s2+$0x0], $0xffff  }
0x339: {  	v5 =	vld.idx.msk [tilespmem:v19+s17+$0x0 ss:$0x1], $0xffff;
	_ =	sdelay $0x2  }
0x33a: {  	v3 =	vadd.s32 v20, v3;
	_ =	sdelay $0x1  }
0x33b: {  	v27 =	vsub.f32 v4, v5;
	_ =	sdelay $0x1  }
0x33c: {  	[tilespmem:s16+$0x8180] =	vst v27  }
0x33d: {  	v3 =	vld.idx.msk [tilespmem:v3+s2+$0x0], $0xffff  }
0x33e: {  	v4 =	vld.idx.msk [tilespmem:v20+s17+$0x0 ss:$0x1], $0xffff;
	_ =	sdelay $0x4  }
0x33f: {  	v56 =	vsub.f32 v3, v4;
	_ =	sdelay $0x1  }
0x340: {  	[tilespmem:s16+$0x8900] =	vst v56  }
0x341: {  	v3 =	vld [tilespmem:$0x74C0];
	_ =	sdelay $0x4  }
0x342: {  	v4 =	vadd.s32 v18, v3;
	_ =	sdelay $0x3  }
0x343: {  	v5 =	vld.idx.msk [tilespmem:v18+s17+$0x0 ss:$0x1], $0xffff  }
0x344: {  	v4 =	vld.idx.msk [tilespmem:v4+s2+$0x0], $0xffff;
	_ =	sdelay $0x2  }
0x345: {  	v6 =	vadd.s32 v19, v3;
	_ =	sdelay $0x1  }
0x346: {  	v23 =	vsub.f32 v4, v5;
	_ =	sdelay $0x1  }
0x347: {  	[tilespmem:s16+$0x7A80] =	vst v23  }
0x348: {  	v4 =	vld.idx.msk [tilespmem:v6+s2+$0x0], $0xffff  }
0x349: {  	v5 =	vld.idx.msk [tilespmem:v19+s17+$0x0 ss:$0x1], $0xffff;
	_ =	sdelay $0x2  }
0x34a: {  	v3 =	vadd.s32 v20, v3;
	_ =	sdelay $0x1  }
0x34b: {  	v25 =	vsub.f32 v4, v5;
	_ =	sdelay $0x1  }
0x34c: {  	[tilespmem:s16+$0x8200] =	vst v25  }
0x34d: {  	v3 =	vld.idx.msk [tilespmem:v3+s2+$0x0], $0xffff  }
0x34e: {  	v4 =	vld.idx.msk [tilespmem:v20+s17+$0x0 ss:$0x1], $0xffff;
	_ =	sdelay $0x4  }
0x34f: {  	v28 =	vsub.f32 v3, v4;
	_ =	sdelay $0x1  }
0x350: {  	[tilespmem:s16+$0x8980] =	vst v28  }
0x351: {  	v3 =	vld [tilespmem:$0x74D0];
	_ =	sdelay $0x4  }
0x352: {  	v4 =	vadd.s32 v18, v3;
	_ =	sdelay $0x3  }
0x353: {  	v5 =	vld.idx.msk [tilespmem:v18+s17+$0x0 ss:$0x1], $0xffff  }
0x354: {  	v4 =	vld.idx.msk [tilespmem:v4+s2+$0x0], $0xffff;
	_ =	sdelay $0x2  }
0x355: {  	v6 =	vadd.s32 v19, v3;
	_ =	sdelay $0x1  }
0x356: {  	v22 =	vsub.f32 v4, v5;
	_ =	sdelay $0x1  }
0x357: {  	[tilespmem:s16+$0x7B00] =	vst v22  }
0x358: {  	v4 =	vld.idx.msk [tilespmem:v6+s2+$0x0], $0xffff  }
0x359: {  	v5 =	vld.idx.msk [tilespmem:v19+s17+$0x0 ss:$0x1], $0xffff;
	_ =	sdelay $0x1  }
0x35a: {  	v9 =	vld [tilespmem:$0x1FDA0]  }
0x35b: {  	v3 =	vadd.s32 v20, v3;
	_ =	sdelay $0x1  }
0x35c: {  	v6 =	vmul.f32 v38, v44;
	v24 =	vsub.f32 v4, v5  }
0x35d: {  	v10 =	vld [tilespmem:$0x1FDC0]  }
0x35e: {  	v6 =	vadd.f32 v6, v9;
	v9 =	vld [tilespmem:$0x1FD90];
	[tilespmem:s16+$0x8280] =	vst v24  }
0x35f: {  	v3 =	vld.idx.msk [tilespmem:v3+s2+$0x0], $0xffff  }
0x360: {  	v5 =	vld.idx.msk [tilespmem:v20+s17+$0x0 ss:$0x1], $0xffff;
	_ =	sdelay $0x1  }
0x361: {  	v8 =	vmul.f32 v0, v44  }
0x362: {  	v7 =	vld [tilespmem:$0x1FD80]  }
0x363: {  	v11 =	vmul.f32 v0, v38;
	v8 =	vadd.f32 v8, v10  }
0x364: {  	v10 =	vmul.f32 v38, v38;
	v9 =	vadd.f32 v38, v9;
	v38 =	vsub.f32 v3, v5;
	v5 =	vld [tilespmem:$0x1FDD0]  }
0x365: {  	v4 =	vmul.f32 v44, v44;
	_ =	sdelay $0x1  }
0x366: {  	v4 =	vadd.f32 v4, v7;
	v7 =	vld [tilespmem:$0x1FD70]  }
0x367: {  	v3 =	vld [tilespmem:$0x1FDB0]  }
0x368: {  	v9 =	vadd.f32 v41, v9;
	v5 =	vadd.f32 v10, v5;
	v10 =	vld [tilespmem:$0x1FDE0]  }
0x369: {  	v12 =	vld [tilespmem:$0x1FDF0]  }
0x36a: {  	v9 =	vadd.f32 v40, v9  }
0x36b: {  	v13 =	vmul.f32 v41, v41  }
0x36c: {  	v9 =	vadd.f32 v42, v9;
	v3 =	vadd.f32 v0, v3;
	v0 =	vmul.f32 v0, v0  }
0x36d: {  	v7 =	vadd.f32 v44, v7;
	v10 =	vadd.f32 v11, v10;
	v11 =	vmul.f32 v46, v46  }
0x36e: {  	[tilespmem:s16+$0x8A00] =	vst v38;
	v9 =	vadd.f32 v50, v9;
	v0 =	vadd.f32 v0, v12;
	v12 =	vmul.f32 v41, v46  }
0x36f: {  	v14 =	vmul.f32 v1, v41;
	v7 =	vadd.f32 v46, v7;
	v4 =	vadd.f32 v11, v4;
	v11 =	vld [tilespmem:$0x74E0]  }
0x370: {  	v9 =	vadd.f32 v51, v9;
	v6 =	vadd.f32 v12, v6;
	v12 =	vmul.f32 v1, v46  }
0x371: {  	v7 =	vadd.f32 v43, v7;
	v3 =	vadd.f32 v1, v3;
	v1 =	vmul.f32 v1, v1  }
0x372: {  	v9 =	vadd.f32 v57, v9;
	v8 =	vadd.f32 v12, v8;
	v12 =	vmul.f32 v43, v43  }
0x373: {  	v5 =	vadd.f32 v13, v5;
	v13 =	vmul.f32 v40, v40;
	v0 =	vadd.f32 v1, v0  }
0x374: {  	v1 =	vadd.f32 v12, v4;
	v4 =	vmul.f32 v40, v43;
	v12 =	vadd.s32 v18, v11  }
0x375: {  	v9 =	vadd.f32 v61, v9;
	v3 =	vadd.f32 v2, v3  }
0x376: {  	v5 =	vadd.f32 v13, v5;
	v4 =	vadd.f32 v4, v6;
	v6 =	vmul.f32 v2, v43  }
0x377: {  	v10 =	vadd.f32 v14, v10;
	v14 =	vmul.f32 v2, v40;
	v2 =	vmul.f32 v2, v2  }
0x378: {  	v9 =	vadd.f32 v58, v9;
	v6 =	vadd.f32 v6, v8;
	v8 =	vmul.f32 v48, v48  }
0x379: {  	v3 =	vadd.f32 v39, v3;
	v0 =	vadd.f32 v2, v0;
	v2 =	vld.idx.msk [tilespmem:v12+s2+$0x0], $0xffff  }
0x37a: {  	v9 =	vadd.f32 v55, v9;
	v1 =	vadd.f32 v8, v1;
	v8 =	vmul.f32 v42, v48;
	v12 =	vld.idx.msk [tilespmem:v18+s17+$0x0 ss:$0x1], $0xffff  }
0x37b: {  	v13 =	vmul.f32 v39, v48;
	v3 =	vadd.f32 v45, v3;
	v10 =	vadd.f32 v14, v10  }
0x37c: {  	v14 =	vmul.f32 v39, v42;
	v4 =	vadd.f32 v8, v4;
	v8 =	vmul.f32 v42, v42  }
0x37d: {  	v15 =	vadd.s32 v19, v11;
	v6 =	vadd.f32 v13, v6;
	v13 =	vmul.f32 v39, v39  }
0x37e: {  	v5 =	vadd.f32 v8, v5;
	v8 =	vadd.f32 v14, v10  }
0x37f: {  	v10 =	vadd.f32 v13, v0;
	v0 =	vsub.f32 v2, v12  }
0x380: {  	v7 =	vadd.f32 v48, v7;
	v12 =	vmul.f32 v50, v37  }
0x381: {  	v9 =	vadd.f32 v27, v9;
	v3 =	vadd.f32 v49, v3;
	[tilespmem:s16+$0x7B80] =	vst v0  }
0x382: {  	v2 =	vadd.f32 v37, v7;
	v7 =	vmul.f32 v37, v37;
	v4 =	vadd.f32 v12, v4;
	v12 =	vld.idx.msk [tilespmem:v15+s2+$0x0], $0xffff  }
0x383: {  	v3 =	vadd.f32 v52, v3;
	v15 =	vld.idx.msk [tilespmem:v19+s17+$0x0 ss:$0x1], $0xffff  }
0x384: {  	v9 =	vadd.f32 v25, v9;
	v1 =	vadd.f32 v7, v1;
	v7 =	vmul.f32 v50, v50  }
0x385: {  	v11 =	vadd.s32 v20, v11;
	v3 =	vadd.f32 v62, v3;
	v13 =	vmul.f32 v45, v37  }
0x386: {  	v9 =	vadd.f32 v24, v9;
	v5 =	vadd.f32 v7, v5;
	v7 =	vmul.f32 v60, v60  }
0x387: {  	v3 =	vadd.f32 v59, v3;
	v6 =	vadd.f32 v13, v6;
	v13 =	vmul.f32 v45, v50  }
0x388: {  	v7 =	vadd.f32 v7, v1;
	v1 =	vsub.f32 v12, v15;
	v12 =	vmul.f32 v51, v51  }
0x389: {  	v3 =	vadd.f32 v63, v3;
	v14 =	vmul.f32 v45, v45;
	v8 =	vadd.f32 v13, v8  }
0x38a: {  	v13 =	vmul.f32 v49, v60;
	v5 =	vadd.f32 v12, v5;
	v12 =	vmul.f32 v54, v54;
	[tilespmem:s16+$0x8300] =	vst v1  }
0x38b: {  	v16 =	vmul.f32 v51, v60;
	v3 =	vadd.f32 v56, v3;
	v10 =	vadd.f32 v14, v10;
	v11 =	vld.idx.msk [tilespmem:v11+s2+$0x0], $0xffff  }
0x38c: {  	v6 =	vadd.f32 v13, v6;
	v13 =	vmul.f32 v49, v49;
	v7 =	vadd.f32 v12, v7;
	v12 =	vld.idx.msk [tilespmem:v20+s17+$0x0 ss:$0x1], $0xffff  }
0x38d: {  	v14 =	vmul.f32 v49, v51;
	v3 =	vadd.f32 v28, v3;
	v2 =	vadd.f32 v60, v2  }
0x38e: {  	v4 =	vadd.f32 v16, v4;
	v10 =	vadd.f32 v13, v10;
	v13 =	vmul.f32 v57, v54  }
0x38f: {  	v3 =	vadd.f32 v38, v3;
	v8 =	vadd.f32 v14, v8  }
0x390: {  	v14 =	vmul.f32 v57, v57;
	v4 =	vadd.f32 v13, v4;
	v13 =	vmul.f32 v52, v54  }
0x391: {  	v16 =	vmul.f32 v52, v52;
	v11 =	vsub.f32 v11, v12;
	v12 =	vmul.f32 v61, v53  }
0x392: {  	v15 =	vmul.f32 v52, v57;
	v6 =	vadd.f32 v13, v6;
	v13 =	vmul.f32 v53, v53  }
0x393: {  	v5 =	vadd.f32 v14, v5;
	v4 =	vadd.f32 v12, v4;
	v12 =	vmul.f32 v61, v61;
	[tilespmem:s16+$0x8A80] =	vst v11  }
0x394: {  	v8 =	vadd.f32 v15, v8;
	v7 =	vadd.f32 v13, v7;
	v13 =	vmul.f32 v62, v53;
	v15 =	vld [tilespmem:$0x74F0]  }
0x395: {  	v2 =	vadd.f32 v54, v2;
	v5 =	vadd.f32 v12, v5;
	v12 =	vmul.f32 v17, v17  }
0x396: {  	v10 =	vadd.f32 v16, v10;
	v6 =	vadd.f32 v13, v6;
	v13 =	vmul.f32 v62, v62  }
0x397: {  	v2 =	vadd.f32 v53, v2;
	v7 =	vadd.f32 v12, v7;
	v12 =	vmul.f32 v59, v17  }
0x398: {  	v14 =	vmul.f32 v62, v61;
	v10 =	vadd.f32 v13, v10;
	v13 =	vmul.f32 v58, v17  }
0x399: {  	v16 =	vadd.s32 v18, v15;
	v6 =	vadd.f32 v12, v6;
	v12 =	vmul.f32 v59, v59  }
0x39a: {  	v2 =	vadd.f32 v17, v2;
	v4 =	vadd.f32 v13, v4;
	v13 =	vmul.f32 v58, v58  }
0x39b: {  	v8 =	vadd.f32 v14, v8;
	v10 =	vadd.f32 v12, v10;
	v12 =	vmul.f32 v29, v29  }
0x39c: {  	v14 =	vmul.f32 v59, v58;
	v5 =	vadd.f32 v13, v5;
	v13 =	vmul.f32 v55, v29  }
0x39d: {  	v2 =	vadd.f32 v29, v2;
	v18 =	vld.idx.msk [tilespmem:v18+s17+$0x0 ss:$0x1], $0xffff;
	v7 =	vadd.f32 v12, v7;
	v12 =	vmul.f32 v63, v29  }
0x39e: {  	v8 =	vadd.f32 v14, v8;
	v4 =	vadd.f32 v13, v4;
	v13 =	vmul.f32 v63, v55;
	v16 =	vld.idx.msk [tilespmem:v16+s2+$0x0], $0xffff  }
0x39f: {  	v9 =	vadd.f32 v1, v9;
	v6 =	vadd.f32 v12, v6;
	v12 =	vmul.f32 v26, v26  }
0x3a0: {  	v2 =	vadd.f32 v26, v2;
	v14 =	vmul.f32 v55, v55;
	v8 =	vadd.f32 v13, v8  }
0x3a1: {  	v13 =	vmul.f32 v27, v26;
	v7 =	vadd.f32 v12, v7;
	v12 =	vadd.s32 v19, v15  }
0x3a2: {  	v2 =	vadd.f32 v23, v2;
	v17 =	vmul.f32 v63, v63;
	v5 =	vadd.f32 v14, v5  }
0x3a3: {  	v4 =	vadd.f32 v13, v4;
	v13 =	vmul.f32 v56, v26;
	v14 =	vsub.f32 v16, v18  }
0x3a4: {  	v2 =	vadd.f32 v22, v2;
	v10 =	vadd.f32 v17, v10  }
0x3a5: {  	v17 =	vmul.f32 v56, v27;
	v6 =	vadd.f32 v13, v6;
	v13 =	vmul.f32 v23, v23;
	[tilespmem:s16+$0x7C00] =	vst v14  }
0x3a6: {  	v2 =	vadd.f32 v0, v2;
	v16 =	vmul.f32 v27, v27;
	v18 =	vmul.f32 v56, v56;
	v12 =	vld.idx.msk [tilespmem:v12+s2+$0x0], $0xffff  }
0x3a7: {  	v8 =	vadd.f32 v17, v8;
	v7 =	vadd.f32 v13, v7;
	v13 =	vmul.f32 v28, v23;
	v17 =	vld.idx.msk [tilespmem:v19+s17+$0x0 ss:$0x1], $0xffff  }
0x3a8: {  	v5 =	vadd.f32 v16, v5;
	v10 =	vadd.f32 v18, v10  }
0x3a9: {  	v16 =	vmul.f32 v25, v23;
	v6 =	vadd.f32 v13, v6;
	v13 =	vmul.f32 v28, v28  }
0x3aa: {  	v3 =	vadd.f32 v11, v3;
	v15 =	vadd.s32 v20, v15;
	v18 =	vmul.f32 v28, v25  }
0x3ab: {  	v4 =	vadd.f32 v16, v4;
	v10 =	vadd.f32 v13, v10;
	v13 =	vmul.f32 v24, v22  }
0x3ac: {  	v19 =	vmul.f32 v22, v22;
	v16 =	vmul.f32 v25, v25;
	v12 =	vsub.f32 v12, v17  }
0x3ad: {  	v8 =	vadd.f32 v18, v8;
	v4 =	vadd.f32 v13, v4;
	v13 =	vmul.f32 v38, v22  }
0x3ae: {  	v5 =	vadd.f32 v16, v5;
	v16 =	vmul.f32 v24, v24;
	v17 =	vmul.f32 v38, v24;
	[tilespmem:s16+$0x8380] =	vst v12  }
0x3af: {  	v7 =	vadd.f32 v19, v7;
	v6 =	vadd.f32 v13, v6;
	v13 =	vmul.f32 v38, v38;
	v15 =	vld.idx.msk [tilespmem:v15+s2+$0x0], $0xffff  }
0x3b0: {  	v5 =	vadd.f32 v16, v5;
	v16 =	vmul.f32 v0, v0;
	v8 =	vadd.f32 v17, v8;
	v18 =	vld.idx.msk [tilespmem:v20+s17+$0x0 ss:$0x1], $0xffff  }
0x3b1: {  	v17 =	vmul.f32 v1, v0;
	v10 =	vadd.f32 v13, v10;
	v0 =	vmul.f32 v11, v0  }
0x3b2: {  	v7 =	vadd.f32 v16, v7;
	v13 =	vmul.f32 v14, v14;
	v23 =	vadd.f32 v12, v9  }
0x3b3: {  	v19 =	vld [tilespmem:$0x1FFF0];
	v4 =	vadd.f32 v17, v4;
	v0 =	vadd.f32 v0, v6;
	v6 =	vmul.f32 v1, v1  }
0x3b4: {  	v9 =	vld [tilespmem:$0x1FF50];
	v1 =	vmul.f32 v11, v1;
	v11 =	vmul.f32 v11, v11;
	v24 =	vadd.f32 v13, v7  }
0x3b5: {  	v16 =	vld [tilespmem:$0x1FFC0];
	v5 =	vadd.f32 v6, v5;
	v6 =	vsub.f32 v15, v18  }
0x3b6: {  	v13 =	vld [tilespmem:$0x1FF90];
	v1 =	vadd.f32 v1, v8;
	v8 =	vadd.f32 v11, v10;
	v10 =	vmul.f32 v12, v14  }
0x3b7: {  	v25 =	vadd.f32 v14, v2;
	v17 =	vld [tilespmem:$0x1FFE0];
	v2 =	vmul.f32 v6, v14  }
0x3b8: {  	s15 =	sadd.s32 $0x1, s15;
	v11 =	vld [tilespmem:$0x1FF70];
	v22 =	vadd.f32 v10, v4  }
0x3b9: {  	p0 =	sne.s32 s15, $0x8;
	v10 =	vld [tilespmem:$0x1FF60];
	v7 =	vadd.f32 v2, v0;
	v0 =	vmul.f32 v6, v12;
	v2 =	vmul.f32 v6, v6  }
.Ltmp2:
0x3ba: {  	v15 =	vld [tilespmem:$0x1FFB0];
	(pc) =	sbr.rel @p0 .LBB2_2-.Ltmp2, $4  }
0x3bb: {  	v0 =	vadd.f32 v0, v1;
	v1 =	vadd.f32 v2, v8;
	v8 =	vld [tilespmem:$0x1FF40]  }
0x3bc: {  	v4 =	vmul.f32 v12, v12;
	v18 =	vld [tilespmem:$0x1FFD0]  }
0x3bd: {  	v14 =	vld [tilespmem:$0x1FFA0]  }
0x3be: {  	v20 =	vadd.f32 v6, v3;
	v3 =	vadd.f32 v4, v5;
	[tilespmem:s16+$0x8B00] =	vst v6;
	v12 =	vld [tilespmem:$0x1FF80]  }
0x3bf: {  	(xrf2) =	vadd.scan.msk.f32 $0xffff, v25  }
0x3c0: {  	(xrf2) =	vadd.scan.msk.f32 $0xffff, v24  }
0x3c1: {  	(xrf2) =	vadd.scan.msk.f32 $0xffff, v22  }
0x3c2: {  	(xrf2) =	vadd.scan.msk.f32 $0xffff, v7  }
0x3c3: {  	(xrf2) =	vadd.scan.msk.f32 $0xffff, v23  }
0x3c4: {  	(xrf2) =	vadd.scan.msk.f32 $0xffff, v3  }
0x3c5: {  	(xrf2) =	vadd.scan.msk.f32 $0xffff, v0  }
0x3c6: {  	(xrf2) =	vadd.scan.msk.f32 $0xffff, v20;
	_ =	sdelay $0x2  }
0x3c7: {  	v54, _, _ =	vpop (xrf2);
	(xrf2) =	vadd.scan.msk.f32 $0xffff, v1  }
0x3c8: {  	v55, _, _ =	vpop (xrf2)  }
0x3c9: {  	v2, _, _ =	vpop (xrf2)  }
0x3ca: {  	v56, _, _ =	vpop (xrf2)  }
0x3cb: {  	v0 =	vbroadcast v54, $0xF;
	v4, _, _ =	vpop (xrf2)  }
0x3cc: {  	vm0 =	vmmov $0x1;
	vm1 =	vcmask $0x310;
	v1 =	vbroadcast v55, $0xF;
	v5, _, _ =	vpop (xrf2)  }
0x3cd: {  	vm2 =	vcmask $0x710;
	v0 =	vnsel vm0, $0x0, v0;
	v2 =	vbroadcast v2, $0xF;
	v6, _, _ =	vpop (xrf2)  }
0x3ce: {  	v0 =	vsel vm1, v0, v1;
	v57 =	vbroadcast v56, $0xF;
	v58 =	vbroadcast v4, $0xF;
	v7, _, _ =	vpop (xrf2)  }
0x3cf: {  	vm3 =	vcmask $0xB10;
	v0 =	vsel vm2, v0, v2;
	v59 =	vbroadcast v7, $0xF  }
0x3d0: {  	v0 =	vsel vm3, v0, v57;
	v5 =	vbroadcast v5, $0xF;
	v3 =	vnsel vm0, $0x0, v58  }
0x3d1: {  	v60 =	vbroadcast v6, $0xF;
	v2 =	vsel vm1, v3, v2;
	v4 =	vnsel vm0, $0x0, v59;
	v6, _, _ =	vpop (xrf2)  }
0x3d2: {  	v2 =	vsel vm2, v2, v5;
	v1 =	vsel vm1, v4, v57;
	v61 =	vbroadcast v6, $0xF  }
0x3d3: {  	[tilespmem:$0x8B80] =	vst v0;
	v62 =	vsel vm3, v2, v60;
	v1 =	vsel vm2, v1, v60  }
0x3d4: {  	[tilespmem:$0x8B90] =	vst v62;
	v63 =	vsel vm3, v1, v61  }
0x3d5: {  	[tilespmem:$0x8BA0] =	vst v63  }
0x3d6: {  	[hbm4b:s6+s2] =	stream.linear.scatter [tilespmem:s12], [sflag:$0x1], $0x1680, $0x38;
	[tilespmem:$0x8BB0] =	vst v63  }
0x3d7: {  	s14 =	sadd.s32 $0x1, s14;
	_ =	swait.ge [sflag:s9], $0x1680  }
0x3d8: {  	p0 =	sne.s32 s14, s8;
	[sflag:s9] =	ssyncset.done $0x0  }
.Ltmp3:
0x3d9: {  	[sflag:s9] =	ssyncadd.s32 $0xFFFFE980;
	(pc) =	sbr.rel @p0 .LBB2_1-.Ltmp3, $4  }
0x3da: {  	[hbm4b:s7+s2] =	stream.linear.scatter [tilespmem:s13], [sflag:$0x1], $0x30, $0x38;
	[tilespmem:$0x8BB0] =	vst v63  }
0x3db: {  	_ =	swait.ge [sflag:s9], $0x30  }
0x3dc: {  	[sflag:s9] =	ssyncset.done $0x0  }
0x3dd: {  	[sflag:s9] =	ssyncadd.s32 $0xFFFFFFD0  }
0x3de: {  	_ =	sfence.sel $0x180000  }
0x3df: {  	[bflag:$0x0] =	sbarrier.arrive $0xFFFF  }
0x3e0: {  	p0 =	sne.s32 s0, $0x0;
	_ =	strace $0x90000047  }
0x3e1: {  	s0 =	sadd.s32 @!p0 $0x100000, s1;
	[bflag:$0x2] =	sbarrier.arrive $0xFFFF  }
0x3e2: {  	[sflag:s0] =	ssyncadd.tile.s32 @!p0 $0x1;
	_ =	shalt  }
.Lfunc_end2:
_tile_overlayer_lowered:
.L_overlay_start_2:
0x3e3: {  	(tag) =	ssettag $0x2  }
0x3e4: {  	s0 =	rddreg [dreg:$0x0];
	s2 =	stileid.u32  }
0x3e5: {  	s1 =	rddreg [dreg:$0x1];
	p0 =	sne.s32 s2, $0x0  }
0x3e6: {  	s3 =	rddreg [dreg:$0x2];
	[bflag:$0x3] =	sbarrier.arrive $0xFFFF;
	s2 =	simm.s32 @!p0 $0x1C01  }
0x3e7: {  	[timem:s3], [sflag:s2] =	dma.local @!p0 [hbm:s0], s1  }
0x3e8: {  	s0 =	simm.s32 @!p0 $0x1  }
0x3e9: {  	_ =	swait.ge @!p0 [sflag:s0], s1  }
0x3ea: {  	s1 =	ssub.s32 @!p0 $0x0, s1;
	[sflag:s0] =	ssyncset.done @!p0 $0x0  }
0x3eb: {  	[sflag:s0] =	ssyncadd.s32 @!p0 s1  }
0x3ec: {  	[bflag:$0x3] =	sbarrier.arrive $0xFFFF  }
0x3ed: {  	_ =	shalt  }

</sc_bundles>
